<compile_context>
chip_gen: v7x
topology: tpu7x:2x2x1
jax: 0.10.2.dev20260603
libtpu: 0.0.44.dev20260713+nightly
codegen_flags: <defaults>
</compile_context>

<pallas_src>
import functools

import jax
import jax.numpy as jnp
from jax import lax
from jax.experimental import pallas as pl
from jax.experimental.pallas import tpu as pltpu
from jax.experimental.pallas import tpu_sc as plsc

N = 9999
E = 319968
D_IN = 128
H = 256
H2 = 128
NPART = 3
BGRAPH = N // NPART

N_PAD = 10240
E_PAD = 327680
K = 128
R = 512
NB = N_PAD // R
ROWS_T = N_PAD // 16
DW = 16

_MESH = dict(core_axis_name="c", subcore_axis_name="s", num_cores=2,
             num_subcores=16)



def _deg_kernel(dst_rows):
  ng = 16
  nch = (E_PAD // 2) // 16 // K
  ngrp = nch // ng
  rows_half = (E_PAD // K) // 2

  @functools.partial(
      pl.kernel,
      mesh=plsc.VectorSubcoreMesh(**_MESH),
      out_type=jax.ShapeDtypeStruct((2 * N_PAD, DW), jnp.float32),
      scratch_types=[
          pltpu.VMEM((ng, K), jnp.int32),
          pltpu.VMEM((K, DW), jnp.float32),
          pltpu.VMEM_SHARED((N_PAD, DW), jnp.float32),
          pltpu.SemaphoreType.DMA,
          pltpu.SemaphoreType.DMA,
      ],
  )
  def deg(dst_hbm, out_hbm, idx_v, ones_v, acc, isem, ssem):
    c = lax.axis_index("c")
    t = lax.axis_index("s")

    @pl.loop(0, K)
    def _(i):
      @pl.loop(0, DW // 16)
      def _(j):
        ones_v[i, pl.ds(j * 16, 16)] = jnp.full((16,), 1.0, jnp.float32)

    @pl.loop(0, ROWS_T // K)
    def _(i):
      pltpu.sync_copy(ones_v, acc.at[pl.ds(t * ROWS_T + i * K, K)])

    plsc.subcore_barrier()

    @pl.loop(0, ngrp)
    def _(g):
      @pl.when(g > 0)
      def _():
        for j in range(ng):
          pltpu.make_async_copy(ones_v, acc.at[idx_v.at[j]], ssem).wait()

      row0 = c * rows_half + t * ngrp * ng + g * ng
      pltpu.async_copy(dst_hbm.at[pl.ds(row0, ng)], idx_v, isem).wait()
      for j in range(ng):
        pltpu.async_copy(ones_v, acc.at[idx_v.at[j]], ssem, add=True)

    for j in range(ng):
      pltpu.make_async_copy(ones_v, acc.at[idx_v.at[j]], ssem).wait()

    plsc.subcore_barrier()
    pltpu.sync_copy(acc.at[pl.ds(t * ROWS_T, ROWS_T)],
                    out_hbm.at[pl.ds(c * N_PAD + t * ROWS_T, ROWS_T)])

  return deg(dst_rows)


def _make_scatter(hc, edge_split, ng=16, nbuf=2):
  nch = E_PAD // (2 if edge_split else 1) // 16 // K
  ngrp = nch // ng
  assert ngrp * ng == nch and ng % nbuf == 0

  if edge_split:
    out_t = [jax.ShapeDtypeStruct((N_PAD, hc), jnp.float32),
             jax.ShapeDtypeStruct((N_PAD, hc), jnp.float32)]
  else:
    out_t = jax.ShapeDtypeStruct((2 * N_PAD, hc), jnp.float32)

  @functools.partial(
      pl.kernel,
      mesh=plsc.VectorSubcoreMesh(**_MESH),
      out_type=out_t,
      scratch_types=[
          pltpu.VMEM((ng, K), jnp.int32),
          pltpu.VMEM((ng, K), jnp.int32),
      ] + [pltpu.VMEM((K, hc), jnp.float32) for _ in range(nbuf)] + [
          pltpu.VMEM_SHARED((N_PAD, hc), jnp.float32),
          pltpu.SemaphoreType.DMA,
      ] + [pltpu.SemaphoreType.DMA for _ in range(2 * nbuf)],
  )
  def scat(g_hbm, srcr_hbm, dstr_hbm, *args):
    if edge_split:
      outs = args[:2]
      rest = args[2:]
    else:
      outs = args[:1]
      rest = args[1:]
    src_v, dst_v = rest[0], rest[1]
    rest = rest[2:]
    rows = rest[:nbuf]
    acc = rest[nbuf]
    isem = rest[nbuf + 1]
    gsems = rest[nbuf + 2:nbuf + 2 + nbuf]
    ssems = rest[nbuf + 2 + nbuf:]
    c = lax.axis_index("c")
    t = lax.axis_index("s")

    def drain_scatter(b, j):
      pltpu.make_async_copy(rows[b], acc.at[dst_v.at[j]], ssems[b]).wait()

    if edge_split:
      @pl.loop(0, K)
      def _(i):
        @pl.loop(0, hc // 16)
        def _(j):
          rows[0][i, pl.ds(j * 16, 16)] = jnp.zeros((16,), jnp.float32)

      @pl.loop(0, ROWS_T // K)
      def _(i):
        pltpu.sync_copy(rows[0], acc.at[pl.ds(t * ROWS_T + i * K, K)])
      out_base = 0
      row_base = c * (E_PAD // K // 2) + t * nch
      srow_base = row_base
    else:
      pltpu.sync_copy(g_hbm.at[pl.ds(c * N_PAD + t * ROWS_T, ROWS_T)],
                      acc.at[pl.ds(t * ROWS_T, ROWS_T)])
      out_base = c * N_PAD
      row_base = t * nch
      srow_base = c * (E_PAD // K) + row_base

    plsc.subcore_barrier()

    @pl.loop(0, ngrp)
    def _(g):
      @pl.when(g > 0)
      def _():
        for b in range(nbuf):
          drain_scatter(b, ng - nbuf + b)

      d1 = pltpu.async_copy(srcr_hbm.at[pl.ds(srow_base + g * ng, ng)],
                            src_v, isem)
      d2 = pltpu.async_copy(dstr_hbm.at[pl.ds(row_base + g * ng, ng)],
                            dst_v, isem)
      d1.wait()
      d2.wait()
      prev = None
      for j in range(ng):
        b = j % nbuf
        if j >= nbuf:
          drain_scatter(b, j - nbuf)
        gd = pltpu.async_copy(g_hbm.at[src_v.at[j]], rows[b], gsems[b])
        if prev is not None:
          prev[0].wait()
          pltpu.async_copy(rows[prev[1]], acc.at[dst_v.at[prev[2]]],
                           ssems[prev[1]], add=True)
        prev = (gd, b, j)
      prev[0].wait()
      pltpu.async_copy(rows[prev[1]], acc.at[dst_v.at[prev[2]]],
                       ssems[prev[1]], add=True)

    for b in range(nbuf):
      drain_scatter(b, ng - nbuf + b)

    plsc.subcore_barrier()
    if edge_split:
      @pl.when(c == 0)
      def _():
        pltpu.sync_copy(acc.at[pl.ds(t * ROWS_T, ROWS_T)],
                        outs[0].at[pl.ds(t * ROWS_T, ROWS_T)])

      @pl.when(c == 1)
      def _():
        pltpu.sync_copy(acc.at[pl.ds(t * ROWS_T, ROWS_T)],
                        outs[1].at[pl.ds(t * ROWS_T, ROWS_T)])
    else:
      pltpu.sync_copy(acc.at[pl.ds(t * ROWS_T, ROWS_T)],
                      outs[0].at[pl.ds(out_base + t * ROWS_T, ROWS_T)])

  return scat


_scatter_h = _make_scatter(H // 2, edge_split=False)
_scatter_h2 = _make_scatter(H2, edge_split=True)



def _layer1(x_pad, w1, degp):
  hc = H // 2

  def body(x_ref, w_ref, da_ref, db_ref, g_ref, dinv_ref):
    d = da_ref[:, 0:1] + db_ref[:, 0:1] - 1.0
    dv = lax.rsqrt(d)
    dinv_ref[...] = dv
    g_ref[...] = jnp.dot(x_ref[...], w_ref[...],
                         preferred_element_type=jnp.float32) * dv

  return pl.pallas_call(
      body,
      grid=(NB, 2),
      in_specs=[
          pl.BlockSpec((R, D_IN), lambda i, j: (i, 0)),
          pl.BlockSpec((D_IN, hc), lambda i, j: (0, j)),
          pl.BlockSpec((R, DW), lambda i, j: (i, 0)),
          pl.BlockSpec((R, DW), lambda i, j: (i + NB, 0)),
      ],
      out_specs=[
          pl.BlockSpec((R, hc), lambda i, j: (j * NB + i, 0)),
          pl.BlockSpec((R, 1), lambda i, j: (i, 0)),
      ],
      out_shape=[
          jax.ShapeDtypeStruct((2 * N_PAD, hc), jnp.float32),
          jax.ShapeDtypeStruct((N_PAD, 1), jnp.float32),
      ],
  )(x_pad, w1, degp, degp)


def _layer_mid(spg, dinv, b, w, h_in, h_out):
  hci = h_in // 2
  hco = h_out // 2

  def body(sa_ref, sb_ref, dv_ref, b_ref, w_ref, g_ref):
    dv = dv_ref[...]
    p0 = jnp.maximum(sa_ref[...] * dv + b_ref[:, :hci], 0.0)
    p1 = jnp.maximum(sb_ref[...] * dv + b_ref[:, hci:], 0.0)
    acc = (jnp.dot(p0, w_ref[0, :hci, :],
                   preferred_element_type=jnp.float32) +
           jnp.dot(p1, w_ref[0, hci:, :],
                   preferred_element_type=jnp.float32))
    g_ref[...] = acc * dv

  w_stack = jnp.stack([w[:, :hco], w[:, hco:]])
  return pl.pallas_call(
      body,
      grid=(NB, 2),
      in_specs=[
          pl.BlockSpec((R, hci), lambda i, j: (i, 0)),
          pl.BlockSpec((R, hci), lambda i, j: (i + NB, 0)),
          pl.BlockSpec((R, 1), lambda i, j: (i, 0)),
          pl.BlockSpec((1, h_in), lambda i, j: (0, 0)),
          pl.BlockSpec((1, h_in, hco), lambda i, j: (j, 0, 0)),
      ],
      out_specs=pl.BlockSpec((R, hco), lambda i, j: (j * NB + i, 0)),
      out_shape=jax.ShapeDtypeStruct((2 * N_PAD, hco), jnp.float32),
  )(spg, spg, dinv, b.reshape(1, h_in), w_stack)


def _layer3(spg2, dinv, b2, w3):
  hci = H // 2

  def body(sa_ref, sb_ref, dv_ref, b_ref, w_ref, g_ref):
    dv = dv_ref[...]
    p0 = jnp.maximum(sa_ref[...] * dv + b_ref[:, :hci], 0.0)
    p1 = jnp.maximum(sb_ref[...] * dv + b_ref[:, hci:], 0.0)
    acc = (jnp.dot(p0, w_ref[:hci, :],
                   preferred_element_type=jnp.float32) +
           jnp.dot(p1, w_ref[hci:, :],
                   preferred_element_type=jnp.float32))
    g_ref[...] = acc * dv

  return pl.pallas_call(
      body,
      grid=(NB,),
      in_specs=[
          pl.BlockSpec((R, hci), lambda i: (i, 0)),
          pl.BlockSpec((R, hci), lambda i: (i + NB, 0)),
          pl.BlockSpec((R, 1), lambda i: (i, 0)),
          pl.BlockSpec((1, H), lambda i: (0, 0)),
          pl.BlockSpec((H, H2), lambda i: (0, 0)),
      ],
      out_specs=pl.BlockSpec((R, H2), lambda i: (i, 0)),
      out_shape=jax.ShapeDtypeStruct((N_PAD, H2), jnp.float32),
  )(spg2, spg2, dinv, b2.reshape(1, H), w3)


def _final_classifier(spg3a, spg3b, g3, dinv, b3,
                      wc1, bc1, wc2, bc2, wc3, bc3):
  din = H2 * NPART
  rg = 256
  rn = NPART * rg

  def body(sa_ref, sb_ref, g_ref, dv_ref, b_ref, w1_ref, b1_ref, w2_ref,
           b2_ref, w3_ref, b3c_ref, o_ref):
    s = sa_ref[...] + sb_ref[...] + g_ref[...]
    h = jnp.maximum(s * dv_ref[...] + b_ref[...], 0.0)
    hr = h.reshape(rg, din)
    z = jnp.maximum(
        jnp.dot(hr, w1_ref[...], preferred_element_type=jnp.float32)
        + b1_ref[...], 0.0)
    z = jnp.maximum(
        jnp.dot(z, w2_ref[...], preferred_element_type=jnp.float32)
        + b2_ref[...], 0.0)
    lg = (jnp.dot(z, w3_ref[...], preferred_element_type=jnp.float32)
          + b3c_ref[...])
    m = jnp.max(lg, axis=1, keepdims=True)
    lse = m + jnp.log(jnp.sum(jnp.exp(lg - m), axis=1, keepdims=True))
    o_ref[...] = lg - lse

  g = pl.cdiv(BGRAPH, rg)
  return pl.pallas_call(
      body,
      grid=(g,),
      in_specs=[
          pl.BlockSpec((rn, H2), lambda i: (i, 0)),
          pl.BlockSpec((rn, H2), lambda i: (i, 0)),
          pl.BlockSpec((rn, H2), lambda i: (i, 0)),
          pl.BlockSpec((rn, 1), lambda i: (i, 0)),
          pl.BlockSpec((1, H2), lambda i: (0, 0)),
          pl.BlockSpec((din, H), lambda i: (0, 0)),
          pl.BlockSpec((1, H), lambda i: (0, 0)),
          pl.BlockSpec((H, H2), lambda i: (0, 0)),
          pl.BlockSpec((1, H2), lambda i: (0, 0)),
          pl.BlockSpec((H2, 2), lambda i: (0, 0)),
          pl.BlockSpec((1, 2), lambda i: (0, 0)),
      ],
      out_specs=pl.BlockSpec((rg, 2), lambda i: (i, 0)),
      out_shape=jax.ShapeDtypeStruct((BGRAPH, 2), jnp.float32),
  )(spg3a, spg3b, g3, dinv, b3.reshape(1, H2), wc1, bc1.reshape(1, H),
    wc2, bc2.reshape(1, H2), wc3, bc3.reshape(1, 2))



def kernel(x, edge_index, batch, W1, b1, W2, b2, W3, b3,
           Wc1, bc1, Wc2, bc2, Wc3, bc3):
  del batch
  src = edge_index[0].astype(jnp.int32)
  dst = edge_index[1].astype(jnp.int32)

  extra = E_PAD - E
  pad_ids = N + 1 + (jnp.arange(extra, dtype=jnp.int32) % (N_PAD - N - 2))
  src_pad = jnp.concatenate([src, pad_ids])
  dst_pad = jnp.concatenate([dst, pad_ids])
  src_rows = src_pad.reshape(E_PAD // K, K)
  dst_rows = dst_pad.reshape(E_PAD // K, K)
  src2_rows = jnp.concatenate([src_rows, src_rows + N_PAD])

  degp = _deg_kernel(dst_rows)
  g1, dinv = _layer1(x, W1, degp)
  spg1 = _scatter_h(g1, src2_rows, dst_rows)
  g2 = _layer_mid(spg1, dinv, b1, W2, H, H)
  spg2 = _scatter_h(g2, src2_rows, dst_rows)
  g3 = _layer3(spg2, dinv, b2, W3)
  spg3a, spg3b = _scatter_h2(g3, src_rows, dst_rows)
  return _final_classifier(spg3a, spg3b, g3, dinv, b3,
                           Wc1, bc1, Wc2, bc2, Wc3, bc3)

# --- scband reference (transcript-rebuilt; emitter-appended) ---
"""Pipeline reference for scband-anomaly-gnn-41875931136204 (READ-ONLY COPY).

The authoritative reference and input builder live on the scoring server;
editing this copy changes nothing except your own understanding.
"""

import jax, jax.numpy as jnp
import numpy as np

N = 9999
E = 319968
D_IN = 128
H = 256
NP_ = 3
H2 = H // 2


def setup_inputs(seed: int = 0) -> dict:
    key = jax.random.key(seed)
    ks = jax.random.split(key, 16)
    x = jax.random.normal(ks[0], (N, D_IN), dtype=jnp.float32)
    edge_index = jax.random.randint(ks[1], (2, E), 0, N)
    # batch must satisfy N == 3 * batch_size exactly (module views x as [B, 3, -1])
    batch = jnp.repeat(jnp.arange(N // NP_), NP_)
    W1 = jax.random.normal(ks[2], (D_IN, H), dtype=jnp.float32) * 0.05
    b1 = jnp.zeros((H,), dtype=jnp.float32)
    W2 = jax.random.normal(ks[3], (H, H), dtype=jnp.float32) * 0.05
    b2 = jnp.zeros((H,), dtype=jnp.float32)
    W3 = jax.random.normal(ks[4], (H, H2), dtype=jnp.float32) * 0.05
    b3 = jnp.zeros((H2,), dtype=jnp.float32)
    Wc1 = jax.random.normal(ks[5], (H2 * NP_, H), dtype=jnp.float32) * 0.05
    bc1 = jnp.zeros((H,), dtype=jnp.float32)
    Wc2 = jax.random.normal(ks[6], (H, H2), dtype=jnp.float32) * 0.05
    bc2 = jnp.zeros((H2,), dtype=jnp.float32)
    Wc3 = jax.random.normal(ks[7], (H2, 2), dtype=jnp.float32) * 0.05
    bc3 = jnp.zeros((2,), dtype=jnp.float32)
    return {"x": x, "edge_index": edge_index, "batch": batch,
            "W1": W1, "b1": b1, "W2": W2, "b2": b2, "W3": W3, "b3": b3,
            "Wc1": Wc1, "bc1": bc1, "Wc2": Wc2, "bc2": bc2, "Wc3": Wc3, "bc3": bc3}


def gcn_conv(x, src, dst, W, b, n):
    # PyG GCNConv: add self-loops, symmetric normalization, linear transform, scatter-add
    loop = jnp.arange(n)
    s = jnp.concatenate([src, loop])
    d = jnp.concatenate([dst, loop])
    deg = jnp.zeros((n,), x.dtype).at[d].add(1.0)
    dinv = jnp.where(deg > 0, 1.0 / jnp.sqrt(deg), 0.0)
    norm = dinv[s] * dinv[d]
    h = x @ W
    msg = jnp.take(h, s, axis=0) * norm[:, None]
    out = jnp.zeros((n, h.shape[1]), x.dtype).at[d].add(msg)
    return out + b


def reference(x, edge_index, batch, W1, b1, W2, b2, W3, b3, Wc1, bc1, Wc2, bc2, Wc3, bc3):
    src = edge_index[0]
    dst = edge_index[1]
    n = x.shape[0]
    h = jax.nn.relu(gcn_conv(x, src, dst, W1, b1, n))
    h = jax.nn.relu(gcn_conv(h, src, dst, W2, b2, n))
    h = jax.nn.relu(gcn_conv(h, src, dst, W3, b3, n))
    B = batch.shape[0] // NP_
    h = h.reshape(B, NP_, -1).reshape(B, -1)
    h = jax.nn.relu(h @ Wc1 + bc1)
    # Dropout is identity in eval mode
    h = jax.nn.relu(h @ Wc2 + bc2)
    logits = h @ Wc3 + bc3
    return jax.nn.log_softmax(logits, axis=1)

if __name__ == "__main__":
    import jax
    _d = setup_inputs()
    print(jax.jit(kernel)(*tuple(_d.values())))

</pallas_src>

<mosaic_0001>
#map = affine_map<(d0, d1) -> (0, 0)>
module attributes {stable_mosaic.version = 14 : i64} {
  func.func @scat(%arg0: i32, %arg1: i32, %arg2: memref<20480x128xf32, #tpu.memory_space<hbm>>, %arg3: memref<5120x128xi32, #tpu.memory_space<hbm>>, %arg4: memref<2560x128xi32, #tpu.memory_space<hbm>>, %arg5: memref<20480x128xf32, #tpu.memory_space<hbm>>, %arg6: memref<16x128xi32, #tpu.memory_space<vmem>>, %arg7: memref<16x128xi32, #tpu.memory_space<vmem>>, %arg8: memref<128x128xf32, #tpu.memory_space<vmem>>, %arg9: memref<128x128xf32, #tpu.memory_space<vmem>>, %arg10: memref<10240x128xf32, #tpu.memory_space<vmem_shared>>, %arg11: memref<!tpu.dma_semaphore, #tpu.memory_space<semaphore_mem>>, %arg12: memref<!tpu.dma_semaphore, #tpu.memory_space<semaphore_mem>>, %arg13: memref<!tpu.dma_semaphore, #tpu.memory_space<semaphore_mem>>, %arg14: memref<!tpu.dma_semaphore, #tpu.memory_space<semaphore_mem>>, %arg15: memref<!tpu.dma_semaphore, #tpu.memory_space<semaphore_mem>>) attributes {dimension_semantics = [#tpu.dimension_semantics<core_parallel>, #tpu.dimension_semantics<subcore_parallel>], iteration_bounds = array<i64: 2, 16>, scalar_prefetch = 0 : i64, scratch_operands = 10 : i64, tpu.core_type = #tpu.core_type<sc_vector_subcore>, window_params = [{transform_indices = #map}, {transform_indices = #map}, {transform_indices = #map}, {transform_indices = #map}]} {
    %mul3A = arith.constant 10240 : i32
    %mul3A_0 = arith.muli %arg0, %mul3A : i32
    %mul3A_1 = arith.constant 640 : i32
    %mul3A_2 = arith.muli %arg1, %mul3A_1 : i32
    %add3A = arith.addi %mul3A_0, %mul3A_2 : i32
    %mul3A_3 = arith.constant 640 : i32
    %mul3A_4 = arith.muli %arg1, %mul3A_3 : i32
    "tpu.region"() ({
      %run_scoped3A = tpu.sem_alloc : memref<!tpu.dma_semaphore, #tpu.memory_space<semaphore_mem>>
      %dma_start3A = arith.constant 0 : i32
      %dma_start3A_35 = tpu.memref_slice %arg10[%mul3A_4, %dma_start3A] : memref<10240x128xf32, #tpu.memory_space<vmem_shared>> -> memref<640x128xf32, #tpu.memory_space<vmem_shared>>
      %dma_start3A_36 = arith.constant 0 : i32
      %dma_start3A_37 = tpu.memref_slice %arg2[%add3A, %dma_start3A_36] : memref<20480x128xf32, #tpu.memory_space<hbm>> -> memref<640x128xf32, #tpu.memory_space<hbm>>
      tpu.enqueue_dma source(%dma_start3A_37 : memref<640x128xf32, #tpu.memory_space<hbm>>) target(%dma_start3A_35 : memref<640x128xf32, #tpu.memory_space<vmem_shared>>) target_semaphore(%run_scoped3A : memref<!tpu.dma_semaphore, #tpu.memory_space<semaphore_mem>>)
      %dma_wait3A_38 = arith.constant 0 : i32
      %dma_wait3A_39 = tpu.memref_slice %arg10[%mul3A_4, %dma_wait3A_38] : memref<10240x128xf32, #tpu.memory_space<vmem_shared>> -> memref<640x128xf32, #tpu.memory_space<vmem_shared>>
      %dma_wait3A_40 = arith.constant 0 : i32
      %dma_wait3A_41 = tpu.memref_slice %arg2[%add3A, %dma_wait3A_40] : memref<20480x128xf32, #tpu.memory_space<hbm>> -> memref<640x128xf32, #tpu.memory_space<hbm>>
      tpu.wait_dma2 semaphore(%run_scoped3A : memref<!tpu.dma_semaphore, #tpu.memory_space<semaphore_mem>>) src(%dma_wait3A_41 : memref<640x128xf32, #tpu.memory_space<hbm>>) dst(%dma_wait3A_39 : memref<640x128xf32, #tpu.memory_space<vmem_shared>>)
      tpu.yield
    }) : () -> ()
    %mul3A_5 = arith.constant 10240 : i32
    %mul3A_6 = arith.muli %arg0, %mul3A_5 : i32
    %mul3A_7 = arith.constant 160 : i32
    %mul3A_8 = arith.muli %arg1, %mul3A_7 : i32
    %mul3A_9 = arith.constant 2560 : i32
    %mul3A_10 = arith.muli %arg0, %mul3A_9 : i32
    %add3A_11 = arith.addi %mul3A_10, %mul3A_8 : i32
    %barrier3A = arith.constant 0 : index
    tpu.barrier barrier_id(%barrier3A)
    %scan3A = arith.constant 0 : i32
    %scan3A_12 = arith.constant 10 : i32
    %scan3A_13 = arith.addi %scan3A, %scan3A_12 : i32
    %scan3A_14 = arith.constant 1 : i32
    scf.for %scan3A_35 = %scan3A to %scan3A_13 step %scan3A_14  : i32 {
      %mul3A_36 = arith.constant 1 : i32
      %mul3A_37 = arith.muli %scan3A_35, %mul3A_36 : i32
      %add3A_38 = arith.constant 0 : i32
      %add3A_39 = arith.addi %add3A_38, %mul3A_37 : i32
      %gt3A = arith.constant 0 : i32
      %gt3A_40 = arith.cmpi sgt, %add3A_39, %gt3A : i32
      %convert_element_type3A = arith.extui %gt3A_40 : i1 to i32
      %cond3A = arith.constant 0 : i32
      %cond3A_41 = arith.cmpi ne, %convert_element_type3A, %cond3A : i32
      scf.if %cond3A_41 {
        %dma_wait3A_497 = arith.constant 14 : i32
        %dma_wait3A_498 = arith.constant 0 : i32
        %dma_wait3A_499 = tpu.memref_slice %arg7[%dma_wait3A_497, %dma_wait3A_498] : memref<16x128xi32, #tpu.memory_space<vmem>> -> memref<1x128xi32, #tpu.memory_space<vmem>>
        %dma_wait3A_500 = tpu.memref_squeeze %dma_wait3A_499 : memref<1x128xi32, #tpu.memory_space<vmem>> -> memref<128xi32, #tpu.memory_space<vmem>>
        %dma_wait3A_501 = arith.constant 0 : i32
        %dma_wait3A_502 = arith.constant 0 : i32
        %dma_wait3A_503 = tpu.memref_slice %arg10[%dma_wait3A_501, %dma_wait3A_502] : memref<10240x128xf32, #tpu.memory_space<vmem_shared>> -> memref<10240x128xf32, #tpu.memory_space<vmem_shared>>
        tpu.wait_indirect_dma semaphore(%arg14 : memref<!tpu.dma_semaphore, #tpu.memory_space<semaphore_mem>>) src(%arg8 : memref<128x128xf32, #tpu.memory_space<vmem>>) dst(%dma_wait3A_503 : memref<10240x128xf32, #tpu.memory_space<vmem_shared>>)
        %dma_wait3A_504 = arith.constant 15 : i32
        %dma_wait3A_505 = arith.constant 0 : i32
        %dma_wait3A_506 = tpu.memref_slice %arg7[%dma_wait3A_504, %dma_wait3A_505] : memref<16x128xi32, #tpu.memory_space<vmem>> -> memref<1x128xi32, #tpu.memory_space<vmem>>
        %dma_wait3A_507 = tpu.memref_squeeze %dma_wait3A_506 : memref<1x128xi32, #tpu.memory_space<vmem>> -> memref<128xi32, #tpu.memory_space<vmem>>
        %dma_wait3A_508 = arith.constant 0 : i32
        %dma_wait3A_509 = arith.constant 0 : i32
        %dma_wait3A_510 = tpu.memref_slice %arg10[%dma_wait3A_508, %dma_wait3A_509] : memref<10240x128xf32, #tpu.memory_space<vmem_shared>> -> memref<10240x128xf32, #tpu.memory_space<vmem_shared>>
        tpu.wait_indirect_dma semaphore(%arg15 : memref<!tpu.dma_semaphore, #tpu.memory_space<semaphore_mem>>) src(%arg9 : memref<128x128xf32, #tpu.memory_space<vmem>>) dst(%dma_wait3A_510 : memref<10240x128xf32, #tpu.memory_space<vmem_shared>>)
      } else {
      }
      %mul3A_42 = arith.constant 16 : i32
      %mul3A_43 = arith.muli %add3A_39, %mul3A_42 : i32
      %add3A_44 = arith.addi %add3A_11, %mul3A_43 : i32
      %dma_start3A = arith.constant 0 : i32
      %dma_start3A_45 = tpu.memref_slice %arg3[%add3A_44, %dma_start3A] : memref<5120x128xi32, #tpu.memory_space<hbm>> -> memref<16x128xi32, #tpu.memory_space<hbm>>
      %dma_start3A_46 = arith.constant 0 : i32
      %dma_start3A_47 = tpu.memref_slice %arg3[%add3A_44, %dma_start3A_46] : memref<5120x128xi32, #tpu.memory_space<hbm>> -> memref<16x128xi32, #tpu.memory_space<hbm>>
      tpu.enqueue_dma source(%dma_start3A_47 : memref<16x128xi32, #tpu.memory_space<hbm>>) target(%arg6 : memref<16x128xi32, #tpu.memory_space<vmem>>) target_semaphore(%arg11 : memref<!tpu.dma_semaphore, #tpu.memory_space<semaphore_mem>>)
      %mul3A_48 = arith.constant 16 : i32
      %mul3A_49 = arith.muli %add3A_39, %mul3A_48 : i32
      %add3A_50 = arith.addi %mul3A_8, %mul3A_49 : i32
      %dma_start3A_51 = arith.constant 0 : i32
      %dma_start3A_52 = tpu.memref_slice %arg4[%add3A_50, %dma_start3A_51] : memref<2560x128xi32, #tpu.memory_space<hbm>> -> memref<16x128xi32, #tpu.memory_space<hbm>>
      %dma_start3A_53 = arith.constant 0 : i32
      %dma_start3A_54 = tpu.memref_slice %arg4[%add3A_50, %dma_start3A_53] : memref<2560x128xi32, #tpu.memory_space<hbm>> -> memref<16x128xi32, #tpu.memory_space<hbm>>
      tpu.enqueue_dma source(%dma_start3A_54 : memref<16x128xi32, #tpu.memory_space<hbm>>) target(%arg7 : memref<16x128xi32, #tpu.memory_space<vmem>>) target_semaphore(%arg11 : memref<!tpu.dma_semaphore, #tpu.memory_space<semaphore_mem>>)
      %dma_wait3A_55 = arith.constant 0 : i32
      %dma_wait3A_56 = tpu.memref_slice %arg3[%add3A_44, %dma_wait3A_55] : memref<5120x128xi32, #tpu.memory_space<hbm>> -> memref<16x128xi32, #tpu.memory_space<hbm>>
      %dma_wait3A_57 = arith.constant 0 : i32
      %dma_wait3A_58 = tpu.memref_slice %arg3[%add3A_44, %dma_wait3A_57] : memref<5120x128xi32, #tpu.memory_space<hbm>> -> memref<16x128xi32, #tpu.memory_space<hbm>>
      tpu.wait_dma2 semaphore(%arg11 : memref<!tpu.dma_semaphore, #tpu.memory_space<semaphore_mem>>) src(%dma_wait3A_58 : memref<16x128xi32, #tpu.memory_space<hbm>>) dst(%arg6 : memref<16x128xi32, #tpu.memory_space<vmem>>)
      %dma_wait3A_59 = arith.constant 0 : i32
      %dma_wait3A_60 = tpu.memref_slice %arg4[%add3A_50, %dma_wait3A_59] : memref<2560x128xi32, #tpu.memory_space<hbm>> -> memref<16x128xi32, #tpu.memory_space<hbm>>
      %dma_wait3A_61 = arith.constant 0 : i32
      %dma_wait3A_62 = tpu.memref_slice %arg4[%add3A_50, %dma_wait3A_61] : memref<2560x128xi32, #tpu.memory_space<hbm>> -> memref<16x128xi32, #tpu.memory_space<hbm>>
      tpu.wait_dma2 semaphore(%arg11 : memref<!tpu.dma_semaphore, #tpu.memory_space<semaphore_mem>>) src(%dma_wait3A_62 : memref<16x128xi32, #tpu.memory_space<hbm>>) dst(%arg7 : memref<16x128xi32, #tpu.memory_space<vmem>>)
      %dma_start3A_63 = arith.constant 0 : i32
      %dma_start3A_64 = arith.constant 0 : i32
      %dma_start3A_65 = tpu.memref_slice %arg6[%dma_start3A_63, %dma_start3A_64] : memref<16x128xi32, #tpu.memory_space<vmem>> -> memref<1x128xi32, #tpu.memory_space<vmem>>
      %dma_start3A_66 = tpu.memref_squeeze %dma_start3A_65 : memref<1x128xi32, #tpu.memory_space<vmem>> -> memref<128xi32, #tpu.memory_space<vmem>>
      %dma_start3A_67 = arith.constant 0 : i32
      %dma_start3A_68 = arith.constant 0 : i32
      %dma_start3A_69 = tpu.memref_slice %arg2[%dma_start3A_67, %dma_start3A_68] : memref<20480x128xf32, #tpu.memory_space<hbm>> -> memref<20480x128xf32, #tpu.memory_space<hbm>>
      tpu.enqueue_indirect_dma source(%dma_start3A_69 : memref<20480x128xf32, #tpu.memory_space<hbm>>) target(%arg8 : memref<128x128xf32, #tpu.memory_space<vmem>>) offsets(%dma_start3A_66 : memref<128xi32, #tpu.memory_space<vmem>>) semaphore(%arg12 : memref<!tpu.dma_semaphore, #tpu.memory_space<semaphore_mem>>)
      %dma_start3A_70 = arith.constant 1 : i32
      %dma_start3A_71 = arith.constant 0 : i32
      %dma_start3A_72 = tpu.memref_slice %arg6[%dma_start3A_70, %dma_start3A_71] : memref<16x128xi32, #tpu.memory_space<vmem>> -> memref<1x128xi32, #tpu.memory_space<vmem>>
      %dma_start3A_73 = tpu.memref_squeeze %dma_start3A_72 : memref<1x128xi32, #tpu.memory_space<vmem>> -> memref<128xi32, #tpu.memory_space<vmem>>
      %dma_start3A_74 = arith.constant 0 : i32
      %dma_start3A_75 = arith.constant 0 : i32
      %dma_start3A_76 = tpu.memref_slice %arg2[%dma_start3A_74, %dma_start3A_75] : memref<20480x128xf32, #tpu.memory_space<hbm>> -> memref<20480x128xf32, #tpu.memory_space<hbm>>
      tpu.enqueue_indirect_dma source(%dma_start3A_76 : memref<20480x128xf32, #tpu.memory_space<hbm>>) target(%arg9 : memref<128x128xf32, #tpu.memory_space<vmem>>) offsets(%dma_start3A_73 : memref<128xi32, #tpu.memory_space<vmem>>) semaphore(%arg13 : memref<!tpu.dma_semaphore, #tpu.memory_space<semaphore_mem>>)
      %dma_wait3A_77 = arith.constant 0 : i32
      %dma_wait3A_78 = arith.constant 0 : i32
      %dma_wait3A_79 = tpu.memref_slice %arg6[%dma_wait3A_77, %dma_wait3A_78] : memref<16x128xi32, #tpu.memory_space<vmem>> -> memref<1x128xi32, #tpu.memory_space<vmem>>
      %dma_wait3A_80 = tpu.memref_squeeze %dma_wait3A_79 : memref<1x128xi32, #tpu.memory_space<vmem>> -> memref<128xi32, #tpu.memory_space<vmem>>
      %dma_wait3A_81 = arith.constant 0 : i32
      %dma_wait3A_82 = arith.constant 0 : i32
      %dma_wait3A_83 = tpu.memref_slice %arg2[%dma_wait3A_81, %dma_wait3A_82] : memref<20480x128xf32, #tpu.memory_space<hbm>> -> memref<20480x128xf32, #tpu.memory_space<hbm>>
      tpu.wait_indirect_dma semaphore(%arg12 : memref<!tpu.dma_semaphore, #tpu.memory_space<semaphore_mem>>) src(%dma_wait3A_83 : memref<20480x128xf32, #tpu.memory_space<hbm>>) dst(%arg8 : memref<128x128xf32, #tpu.memory_space<vmem>>)
      %dma_start3A_84 = arith.constant 0 : i32
      %dma_start3A_85 = arith.constant 0 : i32
      %dma_start3A_86 = tpu.memref_slice %arg7[%dma_start3A_84, %dma_start3A_85] : memref<16x128xi32, #tpu.memory_space<vmem>> -> memref<1x128xi32, #tpu.memory_space<vmem>>
      %dma_start3A_87 = tpu.memref_squeeze %dma_start3A_86 : memref<1x128xi32, #tpu.memory_space<vmem>> -> memref<128xi32, #tpu.memory_space<vmem>>
      %dma_start3A_88 = arith.constant 0 : i32
      %dma_start3A_89 = arith.constant 0 : i32
      %dma_start3A_90 = tpu.memref_slice %arg10[%dma_start3A_88, %dma_start3A_89] : memref<10240x128xf32, #tpu.memory_space<vmem_shared>> -> memref<10240x128xf32, #tpu.memory_space<vmem_shared>>
      tpu.enqueue_indirect_dma source(%arg8 : memref<128x128xf32, #tpu.memory_space<vmem>>) target(%dma_start3A_90 : memref<10240x128xf32, #tpu.memory_space<vmem_shared>>) offsets(%dma_start3A_87 : memref<128xi32, #tpu.memory_space<vmem>>) semaphore(%arg14 : memref<!tpu.dma_semaphore, #tpu.memory_space<semaphore_mem>>) {add = true}
      %dma_wait3A_91 = arith.constant 0 : i32
      %dma_wait3A_92 = arith.constant 0 : i32
      %dma_wait3A_93 = tpu.memref_slice %arg7[%dma_wait3A_91, %dma_wait3A_92] : memref<16x128xi32, #tpu.memory_space<vmem>> -> memref<1x128xi32, #tpu.memory_space<vmem>>
      %dma_wait3A_94 = tpu.memref_squeeze %dma_wait3A_93 : memref<1x128xi32, #tpu.memory_space<vmem>> -> memref<128xi32, #tpu.memory_space<vmem>>
      %dma_wait3A_95 = arith.constant 0 : i32
      %dma_wait3A_96 = arith.constant 0 : i32
      %dma_wait3A_97 = tpu.memref_slice %arg10[%dma_wait3A_95, %dma_wait3A_96] : memref<10240x128xf32, #tpu.memory_space<vmem_shared>> -> memref<10240x128xf32, #tpu.memory_space<vmem_shared>>
      tpu.wait_indirect_dma semaphore(%arg14 : memref<!tpu.dma_semaphore, #tpu.memory_space<semaphore_mem>>) src(%arg8 : memref<128x128xf32, #tpu.memory_space<vmem>>) dst(%dma_wait3A_97 : memref<10240x128xf32, #tpu.memory_space<vmem_shared>>)
      %dma_start3A_98 = arith.constant 2 : i32
      %dma_start3A_99 = arith.constant 0 : i32
      %dma_start3A_100 = tpu.memref_slice %arg6[%dma_start3A_98, %dma_start3A_99] : memref<16x128xi32, #tpu.memory_space<vmem>> -> memref<1x128xi32, #tpu.memory_space<vmem>>
      %dma_start3A_101 = tpu.memref_squeeze %dma_start3A_100 : memref<1x128xi32, #tpu.memory_space<vmem>> -> memref<128xi32, #tpu.memory_space<vmem>>
      %dma_start3A_102 = arith.constant 0 : i32
      %dma_start3A_103 = arith.constant 0 : i32
      %dma_start3A_104 = tpu.memref_slice %arg2[%dma_start3A_102, %dma_start3A_103] : memref<20480x128xf32, #tpu.memory_space<hbm>> -> memref<20480x128xf32, #tpu.memory_space<hbm>>
      tpu.enqueue_indirect_dma source(%dma_start3A_104 : memref<20480x128xf32, #tpu.memory_space<hbm>>) target(%arg8 : memref<128x128xf32, #tpu.memory_space<vmem>>) offsets(%dma_start3A_101 : memref<128xi32, #tpu.memory_space<vmem>>) semaphore(%arg12 : memref<!tpu.dma_semaphore, #tpu.memory_space<semaphore_mem>>)
      %dma_wait3A_105 = arith.constant 1 : i32
      %dma_wait3A_106 = arith.constant 0 : i32
      %dma_wait3A_107 = tpu.memref_slice %arg6[%dma_wait3A_105, %dma_wait3A_106] : memref<16x128xi32, #tpu.memory_space<vmem>> -> memref<1x128xi32, #tpu.memory_space<vmem>>
      %dma_wait3A_108 = tpu.memref_squeeze %dma_wait3A_107 : memref<1x128xi32, #tpu.memory_space<vmem>> -> memref<128xi32, #tpu.memory_space<vmem>>
      %dma_wait3A_109 = arith.constant 0 : i32
      %dma_wait3A_110 = arith.constant 0 : i32
      %dma_wait3A_111 = tpu.memref_slice %arg2[%dma_wait3A_109, %dma_wait3A_110] : memref<20480x128xf32, #tpu.memory_space<hbm>> -> memref<20480x128xf32, #tpu.memory_space<hbm>>
      tpu.wait_indirect_dma semaphore(%arg13 : memref<!tpu.dma_semaphore, #tpu.memory_space<semaphore_mem>>) src(%dma_wait3A_111 : memref<20480x128xf32, #tpu.memory_space<hbm>>) dst(%arg9 : memref<128x128xf32, #tpu.memory_space<vmem>>)
      %dma_start3A_112 = arith.constant 1 : i32
      %dma_start3A_113 = arith.constant 0 : i32
      %dma_start3A_114 = tpu.memref_slice %arg7[%dma_start3A_112, %dma_start3A_113] : memref<16x128xi32, #tpu.memory_space<vmem>> -> memref<1x128xi32, #tpu.memory_space<vmem>>
      %dma_start3A_115 = tpu.memref_squeeze %dma_start3A_114 : memref<1x128xi32, #tpu.memory_space<vmem>> -> memref<128xi32, #tpu.memory_space<vmem>>
      %dma_start3A_116 = arith.constant 0 : i32
      %dma_start3A_117 = arith.constant 0 : i32
      %dma_start3A_118 = tpu.memref_slice %arg10[%dma_start3A_116, %dma_start3A_117] : memref<10240x128xf32, #tpu.memory_space<vmem_shared>> -> memref<10240x128xf32, #tpu.memory_space<vmem_shared>>
      tpu.enqueue_indirect_dma source(%arg9 : memref<128x128xf32, #tpu.memory_space<vmem>>) target(%dma_start3A_118 : memref<10240x128xf32, #tpu.memory_space<vmem_shared>>) offsets(%dma_start3A_115 : memref<128xi32, #tpu.memory_space<vmem>>) semaphore(%arg15 : memref<!tpu.dma_semaphore, #tpu.memory_space<semaphore_mem>>) {add = true}
      %dma_wait3A_119 = arith.constant 1 : i32
      %dma_wait3A_120 = arith.constant 0 : i32
      %dma_wait3A_121 = tpu.memref_slice %arg7[%dma_wait3A_119, %dma_wait3A_120] : memref<16x128xi32, #tpu.memory_space<vmem>> -> memref<1x128xi32, #tpu.memory_space<vmem>>
      %dma_wait3A_122 = tpu.memref_squeeze %dma_wait3A_121 : memref<1x128xi32, #tpu.memory_space<vmem>> -> memref<128xi32, #tpu.memory_space<vmem>>
      %dma_wait3A_123 = arith.constant 0 : i32
      %dma_wait3A_124 = arith.constant 0 : i32
      %dma_wait3A_125 = tpu.memref_slice %arg10[%dma_wait3A_123, %dma_wait3A_124] : memref<10240x128xf32, #tpu.memory_space<vmem_shared>> -> memref<10240x128xf32, #tpu.memory_space<vmem_shared>>
      tpu.wait_indirect_dma semaphore(%arg15 : memref<!tpu.dma_semaphore, #tpu.memory_space<semaphore_mem>>) src(%arg9 : memref<128x128xf32, #tpu.memory_space<vmem>>) dst(%dma_wait3A_125 : memref<10240x128xf32, #tpu.memory_space<vmem_shared>>)
      %dma_start3A_126 = arith.constant 3 : i32
      %dma_start3A_127 = arith.constant 0 : i32
      %dma_start3A_128 = tpu.memref_slice %arg6[%dma_start3A_126, %dma_start3A_127] : memref<16x128xi32, #tpu.memory_space<vmem>> -> memref<1x128xi32, #tpu.memory_space<vmem>>
      %dma_start3A_129 = tpu.memref_squeeze %dma_start3A_128 : memref<1x128xi32, #tpu.memory_space<vmem>> -> memref<128xi32, #tpu.memory_space<vmem>>
      %dma_start3A_130 = arith.constant 0 : i32
      %dma_start3A_131 = arith.constant 0 : i32
      %dma_start3A_132 = tpu.memref_slice %arg2[%dma_start3A_130, %dma_start3A_131] : memref<20480x128xf32, #tpu.memory_space<hbm>> -> memref<20480x128xf32, #tpu.memory_space<hbm>>
      tpu.enqueue_indirect_dma source(%dma_start3A_132 : memref<20480x128xf32, #tpu.memory_space<hbm>>) target(%arg9 : memref<128x128xf32, #tpu.memory_space<vmem>>) offsets(%dma_start3A_129 : memref<128xi32, #tpu.memory_space<vmem>>) semaphore(%arg13 : memref<!tpu.dma_semaphore, #tpu.memory_space<semaphore_mem>>)
      %dma_wait3A_133 = arith.constant 2 : i32
      %dma_wait3A_134 = arith.constant 0 : i32
      %dma_wait3A_135 = tpu.memref_slice %arg6[%dma_wait3A_133, %dma_wait3A_134] : memref<16x128xi32, #tpu.memory_space<vmem>> -> memref<1x128xi32, #tpu.memory_space<vmem>>
      %dma_wait3A_136 = tpu.memref_squeeze %dma_wait3A_135 : memref<1x128xi32, #tpu.memory_space<vmem>> -> memref<128xi32, #tpu.memory_space<vmem>>
      %dma_wait3A_137 = arith.constant 0 : i32
      %dma_wait3A_138 = arith.constant 0 : i32
      %dma_wait3A_139 = tpu.memref_slice %arg2[%dma_wait3A_137, %dma_wait3A_138] : memref<20480x128xf32, #tpu.memory_space<hbm>> -> memref<20480x128xf32, #tpu.memory_space<hbm>>
      tpu.wait_indirect_dma semaphore(%arg12 : memref<!tpu.dma_semaphore, #tpu.memory_space<semaphore_mem>>) src(%dma_wait3A_139 : memref<20480x128xf32, #tpu.memory_space<hbm>>) dst(%arg8 : memref<128x128xf32, #tpu.memory_space<vmem>>)
      %dma_start3A_140 = arith.constant 2 : i32
      %dma_start3A_141 = arith.constant 0 : i32
      %dma_start3A_142 = tpu.memref_slice %arg7[%dma_start3A_140, %dma_start3A_141] : memref<16x128xi32, #tpu.memory_space<vmem>> -> memref<1x128xi32, #tpu.memory_space<vmem>>
      %dma_start3A_143 = tpu.memref_squeeze %dma_start3A_142 : memref<1x128xi32, #tpu.memory_space<vmem>> -> memref<128xi32, #tpu.memory_space<vmem>>
      %dma_start3A_144 = arith.constant 0 : i32
      %dma_start3A_145 = arith.constant 0 : i32
      %dma_start3A_146 = tpu.memref_slice %arg10[%dma_start3A_144, %dma_start3A_145] : memref<10240x128xf32, #tpu.memory_space<vmem_shared>> -> memref<10240x128xf32, #tpu.memory_space<vmem_shared>>
      tpu.enqueue_indirect_dma source(%arg8 : memref<128x128xf32, #tpu.memory_space<vmem>>) target(%dma_start3A_146 : memref<10240x128xf32, #tpu.memory_space<vmem_shared>>) offsets(%dma_start3A_143 : memref<128xi32, #tpu.memory_space<vmem>>) semaphore(%arg14 : memref<!tpu.dma_semaphore, #tpu.memory_space<semaphore_mem>>) {add = true}
      %dma_wait3A_147 = arith.constant 2 : i32
      %dma_wait3A_148 = arith.constant 0 : i32
      %dma_wait3A_149 = tpu.memref_slice %arg7[%dma_wait3A_147, %dma_wait3A_148] : memref<16x128xi32, #tpu.memory_space<vmem>> -> memref<1x128xi32, #tpu.memory_space<vmem>>
      %dma_wait3A_150 = tpu.memref_squeeze %dma_wait3A_149 : memref<1x128xi32, #tpu.memory_space<vmem>> -> memref<128xi32, #tpu.memory_space<vmem>>
      %dma_wait3A_151 = arith.constant 0 : i32
      %dma_wait3A_152 = arith.constant 0 : i32
      %dma_wait3A_153 = tpu.memref_slice %arg10[%dma_wait3A_151, %dma_wait3A_152] : memref<10240x128xf32, #tpu.memory_space<vmem_shared>> -> memref<10240x128xf32, #tpu.memory_space<vmem_shared>>
      tpu.wait_indirect_dma semaphore(%arg14 : memref<!tpu.dma_semaphore, #tpu.memory_space<semaphore_mem>>) src(%arg8 : memref<128x128xf32, #tpu.memory_space<vmem>>) dst(%dma_wait3A_153 : memref<10240x128xf32, #tpu.memory_space<vmem_shared>>)
      %dma_start3A_154 = arith.constant 4 : i32
      %dma_start3A_155 = arith.constant 0 : i32
      %dma_start3A_156 = tpu.memref_slice %arg6[%dma_start3A_154, %dma_start3A_155] : memref<16x128xi32, #tpu.memory_space<vmem>> -> memref<1x128xi32, #tpu.memory_space<vmem>>
      %dma_start3A_157 = tpu.memref_squeeze %dma_start3A_156 : memref<1x128xi32, #tpu.memory_space<vmem>> -> memref<128xi32, #tpu.memory_space<vmem>>
      %dma_start3A_158 = arith.constant 0 : i32
      %dma_start3A_159 = arith.constant 0 : i32
      %dma_start3A_160 = tpu.memref_slice %arg2[%dma_start3A_158, %dma_start3A_159] : memref<20480x128xf32, #tpu.memory_space<hbm>> -> memref<20480x128xf32, #tpu.memory_space<hbm>>
      tpu.enqueue_indirect_dma source(%dma_start3A_160 : memref<20480x128xf32, #tpu.memory_space<hbm>>) target(%arg8 : memref<128x128xf32, #tpu.memory_space<vmem>>) offsets(%dma_start3A_157 : memref<128xi32, #tpu.memory_space<vmem>>) semaphore(%arg12 : memref<!tpu.dma_semaphore, #tpu.memory_space<semaphore_mem>>)
      %dma_wait3A_161 = arith.constant 3 : i32
      %dma_wait3A_162 = arith.constant 0 : i32
      %dma_wait3A_163 = tpu.memref_slice %arg6[%dma_wait3A_161, %dma_wait3A_162] : memref<16x128xi32, #tpu.memory_space<vmem>> -> memref<1x128xi32, #tpu.memory_space<vmem>>
      %dma_wait3A_164 = tpu.memref_squeeze %dma_wait3A_163 : memref<1x128xi32, #tpu.memory_space<vmem>> -> memref<128xi32, #tpu.memory_space<vmem>>
      %dma_wait3A_165 = arith.constant 0 : i32
      %dma_wait3A_166 = arith.constant 0 : i32
      %dma_wait3A_167 = tpu.memref_slice %arg2[%dma_wait3A_165, %dma_wait3A_166] : memref<20480x128xf32, #tpu.memory_space<hbm>> -> memref<20480x128xf32, #tpu.memory_space<hbm>>
      tpu.wait_indirect_dma semaphore(%arg13 : memref<!tpu.dma_semaphore, #tpu.memory_space<semaphore_mem>>) src(%dma_wait3A_167 : memref<20480x128xf32, #tpu.memory_space<hbm>>) dst(%arg9 : memref<128x128xf32, #tpu.memory_space<vmem>>)
      %dma_start3A_168 = arith.constant 3 : i32
      %dma_start3A_169 = arith.constant 0 : i32
      %dma_start3A_170 = tpu.memref_slice %arg7[%dma_start3A_168, %dma_start3A_169] : memref<16x128xi32, #tpu.memory_space<vmem>> -> memref<1x128xi32, #tpu.memory_space<vmem>>
      %dma_start3A_171 = tpu.memref_squeeze %dma_start3A_170 : memref<1x128xi32, #tpu.memory_space<vmem>> -> memref<128xi32, #tpu.memory_space<vmem>>
      %dma_start3A_172 = arith.constant 0 : i32
      %dma_start3A_173 = arith.constant 0 : i32
      %dma_start3A_174 = tpu.memref_slice %arg10[%dma_start3A_172, %dma_start3A_173] : memref<10240x128xf32, #tpu.memory_space<vmem_shared>> -> memref<10240x128xf32, #tpu.memory_space<vmem_shared>>
      tpu.enqueue_indirect_dma source(%arg9 : memref<128x128xf32, #tpu.memory_space<vmem>>) target(%dma_start3A_174 : memref<10240x128xf32, #tpu.memory_space<vmem_shared>>) offsets(%dma_start3A_171 : memref<128xi32, #tpu.memory_space<vmem>>) semaphore(%arg15 : memref<!tpu.dma_semaphore, #tpu.memory_space<semaphore_mem>>) {add = true}
      %dma_wait3A_175 = arith.constant 3 : i32
      %dma_wait3A_176 = arith.constant 0 : i32
      %dma_wait3A_177 = tpu.memref_slice %arg7[%dma_wait3A_175, %dma_wait3A_176] : memref<16x128xi32, #tpu.memory_space<vmem>> -> memref<1x128xi32, #tpu.memory_space<vmem>>
      %dma_wait3A_178 = tpu.memref_squeeze %dma_wait3A_177 : memref<1x128xi32, #tpu.memory_space<vmem>> -> memref<128xi32, #tpu.memory_space<vmem>>
      %dma_wait3A_179 = arith.constant 0 : i32
      %dma_wait3A_180 = arith.constant 0 : i32
      %dma_wait3A_181 = tpu.memref_slice %arg10[%dma_wait3A_179, %dma_wait3A_180] : memref<10240x128xf32, #tpu.memory_space<vmem_shared>> -> memref<10240x128xf32, #tpu.memory_space<vmem_shared>>
      tpu.wait_indirect_dma semaphore(%arg15 : memref<!tpu.dma_semaphore, #tpu.memory_space<semaphore_mem>>) src(%arg9 : memref<128x128xf32, #tpu.memory_space<vmem>>) dst(%dma_wait3A_181 : memref<10240x128xf32, #tpu.memory_space<vmem_shared>>)
      %dma_start3A_182 = arith.constant 5 : i32
      %dma_start3A_183 = arith.constant 0 : i32
      %dma_start3A_184 = tpu.memref_slice %arg6[%dma_start3A_182, %dma_start3A_183] : memref<16x128xi32, #tpu.memory_space<vmem>> -> memref<1x128xi32, #tpu.memory_space<vmem>>
      %dma_start3A_185 = tpu.memref_squeeze %dma_start3A_184 : memref<1x128xi32, #tpu.memory_space<vmem>> -> memref<128xi32, #tpu.memory_space<vmem>>
      %dma_start3A_186 = arith.constant 0 : i32
      %dma_start3A_187 = arith.constant 0 : i32
      %dma_start3A_188 = tpu.memref_slice %arg2[%dma_start3A_186, %dma_start3A_187] : memref<20480x128xf32, #tpu.memory_space<hbm>> -> memref<20480x128xf32, #tpu.memory_space<hbm>>
      tpu.enqueue_indirect_dma source(%dma_start3A_188 : memref<20480x128xf32, #tpu.memory_space<hbm>>) target(%arg9 : memref<128x128xf32, #tpu.memory_space<vmem>>) offsets(%dma_start3A_185 : memref<128xi32, #tpu.memory_space<vmem>>) semaphore(%arg13 : memref<!tpu.dma_semaphore, #tpu.memory_space<semaphore_mem>>)
      %dma_wait3A_189 = arith.constant 4 : i32
      %dma_wait3A_190 = arith.constant 0 : i32
      %dma_wait3A_191 = tpu.memref_slice %arg6[%dma_wait3A_189, %dma_wait3A_190] : memref<16x128xi32, #tpu.memory_space<vmem>> -> memref<1x128xi32, #tpu.memory_space<vmem>>
      %dma_wait3A_192 = tpu.memref_squeeze %dma_wait3A_191 : memref<1x128xi32, #tpu.memory_space<vmem>> -> memref<128xi32, #tpu.memory_space<vmem>>
      %dma_wait3A_193 = arith.constant 0 : i32
      %dma_wait3A_194 = arith.constant 0 : i32
      %dma_wait3A_195 = tpu.memref_slice %arg2[%dma_wait3A_193, %dma_wait3A_194] : memref<20480x128xf32, #tpu.memory_space<hbm>> -> memref<20480x128xf32, #tpu.memory_space<hbm>>
      tpu.wait_indirect_dma semaphore(%arg12 : memref<!tpu.dma_semaphore, #tpu.memory_space<semaphore_mem>>) src(%dma_wait3A_195 : memref<20480x128xf32, #tpu.memory_space<hbm>>) dst(%arg8 : memref<128x128xf32, #tpu.memory_space<vmem>>)
      %dma_start3A_196 = arith.constant 4 : i32
      %dma_start3A_197 = arith.constant 0 : i32
      %dma_start3A_198 = tpu.memref_slice %arg7[%dma_start3A_196, %dma_start3A_197] : memref<16x128xi32, #tpu.memory_space<vmem>> -> memref<1x128xi32, #tpu.memory_space<vmem>>
      %dma_start3A_199 = tpu.memref_squeeze %dma_start3A_198 : memref<1x128xi32, #tpu.memory_space<vmem>> -> memref<128xi32, #tpu.memory_space<vmem>>
      %dma_start3A_200 = arith.constant 0 : i32
      %dma_start3A_201 = arith.constant 0 : i32
      %dma_start3A_202 = tpu.memref_slice %arg10[%dma_start3A_200, %dma_start3A_201] : memref<10240x128xf32, #tpu.memory_space<vmem_shared>> -> memref<10240x128xf32, #tpu.memory_space<vmem_shared>>
      tpu.enqueue_indirect_dma source(%arg8 : memref<128x128xf32, #tpu.memory_space<vmem>>) target(%dma_start3A_202 : memref<10240x128xf32, #tpu.memory_space<vmem_shared>>) offsets(%dma_start3A_199 : memref<128xi32, #tpu.memory_space<vmem>>) semaphore(%arg14 : memref<!tpu.dma_semaphore, #tpu.memory_space<semaphore_mem>>) {add = true}
      %dma_wait3A_203 = arith.constant 4 : i32
      %dma_wait3A_204 = arith.constant 0 : i32
      %dma_wait3A_205 = tpu.memref_slice %arg7[%dma_wait3A_203, %dma_wait3A_204] : memref<16x128xi32, #tpu.memory_space<vmem>> -> memref<1x128xi32, #tpu.memory_space<vmem>>
      %dma_wait3A_206 = tpu.memref_squeeze %dma_wait3A_205 : memref<1x128xi32, #tpu.memory_space<vmem>> -> memref<128xi32, #tpu.memory_space<vmem>>
      %dma_wait3A_207 = arith.constant 0 : i32
      %dma_wait3A_208 = arith.constant 0 : i32
      %dma_wait3A_209 = tpu.memref_slice %arg10[%dma_wait3A_207, %dma_wait3A_208] : memref<10240x128xf32, #tpu.memory_space<vmem_shared>> -> memref<10240x128xf32, #tpu.memory_space<vmem_shared>>
      tpu.wait_indirect_dma semaphore(%arg14 : memref<!tpu.dma_semaphore, #tpu.memory_space<semaphore_mem>>) src(%arg8 : memref<128x128xf32, #tpu.memory_space<vmem>>) dst(%dma_wait3A_209 : memref<10240x128xf32, #tpu.memory_space<vmem_shared>>)
      %dma_start3A_210 = arith.constant 6 : i32
      %dma_start3A_211 = arith.constant 0 : i32
      %dma_start3A_212 = tpu.memref_slice %arg6[%dma_start3A_210, %dma_start3A_211] : memref<16x128xi32, #tpu.memory_space<vmem>> -> memref<1x128xi32, #tpu.memory_space<vmem>>
      %dma_start3A_213 = tpu.memref_squeeze %dma_start3A_212 : memref<1x128xi32, #tpu.memory_space<vmem>> -> memref<128xi32, #tpu.memory_space<vmem>>
      %dma_start3A_214 = arith.constant 0 : i32
      %dma_start3A_215 = arith.constant 0 : i32
      %dma_start3A_216 = tpu.memref_slice %arg2[%dma_start3A_214, %dma_start3A_215] : memref<20480x128xf32, #tpu.memory_space<hbm>> -> memref<20480x128xf32, #tpu.memory_space<hbm>>
      tpu.enqueue_indirect_dma source(%dma_start3A_216 : memref<20480x128xf32, #tpu.memory_space<hbm>>) target(%arg8 : memref<128x128xf32, #tpu.memory_space<vmem>>) offsets(%dma_start3A_213 : memref<128xi32, #tpu.memory_space<vmem>>) semaphore(%arg12 : memref<!tpu.dma_semaphore, #tpu.memory_space<semaphore_mem>>)
      %dma_wait3A_217 = arith.constant 5 : i32
      %dma_wait3A_218 = arith.constant 0 : i32
      %dma_wait3A_219 = tpu.memref_slice %arg6[%dma_wait3A_217, %dma_wait3A_218] : memref<16x128xi32, #tpu.memory_space<vmem>> -> memref<1x128xi32, #tpu.memory_space<vmem>>
      %dma_wait3A_220 = tpu.memref_squeeze %dma_wait3A_219 : memref<1x128xi32, #tpu.memory_space<vmem>> -> memref<128xi32, #tpu.memory_space<vmem>>
      %dma_wait3A_221 = arith.constant 0 : i32
      %dma_wait3A_222 = arith.constant 0 : i32
      %dma_wait3A_223 = tpu.memref_slice %arg2[%dma_wait3A_221, %dma_wait3A_222] : memref<20480x128xf32, #tpu.memory_space<hbm>> -> memref<20480x128xf32, #tpu.memory_space<hbm>>
      tpu.wait_indirect_dma semaphore(%arg13 : memref<!tpu.dma_semaphore, #tpu.memory_space<semaphore_mem>>) src(%dma_wait3A_223 : memref<20480x128xf32, #tpu.memory_space<hbm>>) dst(%arg9 : memref<128x128xf32, #tpu.memory_space<vmem>>)
      %dma_start3A_224 = arith.constant 5 : i32
      %dma_start3A_225 = arith.constant 0 : i32
      %dma_start3A_226 = tpu.memref_slice %arg7[%dma_start3A_224, %dma_start3A_225] : memref<16x128xi32, #tpu.memory_space<vmem>> -> memref<1x128xi32, #tpu.memory_space<vmem>>
      %dma_start3A_227 = tpu.memref_squeeze %dma_start3A_226 : memref<1x128xi32, #tpu.memory_space<vmem>> -> memref<128xi32, #tpu.memory_space<vmem>>
      %dma_start3A_228 = arith.constant 0 : i32
      %dma_start3A_229 = arith.constant 0 : i32
      %dma_start3A_230 = tpu.memref_slice %arg10[%dma_start3A_228, %dma_start3A_229] : memref<10240x128xf32, #tpu.memory_space<vmem_shared>> -> memref<10240x128xf32, #tpu.memory_space<vmem_shared>>
      tpu.enqueue_indirect_dma source(%arg9 : memref<128x128xf32, #tpu.memory_space<vmem>>) target(%dma_start3A_230 : memref<10240x128xf32, #tpu.memory_space<vmem_shared>>) offsets(%dma_start3A_227 : memref<128xi32, #tpu.memory_space<vmem>>) semaphore(%arg15 : memref<!tpu.dma_semaphore, #tpu.memory_space<semaphore_mem>>) {add = true}
      %dma_wait3A_231 = arith.constant 5 : i32
      %dma_wait3A_232 = arith.constant 0 : i32
      %dma_wait3A_233 = tpu.memref_slice %arg7[%dma_wait3A_231, %dma_wait3A_232] : memref<16x128xi32, #tpu.memory_space<vmem>> -> memref<1x128xi32, #tpu.memory_space<vmem>>
      %dma_wait3A_234 = tpu.memref_squeeze %dma_wait3A_233 : memref<1x128xi32, #tpu.memory_space<vmem>> -> memref<128xi32, #tpu.memory_space<vmem>>
      %dma_wait3A_235 = arith.constant 0 : i32
      %dma_wait3A_236 = arith.constant 0 : i32
      %dma_wait3A_237 = tpu.memref_slice %arg10[%dma_wait3A_235, %dma_wait3A_236] : memref<10240x128xf32, #tpu.memory_space<vmem_shared>> -> memref<10240x128xf32, #tpu.memory_space<vmem_shared>>
      tpu.wait_indirect_dma semaphore(%arg15 : memref<!tpu.dma_semaphore, #tpu.memory_space<semaphore_mem>>) src(%arg9 : memref<128x128xf32, #tpu.memory_space<vmem>>) dst(%dma_wait3A_237 : memref<10240x128xf32, #tpu.memory_space<vmem_shared>>)
      %dma_start3A_238 = arith.constant 7 : i32
      %dma_start3A_239 = arith.constant 0 : i32
      %dma_start3A_240 = tpu.memref_slice %arg6[%dma_start3A_238, %dma_start3A_239] : memref<16x128xi32, #tpu.memory_space<vmem>> -> memref<1x128xi32, #tpu.memory_space<vmem>>
      %dma_start3A_241 = tpu.memref_squeeze %dma_start3A_240 : memref<1x128xi32, #tpu.memory_space<vmem>> -> memref<128xi32, #tpu.memory_space<vmem>>
      %dma_start3A_242 = arith.constant 0 : i32
      %dma_start3A_243 = arith.constant 0 : i32
      %dma_start3A_244 = tpu.memref_slice %arg2[%dma_start3A_242, %dma_start3A_243] : memref<20480x128xf32, #tpu.memory_space<hbm>> -> memref<20480x128xf32, #tpu.memory_space<hbm>>
      tpu.enqueue_indirect_dma source(%dma_start3A_244 : memref<20480x128xf32, #tpu.memory_space<hbm>>) target(%arg9 : memref<128x128xf32, #tpu.memory_space<vmem>>) offsets(%dma_start3A_241 : memref<128xi32, #tpu.memory_space<vmem>>) semaphore(%arg13 : memref<!tpu.dma_semaphore, #tpu.memory_space<semaphore_mem>>)
      %dma_wait3A_245 = arith.constant 6 : i32
      %dma_wait3A_246 = arith.constant 0 : i32
      %dma_wait3A_247 = tpu.memref_slice %arg6[%dma_wait3A_245, %dma_wait3A_246] : memref<16x128xi32, #tpu.memory_space<vmem>> -> memref<1x128xi32, #tpu.memory_space<vmem>>
      %dma_wait3A_248 = tpu.memref_squeeze %dma_wait3A_247 : memref<1x128xi32, #tpu.memory_space<vmem>> -> memref<128xi32, #tpu.memory_space<vmem>>
      %dma_wait3A_249 = arith.constant 0 : i32
      %dma_wait3A_250 = arith.constant 0 : i32
      %dma_wait3A_251 = tpu.memref_slice %arg2[%dma_wait3A_249, %dma_wait3A_250] : memref<20480x128xf32, #tpu.memory_space<hbm>> -> memref<20480x128xf32, #tpu.memory_space<hbm>>
      tpu.wait_indirect_dma semaphore(%arg12 : memref<!tpu.dma_semaphore, #tpu.memory_space<semaphore_mem>>) src(%dma_wait3A_251 : memref<20480x128xf32, #tpu.memory_space<hbm>>) dst(%arg8 : memref<128x128xf32, #tpu.memory_space<vmem>>)
      %dma_start3A_252 = arith.constant 6 : i32
      %dma_start3A_253 = arith.constant 0 : i32
      %dma_start3A_254 = tpu.memref_slice %arg7[%dma_start3A_252, %dma_start3A_253] : memref<16x128xi32, #tpu.memory_space<vmem>> -> memref<1x128xi32, #tpu.memory_space<vmem>>
      %dma_start3A_255 = tpu.memref_squeeze %dma_start3A_254 : memref<1x128xi32, #tpu.memory_space<vmem>> -> memref<128xi32, #tpu.memory_space<vmem>>
      %dma_start3A_256 = arith.constant 0 : i32
      %dma_start3A_257 = arith.constant 0 : i32
      %dma_start3A_258 = tpu.memref_slice %arg10[%dma_start3A_256, %dma_start3A_257] : memref<10240x128xf32, #tpu.memory_space<vmem_shared>> -> memref<10240x128xf32, #tpu.memory_space<vmem_shared>>
      tpu.enqueue_indirect_dma source(%arg8 : memref<128x128xf32, #tpu.memory_space<vmem>>) target(%dma_start3A_258 : memref<10240x128xf32, #tpu.memory_space<vmem_shared>>) offsets(%dma_start3A_255 : memref<128xi32, #tpu.memory_space<vmem>>) semaphore(%arg14 : memref<!tpu.dma_semaphore, #tpu.memory_space<semaphore_mem>>) {add = true}
      %dma_wait3A_259 = arith.constant 6 : i32
      %dma_wait3A_260 = arith.constant 0 : i32
      %dma_wait3A_261 = tpu.memref_slice %arg7[%dma_wait3A_259, %dma_wait3A_260] : memref<16x128xi32, #tpu.memory_space<vmem>> -> memref<1x128xi32, #tpu.memory_space<vmem>>
      %dma_wait3A_262 = tpu.memref_squeeze %dma_wait3A_261 : memref<1x128xi32, #tpu.memory_space<vmem>> -> memref<128xi32, #tpu.memory_space<vmem>>
      %dma_wait3A_263 = arith.constant 0 : i32
      %dma_wait3A_264 = arith.constant 0 : i32
      %dma_wait3A_265 = tpu.memref_slice %arg10[%dma_wait3A_263, %dma_wait3A_264] : memref<10240x128xf32, #tpu.memory_space<vmem_shared>> -> memref<10240x128xf32, #tpu.memory_space<vmem_shared>>
      tpu.wait_indirect_dma semaphore(%arg14 : memref<!tpu.dma_semaphore, #tpu.memory_space<semaphore_mem>>) src(%arg8 : memref<128x128xf32, #tpu.memory_space<vmem>>) dst(%dma_wait3A_265 : memref<10240x128xf32, #tpu.memory_space<vmem_shared>>)
      %dma_start3A_266 = arith.constant 8 : i32
      %dma_start3A_267 = arith.constant 0 : i32
      %dma_start3A_268 = tpu.memref_slice %arg6[%dma_start3A_266, %dma_start3A_267] : memref<16x128xi32, #tpu.memory_space<vmem>> -> memref<1x128xi32, #tpu.memory_space<vmem>>
      %dma_start3A_269 = tpu.memref_squeeze %dma_start3A_268 : memref<1x128xi32, #tpu.memory_space<vmem>> -> memref<128xi32, #tpu.memory_space<vmem>>
      %dma_start3A_270 = arith.constant 0 : i32
      %dma_start3A_271 = arith.constant 0 : i32
      %dma_start3A_272 = tpu.memref_slice %arg2[%dma_start3A_270, %dma_start3A_271] : memref<20480x128xf32, #tpu.memory_space<hbm>> -> memref<20480x128xf32, #tpu.memory_space<hbm>>
      tpu.enqueue_indirect_dma source(%dma_start3A_272 : memref<20480x128xf32, #tpu.memory_space<hbm>>) target(%arg8 : memref<128x128xf32, #tpu.memory_space<vmem>>) offsets(%dma_start3A_269 : memref<128xi32, #tpu.memory_space<vmem>>) semaphore(%arg12 : memref<!tpu.dma_semaphore, #tpu.memory_space<semaphore_mem>>)
      %dma_wait3A_273 = arith.constant 7 : i32
      %dma_wait3A_274 = arith.constant 0 : i32
      %dma_wait3A_275 = tpu.memref_slice %arg6[%dma_wait3A_273, %dma_wait3A_274] : memref<16x128xi32, #tpu.memory_space<vmem>> -> memref<1x128xi32, #tpu.memory_space<vmem>>
      %dma_wait3A_276 = tpu.memref_squeeze %dma_wait3A_275 : memref<1x128xi32, #tpu.memory_space<vmem>> -> memref<128xi32, #tpu.memory_space<vmem>>
      %dma_wait3A_277 = arith.constant 0 : i32
      %dma_wait3A_278 = arith.constant 0 : i32
      %dma_wait3A_279 = tpu.memref_slice %arg2[%dma_wait3A_277, %dma_wait3A_278] : memref<20480x128xf32, #tpu.memory_space<hbm>> -> memref<20480x128xf32, #tpu.memory_space<hbm>>
      tpu.wait_indirect_dma semaphore(%arg13 : memref<!tpu.dma_semaphore, #tpu.memory_space<semaphore_mem>>) src(%dma_wait3A_279 : memref<20480x128xf32, #tpu.memory_space<hbm>>) dst(%arg9 : memref<128x128xf32, #tpu.memory_space<vmem>>)
      %dma_start3A_280 = arith.constant 7 : i32
      %dma_start3A_281 = arith.constant 0 : i32
      %dma_start3A_282 = tpu.memref_slice %arg7[%dma_start3A_280, %dma_start3A_281] : memref<16x128xi32, #tpu.memory_space<vmem>> -> memref<1x128xi32, #tpu.memory_space<vmem>>
      %dma_start3A_283 = tpu.memref_squeeze %dma_start3A_282 : memref<1x128xi32, #tpu.memory_space<vmem>> -> memref<128xi32, #tpu.memory_space<vmem>>
      %dma_start3A_284 = arith.constant 0 : i32
      %dma_start3A_285 = arith.constant 0 : i32
      %dma_start3A_286 = tpu.memref_slice %arg10[%dma_start3A_284, %dma_start3A_285] : memref<10240x128xf32, #tpu.memory_space<vmem_shared>> -> memref<10240x128xf32, #tpu.memory_space<vmem_shared>>
      tpu.enqueue_indirect_dma source(%arg9 : memref<128x128xf32, #tpu.memory_space<vmem>>) target(%dma_start3A_286 : memref<10240x128xf32, #tpu.memory_space<vmem_shared>>) offsets(%dma_start3A_283 : memref<128xi32, #tpu.memory_space<vmem>>) semaphore(%arg15 : memref<!tpu.dma_semaphore, #tpu.memory_space<semaphore_mem>>) {add = true}
      %dma_wait3A_287 = arith.constant 7 : i32
      %dma_wait3A_288 = arith.constant 0 : i32
      %dma_wait3A_289 = tpu.memref_slice %arg7[%dma_wait3A_287, %dma_wait3A_288] : memref<16x128xi32, #tpu.memory_space<vmem>> -> memref<1x128xi32, #tpu.memory_space<vmem>>
      %dma_wait3A_290 = tpu.memref_squeeze %dma_wait3A_289 : memref<1x128xi32, #tpu.memory_space<vmem>> -> memref<128xi32, #tpu.memory_space<vmem>>
      %dma_wait3A_291 = arith.constant 0 : i32
      %dma_wait3A_292 = arith.constant 0 : i32
      %dma_wait3A_293 = tpu.memref_slice %arg10[%dma_wait3A_291, %dma_wait3A_292] : memref<10240x128xf32, #tpu.memory_space<vmem_shared>> -> memref<10240x128xf32, #tpu.memory_space<vmem_shared>>
      tpu.wait_indirect_dma semaphore(%arg15 : memref<!tpu.dma_semaphore, #tpu.memory_space<semaphore_mem>>) src(%arg9 : memref<128x128xf32, #tpu.memory_space<vmem>>) dst(%dma_wait3A_293 : memref<10240x128xf32, #tpu.memory_space<vmem_shared>>)
      %dma_start3A_294 = arith.constant 9 : i32
      %dma_start3A_295 = arith.constant 0 : i32
      %dma_start3A_296 = tpu.memref_slice %arg6[%dma_start3A_294, %dma_start3A_295] : memref<16x128xi32, #tpu.memory_space<vmem>> -> memref<1x128xi32, #tpu.memory_space<vmem>>
      %dma_start3A_297 = tpu.memref_squeeze %dma_start3A_296 : memref<1x128xi32, #tpu.memory_space<vmem>> -> memref<128xi32, #tpu.memory_space<vmem>>
      %dma_start3A_298 = arith.constant 0 : i32
      %dma_start3A_299 = arith.constant 0 : i32
      %dma_start3A_300 = tpu.memref_slice %arg2[%dma_start3A_298, %dma_start3A_299] : memref<20480x128xf32, #tpu.memory_space<hbm>> -> memref<20480x128xf32, #tpu.memory_space<hbm>>
      tpu.enqueue_indirect_dma source(%dma_start3A_300 : memref<20480x128xf32, #tpu.memory_space<hbm>>) target(%arg9 : memref<128x128xf32, #tpu.memory_space<vmem>>) offsets(%dma_start3A_297 : memref<128xi32, #tpu.memory_space<vmem>>) semaphore(%arg13 : memref<!tpu.dma_semaphore, #tpu.memory_space<semaphore_mem>>)
      %dma_wait3A_301 = arith.constant 8 : i32
      %dma_wait3A_302 = arith.constant 0 : i32
      %dma_wait3A_303 = tpu.memref_slice %arg6[%dma_wait3A_301, %dma_wait3A_302] : memref<16x128xi32, #tpu.memory_space<vmem>> -> memref<1x128xi32, #tpu.memory_space<vmem>>
      %dma_wait3A_304 = tpu.memref_squeeze %dma_wait3A_303 : memref<1x128xi32, #tpu.memory_space<vmem>> -> memref<128xi32, #tpu.memory_space<vmem>>
      %dma_wait3A_305 = arith.constant 0 : i32
      %dma_wait3A_306 = arith.constant 0 : i32
      %dma_wait3A_307 = tpu.memref_slice %arg2[%dma_wait3A_305, %dma_wait3A_306] : memref<20480x128xf32, #tpu.memory_space<hbm>> -> memref<20480x128xf32, #tpu.memory_space<hbm>>
      tpu.wait_indirect_dma semaphore(%arg12 : memref<!tpu.dma_semaphore, #tpu.memory_space<semaphore_mem>>) src(%dma_wait3A_307 : memref<20480x128xf32, #tpu.memory_space<hbm>>) dst(%arg8 : memref<128x128xf32, #tpu.memory_space<vmem>>)
      %dma_start3A_308 = arith.constant 8 : i32
      %dma_start3A_309 = arith.constant 0 : i32
      %dma_start3A_310 = tpu.memref_slice %arg7[%dma_start3A_308, %dma_start3A_309] : memref<16x128xi32, #tpu.memory_space<vmem>> -> memref<1x128xi32, #tpu.memory_space<vmem>>
      %dma_start3A_311 = tpu.memref_squeeze %dma_start3A_310 : memref<1x128xi32, #tpu.memory_space<vmem>> -> memref<128xi32, #tpu.memory_space<vmem>>
      %dma_start3A_312 = arith.constant 0 : i32
      %dma_start3A_313 = arith.constant 0 : i32
      %dma_start3A_314 = tpu.memref_slice %arg10[%dma_start3A_312, %dma_start3A_313] : memref<10240x128xf32, #tpu.memory_space<vmem_shared>> -> memref<10240x128xf32, #tpu.memory_space<vmem_shared>>
      tpu.enqueue_indirect_dma source(%arg8 : memref<128x128xf32, #tpu.memory_space<vmem>>) target(%dma_start3A_314 : memref<10240x128xf32, #tpu.memory_space<vmem_shared>>) offsets(%dma_start3A_311 : memref<128xi32, #tpu.memory_space<vmem>>) semaphore(%arg14 : memref<!tpu.dma_semaphore, #tpu.memory_space<semaphore_mem>>) {add = true}
      %dma_wait3A_315 = arith.constant 8 : i32
      %dma_wait3A_316 = arith.constant 0 : i32
      %dma_wait3A_317 = tpu.memref_slice %arg7[%dma_wait3A_315, %dma_wait3A_316] : memref<16x128xi32, #tpu.memory_space<vmem>> -> memref<1x128xi32, #tpu.memory_space<vmem>>
      %dma_wait3A_318 = tpu.memref_squeeze %dma_wait3A_317 : memref<1x128xi32, #tpu.memory_space<vmem>> -> memref<128xi32, #tpu.memory_space<vmem>>
      %dma_wait3A_319 = arith.constant 0 : i32
      %dma_wait3A_320 = arith.constant 0 : i32
      %dma_wait3A_321 = tpu.memref_slice %arg10[%dma_wait3A_319, %dma_wait3A_320] : memref<10240x128xf32, #tpu.memory_space<vmem_shared>> -> memref<10240x128xf32, #tpu.memory_space<vmem_shared>>
      tpu.wait_indirect_dma semaphore(%arg14 : memref<!tpu.dma_semaphore, #tpu.memory_space<semaphore_mem>>) src(%arg8 : memref<128x128xf32, #tpu.memory_space<vmem>>) dst(%dma_wait3A_321 : memref<10240x128xf32, #tpu.memory_space<vmem_shared>>)
      %dma_start3A_322 = arith.constant 10 : i32
      %dma_start3A_323 = arith.constant 0 : i32
      %dma_start3A_324 = tpu.memref_slice %arg6[%dma_start3A_322, %dma_start3A_323] : memref<16x128xi32, #tpu.memory_space<vmem>> -> memref<1x128xi32, #tpu.memory_space<vmem>>
      %dma_start3A_325 = tpu.memref_squeeze %dma_start3A_324 : memref<1x128xi32, #tpu.memory_space<vmem>> -> memref<128xi32, #tpu.memory_space<vmem>>
      %dma_start3A_326 = arith.constant 0 : i32
      %dma_start3A_327 = arith.constant 0 : i32
      %dma_start3A_328 = tpu.memref_slice %arg2[%dma_start3A_326, %dma_start3A_327] : memref<20480x128xf32, #tpu.memory_space<hbm>> -> memref<20480x128xf32, #tpu.memory_space<hbm>>
      tpu.enqueue_indirect_dma source(%dma_start3A_328 : memref<20480x128xf32, #tpu.memory_space<hbm>>) target(%arg8 : memref<128x128xf32, #tpu.memory_space<vmem>>) offsets(%dma_start3A_325 : memref<128xi32, #tpu.memory_space<vmem>>) semaphore(%arg12 : memref<!tpu.dma_semaphore, #tpu.memory_space<semaphore_mem>>)
      %dma_wait3A_329 = arith.constant 9 : i32
      %dma_wait3A_330 = arith.constant 0 : i32
      %dma_wait3A_331 = tpu.memref_slice %arg6[%dma_wait3A_329, %dma_wait3A_330] : memref<16x128xi32, #tpu.memory_space<vmem>> -> memref<1x128xi32, #tpu.memory_space<vmem>>
      %dma_wait3A_332 = tpu.memref_squeeze %dma_wait3A_331 : memref<1x128xi32, #tpu.memory_space<vmem>> -> memref<128xi32, #tpu.memory_space<vmem>>
      %dma_wait3A_333 = arith.constant 0 : i32
      %dma_wait3A_334 = arith.constant 0 : i32
      %dma_wait3A_335 = tpu.memref_slice %arg2[%dma_wait3A_333, %dma_wait3A_334] : memref<20480x128xf32, #tpu.memory_space<hbm>> -> memref<20480x128xf32, #tpu.memory_space<hbm>>
      tpu.wait_indirect_dma semaphore(%arg13 : memref<!tpu.dma_semaphore, #tpu.memory_space<semaphore_mem>>) src(%dma_wait3A_335 : memref<20480x128xf32, #tpu.memory_space<hbm>>) dst(%arg9 : memref<128x128xf32, #tpu.memory_space<vmem>>)
      %dma_start3A_336 = arith.constant 9 : i32
      %dma_start3A_337 = arith.constant 0 : i32
      %dma_start3A_338 = tpu.memref_slice %arg7[%dma_start3A_336, %dma_start3A_337] : memref<16x128xi32, #tpu.memory_space<vmem>> -> memref<1x128xi32, #tpu.memory_space<vmem>>
      %dma_start3A_339 = tpu.memref_squeeze %dma_start3A_338 : memref<1x128xi32, #tpu.memory_space<vmem>> -> memref<128xi32, #tpu.memory_space<vmem>>
      %dma_start3A_340 = arith.constant 0 : i32
      %dma_start3A_341 = arith.constant 0 : i32
      %dma_start3A_342 = tpu.memref_slice %arg10[%dma_start3A_340, %dma_start3A_341] : memref<10240x128xf32, #tpu.memory_space<vmem_shared>> -> memref<10240x128xf32, #tpu.memory_space<vmem_shared>>
      tpu.enqueue_indirect_dma source(%arg9 : memref<128x128xf32, #tpu.memory_space<vmem>>) target(%dma_start3A_342 : memref<10240x128xf32, #tpu.memory_space<vmem_shared>>) offsets(%dma_start3A_339 : memref<128xi32, #tpu.memory_space<vmem>>) semaphore(%arg15 : memref<!tpu.dma_semaphore, #tpu.memory_space<semaphore_mem>>) {add = true}
      %dma_wait3A_343 = arith.constant 9 : i32
      %dma_wait3A_344 = arith.constant 0 : i32
      %dma_wait3A_345 = tpu.memref_slice %arg7[%dma_wait3A_343, %dma_wait3A_344] : memref<16x128xi32, #tpu.memory_space<vmem>> -> memref<1x128xi32, #tpu.memory_space<vmem>>
      %dma_wait3A_346 = tpu.memref_squeeze %dma_wait3A_345 : memref<1x128xi32, #tpu.memory_space<vmem>> -> memref<128xi32, #tpu.memory_space<vmem>>
      %dma_wait3A_347 = arith.constant 0 : i32
      %dma_wait3A_348 = arith.constant 0 : i32
      %dma_wait3A_349 = tpu.memref_slice %arg10[%dma_wait3A_347, %dma_wait3A_348] : memref<10240x128xf32, #tpu.memory_space<vmem_shared>> -> memref<10240x128xf32, #tpu.memory_space<vmem_shared>>
      tpu.wait_indirect_dma semaphore(%arg15 : memref<!tpu.dma_semaphore, #tpu.memory_space<semaphore_mem>>) src(%arg9 : memref<128x128xf32, #tpu.memory_space<vmem>>) dst(%dma_wait3A_349 : memref<10240x128xf32, #tpu.memory_space<vmem_shared>>)
      %dma_start3A_350 = arith.constant 11 : i32
      %dma_start3A_351 = arith.constant 0 : i32
      %dma_start3A_352 = tpu.memref_slice %arg6[%dma_start3A_350, %dma_start3A_351] : memref<16x128xi32, #tpu.memory_space<vmem>> -> memref<1x128xi32, #tpu.memory_space<vmem>>
      %dma_start3A_353 = tpu.memref_squeeze %dma_start3A_352 : memref<1x128xi32, #tpu.memory_space<vmem>> -> memref<128xi32, #tpu.memory_space<vmem>>
      %dma_start3A_354 = arith.constant 0 : i32
      %dma_start3A_355 = arith.constant 0 : i32
      %dma_start3A_356 = tpu.memref_slice %arg2[%dma_start3A_354, %dma_start3A_355] : memref<20480x128xf32, #tpu.memory_space<hbm>> -> memref<20480x128xf32, #tpu.memory_space<hbm>>
      tpu.enqueue_indirect_dma source(%dma_start3A_356 : memref<20480x128xf32, #tpu.memory_space<hbm>>) target(%arg9 : memref<128x128xf32, #tpu.memory_space<vmem>>) offsets(%dma_start3A_353 : memref<128xi32, #tpu.memory_space<vmem>>) semaphore(%arg13 : memref<!tpu.dma_semaphore, #tpu.memory_space<semaphore_mem>>)
      %dma_wait3A_357 = arith.constant 10 : i32
      %dma_wait3A_358 = arith.constant 0 : i32
      %dma_wait3A_359 = tpu.memref_slice %arg6[%dma_wait3A_357, %dma_wait3A_358] : memref<16x128xi32, #tpu.memory_space<vmem>> -> memref<1x128xi32, #tpu.memory_space<vmem>>
      %dma_wait3A_360 = tpu.memref_squeeze %dma_wait3A_359 : memref<1x128xi32, #tpu.memory_space<vmem>> -> memref<128xi32, #tpu.memory_space<vmem>>
      %dma_wait3A_361 = arith.constant 0 : i32
      %dma_wait3A_362 = arith.constant 0 : i32
      %dma_wait3A_363 = tpu.memref_slice %arg2[%dma_wait3A_361, %dma_wait3A_362] : memref<20480x128xf32, #tpu.memory_space<hbm>> -> memref<20480x128xf32, #tpu.memory_space<hbm>>
      tpu.wait_indirect_dma semaphore(%arg12 : memref<!tpu.dma_semaphore, #tpu.memory_space<semaphore_mem>>) src(%dma_wait3A_363 : memref<20480x128xf32, #tpu.memory_space<hbm>>) dst(%arg8 : memref<128x128xf32, #tpu.memory_space<vmem>>)
      %dma_start3A_364 = arith.constant 10 : i32
      %dma_start3A_365 = arith.constant 0 : i32
      %dma_start3A_366 = tpu.memref_slice %arg7[%dma_start3A_364, %dma_start3A_365] : memref<16x128xi32, #tpu.memory_space<vmem>> -> memref<1x128xi32, #tpu.memory_space<vmem>>
      %dma_start3A_367 = tpu.memref_squeeze %dma_start3A_366 : memref<1x128xi32, #tpu.memory_space<vmem>> -> memref<128xi32, #tpu.memory_space<vmem>>
      %dma_start3A_368 = arith.constant 0 : i32
      %dma_start3A_369 = arith.constant 0 : i32
      %dma_start3A_370 = tpu.memref_slice %arg10[%dma_start3A_368, %dma_start3A_369] : memref<10240x128xf32, #tpu.memory_space<vmem_shared>> -> memref<10240x128xf32, #tpu.memory_space<vmem_shared>>
      tpu.enqueue_indirect_dma source(%arg8 : memref<128x128xf32, #tpu.memory_space<vmem>>) target(%dma_start3A_370 : memref<10240x128xf32, #tpu.memory_space<vmem_shared>>) offsets(%dma_start3A_367 : memref<128xi32, #tpu.memory_space<vmem>>) semaphore(%arg14 : memref<!tpu.dma_semaphore, #tpu.memory_space<semaphore_mem>>) {add = true}
      %dma_wait3A_371 = arith.constant 10 : i32
      %dma_wait3A_372 = arith.constant 0 : i32
      %dma_wait3A_373 = tpu.memref_slice %arg7[%dma_wait3A_371, %dma_wait3A_372] : memref<16x128xi32, #tpu.memory_space<vmem>> -> memref<1x128xi32, #tpu.memory_space<vmem>>
      %dma_wait3A_374 = tpu.memref_squeeze %dma_wait3A_373 : memref<1x128xi32, #tpu.memory_space<vmem>> -> memref<128xi32, #tpu.memory_space<vmem>>
      %dma_wait3A_375 = arith.constant 0 : i32
      %dma_wait3A_376 = arith.constant 0 : i32
      %dma_wait3A_377 = tpu.memref_slice %arg10[%dma_wait3A_375, %dma_wait3A_376] : memref<10240x128xf32, #tpu.memory_space<vmem_shared>> -> memref<10240x128xf32, #tpu.memory_space<vmem_shared>>
      tpu.wait_indirect_dma semaphore(%arg14 : memref<!tpu.dma_semaphore, #tpu.memory_space<semaphore_mem>>) src(%arg8 : memref<128x128xf32, #tpu.memory_space<vmem>>) dst(%dma_wait3A_377 : memref<10240x128xf32, #tpu.memory_space<vmem_shared>>)
      %dma_start3A_378 = arith.constant 12 : i32
      %dma_start3A_379 = arith.constant 0 : i32
      %dma_start3A_380 = tpu.memref_slice %arg6[%dma_start3A_378, %dma_start3A_379] : memref<16x128xi32, #tpu.memory_space<vmem>> -> memref<1x128xi32, #tpu.memory_space<vmem>>
      %dma_start3A_381 = tpu.memref_squeeze %dma_start3A_380 : memref<1x128xi32, #tpu.memory_space<vmem>> -> memref<128xi32, #tpu.memory_space<vmem>>
      %dma_start3A_382 = arith.constant 0 : i32
      %dma_start3A_383 = arith.constant 0 : i32
      %dma_start3A_384 = tpu.memref_slice %arg2[%dma_start3A_382, %dma_start3A_383] : memref<20480x128xf32, #tpu.memory_space<hbm>> -> memref<20480x128xf32, #tpu.memory_space<hbm>>
      tpu.enqueue_indirect_dma source(%dma_start3A_384 : memref<20480x128xf32, #tpu.memory_space<hbm>>) target(%arg8 : memref<128x128xf32, #tpu.memory_space<vmem>>) offsets(%dma_start3A_381 : memref<128xi32, #tpu.memory_space<vmem>>) semaphore(%arg12 : memref<!tpu.dma_semaphore, #tpu.memory_space<semaphore_mem>>)
      %dma_wait3A_385 = arith.constant 11 : i32
      %dma_wait3A_386 = arith.constant 0 : i32
      %dma_wait3A_387 = tpu.memref_slice %arg6[%dma_wait3A_385, %dma_wait3A_386] : memref<16x128xi32, #tpu.memory_space<vmem>> -> memref<1x128xi32, #tpu.memory_space<vmem>>
      %dma_wait3A_388 = tpu.memref_squeeze %dma_wait3A_387 : memref<1x128xi32, #tpu.memory_space<vmem>> -> memref<128xi32, #tpu.memory_space<vmem>>
      %dma_wait3A_389 = arith.constant 0 : i32
      %dma_wait3A_390 = arith.constant 0 : i32
      %dma_wait3A_391 = tpu.memref_slice %arg2[%dma_wait3A_389, %dma_wait3A_390] : memref<20480x128xf32, #tpu.memory_space<hbm>> -> memref<20480x128xf32, #tpu.memory_space<hbm>>
      tpu.wait_indirect_dma semaphore(%arg13 : memref<!tpu.dma_semaphore, #tpu.memory_space<semaphore_mem>>) src(%dma_wait3A_391 : memref<20480x128xf32, #tpu.memory_space<hbm>>) dst(%arg9 : memref<128x128xf32, #tpu.memory_space<vmem>>)
      %dma_start3A_392 = arith.constant 11 : i32
      %dma_start3A_393 = arith.constant 0 : i32
      %dma_start3A_394 = tpu.memref_slice %arg7[%dma_start3A_392, %dma_start3A_393] : memref<16x128xi32, #tpu.memory_space<vmem>> -> memref<1x128xi32, #tpu.memory_space<vmem>>
      %dma_start3A_395 = tpu.memref_squeeze %dma_start3A_394 : memref<1x128xi32, #tpu.memory_space<vmem>> -> memref<128xi32, #tpu.memory_space<vmem>>
      %dma_start3A_396 = arith.constant 0 : i32
      %dma_start3A_397 = arith.constant 0 : i32
      %dma_start3A_398 = tpu.memref_slice %arg10[%dma_start3A_396, %dma_start3A_397] : memref<10240x128xf32, #tpu.memory_space<vmem_shared>> -> memref<10240x128xf32, #tpu.memory_space<vmem_shared>>
      tpu.enqueue_indirect_dma source(%arg9 : memref<128x128xf32, #tpu.memory_space<vmem>>) target(%dma_start3A_398 : memref<10240x128xf32, #tpu.memory_space<vmem_shared>>) offsets(%dma_start3A_395 : memref<128xi32, #tpu.memory_space<vmem>>) semaphore(%arg15 : memref<!tpu.dma_semaphore, #tpu.memory_space<semaphore_mem>>) {add = true}
      %dma_wait3A_399 = arith.constant 11 : i32
      %dma_wait3A_400 = arith.constant 0 : i32
      %dma_wait3A_401 = tpu.memref_slice %arg7[%dma_wait3A_399, %dma_wait3A_400] : memref<16x128xi32, #tpu.memory_space<vmem>> -> memref<1x128xi32, #tpu.memory_space<vmem>>
      %dma_wait3A_402 = tpu.memref_squeeze %dma_wait3A_401 : memref<1x128xi32, #tpu.memory_space<vmem>> -> memref<128xi32, #tpu.memory_space<vmem>>
      %dma_wait3A_403 = arith.constant 0 : i32
      %dma_wait3A_404 = arith.constant 0 : i32
      %dma_wait3A_405 = tpu.memref_slice %arg10[%dma_wait3A_403, %dma_wait3A_404] : memref<10240x128xf32, #tpu.memory_space<vmem_shared>> -> memref<10240x128xf32, #tpu.memory_space<vmem_shared>>
      tpu.wait_indirect_dma semaphore(%arg15 : memref<!tpu.dma_semaphore, #tpu.memory_space<semaphore_mem>>) src(%arg9 : memref<128x128xf32, #tpu.memory_space<vmem>>) dst(%dma_wait3A_405 : memref<10240x128xf32, #tpu.memory_space<vmem_shared>>)
      %dma_start3A_406 = arith.constant 13 : i32
      %dma_start3A_407 = arith.constant 0 : i32
      %dma_start3A_408 = tpu.memref_slice %arg6[%dma_start3A_406, %dma_start3A_407] : memref<16x128xi32, #tpu.memory_space<vmem>> -> memref<1x128xi32, #tpu.memory_space<vmem>>
      %dma_start3A_409 = tpu.memref_squeeze %dma_start3A_408 : memref<1x128xi32, #tpu.memory_space<vmem>> -> memref<128xi32, #tpu.memory_space<vmem>>
      %dma_start3A_410 = arith.constant 0 : i32
      %dma_start3A_411 = arith.constant 0 : i32
      %dma_start3A_412 = tpu.memref_slice %arg2[%dma_start3A_410, %dma_start3A_411] : memref<20480x128xf32, #tpu.memory_space<hbm>> -> memref<20480x128xf32, #tpu.memory_space<hbm>>
      tpu.enqueue_indirect_dma source(%dma_start3A_412 : memref<20480x128xf32, #tpu.memory_space<hbm>>) target(%arg9 : memref<128x128xf32, #tpu.memory_space<vmem>>) offsets(%dma_start3A_409 : memref<128xi32, #tpu.memory_space<vmem>>) semaphore(%arg13 : memref<!tpu.dma_semaphore, #tpu.memory_space<semaphore_mem>>)
      %dma_wait3A_413 = arith.constant 12 : i32
      %dma_wait3A_414 = arith.constant 0 : i32
      %dma_wait3A_415 = tpu.memref_slice %arg6[%dma_wait3A_413, %dma_wait3A_414] : memref<16x128xi32, #tpu.memory_space<vmem>> -> memref<1x128xi32, #tpu.memory_space<vmem>>
      %dma_wait3A_416 = tpu.memref_squeeze %dma_wait3A_415 : memref<1x128xi32, #tpu.memory_space<vmem>> -> memref<128xi32, #tpu.memory_space<vmem>>
      %dma_wait3A_417 = arith.constant 0 : i32
      %dma_wait3A_418 = arith.constant 0 : i32
      %dma_wait3A_419 = tpu.memref_slice %arg2[%dma_wait3A_417, %dma_wait3A_418] : memref<20480x128xf32, #tpu.memory_space<hbm>> -> memref<20480x128xf32, #tpu.memory_space<hbm>>
      tpu.wait_indirect_dma semaphore(%arg12 : memref<!tpu.dma_semaphore, #tpu.memory_space<semaphore_mem>>) src(%dma_wait3A_419 : memref<20480x128xf32, #tpu.memory_space<hbm>>) dst(%arg8 : memref<128x128xf32, #tpu.memory_space<vmem>>)
      %dma_start3A_420 = arith.constant 12 : i32
      %dma_start3A_421 = arith.constant 0 : i32
      %dma_start3A_422 = tpu.memref_slice %arg7[%dma_start3A_420, %dma_start3A_421] : memref<16x128xi32, #tpu.memory_space<vmem>> -> memref<1x128xi32, #tpu.memory_space<vmem>>
      %dma_start3A_423 = tpu.memref_squeeze %dma_start3A_422 : memref<1x128xi32, #tpu.memory_space<vmem>> -> memref<128xi32, #tpu.memory_space<vmem>>
      %dma_start3A_424 = arith.constant 0 : i32
      %dma_start3A_425 = arith.constant 0 : i32
      %dma_start3A_426 = tpu.memref_slice %arg10[%dma_start3A_424, %dma_start3A_425] : memref<10240x128xf32, #tpu.memory_space<vmem_shared>> -> memref<10240x128xf32, #tpu.memory_space<vmem_shared>>
      tpu.enqueue_indirect_dma source(%arg8 : memref<128x128xf32, #tpu.memory_space<vmem>>) target(%dma_start3A_426 : memref<10240x128xf32, #tpu.memory_space<vmem_shared>>) offsets(%dma_start3A_423 : memref<128xi32, #tpu.memory_space<vmem>>) semaphore(%arg14 : memref<!tpu.dma_semaphore, #tpu.memory_space<semaphore_mem>>) {add = true}
      %dma_wait3A_427 = arith.constant 12 : i32
      %dma_wait3A_428 = arith.constant 0 : i32
      %dma_wait3A_429 = tpu.memref_slice %arg7[%dma_wait3A_427, %dma_wait3A_428] : memref<16x128xi32, #tpu.memory_space<vmem>> -> memref<1x128xi32, #tpu.memory_space<vmem>>
      %dma_wait3A_430 = tpu.memref_squeeze %dma_wait3A_429 : memref<1x128xi32, #tpu.memory_space<vmem>> -> memref<128xi32, #tpu.memory_space<vmem>>
      %dma_wait3A_431 = arith.constant 0 : i32
      %dma_wait3A_432 = arith.constant 0 : i32
      %dma_wait3A_433 = tpu.memref_slice %arg10[%dma_wait3A_431, %dma_wait3A_432] : memref<10240x128xf32, #tpu.memory_space<vmem_shared>> -> memref<10240x128xf32, #tpu.memory_space<vmem_shared>>
      tpu.wait_indirect_dma semaphore(%arg14 : memref<!tpu.dma_semaphore, #tpu.memory_space<semaphore_mem>>) src(%arg8 : memref<128x128xf32, #tpu.memory_space<vmem>>) dst(%dma_wait3A_433 : memref<10240x128xf32, #tpu.memory_space<vmem_shared>>)
      %dma_start3A_434 = arith.constant 14 : i32
      %dma_start3A_435 = arith.constant 0 : i32
      %dma_start3A_436 = tpu.memref_slice %arg6[%dma_start3A_434, %dma_start3A_435] : memref<16x128xi32, #tpu.memory_space<vmem>> -> memref<1x128xi32, #tpu.memory_space<vmem>>
      %dma_start3A_437 = tpu.memref_squeeze %dma_start3A_436 : memref<1x128xi32, #tpu.memory_space<vmem>> -> memref<128xi32, #tpu.memory_space<vmem>>
      %dma_start3A_438 = arith.constant 0 : i32
      %dma_start3A_439 = arith.constant 0 : i32
      %dma_start3A_440 = tpu.memref_slice %arg2[%dma_start3A_438, %dma_start3A_439] : memref<20480x128xf32, #tpu.memory_space<hbm>> -> memref<20480x128xf32, #tpu.memory_space<hbm>>
      tpu.enqueue_indirect_dma source(%dma_start3A_440 : memref<20480x128xf32, #tpu.memory_space<hbm>>) target(%arg8 : memref<128x128xf32, #tpu.memory_space<vmem>>) offsets(%dma_start3A_437 : memref<128xi32, #tpu.memory_space<vmem>>) semaphore(%arg12 : memref<!tpu.dma_semaphore, #tpu.memory_space<semaphore_mem>>)
      %dma_wait3A_441 = arith.constant 13 : i32
      %dma_wait3A_442 = arith.constant 0 : i32
      %dma_wait3A_443 = tpu.memref_slice %arg6[%dma_wait3A_441, %dma_wait3A_442] : memref<16x128xi32, #tpu.memory_space<vmem>> -> memref<1x128xi32, #tpu.memory_space<vmem>>
      %dma_wait3A_444 = tpu.memref_squeeze %dma_wait3A_443 : memref<1x128xi32, #tpu.memory_space<vmem>> -> memref<128xi32, #tpu.memory_space<vmem>>
      %dma_wait3A_445 = arith.constant 0 : i32
      %dma_wait3A_446 = arith.constant 0 : i32
      %dma_wait3A_447 = tpu.memref_slice %arg2[%dma_wait3A_445, %dma_wait3A_446] : memref<20480x128xf32, #tpu.memory_space<hbm>> -> memref<20480x128xf32, #tpu.memory_space<hbm>>
      tpu.wait_indirect_dma semaphore(%arg13 : memref<!tpu.dma_semaphore, #tpu.memory_space<semaphore_mem>>) src(%dma_wait3A_447 : memref<20480x128xf32, #tpu.memory_space<hbm>>) dst(%arg9 : memref<128x128xf32, #tpu.memory_space<vmem>>)
      %dma_start3A_448 = arith.constant 13 : i32
      %dma_start3A_449 = arith.constant 0 : i32
      %dma_start3A_450 = tpu.memref_slice %arg7[%dma_start3A_448, %dma_start3A_449] : memref<16x128xi32, #tpu.memory_space<vmem>> -> memref<1x128xi32, #tpu.memory_space<vmem>>
      %dma_start3A_451 = tpu.memref_squeeze %dma_start3A_450 : memref<1x128xi32, #tpu.memory_space<vmem>> -> memref<128xi32, #tpu.memory_space<vmem>>
      %dma_start3A_452 = arith.constant 0 : i32
      %dma_start3A_453 = arith.constant 0 : i32
      %dma_start3A_454 = tpu.memref_slice %arg10[%dma_start3A_452, %dma_start3A_453] : memref<10240x128xf32, #tpu.memory_space<vmem_shared>> -> memref<10240x128xf32, #tpu.memory_space<vmem_shared>>
      tpu.enqueue_indirect_dma source(%arg9 : memref<128x128xf32, #tpu.memory_space<vmem>>) target(%dma_start3A_454 : memref<10240x128xf32, #tpu.memory_space<vmem_shared>>) offsets(%dma_start3A_451 : memref<128xi32, #tpu.memory_space<vmem>>) semaphore(%arg15 : memref<!tpu.dma_semaphore, #tpu.memory_space<semaphore_mem>>) {add = true}
      %dma_wait3A_455 = arith.constant 13 : i32
      %dma_wait3A_456 = arith.constant 0 : i32
      %dma_wait3A_457 = tpu.memref_slice %arg7[%dma_wait3A_455, %dma_wait3A_456] : memref<16x128xi32, #tpu.memory_space<vmem>> -> memref<1x128xi32, #tpu.memory_space<vmem>>
      %dma_wait3A_458 = tpu.memref_squeeze %dma_wait3A_457 : memref<1x128xi32, #tpu.memory_space<vmem>> -> memref<128xi32, #tpu.memory_space<vmem>>
      %dma_wait3A_459 = arith.constant 0 : i32
      %dma_wait3A_460 = arith.constant 0 : i32
      %dma_wait3A_461 = tpu.memref_slice %arg10[%dma_wait3A_459, %dma_wait3A_460] : memref<10240x128xf32, #tpu.memory_space<vmem_shared>> -> memref<10240x128xf32, #tpu.memory_space<vmem_shared>>
      tpu.wait_indirect_dma semaphore(%arg15 : memref<!tpu.dma_semaphore, #tpu.memory_space<semaphore_mem>>) src(%arg9 : memref<128x128xf32, #tpu.memory_space<vmem>>) dst(%dma_wait3A_461 : memref<10240x128xf32, #tpu.memory_space<vmem_shared>>)
      %dma_start3A_462 = arith.constant 15 : i32
      %dma_start3A_463 = arith.constant 0 : i32
      %dma_start3A_464 = tpu.memref_slice %arg6[%dma_start3A_462, %dma_start3A_463] : memref<16x128xi32, #tpu.memory_space<vmem>> -> memref<1x128xi32, #tpu.memory_space<vmem>>
      %dma_start3A_465 = tpu.memref_squeeze %dma_start3A_464 : memref<1x128xi32, #tpu.memory_space<vmem>> -> memref<128xi32, #tpu.memory_space<vmem>>
      %dma_start3A_466 = arith.constant 0 : i32
      %dma_start3A_467 = arith.constant 0 : i32
      %dma_start3A_468 = tpu.memref_slice %arg2[%dma_start3A_466, %dma_start3A_467] : memref<20480x128xf32, #tpu.memory_space<hbm>> -> memref<20480x128xf32, #tpu.memory_space<hbm>>
      tpu.enqueue_indirect_dma source(%dma_start3A_468 : memref<20480x128xf32, #tpu.memory_space<hbm>>) target(%arg9 : memref<128x128xf32, #tpu.memory_space<vmem>>) offsets(%dma_start3A_465 : memref<128xi32, #tpu.memory_space<vmem>>) semaphore(%arg13 : memref<!tpu.dma_semaphore, #tpu.memory_space<semaphore_mem>>)
      %dma_wait3A_469 = arith.constant 14 : i32
      %dma_wait3A_470 = arith.constant 0 : i32
      %dma_wait3A_471 = tpu.memref_slice %arg6[%dma_wait3A_469, %dma_wait3A_470] : memref<16x128xi32, #tpu.memory_space<vmem>> -> memref<1x128xi32, #tpu.memory_space<vmem>>
      %dma_wait3A_472 = tpu.memref_squeeze %dma_wait3A_471 : memref<1x128xi32, #tpu.memory_space<vmem>> -> memref<128xi32, #tpu.memory_space<vmem>>
      %dma_wait3A_473 = arith.constant 0 : i32
      %dma_wait3A_474 = arith.constant 0 : i32
      %dma_wait3A_475 = tpu.memref_slice %arg2[%dma_wait3A_473, %dma_wait3A_474] : memref<20480x128xf32, #tpu.memory_space<hbm>> -> memref<20480x128xf32, #tpu.memory_space<hbm>>
      tpu.wait_indirect_dma semaphore(%arg12 : memref<!tpu.dma_semaphore, #tpu.memory_space<semaphore_mem>>) src(%dma_wait3A_475 : memref<20480x128xf32, #tpu.memory_space<hbm>>) dst(%arg8 : memref<128x128xf32, #tpu.memory_space<vmem>>)
      %dma_start3A_476 = arith.constant 14 : i32
      %dma_start3A_477 = arith.constant 0 : i32
      %dma_start3A_478 = tpu.memref_slice %arg7[%dma_start3A_476, %dma_start3A_477] : memref<16x128xi32, #tpu.memory_space<vmem>> -> memref<1x128xi32, #tpu.memory_space<vmem>>
      %dma_start3A_479 = tpu.memref_squeeze %dma_start3A_478 : memref<1x128xi32, #tpu.memory_space<vmem>> -> memref<128xi32, #tpu.memory_space<vmem>>
      %dma_start3A_480 = arith.constant 0 : i32
      %dma_start3A_481 = arith.constant 0 : i32
      %dma_start3A_482 = tpu.memref_slice %arg10[%dma_start3A_480, %dma_start3A_481] : memref<10240x128xf32, #tpu.memory_space<vmem_shared>> -> memref<10240x128xf32, #tpu.memory_space<vmem_shared>>
      tpu.enqueue_indirect_dma source(%arg8 : memref<128x128xf32, #tpu.memory_space<vmem>>) target(%dma_start3A_482 : memref<10240x128xf32, #tpu.memory_space<vmem_shared>>) offsets(%dma_start3A_479 : memref<128xi32, #tpu.memory_space<vmem>>) semaphore(%arg14 : memref<!tpu.dma_semaphore, #tpu.memory_space<semaphore_mem>>) {add = true}
      %dma_wait3A_483 = arith.constant 15 : i32
      %dma_wait3A_484 = arith.constant 0 : i32
      %dma_wait3A_485 = tpu.memref_slice %arg6[%dma_wait3A_483, %dma_wait3A_484] : memref<16x128xi32, #tpu.memory_space<vmem>> -> memref<1x128xi32, #tpu.memory_space<vmem>>
      %dma_wait3A_486 = tpu.memref_squeeze %dma_wait3A_485 : memref<1x128xi32, #tpu.memory_space<vmem>> -> memref<128xi32, #tpu.memory_space<vmem>>
      %dma_wait3A_487 = arith.constant 0 : i32
      %dma_wait3A_488 = arith.constant 0 : i32
      %dma_wait3A_489 = tpu.memref_slice %arg2[%dma_wait3A_487, %dma_wait3A_488] : memref<20480x128xf32, #tpu.memory_space<hbm>> -> memref<20480x128xf32, #tpu.memory_space<hbm>>
      tpu.wait_indirect_dma semaphore(%arg13 : memref<!tpu.dma_semaphore, #tpu.memory_space<semaphore_mem>>) src(%dma_wait3A_489 : memref<20480x128xf32, #tpu.memory_space<hbm>>) dst(%arg9 : memref<128x128xf32, #tpu.memory_space<vmem>>)
      %dma_start3A_490 = arith.constant 15 : i32
      %dma_start3A_491 = arith.constant 0 : i32
      %dma_start3A_492 = tpu.memref_slice %arg7[%dma_start3A_490, %dma_start3A_491] : memref<16x128xi32, #tpu.memory_space<vmem>> -> memref<1x128xi32, #tpu.memory_space<vmem>>
      %dma_start3A_493 = tpu.memref_squeeze %dma_start3A_492 : memref<1x128xi32, #tpu.memory_space<vmem>> -> memref<128xi32, #tpu.memory_space<vmem>>
      %dma_start3A_494 = arith.constant 0 : i32
      %dma_start3A_495 = arith.constant 0 : i32
      %dma_start3A_496 = tpu.memref_slice %arg10[%dma_start3A_494, %dma_start3A_495] : memref<10240x128xf32, #tpu.memory_space<vmem_shared>> -> memref<10240x128xf32, #tpu.memory_space<vmem_shared>>
      tpu.enqueue_indirect_dma source(%arg9 : memref<128x128xf32, #tpu.memory_space<vmem>>) target(%dma_start3A_496 : memref<10240x128xf32, #tpu.memory_space<vmem_shared>>) offsets(%dma_start3A_493 : memref<128xi32, #tpu.memory_space<vmem>>) semaphore(%arg15 : memref<!tpu.dma_semaphore, #tpu.memory_space<semaphore_mem>>) {add = true}
    }
    %scan3A_15 = arith.constant 10 : i32
    %dma_wait3A = arith.constant 14 : i32
    %dma_wait3A_16 = arith.constant 0 : i32
    %dma_wait3A_17 = tpu.memref_slice %arg7[%dma_wait3A, %dma_wait3A_16] : memref<16x128xi32, #tpu.memory_space<vmem>> -> memref<1x128xi32, #tpu.memory_space<vmem>>
    %dma_wait3A_18 = tpu.memref_squeeze %dma_wait3A_17 : memref<1x128xi32, #tpu.memory_space<vmem>> -> memref<128xi32, #tpu.memory_space<vmem>>
    %dma_wait3A_19 = arith.constant 0 : i32
    %dma_wait3A_20 = arith.constant 0 : i32
    %dma_wait3A_21 = tpu.memref_slice %arg10[%dma_wait3A_19, %dma_wait3A_20] : memref<10240x128xf32, #tpu.memory_space<vmem_shared>> -> memref<10240x128xf32, #tpu.memory_space<vmem_shared>>
    tpu.wait_indirect_dma semaphore(%arg14 : memref<!tpu.dma_semaphore, #tpu.memory_space<semaphore_mem>>) src(%arg8 : memref<128x128xf32, #tpu.memory_space<vmem>>) dst(%dma_wait3A_21 : memref<10240x128xf32, #tpu.memory_space<vmem_shared>>)
    %dma_wait3A_22 = arith.constant 15 : i32
    %dma_wait3A_23 = arith.constant 0 : i32
    %dma_wait3A_24 = tpu.memref_slice %arg7[%dma_wait3A_22, %dma_wait3A_23] : memref<16x128xi32, #tpu.memory_space<vmem>> -> memref<1x128xi32, #tpu.memory_space<vmem>>
    %dma_wait3A_25 = tpu.memref_squeeze %dma_wait3A_24 : memref<1x128xi32, #tpu.memory_space<vmem>> -> memref<128xi32, #tpu.memory_space<vmem>>
    %dma_wait3A_26 = arith.constant 0 : i32
    %dma_wait3A_27 = arith.constant 0 : i32
    %dma_wait3A_28 = tpu.memref_slice %arg10[%dma_wait3A_26, %dma_wait3A_27] : memref<10240x128xf32, #tpu.memory_space<vmem_shared>> -> memref<10240x128xf32, #tpu.memory_space<vmem_shared>>
    tpu.wait_indirect_dma semaphore(%arg15 : memref<!tpu.dma_semaphore, #tpu.memory_space<semaphore_mem>>) src(%arg9 : memref<128x128xf32, #tpu.memory_space<vmem>>) dst(%dma_wait3A_28 : memref<10240x128xf32, #tpu.memory_space<vmem_shared>>)
    %barrier3A_29 = arith.constant 0 : index
    tpu.barrier barrier_id(%barrier3A_29)
    %mul3A_30 = arith.constant 640 : i32
    %mul3A_31 = arith.muli %arg1, %mul3A_30 : i32
    %mul3A_32 = arith.constant 640 : i32
    %mul3A_33 = arith.muli %arg1, %mul3A_32 : i32
    %add3A_34 = arith.addi %mul3A_6, %mul3A_33 : i32
    "tpu.region"() ({
      %run_scoped3A = tpu.sem_alloc : memref<!tpu.dma_semaphore, #tpu.memory_space<semaphore_mem>>
      %dma_start3A = arith.constant 0 : i32
      %dma_start3A_35 = tpu.memref_slice %arg5[%add3A_34, %dma_start3A] : memref<20480x128xf32, #tpu.memory_space<hbm>> -> memref<640x128xf32, #tpu.memory_space<hbm>>
      %dma_start3A_36 = arith.constant 0 : i32
      %dma_start3A_37 = tpu.memref_slice %arg10[%mul3A_31, %dma_start3A_36] : memref<10240x128xf32, #tpu.memory_space<vmem_shared>> -> memref<640x128xf32, #tpu.memory_space<vmem_shared>>
      tpu.enqueue_dma source(%dma_start3A_37 : memref<640x128xf32, #tpu.memory_space<vmem_shared>>) target(%dma_start3A_35 : memref<640x128xf32, #tpu.memory_space<hbm>>) target_semaphore(%run_scoped3A : memref<!tpu.dma_semaphore, #tpu.memory_space<semaphore_mem>>)
      %dma_wait3A_38 = arith.constant 0 : i32
      %dma_wait3A_39 = tpu.memref_slice %arg5[%add3A_34, %dma_wait3A_38] : memref<20480x128xf32, #tpu.memory_space<hbm>> -> memref<640x128xf32, #tpu.memory_space<hbm>>
      %dma_wait3A_40 = arith.constant 0 : i32
      %dma_wait3A_41 = tpu.memref_slice %arg10[%mul3A_31, %dma_wait3A_40] : memref<10240x128xf32, #tpu.memory_space<vmem_shared>> -> memref<640x128xf32, #tpu.memory_space<vmem_shared>>
      tpu.wait_dma2 semaphore(%run_scoped3A : memref<!tpu.dma_semaphore, #tpu.memory_space<semaphore_mem>>) src(%dma_wait3A_41 : memref<640x128xf32, #tpu.memory_space<vmem_shared>>) dst(%dma_wait3A_39 : memref<640x128xf32, #tpu.memory_space<hbm>>)
      tpu.yield
    }) : () -> ()
    return
  }
}

#map = affine_map<(d0, d1) -> (0, 0)>
module attributes {stable_mosaic.version = 14 : i64} {
  func.func @deg(%arg0: i32, %arg1: i32, %arg2: memref<2560x128xi32, #tpu.memory_space<hbm>>, %arg3: memref<20480x16xf32, #tpu.memory_space<hbm>>, %arg4: memref<16x128xi32, #tpu.memory_space<vmem>>, %arg5: memref<128x16xf32, #tpu.memory_space<vmem>>, %arg6: memref<10240x16xf32, #tpu.memory_space<vmem_shared>>, %arg7: memref<!tpu.dma_semaphore, #tpu.memory_space<semaphore_mem>>, %arg8: memref<!tpu.dma_semaphore, #tpu.memory_space<semaphore_mem>>) attributes {dimension_semantics = [#tpu.dimension_semantics<core_parallel>, #tpu.dimension_semantics<subcore_parallel>], iteration_bounds = array<i64: 2, 16>, scalar_prefetch = 0 : i64, scratch_operands = 5 : i64, tpu.core_type = #tpu.core_type<sc_vector_subcore>, window_params = [{transform_indices = #map}, {transform_indices = #map}]} {
    %scan3A = arith.constant 0 : i32
    %scan3A_0 = arith.constant 128 : i32
    %scan3A_1 = arith.addi %scan3A, %scan3A_0 : i32
    %scan3A_2 = arith.constant 1 : i32
    scf.for %scan3A_131 = %scan3A to %scan3A_1 step %scan3A_2  : i32 {
      %mul3A_132 = arith.constant 1 : i32
      %mul3A_133 = arith.muli %scan3A_131, %mul3A_132 : i32
      %add3A_134 = arith.constant 0 : i32
      %add3A_135 = arith.addi %add3A_134, %mul3A_133 : i32
      %scan3A_136 = arith.constant 0 : i32
      %mul3A_137 = arith.constant 1 : i32
      %mul3A_138 = arith.muli %scan3A_136, %mul3A_137 : i32
      %add3A_139 = arith.constant 0 : i32
      %add3A_140 = arith.addi %add3A_139, %mul3A_138 : i32
      %broadcast_in_dim3A = arith.constant 1.000000e+00 : f32
      %broadcast_in_dim3A_141 = vector.broadcast %broadcast_in_dim3A : f32 to vector<16xf32>
      %mul3A_142 = arith.constant 16 : i32
      %mul3A_143 = arith.muli %add3A_140, %mul3A_142 : i32
      %swap3A = arith.index_cast %add3A_135 : i32 to index
      %swap3A_144 = arith.index_cast %mul3A_143 : i32 to index
      %swap3A_145 = tpu.vector_load %arg5[%swap3A, %swap3A_144] {strides = array<i32>} : memref<128x16xf32, #tpu.memory_space<vmem>>, vector<1x16xf32>,
      %swap3A_146 = vector.shape_cast %swap3A_145 : vector<1x16xf32> to vector<16xf32>
      %swap3A_147 = vector.shape_cast %broadcast_in_dim3A_141 : vector<16xf32> to vector<1x16xf32>
      tpu.vector_store %arg5[%swap3A, %swap3A_144], %swap3A_147 {strides = array<i32>} : memref<128x16xf32, #tpu.memory_space<vmem>>, vector<1x16xf32>,
      %scan3A_148 = arith.constant 1 : i32
    }
    %scan3A_3 = arith.constant 128 : i32
    %scan3A_4 = arith.constant 0 : i32
    %scan3A_5 = arith.constant 5 : i32
    %scan3A_6 = arith.addi %scan3A_4, %scan3A_5 : i32
    %scan3A_7 = arith.constant 1 : i32
    scf.for %scan3A_131 = %scan3A_4 to %scan3A_6 step %scan3A_7  : i32 {
      %mul3A_132 = arith.constant 1 : i32
      %mul3A_133 = arith.muli %scan3A_131, %mul3A_132 : i32
      %add3A_134 = arith.constant 0 : i32
      %add3A_135 = arith.addi %add3A_134, %mul3A_133 : i32
      %mul3A_136 = arith.constant 640 : i32
      %mul3A_137 = arith.muli %arg1, %mul3A_136 : i32
      %mul3A_138 = arith.constant 128 : i32
      %mul3A_139 = arith.muli %add3A_135, %mul3A_138 : i32
      %add3A_140 = arith.addi %mul3A_137, %mul3A_139 : i32
      "tpu.region"() ({
        %run_scoped3A = tpu.sem_alloc : memref<!tpu.dma_semaphore, #tpu.memory_space<semaphore_mem>>
        %dma_start3A = arith.constant 0 : i32
        %dma_start3A_141 = tpu.memref_slice %arg6[%add3A_140, %dma_start3A] : memref<10240x16xf32, #tpu.memory_space<vmem_shared>> -> memref<128x16xf32, #tpu.memory_space<vmem_shared>>
        %dma_start3A_142 = arith.constant 0 : i32
        %dma_start3A_143 = tpu.memref_slice %arg6[%add3A_140, %dma_start3A_142] : memref<10240x16xf32, #tpu.memory_space<vmem_shared>> -> memref<128x16xf32, #tpu.memory_space<vmem_shared>>
        tpu.enqueue_dma source(%arg5 : memref<128x16xf32, #tpu.memory_space<vmem>>) target(%dma_start3A_143 : memref<128x16xf32, #tpu.memory_space<vmem_shared>>) target_semaphore(%run_scoped3A : memref<!tpu.dma_semaphore, #tpu.memory_space<semaphore_mem>>)
        %dma_wait3A_144 = arith.constant 0 : i32
        %dma_wait3A_145 = tpu.memref_slice %arg6[%add3A_140, %dma_wait3A_144] : memref<10240x16xf32, #tpu.memory_space<vmem_shared>> -> memref<128x16xf32, #tpu.memory_space<vmem_shared>>
        %dma_wait3A_146 = arith.constant 0 : i32
        %dma_wait3A_147 = tpu.memref_slice %arg6[%add3A_140, %dma_wait3A_146] : memref<10240x16xf32, #tpu.memory_space<vmem_shared>> -> memref<128x16xf32, #tpu.memory_space<vmem_shared>>
        tpu.wait_dma2 semaphore(%run_scoped3A : memref<!tpu.dma_semaphore, #tpu.memory_space<semaphore_mem>>) src(%arg5 : memref<128x16xf32, #tpu.memory_space<vmem>>) dst(%dma_wait3A_147 : memref<128x16xf32, #tpu.memory_space<vmem_shared>>)
        tpu.yield
      }) : () -> ()
    }
    %scan3A_8 = arith.constant 5 : i32
    %barrier3A = arith.constant 0 : index
    tpu.barrier barrier_id(%barrier3A)
    %scan3A_9 = arith.constant 0 : i32
    %scan3A_10 = arith.constant 5 : i32
    %scan3A_11 = arith.addi %scan3A_9, %scan3A_10 : i32
    %scan3A_12 = arith.constant 1 : i32
    scf.for %scan3A_131 = %scan3A_9 to %scan3A_11 step %scan3A_12  : i32 {
      %mul3A_132 = arith.constant 1 : i32
      %mul3A_133 = arith.muli %scan3A_131, %mul3A_132 : i32
      %add3A_134 = arith.constant 0 : i32
      %add3A_135 = arith.addi %add3A_134, %mul3A_133 : i32
      %gt3A = arith.constant 0 : i32
      %gt3A_136 = arith.cmpi sgt, %add3A_135, %gt3A : i32
      %convert_element_type3A = arith.extui %gt3A_136 : i1 to i32
      %cond3A = arith.constant 0 : i32
      %cond3A_137 = arith.cmpi ne, %convert_element_type3A, %cond3A : i32
      scf.if %cond3A_137 {
        %dma_wait3A_267 = arith.constant 0 : i32
        %dma_wait3A_268 = arith.constant 0 : i32
        %dma_wait3A_269 = tpu.memref_slice %arg4[%dma_wait3A_267, %dma_wait3A_268] : memref<16x128xi32, #tpu.memory_space<vmem>> -> memref<1x128xi32, #tpu.memory_space<vmem>>
        %dma_wait3A_270 = tpu.memref_squeeze %dma_wait3A_269 : memref<1x128xi32, #tpu.memory_space<vmem>> -> memref<128xi32, #tpu.memory_space<vmem>>
        %dma_wait3A_271 = arith.constant 0 : i32
        %dma_wait3A_272 = arith.constant 0 : i32
        %dma_wait3A_273 = tpu.memref_slice %arg6[%dma_wait3A_271, %dma_wait3A_272] : memref<10240x16xf32, #tpu.memory_space<vmem_shared>> -> memref<10240x16xf32, #tpu.memory_space<vmem_shared>>
        tpu.wait_indirect_dma semaphore(%arg8 : memref<!tpu.dma_semaphore, #tpu.memory_space<semaphore_mem>>) src(%arg5 : memref<128x16xf32, #tpu.memory_space<vmem>>) dst(%dma_wait3A_273 : memref<10240x16xf32, #tpu.memory_space<vmem_shared>>)
        %dma_wait3A_274 = arith.constant 1 : i32
        %dma_wait3A_275 = arith.constant 0 : i32
        %dma_wait3A_276 = tpu.memref_slice %arg4[%dma_wait3A_274, %dma_wait3A_275] : memref<16x128xi32, #tpu.memory_space<vmem>> -> memref<1x128xi32, #tpu.memory_space<vmem>>
        %dma_wait3A_277 = tpu.memref_squeeze %dma_wait3A_276 : memref<1x128xi32, #tpu.memory_space<vmem>> -> memref<128xi32, #tpu.memory_space<vmem>>
        %dma_wait3A_278 = arith.constant 0 : i32
        %dma_wait3A_279 = arith.constant 0 : i32
        %dma_wait3A_280 = tpu.memref_slice %arg6[%dma_wait3A_278, %dma_wait3A_279] : memref<10240x16xf32, #tpu.memory_space<vmem_shared>> -> memref<10240x16xf32, #tpu.memory_space<vmem_shared>>
        tpu.wait_indirect_dma semaphore(%arg8 : memref<!tpu.dma_semaphore, #tpu.memory_space<semaphore_mem>>) src(%arg5 : memref<128x16xf32, #tpu.memory_space<vmem>>) dst(%dma_wait3A_280 : memref<10240x16xf32, #tpu.memory_space<vmem_shared>>)
        %dma_wait3A_281 = arith.constant 2 : i32
        %dma_wait3A_282 = arith.constant 0 : i32
        %dma_wait3A_283 = tpu.memref_slice %arg4[%dma_wait3A_281, %dma_wait3A_282] : memref<16x128xi32, #tpu.memory_space<vmem>> -> memref<1x128xi32, #tpu.memory_space<vmem>>
        %dma_wait3A_284 = tpu.memref_squeeze %dma_wait3A_283 : memref<1x128xi32, #tpu.memory_space<vmem>> -> memref<128xi32, #tpu.memory_space<vmem>>
        %dma_wait3A_285 = arith.constant 0 : i32
        %dma_wait3A_286 = arith.constant 0 : i32
        %dma_wait3A_287 = tpu.memref_slice %arg6[%dma_wait3A_285, %dma_wait3A_286] : memref<10240x16xf32, #tpu.memory_space<vmem_shared>> -> memref<10240x16xf32, #tpu.memory_space<vmem_shared>>
        tpu.wait_indirect_dma semaphore(%arg8 : memref<!tpu.dma_semaphore, #tpu.memory_space<semaphore_mem>>) src(%arg5 : memref<128x16xf32, #tpu.memory_space<vmem>>) dst(%dma_wait3A_287 : memref<10240x16xf32, #tpu.memory_space<vmem_shared>>)
        %dma_wait3A_288 = arith.constant 3 : i32
        %dma_wait3A_289 = arith.constant 0 : i32
        %dma_wait3A_290 = tpu.memref_slice %arg4[%dma_wait3A_288, %dma_wait3A_289] : memref<16x128xi32, #tpu.memory_space<vmem>> -> memref<1x128xi32, #tpu.memory_space<vmem>>
        %dma_wait3A_291 = tpu.memref_squeeze %dma_wait3A_290 : memref<1x128xi32, #tpu.memory_space<vmem>> -> memref<128xi32, #tpu.memory_space<vmem>>
        %dma_wait3A_292 = arith.constant 0 : i32
        %dma_wait3A_293 = arith.constant 0 : i32
        %dma_wait3A_294 = tpu.memref_slice %arg6[%dma_wait3A_292, %dma_wait3A_293] : memref<10240x16xf32, #tpu.memory_space<vmem_shared>> -> memref<10240x16xf32, #tpu.memory_space<vmem_shared>>
        tpu.wait_indirect_dma semaphore(%arg8 : memref<!tpu.dma_semaphore, #tpu.memory_space<semaphore_mem>>) src(%arg5 : memref<128x16xf32, #tpu.memory_space<vmem>>) dst(%dma_wait3A_294 : memref<10240x16xf32, #tpu.memory_space<vmem_shared>>)
        %dma_wait3A_295 = arith.constant 4 : i32
        %dma_wait3A_296 = arith.constant 0 : i32
        %dma_wait3A_297 = tpu.memref_slice %arg4[%dma_wait3A_295, %dma_wait3A_296] : memref<16x128xi32, #tpu.memory_space<vmem>> -> memref<1x128xi32, #tpu.memory_space<vmem>>
        %dma_wait3A_298 = tpu.memref_squeeze %dma_wait3A_297 : memref<1x128xi32, #tpu.memory_space<vmem>> -> memref<128xi32, #tpu.memory_space<vmem>>
        %dma_wait3A_299 = arith.constant 0 : i32
        %dma_wait3A_300 = arith.constant 0 : i32
        %dma_wait3A_301 = tpu.memref_slice %arg6[%dma_wait3A_299, %dma_wait3A_300] : memref<10240x16xf32, #tpu.memory_space<vmem_shared>> -> memref<10240x16xf32, #tpu.memory_space<vmem_shared>>
        tpu.wait_indirect_dma semaphore(%arg8 : memref<!tpu.dma_semaphore, #tpu.memory_space<semaphore_mem>>) src(%arg5 : memref<128x16xf32, #tpu.memory_space<vmem>>) dst(%dma_wait3A_301 : memref<10240x16xf32, #tpu.memory_space<vmem_shared>>)
        %dma_wait3A_302 = arith.constant 5 : i32
        %dma_wait3A_303 = arith.constant 0 : i32
        %dma_wait3A_304 = tpu.memref_slice %arg4[%dma_wait3A_302, %dma_wait3A_303] : memref<16x128xi32, #tpu.memory_space<vmem>> -> memref<1x128xi32, #tpu.memory_space<vmem>>
        %dma_wait3A_305 = tpu.memref_squeeze %dma_wait3A_304 : memref<1x128xi32, #tpu.memory_space<vmem>> -> memref<128xi32, #tpu.memory_space<vmem>>
        %dma_wait3A_306 = arith.constant 0 : i32
        %dma_wait3A_307 = arith.constant 0 : i32
        %dma_wait3A_308 = tpu.memref_slice %arg6[%dma_wait3A_306, %dma_wait3A_307] : memref<10240x16xf32, #tpu.memory_space<vmem_shared>> -> memref<10240x16xf32, #tpu.memory_space<vmem_shared>>
        tpu.wait_indirect_dma semaphore(%arg8 : memref<!tpu.dma_semaphore, #tpu.memory_space<semaphore_mem>>) src(%arg5 : memref<128x16xf32, #tpu.memory_space<vmem>>) dst(%dma_wait3A_308 : memref<10240x16xf32, #tpu.memory_space<vmem_shared>>)
        %dma_wait3A_309 = arith.constant 6 : i32
        %dma_wait3A_310 = arith.constant 0 : i32
        %dma_wait3A_311 = tpu.memref_slice %arg4[%dma_wait3A_309, %dma_wait3A_310] : memref<16x128xi32, #tpu.memory_space<vmem>> -> memref<1x128xi32, #tpu.memory_space<vmem>>
        %dma_wait3A_312 = tpu.memref_squeeze %dma_wait3A_311 : memref<1x128xi32, #tpu.memory_space<vmem>> -> memref<128xi32, #tpu.memory_space<vmem>>
        %dma_wait3A_313 = arith.constant 0 : i32
        %dma_wait3A_314 = arith.constant 0 : i32
        %dma_wait3A_315 = tpu.memref_slice %arg6[%dma_wait3A_313, %dma_wait3A_314] : memref<10240x16xf32, #tpu.memory_space<vmem_shared>> -> memref<10240x16xf32, #tpu.memory_space<vmem_shared>>
        tpu.wait_indirect_dma semaphore(%arg8 : memref<!tpu.dma_semaphore, #tpu.memory_space<semaphore_mem>>) src(%arg5 : memref<128x16xf32, #tpu.memory_space<vmem>>) dst(%dma_wait3A_315 : memref<10240x16xf32, #tpu.memory_space<vmem_shared>>)
        %dma_wait3A_316 = arith.constant 7 : i32
        %dma_wait3A_317 = arith.constant 0 : i32
        %dma_wait3A_318 = tpu.memref_slice %arg4[%dma_wait3A_316, %dma_wait3A_317] : memref<16x128xi32, #tpu.memory_space<vmem>> -> memref<1x128xi32, #tpu.memory_space<vmem>>
        %dma_wait3A_319 = tpu.memref_squeeze %dma_wait3A_318 : memref<1x128xi32, #tpu.memory_space<vmem>> -> memref<128xi32, #tpu.memory_space<vmem>>
        %dma_wait3A_320 = arith.constant 0 : i32
        %dma_wait3A_321 = arith.constant 0 : i32
        %dma_wait3A_322 = tpu.memref_slice %arg6[%dma_wait3A_320, %dma_wait3A_321] : memref<10240x16xf32, #tpu.memory_space<vmem_shared>> -> memref<10240x16xf32, #tpu.memory_space<vmem_shared>>
        tpu.wait_indirect_dma semaphore(%arg8 : memref<!tpu.dma_semaphore, #tpu.memory_space<semaphore_mem>>) src(%arg5 : memref<128x16xf32, #tpu.memory_space<vmem>>) dst(%dma_wait3A_322 : memref<10240x16xf32, #tpu.memory_space<vmem_shared>>)
        %dma_wait3A_323 = arith.constant 8 : i32
        %dma_wait3A_324 = arith.constant 0 : i32
        %dma_wait3A_325 = tpu.memref_slice %arg4[%dma_wait3A_323, %dma_wait3A_324] : memref<16x128xi32, #tpu.memory_space<vmem>> -> memref<1x128xi32, #tpu.memory_space<vmem>>
        %dma_wait3A_326 = tpu.memref_squeeze %dma_wait3A_325 : memref<1x128xi32, #tpu.memory_space<vmem>> -> memref<128xi32, #tpu.memory_space<vmem>>
        %dma_wait3A_327 = arith.constant 0 : i32
        %dma_wait3A_328 = arith.constant 0 : i32
        %dma_wait3A_329 = tpu.memref_slice %arg6[%dma_wait3A_327, %dma_wait3A_328] : memref<10240x16xf32, #tpu.memory_space<vmem_shared>> -> memref<10240x16xf32, #tpu.memory_space<vmem_shared>>
        tpu.wait_indirect_dma semaphore(%arg8 : memref<!tpu.dma_semaphore, #tpu.memory_space<semaphore_mem>>) src(%arg5 : memref<128x16xf32, #tpu.memory_space<vmem>>) dst(%dma_wait3A_329 : memref<10240x16xf32, #tpu.memory_space<vmem_shared>>)
        %dma_wait3A_330 = arith.constant 9 : i32
        %dma_wait3A_331 = arith.constant 0 : i32
        %dma_wait3A_332 = tpu.memref_slice %arg4[%dma_wait3A_330, %dma_wait3A_331] : memref<16x128xi32, #tpu.memory_space<vmem>> -> memref<1x128xi32, #tpu.memory_space<vmem>>
        %dma_wait3A_333 = tpu.memref_squeeze %dma_wait3A_332 : memref<1x128xi32, #tpu.memory_space<vmem>> -> memref<128xi32, #tpu.memory_space<vmem>>
        %dma_wait3A_334 = arith.constant 0 : i32
        %dma_wait3A_335 = arith.constant 0 : i32
        %dma_wait3A_336 = tpu.memref_slice %arg6[%dma_wait3A_334, %dma_wait3A_335] : memref<10240x16xf32, #tpu.memory_space<vmem_shared>> -> memref<10240x16xf32, #tpu.memory_space<vmem_shared>>
        tpu.wait_indirect_dma semaphore(%arg8 : memref<!tpu.dma_semaphore, #tpu.memory_space<semaphore_mem>>) src(%arg5 : memref<128x16xf32, #tpu.memory_space<vmem>>) dst(%dma_wait3A_336 : memref<10240x16xf32, #tpu.memory_space<vmem_shared>>)
        %dma_wait3A_337 = arith.constant 10 : i32
        %dma_wait3A_338 = arith.constant 0 : i32
        %dma_wait3A_339 = tpu.memref_slice %arg4[%dma_wait3A_337, %dma_wait3A_338] : memref<16x128xi32, #tpu.memory_space<vmem>> -> memref<1x128xi32, #tpu.memory_space<vmem>>
        %dma_wait3A_340 = tpu.memref_squeeze %dma_wait3A_339 : memref<1x128xi32, #tpu.memory_space<vmem>> -> memref<128xi32, #tpu.memory_space<vmem>>
        %dma_wait3A_341 = arith.constant 0 : i32
        %dma_wait3A_342 = arith.constant 0 : i32
        %dma_wait3A_343 = tpu.memref_slice %arg6[%dma_wait3A_341, %dma_wait3A_342] : memref<10240x16xf32, #tpu.memory_space<vmem_shared>> -> memref<10240x16xf32, #tpu.memory_space<vmem_shared>>
        tpu.wait_indirect_dma semaphore(%arg8 : memref<!tpu.dma_semaphore, #tpu.memory_space<semaphore_mem>>) src(%arg5 : memref<128x16xf32, #tpu.memory_space<vmem>>) dst(%dma_wait3A_343 : memref<10240x16xf32, #tpu.memory_space<vmem_shared>>)
        %dma_wait3A_344 = arith.constant 11 : i32
        %dma_wait3A_345 = arith.constant 0 : i32
        %dma_wait3A_346 = tpu.memref_slice %arg4[%dma_wait3A_344, %dma_wait3A_345] : memref<16x128xi32, #tpu.memory_space<vmem>> -> memref<1x128xi32, #tpu.memory_space<vmem>>
        %dma_wait3A_347 = tpu.memref_squeeze %dma_wait3A_346 : memref<1x128xi32, #tpu.memory_space<vmem>> -> memref<128xi32, #tpu.memory_space<vmem>>
        %dma_wait3A_348 = arith.constant 0 : i32
        %dma_wait3A_349 = arith.constant 0 : i32
        %dma_wait3A_350 = tpu.memref_slice %arg6[%dma_wait3A_348, %dma_wait3A_349] : memref<10240x16xf32, #tpu.memory_space<vmem_shared>> -> memref<10240x16xf32, #tpu.memory_space<vmem_shared>>
        tpu.wait_indirect_dma semaphore(%arg8 : memref<!tpu.dma_semaphore, #tpu.memory_space<semaphore_mem>>) src(%arg5 : memref<128x16xf32, #tpu.memory_space<vmem>>) dst(%dma_wait3A_350 : memref<10240x16xf32, #tpu.memory_space<vmem_shared>>)
        %dma_wait3A_351 = arith.constant 12 : i32
        %dma_wait3A_352 = arith.constant 0 : i32
        %dma_wait3A_353 = tpu.memref_slice %arg4[%dma_wait3A_351, %dma_wait3A_352] : memref<16x128xi32, #tpu.memory_space<vmem>> -> memref<1x128xi32, #tpu.memory_space<vmem>>
        %dma_wait3A_354 = tpu.memref_squeeze %dma_wait3A_353 : memref<1x128xi32, #tpu.memory_space<vmem>> -> memref<128xi32, #tpu.memory_space<vmem>>
        %dma_wait3A_355 = arith.constant 0 : i32
        %dma_wait3A_356 = arith.constant 0 : i32
        %dma_wait3A_357 = tpu.memref_slice %arg6[%dma_wait3A_355, %dma_wait3A_356] : memref<10240x16xf32, #tpu.memory_space<vmem_shared>> -> memref<10240x16xf32, #tpu.memory_space<vmem_shared>>
        tpu.wait_indirect_dma semaphore(%arg8 : memref<!tpu.dma_semaphore, #tpu.memory_space<semaphore_mem>>) src(%arg5 : memref<128x16xf32, #tpu.memory_space<vmem>>) dst(%dma_wait3A_357 : memref<10240x16xf32, #tpu.memory_space<vmem_shared>>)
        %dma_wait3A_358 = arith.constant 13 : i32
        %dma_wait3A_359 = arith.constant 0 : i32
        %dma_wait3A_360 = tpu.memref_slice %arg4[%dma_wait3A_358, %dma_wait3A_359] : memref<16x128xi32, #tpu.memory_space<vmem>> -> memref<1x128xi32, #tpu.memory_space<vmem>>
        %dma_wait3A_361 = tpu.memref_squeeze %dma_wait3A_360 : memref<1x128xi32, #tpu.memory_space<vmem>> -> memref<128xi32, #tpu.memory_space<vmem>>
        %dma_wait3A_362 = arith.constant 0 : i32
        %dma_wait3A_363 = arith.constant 0 : i32
        %dma_wait3A_364 = tpu.memref_slice %arg6[%dma_wait3A_362, %dma_wait3A_363] : memref<10240x16xf32, #tpu.memory_space<vmem_shared>> -> memref<10240x16xf32, #tpu.memory_space<vmem_shared>>
        tpu.wait_indirect_dma semaphore(%arg8 : memref<!tpu.dma_semaphore, #tpu.memory_space<semaphore_mem>>) src(%arg5 : memref<128x16xf32, #tpu.memory_space<vmem>>) dst(%dma_wait3A_364 : memref<10240x16xf32, #tpu.memory_space<vmem_shared>>)
        %dma_wait3A_365 = arith.constant 14 : i32
        %dma_wait3A_366 = arith.constant 0 : i32
        %dma_wait3A_367 = tpu.memref_slice %arg4[%dma_wait3A_365, %dma_wait3A_366] : memref<16x128xi32, #tpu.memory_space<vmem>> -> memref<1x128xi32, #tpu.memory_space<vmem>>
        %dma_wait3A_368 = tpu.memref_squeeze %dma_wait3A_367 : memref<1x128xi32, #tpu.memory_space<vmem>> -> memref<128xi32, #tpu.memory_space<vmem>>
        %dma_wait3A_369 = arith.constant 0 : i32
        %dma_wait3A_370 = arith.constant 0 : i32
        %dma_wait3A_371 = tpu.memref_slice %arg6[%dma_wait3A_369, %dma_wait3A_370] : memref<10240x16xf32, #tpu.memory_space<vmem_shared>> -> memref<10240x16xf32, #tpu.memory_space<vmem_shared>>
        tpu.wait_indirect_dma semaphore(%arg8 : memref<!tpu.dma_semaphore, #tpu.memory_space<semaphore_mem>>) src(%arg5 : memref<128x16xf32, #tpu.memory_space<vmem>>) dst(%dma_wait3A_371 : memref<10240x16xf32, #tpu.memory_space<vmem_shared>>)
        %dma_wait3A_372 = arith.constant 15 : i32
        %dma_wait3A_373 = arith.constant 0 : i32
        %dma_wait3A_374 = tpu.memref_slice %arg4[%dma_wait3A_372, %dma_wait3A_373] : memref<16x128xi32, #tpu.memory_space<vmem>> -> memref<1x128xi32, #tpu.memory_space<vmem>>
        %dma_wait3A_375 = tpu.memref_squeeze %dma_wait3A_374 : memref<1x128xi32, #tpu.memory_space<vmem>> -> memref<128xi32, #tpu.memory_space<vmem>>
        %dma_wait3A_376 = arith.constant 0 : i32
        %dma_wait3A_377 = arith.constant 0 : i32
        %dma_wait3A_378 = tpu.memref_slice %arg6[%dma_wait3A_376, %dma_wait3A_377] : memref<10240x16xf32, #tpu.memory_space<vmem_shared>> -> memref<10240x16xf32, #tpu.memory_space<vmem_shared>>
        tpu.wait_indirect_dma semaphore(%arg8 : memref<!tpu.dma_semaphore, #tpu.memory_space<semaphore_mem>>) src(%arg5 : memref<128x16xf32, #tpu.memory_space<vmem>>) dst(%dma_wait3A_378 : memref<10240x16xf32, #tpu.memory_space<vmem_shared>>)
      } else {
      }
      %mul3A_138 = arith.constant 1280 : i32
      %mul3A_139 = arith.muli %arg0, %mul3A_138 : i32
      %mul3A_140 = arith.constant 5 : i32
      %mul3A_141 = arith.muli %arg1, %mul3A_140 : i32
      %mul3A_142 = arith.constant 16 : i32
      %mul3A_143 = arith.muli %mul3A_141, %mul3A_142 : i32
      %add3A_144 = arith.addi %mul3A_139, %mul3A_143 : i32
      %mul3A_145 = arith.constant 16 : i32
      %mul3A_146 = arith.muli %add3A_135, %mul3A_145 : i32
      %add3A_147 = arith.addi %add3A_144, %mul3A_146 : i32
      %dma_start3A = arith.constant 0 : i32
      %dma_start3A_148 = tpu.memref_slice %arg2[%add3A_147, %dma_start3A] : memref<2560x128xi32, #tpu.memory_space<hbm>> -> memref<16x128xi32, #tpu.memory_space<hbm>>
      %dma_start3A_149 = arith.constant 0 : i32
      %dma_start3A_150 = tpu.memref_slice %arg2[%add3A_147, %dma_start3A_149] : memref<2560x128xi32, #tpu.memory_space<hbm>> -> memref<16x128xi32, #tpu.memory_space<hbm>>
      tpu.enqueue_dma source(%dma_start3A_150 : memref<16x128xi32, #tpu.memory_space<hbm>>) target(%arg4 : memref<16x128xi32, #tpu.memory_space<vmem>>) target_semaphore(%arg7 : memref<!tpu.dma_semaphore, #tpu.memory_space<semaphore_mem>>)
      %dma_wait3A_151 = arith.constant 0 : i32
      %dma_wait3A_152 = tpu.memref_slice %arg2[%add3A_147, %dma_wait3A_151] : memref<2560x128xi32, #tpu.memory_space<hbm>> -> memref<16x128xi32, #tpu.memory_space<hbm>>
      %dma_wait3A_153 = arith.constant 0 : i32
      %dma_wait3A_154 = tpu.memref_slice %arg2[%add3A_147, %dma_wait3A_153] : memref<2560x128xi32, #tpu.memory_space<hbm>> -> memref<16x128xi32, #tpu.memory_space<hbm>>
      tpu.wait_dma2 semaphore(%arg7 : memref<!tpu.dma_semaphore, #tpu.memory_space<semaphore_mem>>) src(%dma_wait3A_154 : memref<16x128xi32, #tpu.memory_space<hbm>>) dst(%arg4 : memref<16x128xi32, #tpu.memory_space<vmem>>)
      %dma_start3A_155 = arith.constant 0 : i32
      %dma_start3A_156 = arith.constant 0 : i32
      %dma_start3A_157 = tpu.memref_slice %arg4[%dma_start3A_155, %dma_start3A_156] : memref<16x128xi32, #tpu.memory_space<vmem>> -> memref<1x128xi32, #tpu.memory_space<vmem>>
      %dma_start3A_158 = tpu.memref_squeeze %dma_start3A_157 : memref<1x128xi32, #tpu.memory_space<vmem>> -> memref<128xi32, #tpu.memory_space<vmem>>
      %dma_start3A_159 = arith.constant 0 : i32
      %dma_start3A_160 = arith.constant 0 : i32
      %dma_start3A_161 = tpu.memref_slice %arg6[%dma_start3A_159, %dma_start3A_160] : memref<10240x16xf32, #tpu.memory_space<vmem_shared>> -> memref<10240x16xf32, #tpu.memory_space<vmem_shared>>
      tpu.enqueue_indirect_dma source(%arg5 : memref<128x16xf32, #tpu.memory_space<vmem>>) target(%dma_start3A_161 : memref<10240x16xf32, #tpu.memory_space<vmem_shared>>) offsets(%dma_start3A_158 : memref<128xi32, #tpu.memory_space<vmem>>) semaphore(%arg8 : memref<!tpu.dma_semaphore, #tpu.memory_space<semaphore_mem>>) {add = true}
      %dma_start3A_162 = arith.constant 1 : i32
      %dma_start3A_163 = arith.constant 0 : i32
      %dma_start3A_164 = tpu.memref_slice %arg4[%dma_start3A_162, %dma_start3A_163] : memref<16x128xi32, #tpu.memory_space<vmem>> -> memref<1x128xi32, #tpu.memory_space<vmem>>
      %dma_start3A_165 = tpu.memref_squeeze %dma_start3A_164 : memref<1x128xi32, #tpu.memory_space<vmem>> -> memref<128xi32, #tpu.memory_space<vmem>>
      %dma_start3A_166 = arith.constant 0 : i32
      %dma_start3A_167 = arith.constant 0 : i32
      %dma_start3A_168 = tpu.memref_slice %arg6[%dma_start3A_166, %dma_start3A_167] : memref<10240x16xf32, #tpu.memory_space<vmem_shared>> -> memref<10240x16xf32, #tpu.memory_space<vmem_shared>>
      tpu.enqueue_indirect_dma source(%arg5 : memref<128x16xf32, #tpu.memory_space<vmem>>) target(%dma_start3A_168 : memref<10240x16xf32, #tpu.memory_space<vmem_shared>>) offsets(%dma_start3A_165 : memref<128xi32, #tpu.memory_space<vmem>>) semaphore(%arg8 : memref<!tpu.dma_semaphore, #tpu.memory_space<semaphore_mem>>) {add = true}
      %dma_start3A_169 = arith.constant 2 : i32
      %dma_start3A_170 = arith.constant 0 : i32
      %dma_start3A_171 = tpu.memref_slice %arg4[%dma_start3A_169, %dma_start3A_170] : memref<16x128xi32, #tpu.memory_space<vmem>> -> memref<1x128xi32, #tpu.memory_space<vmem>>
      %dma_start3A_172 = tpu.memref_squeeze %dma_start3A_171 : memref<1x128xi32, #tpu.memory_space<vmem>> -> memref<128xi32, #tpu.memory_space<vmem>>
      %dma_start3A_173 = arith.constant 0 : i32
      %dma_start3A_174 = arith.constant 0 : i32
      %dma_start3A_175 = tpu.memref_slice %arg6[%dma_start3A_173, %dma_start3A_174] : memref<10240x16xf32, #tpu.memory_space<vmem_shared>> -> memref<10240x16xf32, #tpu.memory_space<vmem_shared>>
      tpu.enqueue_indirect_dma source(%arg5 : memref<128x16xf32, #tpu.memory_space<vmem>>) target(%dma_start3A_175 : memref<10240x16xf32, #tpu.memory_space<vmem_shared>>) offsets(%dma_start3A_172 : memref<128xi32, #tpu.memory_space<vmem>>) semaphore(%arg8 : memref<!tpu.dma_semaphore, #tpu.memory_space<semaphore_mem>>) {add = true}
      %dma_start3A_176 = arith.constant 3 : i32
      %dma_start3A_177 = arith.constant 0 : i32
      %dma_start3A_178 = tpu.memref_slice %arg4[%dma_start3A_176, %dma_start3A_177] : memref<16x128xi32, #tpu.memory_space<vmem>> -> memref<1x128xi32, #tpu.memory_space<vmem>>
      %dma_start3A_179 = tpu.memref_squeeze %dma_start3A_178 : memref<1x128xi32, #tpu.memory_space<vmem>> -> memref<128xi32, #tpu.memory_space<vmem>>
      %dma_start3A_180 = arith.constant 0 : i32
      %dma_start3A_181 = arith.constant 0 : i32
      %dma_start3A_182 = tpu.memref_slice %arg6[%dma_start3A_180, %dma_start3A_181] : memref<10240x16xf32, #tpu.memory_space<vmem_shared>> -> memref<10240x16xf32, #tpu.memory_space<vmem_shared>>
      tpu.enqueue_indirect_dma source(%arg5 : memref<128x16xf32, #tpu.memory_space<vmem>>) target(%dma_start3A_182 : memref<10240x16xf32, #tpu.memory_space<vmem_shared>>) offsets(%dma_start3A_179 : memref<128xi32, #tpu.memory_space<vmem>>) semaphore(%arg8 : memref<!tpu.dma_semaphore, #tpu.memory_space<semaphore_mem>>) {add = true}
      %dma_start3A_183 = arith.constant 4 : i32
      %dma_start3A_184 = arith.constant 0 : i32
      %dma_start3A_185 = tpu.memref_slice %arg4[%dma_start3A_183, %dma_start3A_184] : memref<16x128xi32, #tpu.memory_space<vmem>> -> memref<1x128xi32, #tpu.memory_space<vmem>>
      %dma_start3A_186 = tpu.memref_squeeze %dma_start3A_185 : memref<1x128xi32, #tpu.memory_space<vmem>> -> memref<128xi32, #tpu.memory_space<vmem>>
      %dma_start3A_187 = arith.constant 0 : i32
      %dma_start3A_188 = arith.constant 0 : i32
      %dma_start3A_189 = tpu.memref_slice %arg6[%dma_start3A_187, %dma_start3A_188] : memref<10240x16xf32, #tpu.memory_space<vmem_shared>> -> memref<10240x16xf32, #tpu.memory_space<vmem_shared>>
      tpu.enqueue_indirect_dma source(%arg5 : memref<128x16xf32, #tpu.memory_space<vmem>>) target(%dma_start3A_189 : memref<10240x16xf32, #tpu.memory_space<vmem_shared>>) offsets(%dma_start3A_186 : memref<128xi32, #tpu.memory_space<vmem>>) semaphore(%arg8 : memref<!tpu.dma_semaphore, #tpu.memory_space<semaphore_mem>>) {add = true}
      %dma_start3A_190 = arith.constant 5 : i32
      %dma_start3A_191 = arith.constant 0 : i32
      %dma_start3A_192 = tpu.memref_slice %arg4[%dma_start3A_190, %dma_start3A_191] : memref<16x128xi32, #tpu.memory_space<vmem>> -> memref<1x128xi32, #tpu.memory_space<vmem>>
      %dma_start3A_193 = tpu.memref_squeeze %dma_start3A_192 : memref<1x128xi32, #tpu.memory_space<vmem>> -> memref<128xi32, #tpu.memory_space<vmem>>
      %dma_start3A_194 = arith.constant 0 : i32
      %dma_start3A_195 = arith.constant 0 : i32
      %dma_start3A_196 = tpu.memref_slice %arg6[%dma_start3A_194, %dma_start3A_195] : memref<10240x16xf32, #tpu.memory_space<vmem_shared>> -> memref<10240x16xf32, #tpu.memory_space<vmem_shared>>
      tpu.enqueue_indirect_dma source(%arg5 : memref<128x16xf32, #tpu.memory_space<vmem>>) target(%dma_start3A_196 : memref<10240x16xf32, #tpu.memory_space<vmem_shared>>) offsets(%dma_start3A_193 : memref<128xi32, #tpu.memory_space<vmem>>) semaphore(%arg8 : memref<!tpu.dma_semaphore, #tpu.memory_space<semaphore_mem>>) {add = true}
      %dma_start3A_197 = arith.constant 6 : i32
      %dma_start3A_198 = arith.constant 0 : i32
      %dma_start3A_199 = tpu.memref_slice %arg4[%dma_start3A_197, %dma_start3A_198] : memref<16x128xi32, #tpu.memory_space<vmem>> -> memref<1x128xi32, #tpu.memory_space<vmem>>
      %dma_start3A_200 = tpu.memref_squeeze %dma_start3A_199 : memref<1x128xi32, #tpu.memory_space<vmem>> -> memref<128xi32, #tpu.memory_space<vmem>>
      %dma_start3A_201 = arith.constant 0 : i32
      %dma_start3A_202 = arith.constant 0 : i32
      %dma_start3A_203 = tpu.memref_slice %arg6[%dma_start3A_201, %dma_start3A_202] : memref<10240x16xf32, #tpu.memory_space<vmem_shared>> -> memref<10240x16xf32, #tpu.memory_space<vmem_shared>>
      tpu.enqueue_indirect_dma source(%arg5 : memref<128x16xf32, #tpu.memory_space<vmem>>) target(%dma_start3A_203 : memref<10240x16xf32, #tpu.memory_space<vmem_shared>>) offsets(%dma_start3A_200 : memref<128xi32, #tpu.memory_space<vmem>>) semaphore(%arg8 : memref<!tpu.dma_semaphore, #tpu.memory_space<semaphore_mem>>) {add = true}
      %dma_start3A_204 = arith.constant 7 : i32
      %dma_start3A_205 = arith.constant 0 : i32
      %dma_start3A_206 = tpu.memref_slice %arg4[%dma_start3A_204, %dma_start3A_205] : memref<16x128xi32, #tpu.memory_space<vmem>> -> memref<1x128xi32, #tpu.memory_space<vmem>>
      %dma_start3A_207 = tpu.memref_squeeze %dma_start3A_206 : memref<1x128xi32, #tpu.memory_space<vmem>> -> memref<128xi32, #tpu.memory_space<vmem>>
      %dma_start3A_208 = arith.constant 0 : i32
      %dma_start3A_209 = arith.constant 0 : i32
      %dma_start3A_210 = tpu.memref_slice %arg6[%dma_start3A_208, %dma_start3A_209] : memref<10240x16xf32, #tpu.memory_space<vmem_shared>> -> memref<10240x16xf32, #tpu.memory_space<vmem_shared>>
      tpu.enqueue_indirect_dma source(%arg5 : memref<128x16xf32, #tpu.memory_space<vmem>>) target(%dma_start3A_210 : memref<10240x16xf32, #tpu.memory_space<vmem_shared>>) offsets(%dma_start3A_207 : memref<128xi32, #tpu.memory_space<vmem>>) semaphore(%arg8 : memref<!tpu.dma_semaphore, #tpu.memory_space<semaphore_mem>>) {add = true}
      %dma_start3A_211 = arith.constant 8 : i32
      %dma_start3A_212 = arith.constant 0 : i32
      %dma_start3A_213 = tpu.memref_slice %arg4[%dma_start3A_211, %dma_start3A_212] : memref<16x128xi32, #tpu.memory_space<vmem>> -> memref<1x128xi32, #tpu.memory_space<vmem>>
      %dma_start3A_214 = tpu.memref_squeeze %dma_start3A_213 : memref<1x128xi32, #tpu.memory_space<vmem>> -> memref<128xi32, #tpu.memory_space<vmem>>
      %dma_start3A_215 = arith.constant 0 : i32
      %dma_start3A_216 = arith.constant 0 : i32
      %dma_start3A_217 = tpu.memref_slice %arg6[%dma_start3A_215, %dma_start3A_216] : memref<10240x16xf32, #tpu.memory_space<vmem_shared>> -> memref<10240x16xf32, #tpu.memory_space<vmem_shared>>
      tpu.enqueue_indirect_dma source(%arg5 : memref<128x16xf32, #tpu.memory_space<vmem>>) target(%dma_start3A_217 : memref<10240x16xf32, #tpu.memory_space<vmem_shared>>) offsets(%dma_start3A_214 : memref<128xi32, #tpu.memory_space<vmem>>) semaphore(%arg8 : memref<!tpu.dma_semaphore, #tpu.memory_space<semaphore_mem>>) {add = true}
      %dma_start3A_218 = arith.constant 9 : i32
      %dma_start3A_219 = arith.constant 0 : i32
      %dma_start3A_220 = tpu.memref_slice %arg4[%dma_start3A_218, %dma_start3A_219] : memref<16x128xi32, #tpu.memory_space<vmem>> -> memref<1x128xi32, #tpu.memory_space<vmem>>
      %dma_start3A_221 = tpu.memref_squeeze %dma_start3A_220 : memref<1x128xi32, #tpu.memory_space<vmem>> -> memref<128xi32, #tpu.memory_space<vmem>>
      %dma_start3A_222 = arith.constant 0 : i32
      %dma_start3A_223 = arith.constant 0 : i32
      %dma_start3A_224 = tpu.memref_slice %arg6[%dma_start3A_222, %dma_start3A_223] : memref<10240x16xf32, #tpu.memory_space<vmem_shared>> -> memref<10240x16xf32, #tpu.memory_space<vmem_shared>>
      tpu.enqueue_indirect_dma source(%arg5 : memref<128x16xf32, #tpu.memory_space<vmem>>) target(%dma_start3A_224 : memref<10240x16xf32, #tpu.memory_space<vmem_shared>>) offsets(%dma_start3A_221 : memref<128xi32, #tpu.memory_space<vmem>>) semaphore(%arg8 : memref<!tpu.dma_semaphore, #tpu.memory_space<semaphore_mem>>) {add = true}
      %dma_start3A_225 = arith.constant 10 : i32
      %dma_start3A_226 = arith.constant 0 : i32
      %dma_start3A_227 = tpu.memref_slice %arg4[%dma_start3A_225, %dma_start3A_226] : memref<16x128xi32, #tpu.memory_space<vmem>> -> memref<1x128xi32, #tpu.memory_space<vmem>>
      %dma_start3A_228 = tpu.memref_squeeze %dma_start3A_227 : memref<1x128xi32, #tpu.memory_space<vmem>> -> memref<128xi32, #tpu.memory_space<vmem>>
      %dma_start3A_229 = arith.constant 0 : i32
      %dma_start3A_230 = arith.constant 0 : i32
      %dma_start3A_231 = tpu.memref_slice %arg6[%dma_start3A_229, %dma_start3A_230] : memref<10240x16xf32, #tpu.memory_space<vmem_shared>> -> memref<10240x16xf32, #tpu.memory_space<vmem_shared>>
      tpu.enqueue_indirect_dma source(%arg5 : memref<128x16xf32, #tpu.memory_space<vmem>>) target(%dma_start3A_231 : memref<10240x16xf32, #tpu.memory_space<vmem_shared>>) offsets(%dma_start3A_228 : memref<128xi32, #tpu.memory_space<vmem>>) semaphore(%arg8 : memref<!tpu.dma_semaphore, #tpu.memory_space<semaphore_mem>>) {add = true}
      %dma_start3A_232 = arith.constant 11 : i32
      %dma_start3A_233 = arith.constant 0 : i32
      %dma_start3A_234 = tpu.memref_slice %arg4[%dma_start3A_232, %dma_start3A_233] : memref<16x128xi32, #tpu.memory_space<vmem>> -> memref<1x128xi32, #tpu.memory_space<vmem>>
      %dma_start3A_235 = tpu.memref_squeeze %dma_start3A_234 : memref<1x128xi32, #tpu.memory_space<vmem>> -> memref<128xi32, #tpu.memory_space<vmem>>
      %dma_start3A_236 = arith.constant 0 : i32
      %dma_start3A_237 = arith.constant 0 : i32
      %dma_start3A_238 = tpu.memref_slice %arg6[%dma_start3A_236, %dma_start3A_237] : memref<10240x16xf32, #tpu.memory_space<vmem_shared>> -> memref<10240x16xf32, #tpu.memory_space<vmem_shared>>
      tpu.enqueue_indirect_dma source(%arg5 : memref<128x16xf32, #tpu.memory_space<vmem>>) target(%dma_start3A_238 : memref<10240x16xf32, #tpu.memory_space<vmem_shared>>) offsets(%dma_start3A_235 : memref<128xi32, #tpu.memory_space<vmem>>) semaphore(%arg8 : memref<!tpu.dma_semaphore, #tpu.memory_space<semaphore_mem>>) {add = true}
      %dma_start3A_239 = arith.constant 12 : i32
      %dma_start3A_240 = arith.constant 0 : i32
      %dma_start3A_241 = tpu.memref_slice %arg4[%dma_start3A_239, %dma_start3A_240] : memref<16x128xi32, #tpu.memory_space<vmem>> -> memref<1x128xi32, #tpu.memory_space<vmem>>
      %dma_start3A_242 = tpu.memref_squeeze %dma_start3A_241 : memref<1x128xi32, #tpu.memory_space<vmem>> -> memref<128xi32, #tpu.memory_space<vmem>>
      %dma_start3A_243 = arith.constant 0 : i32
      %dma_start3A_244 = arith.constant 0 : i32
      %dma_start3A_245 = tpu.memref_slice %arg6[%dma_start3A_243, %dma_start3A_244] : memref<10240x16xf32, #tpu.memory_space<vmem_shared>> -> memref<10240x16xf32, #tpu.memory_space<vmem_shared>>
      tpu.enqueue_indirect_dma source(%arg5 : memref<128x16xf32, #tpu.memory_space<vmem>>) target(%dma_start3A_245 : memref<10240x16xf32, #tpu.memory_space<vmem_shared>>) offsets(%dma_start3A_242 : memref<128xi32, #tpu.memory_space<vmem>>) semaphore(%arg8 : memref<!tpu.dma_semaphore, #tpu.memory_space<semaphore_mem>>) {add = true}
      %dma_start3A_246 = arith.constant 13 : i32
      %dma_start3A_247 = arith.constant 0 : i32
      %dma_start3A_248 = tpu.memref_slice %arg4[%dma_start3A_246, %dma_start3A_247] : memref<16x128xi32, #tpu.memory_space<vmem>> -> memref<1x128xi32, #tpu.memory_space<vmem>>
      %dma_start3A_249 = tpu.memref_squeeze %dma_start3A_248 : memref<1x128xi32, #tpu.memory_space<vmem>> -> memref<128xi32, #tpu.memory_space<vmem>>
      %dma_start3A_250 = arith.constant 0 : i32
      %dma_start3A_251 = arith.constant 0 : i32
      %dma_start3A_252 = tpu.memref_slice %arg6[%dma_start3A_250, %dma_start3A_251] : memref<10240x16xf32, #tpu.memory_space<vmem_shared>> -> memref<10240x16xf32, #tpu.memory_space<vmem_shared>>
      tpu.enqueue_indirect_dma source(%arg5 : memref<128x16xf32, #tpu.memory_space<vmem>>) target(%dma_start3A_252 : memref<10240x16xf32, #tpu.memory_space<vmem_shared>>) offsets(%dma_start3A_249 : memref<128xi32, #tpu.memory_space<vmem>>) semaphore(%arg8 : memref<!tpu.dma_semaphore, #tpu.memory_space<semaphore_mem>>) {add = true}
      %dma_start3A_253 = arith.constant 14 : i32
      %dma_start3A_254 = arith.constant 0 : i32
      %dma_start3A_255 = tpu.memref_slice %arg4[%dma_start3A_253, %dma_start3A_254] : memref<16x128xi32, #tpu.memory_space<vmem>> -> memref<1x128xi32, #tpu.memory_space<vmem>>
      %dma_start3A_256 = tpu.memref_squeeze %dma_start3A_255 : memref<1x128xi32, #tpu.memory_space<vmem>> -> memref<128xi32, #tpu.memory_space<vmem>>
      %dma_start3A_257 = arith.constant 0 : i32
      %dma_start3A_258 = arith.constant 0 : i32
      %dma_start3A_259 = tpu.memref_slice %arg6[%dma_start3A_257, %dma_start3A_258] : memref<10240x16xf32, #tpu.memory_space<vmem_shared>> -> memref<10240x16xf32, #tpu.memory_space<vmem_shared>>
      tpu.enqueue_indirect_dma source(%arg5 : memref<128x16xf32, #tpu.memory_space<vmem>>) target(%dma_start3A_259 : memref<10240x16xf32, #tpu.memory_space<vmem_shared>>) offsets(%dma_start3A_256 : memref<128xi32, #tpu.memory_space<vmem>>) semaphore(%arg8 : memref<!tpu.dma_semaphore, #tpu.memory_space<semaphore_mem>>) {add = true}
      %dma_start3A_260 = arith.constant 15 : i32
      %dma_start3A_261 = arith.constant 0 : i32
      %dma_start3A_262 = tpu.memref_slice %arg4[%dma_start3A_260, %dma_start3A_261] : memref<16x128xi32, #tpu.memory_space<vmem>> -> memref<1x128xi32, #tpu.memory_space<vmem>>
      %dma_start3A_263 = tpu.memref_squeeze %dma_start3A_262 : memref<1x128xi32, #tpu.memory_space<vmem>> -> memref<128xi32, #tpu.memory_space<vmem>>
      %dma_start3A_264 = arith.constant 0 : i32
      %dma_start3A_265 = arith.constant 0 : i32
      %dma_start3A_266 = tpu.memref_slice %arg6[%dma_start3A_264, %dma_start3A_265] : memref<10240x16xf32, #tpu.memory_space<vmem_shared>> -> memref<10240x16xf32, #tpu.memory_space<vmem_shared>>
      tpu.enqueue_indirect_dma source(%arg5 : memref<128x16xf32, #tpu.memory_space<vmem>>) target(%dma_start3A_266 : memref<10240x16xf32, #tpu.memory_space<vmem_shared>>) offsets(%dma_start3A_263 : memref<128xi32, #tpu.memory_space<vmem>>) semaphore(%arg8 : memref<!tpu.dma_semaphore, #tpu.memory_space<semaphore_mem>>) {add = true}
    }
    %scan3A_13 = arith.constant 5 : i32
    %dma_wait3A = arith.constant 0 : i32
    %dma_wait3A_14 = arith.constant 0 : i32
    %dma_wait3A_15 = tpu.memref_slice %arg4[%dma_wait3A, %dma_wait3A_14] : memref<16x128xi32, #tpu.memory_space<vmem>> -> memref<1x128xi32, #tpu.memory_space<vmem>>
    %dma_wait3A_16 = tpu.memref_squeeze %dma_wait3A_15 : memref<1x128xi32, #tpu.memory_space<vmem>> -> memref<128xi32, #tpu.memory_space<vmem>>
    %dma_wait3A_17 = arith.constant 0 : i32
    %dma_wait3A_18 = arith.constant 0 : i32
    %dma_wait3A_19 = tpu.memref_slice %arg6[%dma_wait3A_17, %dma_wait3A_18] : memref<10240x16xf32, #tpu.memory_space<vmem_shared>> -> memref<10240x16xf32, #tpu.memory_space<vmem_shared>>
    tpu.wait_indirect_dma semaphore(%arg8 : memref<!tpu.dma_semaphore, #tpu.memory_space<semaphore_mem>>) src(%arg5 : memref<128x16xf32, #tpu.memory_space<vmem>>) dst(%dma_wait3A_19 : memref<10240x16xf32, #tpu.memory_space<vmem_shared>>)
    %dma_wait3A_20 = arith.constant 1 : i32
    %dma_wait3A_21 = arith.constant 0 : i32
    %dma_wait3A_22 = tpu.memref_slice %arg4[%dma_wait3A_20, %dma_wait3A_21] : memref<16x128xi32, #tpu.memory_space<vmem>> -> memref<1x128xi32, #tpu.memory_space<vmem>>
    %dma_wait3A_23 = tpu.memref_squeeze %dma_wait3A_22 : memref<1x128xi32, #tpu.memory_space<vmem>> -> memref<128xi32, #tpu.memory_space<vmem>>
    %dma_wait3A_24 = arith.constant 0 : i32
    %dma_wait3A_25 = arith.constant 0 : i32
    %dma_wait3A_26 = tpu.memref_slice %arg6[%dma_wait3A_24, %dma_wait3A_25] : memref<10240x16xf32, #tpu.memory_space<vmem_shared>> -> memref<10240x16xf32, #tpu.memory_space<vmem_shared>>
    tpu.wait_indirect_dma semaphore(%arg8 : memref<!tpu.dma_semaphore, #tpu.memory_space<semaphore_mem>>) src(%arg5 : memref<128x16xf32, #tpu.memory_space<vmem>>) dst(%dma_wait3A_26 : memref<10240x16xf32, #tpu.memory_space<vmem_shared>>)
    %dma_wait3A_27 = arith.constant 2 : i32
    %dma_wait3A_28 = arith.constant 0 : i32
    %dma_wait3A_29 = tpu.memref_slice %arg4[%dma_wait3A_27, %dma_wait3A_28] : memref<16x128xi32, #tpu.memory_space<vmem>> -> memref<1x128xi32, #tpu.memory_space<vmem>>
    %dma_wait3A_30 = tpu.memref_squeeze %dma_wait3A_29 : memref<1x128xi32, #tpu.memory_space<vmem>> -> memref<128xi32, #tpu.memory_space<vmem>>
    %dma_wait3A_31 = arith.constant 0 : i32
    %dma_wait3A_32 = arith.constant 0 : i32
    %dma_wait3A_33 = tpu.memref_slice %arg6[%dma_wait3A_31, %dma_wait3A_32] : memref<10240x16xf32, #tpu.memory_space<vmem_shared>> -> memref<10240x16xf32, #tpu.memory_space<vmem_shared>>
    tpu.wait_indirect_dma semaphore(%arg8 : memref<!tpu.dma_semaphore, #tpu.memory_space<semaphore_mem>>) src(%arg5 : memref<128x16xf32, #tpu.memory_space<vmem>>) dst(%dma_wait3A_33 : memref<10240x16xf32, #tpu.memory_space<vmem_shared>>)
    %dma_wait3A_34 = arith.constant 3 : i32
    %dma_wait3A_35 = arith.constant 0 : i32
    %dma_wait3A_36 = tpu.memref_slice %arg4[%dma_wait3A_34, %dma_wait3A_35] : memref<16x128xi32, #tpu.memory_space<vmem>> -> memref<1x128xi32, #tpu.memory_space<vmem>>
    %dma_wait3A_37 = tpu.memref_squeeze %dma_wait3A_36 : memref<1x128xi32, #tpu.memory_space<vmem>> -> memref<128xi32, #tpu.memory_space<vmem>>
    %dma_wait3A_38 = arith.constant 0 : i32
    %dma_wait3A_39 = arith.constant 0 : i32
    %dma_wait3A_40 = tpu.memref_slice %arg6[%dma_wait3A_38, %dma_wait3A_39] : memref<10240x16xf32, #tpu.memory_space<vmem_shared>> -> memref<10240x16xf32, #tpu.memory_space<vmem_shared>>
    tpu.wait_indirect_dma semaphore(%arg8 : memref<!tpu.dma_semaphore, #tpu.memory_space<semaphore_mem>>) src(%arg5 : memref<128x16xf32, #tpu.memory_space<vmem>>) dst(%dma_wait3A_40 : memref<10240x16xf32, #tpu.memory_space<vmem_shared>>)
    %dma_wait3A_41 = arith.constant 4 : i32
    %dma_wait3A_42 = arith.constant 0 : i32
    %dma_wait3A_43 = tpu.memref_slice %arg4[%dma_wait3A_41, %dma_wait3A_42] : memref<16x128xi32, #tpu.memory_space<vmem>> -> memref<1x128xi32, #tpu.memory_space<vmem>>
    %dma_wait3A_44 = tpu.memref_squeeze %dma_wait3A_43 : memref<1x128xi32, #tpu.memory_space<vmem>> -> memref<128xi32, #tpu.memory_space<vmem>>
    %dma_wait3A_45 = arith.constant 0 : i32
    %dma_wait3A_46 = arith.constant 0 : i32
    %dma_wait3A_47 = tpu.memref_slice %arg6[%dma_wait3A_45, %dma_wait3A_46] : memref<10240x16xf32, #tpu.memory_space<vmem_shared>> -> memref<10240x16xf32, #tpu.memory_space<vmem_shared>>
    tpu.wait_indirect_dma semaphore(%arg8 : memref<!tpu.dma_semaphore, #tpu.memory_space<semaphore_mem>>) src(%arg5 : memref<128x16xf32, #tpu.memory_space<vmem>>) dst(%dma_wait3A_47 : memref<10240x16xf32, #tpu.memory_space<vmem_shared>>)
    %dma_wait3A_48 = arith.constant 5 : i32
    %dma_wait3A_49 = arith.constant 0 : i32
    %dma_wait3A_50 = tpu.memref_slice %arg4[%dma_wait3A_48, %dma_wait3A_49] : memref<16x128xi32, #tpu.memory_space<vmem>> -> memref<1x128xi32, #tpu.memory_space<vmem>>
    %dma_wait3A_51 = tpu.memref_squeeze %dma_wait3A_50 : memref<1x128xi32, #tpu.memory_space<vmem>> -> memref<128xi32, #tpu.memory_space<vmem>>
    %dma_wait3A_52 = arith.constant 0 : i32
    %dma_wait3A_53 = arith.constant 0 : i32
    %dma_wait3A_54 = tpu.memref_slice %arg6[%dma_wait3A_52, %dma_wait3A_53] : memref<10240x16xf32, #tpu.memory_space<vmem_shared>> -> memref<10240x16xf32, #tpu.memory_space<vmem_shared>>
    tpu.wait_indirect_dma semaphore(%arg8 : memref<!tpu.dma_semaphore, #tpu.memory_space<semaphore_mem>>) src(%arg5 : memref<128x16xf32, #tpu.memory_space<vmem>>) dst(%dma_wait3A_54 : memref<10240x16xf32, #tpu.memory_space<vmem_shared>>)
    %dma_wait3A_55 = arith.constant 6 : i32
    %dma_wait3A_56 = arith.constant 0 : i32
    %dma_wait3A_57 = tpu.memref_slice %arg4[%dma_wait3A_55, %dma_wait3A_56] : memref<16x128xi32, #tpu.memory_space<vmem>> -> memref<1x128xi32, #tpu.memory_space<vmem>>
    %dma_wait3A_58 = tpu.memref_squeeze %dma_wait3A_57 : memref<1x128xi32, #tpu.memory_space<vmem>> -> memref<128xi32, #tpu.memory_space<vmem>>
    %dma_wait3A_59 = arith.constant 0 : i32
    %dma_wait3A_60 = arith.constant 0 : i32
    %dma_wait3A_61 = tpu.memref_slice %arg6[%dma_wait3A_59, %dma_wait3A_60] : memref<10240x16xf32, #tpu.memory_space<vmem_shared>> -> memref<10240x16xf32, #tpu.memory_space<vmem_shared>>
    tpu.wait_indirect_dma semaphore(%arg8 : memref<!tpu.dma_semaphore, #tpu.memory_space<semaphore_mem>>) src(%arg5 : memref<128x16xf32, #tpu.memory_space<vmem>>) dst(%dma_wait3A_61 : memref<10240x16xf32, #tpu.memory_space<vmem_shared>>)
    %dma_wait3A_62 = arith.constant 7 : i32
    %dma_wait3A_63 = arith.constant 0 : i32
    %dma_wait3A_64 = tpu.memref_slice %arg4[%dma_wait3A_62, %dma_wait3A_63] : memref<16x128xi32, #tpu.memory_space<vmem>> -> memref<1x128xi32, #tpu.memory_space<vmem>>
    %dma_wait3A_65 = tpu.memref_squeeze %dma_wait3A_64 : memref<1x128xi32, #tpu.memory_space<vmem>> -> memref<128xi32, #tpu.memory_space<vmem>>
    %dma_wait3A_66 = arith.constant 0 : i32
    %dma_wait3A_67 = arith.constant 0 : i32
    %dma_wait3A_68 = tpu.memref_slice %arg6[%dma_wait3A_66, %dma_wait3A_67] : memref<10240x16xf32, #tpu.memory_space<vmem_shared>> -> memref<10240x16xf32, #tpu.memory_space<vmem_shared>>
    tpu.wait_indirect_dma semaphore(%arg8 : memref<!tpu.dma_semaphore, #tpu.memory_space<semaphore_mem>>) src(%arg5 : memref<128x16xf32, #tpu.memory_space<vmem>>) dst(%dma_wait3A_68 : memref<10240x16xf32, #tpu.memory_space<vmem_shared>>)
    %dma_wait3A_69 = arith.constant 8 : i32
    %dma_wait3A_70 = arith.constant 0 : i32
    %dma_wait3A_71 = tpu.memref_slice %arg4[%dma_wait3A_69, %dma_wait3A_70] : memref<16x128xi32, #tpu.memory_space<vmem>> -> memref<1x128xi32, #tpu.memory_space<vmem>>
    %dma_wait3A_72 = tpu.memref_squeeze %dma_wait3A_71 : memref<1x128xi32, #tpu.memory_space<vmem>> -> memref<128xi32, #tpu.memory_space<vmem>>
    %dma_wait3A_73 = arith.constant 0 : i32
    %dma_wait3A_74 = arith.constant 0 : i32
    %dma_wait3A_75 = tpu.memref_slice %arg6[%dma_wait3A_73, %dma_wait3A_74] : memref<10240x16xf32, #tpu.memory_space<vmem_shared>> -> memref<10240x16xf32, #tpu.memory_space<vmem_shared>>
    tpu.wait_indirect_dma semaphore(%arg8 : memref<!tpu.dma_semaphore, #tpu.memory_space<semaphore_mem>>) src(%arg5 : memref<128x16xf32, #tpu.memory_space<vmem>>) dst(%dma_wait3A_75 : memref<10240x16xf32, #tpu.memory_space<vmem_shared>>)
    %dma_wait3A_76 = arith.constant 9 : i32
    %dma_wait3A_77 = arith.constant 0 : i32
    %dma_wait3A_78 = tpu.memref_slice %arg4[%dma_wait3A_76, %dma_wait3A_77] : memref<16x128xi32, #tpu.memory_space<vmem>> -> memref<1x128xi32, #tpu.memory_space<vmem>>
    %dma_wait3A_79 = tpu.memref_squeeze %dma_wait3A_78 : memref<1x128xi32, #tpu.memory_space<vmem>> -> memref<128xi32, #tpu.memory_space<vmem>>
    %dma_wait3A_80 = arith.constant 0 : i32
    %dma_wait3A_81 = arith.constant 0 : i32
    %dma_wait3A_82 = tpu.memref_slice %arg6[%dma_wait3A_80, %dma_wait3A_81] : memref<10240x16xf32, #tpu.memory_space<vmem_shared>> -> memref<10240x16xf32, #tpu.memory_space<vmem_shared>>
    tpu.wait_indirect_dma semaphore(%arg8 : memref<!tpu.dma_semaphore, #tpu.memory_space<semaphore_mem>>) src(%arg5 : memref<128x16xf32, #tpu.memory_space<vmem>>) dst(%dma_wait3A_82 : memref<10240x16xf32, #tpu.memory_space<vmem_shared>>)
    %dma_wait3A_83 = arith.constant 10 : i32
    %dma_wait3A_84 = arith.constant 0 : i32
    %dma_wait3A_85 = tpu.memref_slice %arg4[%dma_wait3A_83, %dma_wait3A_84] : memref<16x128xi32, #tpu.memory_space<vmem>> -> memref<1x128xi32, #tpu.memory_space<vmem>>
    %dma_wait3A_86 = tpu.memref_squeeze %dma_wait3A_85 : memref<1x128xi32, #tpu.memory_space<vmem>> -> memref<128xi32, #tpu.memory_space<vmem>>
    %dma_wait3A_87 = arith.constant 0 : i32
    %dma_wait3A_88 = arith.constant 0 : i32
    %dma_wait3A_89 = tpu.memref_slice %arg6[%dma_wait3A_87, %dma_wait3A_88] : memref<10240x16xf32, #tpu.memory_space<vmem_shared>> -> memref<10240x16xf32, #tpu.memory_space<vmem_shared>>
    tpu.wait_indirect_dma semaphore(%arg8 : memref<!tpu.dma_semaphore, #tpu.memory_space<semaphore_mem>>) src(%arg5 : memref<128x16xf32, #tpu.memory_space<vmem>>) dst(%dma_wait3A_89 : memref<10240x16xf32, #tpu.memory_space<vmem_shared>>)
    %dma_wait3A_90 = arith.constant 11 : i32
    %dma_wait3A_91 = arith.constant 0 : i32
    %dma_wait3A_92 = tpu.memref_slice %arg4[%dma_wait3A_90, %dma_wait3A_91] : memref<16x128xi32, #tpu.memory_space<vmem>> -> memref<1x128xi32, #tpu.memory_space<vmem>>
    %dma_wait3A_93 = tpu.memref_squeeze %dma_wait3A_92 : memref<1x128xi32, #tpu.memory_space<vmem>> -> memref<128xi32, #tpu.memory_space<vmem>>
    %dma_wait3A_94 = arith.constant 0 : i32
    %dma_wait3A_95 = arith.constant 0 : i32
    %dma_wait3A_96 = tpu.memref_slice %arg6[%dma_wait3A_94, %dma_wait3A_95] : memref<10240x16xf32, #tpu.memory_space<vmem_shared>> -> memref<10240x16xf32, #tpu.memory_space<vmem_shared>>
    tpu.wait_indirect_dma semaphore(%arg8 : memref<!tpu.dma_semaphore, #tpu.memory_space<semaphore_mem>>) src(%arg5 : memref<128x16xf32, #tpu.memory_space<vmem>>) dst(%dma_wait3A_96 : memref<10240x16xf32, #tpu.memory_space<vmem_shared>>)
    %dma_wait3A_97 = arith.constant 12 : i32
    %dma_wait3A_98 = arith.constant 0 : i32
    %dma_wait3A_99 = tpu.memref_slice %arg4[%dma_wait3A_97, %dma_wait3A_98] : memref<16x128xi32, #tpu.memory_space<vmem>> -> memref<1x128xi32, #tpu.memory_space<vmem>>
    %dma_wait3A_100 = tpu.memref_squeeze %dma_wait3A_99 : memref<1x128xi32, #tpu.memory_space<vmem>> -> memref<128xi32, #tpu.memory_space<vmem>>
    %dma_wait3A_101 = arith.constant 0 : i32
    %dma_wait3A_102 = arith.constant 0 : i32
    %dma_wait3A_103 = tpu.memref_slice %arg6[%dma_wait3A_101, %dma_wait3A_102] : memref<10240x16xf32, #tpu.memory_space<vmem_shared>> -> memref<10240x16xf32, #tpu.memory_space<vmem_shared>>
    tpu.wait_indirect_dma semaphore(%arg8 : memref<!tpu.dma_semaphore, #tpu.memory_space<semaphore_mem>>) src(%arg5 : memref<128x16xf32, #tpu.memory_space<vmem>>) dst(%dma_wait3A_103 : memref<10240x16xf32, #tpu.memory_space<vmem_shared>>)
    %dma_wait3A_104 = arith.constant 13 : i32
    %dma_wait3A_105 = arith.constant 0 : i32
    %dma_wait3A_106 = tpu.memref_slice %arg4[%dma_wait3A_104, %dma_wait3A_105] : memref<16x128xi32, #tpu.memory_space<vmem>> -> memref<1x128xi32, #tpu.memory_space<vmem>>
    %dma_wait3A_107 = tpu.memref_squeeze %dma_wait3A_106 : memref<1x128xi32, #tpu.memory_space<vmem>> -> memref<128xi32, #tpu.memory_space<vmem>>
    %dma_wait3A_108 = arith.constant 0 : i32
    %dma_wait3A_109 = arith.constant 0 : i32
    %dma_wait3A_110 = tpu.memref_slice %arg6[%dma_wait3A_108, %dma_wait3A_109] : memref<10240x16xf32, #tpu.memory_space<vmem_shared>> -> memref<10240x16xf32, #tpu.memory_space<vmem_shared>>
    tpu.wait_indirect_dma semaphore(%arg8 : memref<!tpu.dma_semaphore, #tpu.memory_space<semaphore_mem>>) src(%arg5 : memref<128x16xf32, #tpu.memory_space<vmem>>) dst(%dma_wait3A_110 : memref<10240x16xf32, #tpu.memory_space<vmem_shared>>)
    %dma_wait3A_111 = arith.constant 14 : i32
    %dma_wait3A_112 = arith.constant 0 : i32
    %dma_wait3A_113 = tpu.memref_slice %arg4[%dma_wait3A_111, %dma_wait3A_112] : memref<16x128xi32, #tpu.memory_space<vmem>> -> memref<1x128xi32, #tpu.memory_space<vmem>>
    %dma_wait3A_114 = tpu.memref_squeeze %dma_wait3A_113 : memref<1x128xi32, #tpu.memory_space<vmem>> -> memref<128xi32, #tpu.memory_space<vmem>>
    %dma_wait3A_115 = arith.constant 0 : i32
    %dma_wait3A_116 = arith.constant 0 : i32
    %dma_wait3A_117 = tpu.memref_slice %arg6[%dma_wait3A_115, %dma_wait3A_116] : memref<10240x16xf32, #tpu.memory_space<vmem_shared>> -> memref<10240x16xf32, #tpu.memory_space<vmem_shared>>
    tpu.wait_indirect_dma semaphore(%arg8 : memref<!tpu.dma_semaphore, #tpu.memory_space<semaphore_mem>>) src(%arg5 : memref<128x16xf32, #tpu.memory_space<vmem>>) dst(%dma_wait3A_117 : memref<10240x16xf32, #tpu.memory_space<vmem_shared>>)
    %dma_wait3A_118 = arith.constant 15 : i32
    %dma_wait3A_119 = arith.constant 0 : i32
    %dma_wait3A_120 = tpu.memref_slice %arg4[%dma_wait3A_118, %dma_wait3A_119] : memref<16x128xi32, #tpu.memory_space<vmem>> -> memref<1x128xi32, #tpu.memory_space<vmem>>
    %dma_wait3A_121 = tpu.memref_squeeze %dma_wait3A_120 : memref<1x128xi32, #tpu.memory_space<vmem>> -> memref<128xi32, #tpu.memory_space<vmem>>
    %dma_wait3A_122 = arith.constant 0 : i32
    %dma_wait3A_123 = arith.constant 0 : i32
    %dma_wait3A_124 = tpu.memref_slice %arg6[%dma_wait3A_122, %dma_wait3A_123] : memref<10240x16xf32, #tpu.memory_space<vmem_shared>> -> memref<10240x16xf32, #tpu.memory_space<vmem_shared>>
    tpu.wait_indirect_dma semaphore(%arg8 : memref<!tpu.dma_semaphore, #tpu.memory_space<semaphore_mem>>) src(%arg5 : memref<128x16xf32, #tpu.memory_space<vmem>>) dst(%dma_wait3A_124 : memref<10240x16xf32, #tpu.memory_space<vmem_shared>>)
    %barrier3A_125 = arith.constant 0 : index
    tpu.barrier barrier_id(%barrier3A_125)
    %mul3A = arith.constant 640 : i32
    %mul3A_126 = arith.muli %arg1, %mul3A : i32
    %mul3A_127 = arith.constant 10240 : i32
    %mul3A_128 = arith.muli %arg0, %mul3A_127 : i32
    %mul3A_129 = arith.constant 640 : i32
    %mul3A_130 = arith.muli %arg1, %mul3A_129 : i32
    %add3A = arith.addi %mul3A_128, %mul3A_130 : i32
    "tpu.region"() ({
      %run_scoped3A = tpu.sem_alloc : memref<!tpu.dma_semaphore, #tpu.memory_space<semaphore_mem>>
      %dma_start3A = arith.constant 0 : i32
      %dma_start3A_131 = tpu.memref_slice %arg3[%add3A, %dma_start3A] : memref<20480x16xf32, #tpu.memory_space<hbm>> -> memref<640x16xf32, #tpu.memory_space<hbm>>
      %dma_start3A_132 = arith.constant 0 : i32
      %dma_start3A_133 = tpu.memref_slice %arg6[%mul3A_126, %dma_start3A_132] : memref<10240x16xf32, #tpu.memory_space<vmem_shared>> -> memref<640x16xf32, #tpu.memory_space<vmem_shared>>
      tpu.enqueue_dma source(%dma_start3A_133 : memref<640x16xf32, #tpu.memory_space<vmem_shared>>) target(%dma_start3A_131 : memref<640x16xf32, #tpu.memory_space<hbm>>) target_semaphore(%run_scoped3A : memref<!tpu.dma_semaphore, #tpu.memory_space<semaphore_mem>>)
      %dma_wait3A_134 = arith.constant 0 : i32
      %dma_wait3A_135 = tpu.memref_slice %arg3[%add3A, %dma_wait3A_134] : memref<20480x16xf32, #tpu.memory_space<hbm>> -> memref<640x16xf32, #tpu.memory_space<hbm>>
      %dma_wait3A_136 = arith.constant 0 : i32
      %dma_wait3A_137 = tpu.memref_slice %arg6[%mul3A_126, %dma_wait3A_136] : memref<10240x16xf32, #tpu.memory_space<vmem_shared>> -> memref<640x16xf32, #tpu.memory_space<vmem_shared>>
      tpu.wait_dma2 semaphore(%run_scoped3A : memref<!tpu.dma_semaphore, #tpu.memory_space<semaphore_mem>>) src(%dma_wait3A_137 : memref<640x16xf32, #tpu.memory_space<vmem_shared>>) dst(%dma_wait3A_135 : memref<640x16xf32, #tpu.memory_space<hbm>>)
      tpu.yield
    }) : () -> ()
    return
  }
}

#map = affine_map<(d0, d1) -> (0, 0)>
module attributes {stable_mosaic.version = 14 : i64} {
  func.func @scat(%arg0: i32, %arg1: i32, %arg2: memref<10240x128xf32, #tpu.memory_space<hbm>>, %arg3: memref<2560x128xi32, #tpu.memory_space<hbm>>, %arg4: memref<2560x128xi32, #tpu.memory_space<hbm>>, %arg5: memref<10240x128xf32, #tpu.memory_space<hbm>>, %arg6: memref<10240x128xf32, #tpu.memory_space<hbm>>, %arg7: memref<16x128xi32, #tpu.memory_space<vmem>>, %arg8: memref<16x128xi32, #tpu.memory_space<vmem>>, %arg9: memref<128x128xf32, #tpu.memory_space<vmem>>, %arg10: memref<128x128xf32, #tpu.memory_space<vmem>>, %arg11: memref<10240x128xf32, #tpu.memory_space<vmem_shared>>, %arg12: memref<!tpu.dma_semaphore, #tpu.memory_space<semaphore_mem>>, %arg13: memref<!tpu.dma_semaphore, #tpu.memory_space<semaphore_mem>>, %arg14: memref<!tpu.dma_semaphore, #tpu.memory_space<semaphore_mem>>, %arg15: memref<!tpu.dma_semaphore, #tpu.memory_space<semaphore_mem>>, %arg16: memref<!tpu.dma_semaphore, #tpu.memory_space<semaphore_mem>>) attributes {dimension_semantics = [#tpu.dimension_semantics<core_parallel>, #tpu.dimension_semantics<subcore_parallel>], iteration_bounds = array<i64: 2, 16>, scalar_prefetch = 0 : i64, scratch_operands = 10 : i64, tpu.core_type = #tpu.core_type<sc_vector_subcore>, window_params = [{transform_indices = #map}, {transform_indices = #map}, {transform_indices = #map}, {transform_indices = #map}, {transform_indices = #map}]} {
    %scan3A = arith.constant 0 : i32
    %scan3A_0 = arith.constant 128 : i32
    %scan3A_1 = arith.addi %scan3A, %scan3A_0 : i32
    %scan3A_2 = arith.constant 1 : i32
    scf.for %scan3A_38 = %scan3A to %scan3A_1 step %scan3A_2  : i32 {
      %mul3A_39 = arith.constant 1 : i32
      %mul3A_40 = arith.muli %scan3A_38, %mul3A_39 : i32
      %add3A_41 = arith.constant 0 : i32
      %add3A_42 = arith.addi %add3A_41, %mul3A_40 : i32
      %scan3A_43 = arith.constant 0 : i32
      %scan3A_44 = arith.constant 8 : i32
      %scan3A_45 = arith.addi %scan3A_43, %scan3A_44 : i32
      %scan3A_46 = arith.constant 1 : i32
      scf.for %scan3A_48 = %scan3A_43 to %scan3A_45 step %scan3A_46  : i32 {
        %mul3A_49 = arith.constant 1 : i32
        %mul3A_50 = arith.muli %scan3A_48, %mul3A_49 : i32
        %add3A_51 = arith.constant 0 : i32
        %add3A_52 = arith.addi %add3A_51, %mul3A_50 : i32
        %broadcast_in_dim3A = arith.constant 0.000000e+00 : f32
        %broadcast_in_dim3A_53 = vector.broadcast %broadcast_in_dim3A : f32 to vector<16xf32>
        %mul3A_54 = arith.constant 16 : i32
        %mul3A_55 = arith.muli %add3A_52, %mul3A_54 : i32
        %swap3A = arith.index_cast %add3A_42 : i32 to index
        %swap3A_56 = arith.index_cast %mul3A_55 : i32 to index
        %swap3A_57 = tpu.vector_load %arg9[%swap3A, %swap3A_56] {strides = array<i32>} : memref<128x128xf32, #tpu.memory_space<vmem>>, vector<1x16xf32>,
        %swap3A_58 = vector.shape_cast %swap3A_57 : vector<1x16xf32> to vector<16xf32>
        %swap3A_59 = vector.shape_cast %broadcast_in_dim3A_53 : vector<16xf32> to vector<1x16xf32>
        tpu.vector_store %arg9[%swap3A, %swap3A_56], %swap3A_59 {strides = array<i32>} : memref<128x128xf32, #tpu.memory_space<vmem>>, vector<1x16xf32>,
      }
      %scan3A_47 = arith.constant 8 : i32
    }
    %scan3A_3 = arith.constant 128 : i32
    %scan3A_4 = arith.constant 0 : i32
    %scan3A_5 = arith.constant 5 : i32
    %scan3A_6 = arith.addi %scan3A_4, %scan3A_5 : i32
    %scan3A_7 = arith.constant 1 : i32
    scf.for %scan3A_38 = %scan3A_4 to %scan3A_6 step %scan3A_7  : i32 {
      %mul3A_39 = arith.constant 1 : i32
      %mul3A_40 = arith.muli %scan3A_38, %mul3A_39 : i32
      %add3A_41 = arith.constant 0 : i32
      %add3A_42 = arith.addi %add3A_41, %mul3A_40 : i32
      %mul3A_43 = arith.constant 640 : i32
      %mul3A_44 = arith.muli %arg1, %mul3A_43 : i32
      %mul3A_45 = arith.constant 128 : i32
      %mul3A_46 = arith.muli %add3A_42, %mul3A_45 : i32
      %add3A_47 = arith.addi %mul3A_44, %mul3A_46 : i32
      "tpu.region"() ({
        %run_scoped3A = tpu.sem_alloc : memref<!tpu.dma_semaphore, #tpu.memory_space<semaphore_mem>>
        %dma_start3A = arith.constant 0 : i32
        %dma_start3A_48 = tpu.memref_slice %arg11[%add3A_47, %dma_start3A] : memref<10240x128xf32, #tpu.memory_space<vmem_shared>> -> memref<128x128xf32, #tpu.memory_space<vmem_shared>>
        %dma_start3A_49 = arith.constant 0 : i32
        %dma_start3A_50 = tpu.memref_slice %arg11[%add3A_47, %dma_start3A_49] : memref<10240x128xf32, #tpu.memory_space<vmem_shared>> -> memref<128x128xf32, #tpu.memory_space<vmem_shared>>
        tpu.enqueue_dma source(%arg9 : memref<128x128xf32, #tpu.memory_space<vmem>>) target(%dma_start3A_50 : memref<128x128xf32, #tpu.memory_space<vmem_shared>>) target_semaphore(%run_scoped3A : memref<!tpu.dma_semaphore, #tpu.memory_space<semaphore_mem>>)
        %dma_wait3A_51 = arith.constant 0 : i32
        %dma_wait3A_52 = tpu.memref_slice %arg11[%add3A_47, %dma_wait3A_51] : memref<10240x128xf32, #tpu.memory_space<vmem_shared>> -> memref<128x128xf32, #tpu.memory_space<vmem_shared>>
        %dma_wait3A_53 = arith.constant 0 : i32
        %dma_wait3A_54 = tpu.memref_slice %arg11[%add3A_47, %dma_wait3A_53] : memref<10240x128xf32, #tpu.memory_space<vmem_shared>> -> memref<128x128xf32, #tpu.memory_space<vmem_shared>>
        tpu.wait_dma2 semaphore(%run_scoped3A : memref<!tpu.dma_semaphore, #tpu.memory_space<semaphore_mem>>) src(%arg9 : memref<128x128xf32, #tpu.memory_space<vmem>>) dst(%dma_wait3A_54 : memref<128x128xf32, #tpu.memory_space<vmem_shared>>)
        tpu.yield
      }) : () -> ()
    }
    %scan3A_8 = arith.constant 5 : i32
    %mul3A = arith.constant 1280 : i32
    %mul3A_9 = arith.muli %arg0, %mul3A : i32
    %mul3A_10 = arith.constant 80 : i32
    %mul3A_11 = arith.muli %arg1, %mul3A_10 : i32
    %add3A = arith.addi %mul3A_9, %mul3A_11 : i32
    %barrier3A = arith.constant 0 : index
    tpu.barrier barrier_id(%barrier3A)
    %scan3A_12 = arith.constant 0 : i32
    %scan3A_13 = arith.constant 5 : i32
    %scan3A_14 = arith.addi %scan3A_12, %scan3A_13 : i32
    %scan3A_15 = arith.constant 1 : i32
    scf.for %scan3A_38 = %scan3A_12 to %scan3A_14 step %scan3A_15  : i32 {
      %mul3A_39 = arith.constant 1 : i32
      %mul3A_40 = arith.muli %scan3A_38, %mul3A_39 : i32
      %add3A_41 = arith.constant 0 : i32
      %add3A_42 = arith.addi %add3A_41, %mul3A_40 : i32
      %gt3A = arith.constant 0 : i32
      %gt3A_43 = arith.cmpi sgt, %add3A_42, %gt3A : i32
      %convert_element_type3A_44 = arith.extui %gt3A_43 : i1 to i32
      %cond3A_45 = arith.constant 0 : i32
      %cond3A_46 = arith.cmpi ne, %convert_element_type3A_44, %cond3A_45 : i32
      scf.if %cond3A_46 {
        %dma_wait3A_502 = arith.constant 14 : i32
        %dma_wait3A_503 = arith.constant 0 : i32
        %dma_wait3A_504 = tpu.memref_slice %arg8[%dma_wait3A_502, %dma_wait3A_503] : memref<16x128xi32, #tpu.memory_space<vmem>> -> memref<1x128xi32, #tpu.memory_space<vmem>>
        %dma_wait3A_505 = tpu.memref_squeeze %dma_wait3A_504 : memref<1x128xi32, #tpu.memory_space<vmem>> -> memref<128xi32, #tpu.memory_space<vmem>>
        %dma_wait3A_506 = arith.constant 0 : i32
        %dma_wait3A_507 = arith.constant 0 : i32
        %dma_wait3A_508 = tpu.memref_slice %arg11[%dma_wait3A_506, %dma_wait3A_507] : memref<10240x128xf32, #tpu.memory_space<vmem_shared>> -> memref<10240x128xf32, #tpu.memory_space<vmem_shared>>
        tpu.wait_indirect_dma semaphore(%arg15 : memref<!tpu.dma_semaphore, #tpu.memory_space<semaphore_mem>>) src(%arg9 : memref<128x128xf32, #tpu.memory_space<vmem>>) dst(%dma_wait3A_508 : memref<10240x128xf32, #tpu.memory_space<vmem_shared>>)
        %dma_wait3A_509 = arith.constant 15 : i32
        %dma_wait3A_510 = arith.constant 0 : i32
        %dma_wait3A_511 = tpu.memref_slice %arg8[%dma_wait3A_509, %dma_wait3A_510] : memref<16x128xi32, #tpu.memory_space<vmem>> -> memref<1x128xi32, #tpu.memory_space<vmem>>
        %dma_wait3A_512 = tpu.memref_squeeze %dma_wait3A_511 : memref<1x128xi32, #tpu.memory_space<vmem>> -> memref<128xi32, #tpu.memory_space<vmem>>
        %dma_wait3A_513 = arith.constant 0 : i32
        %dma_wait3A_514 = arith.constant 0 : i32
        %dma_wait3A_515 = tpu.memref_slice %arg11[%dma_wait3A_513, %dma_wait3A_514] : memref<10240x128xf32, #tpu.memory_space<vmem_shared>> -> memref<10240x128xf32, #tpu.memory_space<vmem_shared>>
        tpu.wait_indirect_dma semaphore(%arg16 : memref<!tpu.dma_semaphore, #tpu.memory_space<semaphore_mem>>) src(%arg10 : memref<128x128xf32, #tpu.memory_space<vmem>>) dst(%dma_wait3A_515 : memref<10240x128xf32, #tpu.memory_space<vmem_shared>>)
      } else {
      }
      %mul3A_47 = arith.constant 16 : i32
      %mul3A_48 = arith.muli %add3A_42, %mul3A_47 : i32
      %add3A_49 = arith.addi %add3A, %mul3A_48 : i32
      %dma_start3A = arith.constant 0 : i32
      %dma_start3A_50 = tpu.memref_slice %arg3[%add3A_49, %dma_start3A] : memref<2560x128xi32, #tpu.memory_space<hbm>> -> memref<16x128xi32, #tpu.memory_space<hbm>>
      %dma_start3A_51 = arith.constant 0 : i32
      %dma_start3A_52 = tpu.memref_slice %arg3[%add3A_49, %dma_start3A_51] : memref<2560x128xi32, #tpu.memory_space<hbm>> -> memref<16x128xi32, #tpu.memory_space<hbm>>
      tpu.enqueue_dma source(%dma_start3A_52 : memref<16x128xi32, #tpu.memory_space<hbm>>) target(%arg7 : memref<16x128xi32, #tpu.memory_space<vmem>>) target_semaphore(%arg12 : memref<!tpu.dma_semaphore, #tpu.memory_space<semaphore_mem>>)
      %mul3A_53 = arith.constant 16 : i32
      %mul3A_54 = arith.muli %add3A_42, %mul3A_53 : i32
      %add3A_55 = arith.addi %add3A, %mul3A_54 : i32
      %dma_start3A_56 = arith.constant 0 : i32
      %dma_start3A_57 = tpu.memref_slice %arg4[%add3A_55, %dma_start3A_56] : memref<2560x128xi32, #tpu.memory_space<hbm>> -> memref<16x128xi32, #tpu.memory_space<hbm>>
      %dma_start3A_58 = arith.constant 0 : i32
      %dma_start3A_59 = tpu.memref_slice %arg4[%add3A_55, %dma_start3A_58] : memref<2560x128xi32, #tpu.memory_space<hbm>> -> memref<16x128xi32, #tpu.memory_space<hbm>>
      tpu.enqueue_dma source(%dma_start3A_59 : memref<16x128xi32, #tpu.memory_space<hbm>>) target(%arg8 : memref<16x128xi32, #tpu.memory_space<vmem>>) target_semaphore(%arg12 : memref<!tpu.dma_semaphore, #tpu.memory_space<semaphore_mem>>)
      %dma_wait3A_60 = arith.constant 0 : i32
      %dma_wait3A_61 = tpu.memref_slice %arg3[%add3A_49, %dma_wait3A_60] : memref<2560x128xi32, #tpu.memory_space<hbm>> -> memref<16x128xi32, #tpu.memory_space<hbm>>
      %dma_wait3A_62 = arith.constant 0 : i32
      %dma_wait3A_63 = tpu.memref_slice %arg3[%add3A_49, %dma_wait3A_62] : memref<2560x128xi32, #tpu.memory_space<hbm>> -> memref<16x128xi32, #tpu.memory_space<hbm>>
      tpu.wait_dma2 semaphore(%arg12 : memref<!tpu.dma_semaphore, #tpu.memory_space<semaphore_mem>>) src(%dma_wait3A_63 : memref<16x128xi32, #tpu.memory_space<hbm>>) dst(%arg7 : memref<16x128xi32, #tpu.memory_space<vmem>>)
      %dma_wait3A_64 = arith.constant 0 : i32
      %dma_wait3A_65 = tpu.memref_slice %arg4[%add3A_55, %dma_wait3A_64] : memref<2560x128xi32, #tpu.memory_space<hbm>> -> memref<16x128xi32, #tpu.memory_space<hbm>>
      %dma_wait3A_66 = arith.constant 0 : i32
      %dma_wait3A_67 = tpu.memref_slice %arg4[%add3A_55, %dma_wait3A_66] : memref<2560x128xi32, #tpu.memory_space<hbm>> -> memref<16x128xi32, #tpu.memory_space<hbm>>
      tpu.wait_dma2 semaphore(%arg12 : memref<!tpu.dma_semaphore, #tpu.memory_space<semaphore_mem>>) src(%dma_wait3A_67 : memref<16x128xi32, #tpu.memory_space<hbm>>) dst(%arg8 : memref<16x128xi32, #tpu.memory_space<vmem>>)
      %dma_start3A_68 = arith.constant 0 : i32
      %dma_start3A_69 = arith.constant 0 : i32
      %dma_start3A_70 = tpu.memref_slice %arg7[%dma_start3A_68, %dma_start3A_69] : memref<16x128xi32, #tpu.memory_space<vmem>> -> memref<1x128xi32, #tpu.memory_space<vmem>>
      %dma_start3A_71 = tpu.memref_squeeze %dma_start3A_70 : memref<1x128xi32, #tpu.memory_space<vmem>> -> memref<128xi32, #tpu.memory_space<vmem>>
      %dma_start3A_72 = arith.constant 0 : i32
      %dma_start3A_73 = arith.constant 0 : i32
      %dma_start3A_74 = tpu.memref_slice %arg2[%dma_start3A_72, %dma_start3A_73] : memref<10240x128xf32, #tpu.memory_space<hbm>> -> memref<10240x128xf32, #tpu.memory_space<hbm>>
      tpu.enqueue_indirect_dma source(%dma_start3A_74 : memref<10240x128xf32, #tpu.memory_space<hbm>>) target(%arg9 : memref<128x128xf32, #tpu.memory_space<vmem>>) offsets(%dma_start3A_71 : memref<128xi32, #tpu.memory_space<vmem>>) semaphore(%arg13 : memref<!tpu.dma_semaphore, #tpu.memory_space<semaphore_mem>>)
      %dma_start3A_75 = arith.constant 1 : i32
      %dma_start3A_76 = arith.constant 0 : i32
      %dma_start3A_77 = tpu.memref_slice %arg7[%dma_start3A_75, %dma_start3A_76] : memref<16x128xi32, #tpu.memory_space<vmem>> -> memref<1x128xi32, #tpu.memory_space<vmem>>
      %dma_start3A_78 = tpu.memref_squeeze %dma_start3A_77 : memref<1x128xi32, #tpu.memory_space<vmem>> -> memref<128xi32, #tpu.memory_space<vmem>>
      %dma_start3A_79 = arith.constant 0 : i32
      %dma_start3A_80 = arith.constant 0 : i32
      %dma_start3A_81 = tpu.memref_slice %arg2[%dma_start3A_79, %dma_start3A_80] : memref<10240x128xf32, #tpu.memory_space<hbm>> -> memref<10240x128xf32, #tpu.memory_space<hbm>>
      tpu.enqueue_indirect_dma source(%dma_start3A_81 : memref<10240x128xf32, #tpu.memory_space<hbm>>) target(%arg10 : memref<128x128xf32, #tpu.memory_space<vmem>>) offsets(%dma_start3A_78 : memref<128xi32, #tpu.memory_space<vmem>>) semaphore(%arg14 : memref<!tpu.dma_semaphore, #tpu.memory_space<semaphore_mem>>)
      %dma_wait3A_82 = arith.constant 0 : i32
      %dma_wait3A_83 = arith.constant 0 : i32
      %dma_wait3A_84 = tpu.memref_slice %arg7[%dma_wait3A_82, %dma_wait3A_83] : memref<16x128xi32, #tpu.memory_space<vmem>> -> memref<1x128xi32, #tpu.memory_space<vmem>>
      %dma_wait3A_85 = tpu.memref_squeeze %dma_wait3A_84 : memref<1x128xi32, #tpu.memory_space<vmem>> -> memref<128xi32, #tpu.memory_space<vmem>>
      %dma_wait3A_86 = arith.constant 0 : i32
      %dma_wait3A_87 = arith.constant 0 : i32
      %dma_wait3A_88 = tpu.memref_slice %arg2[%dma_wait3A_86, %dma_wait3A_87] : memref<10240x128xf32, #tpu.memory_space<hbm>> -> memref<10240x128xf32, #tpu.memory_space<hbm>>
      tpu.wait_indirect_dma semaphore(%arg13 : memref<!tpu.dma_semaphore, #tpu.memory_space<semaphore_mem>>) src(%dma_wait3A_88 : memref<10240x128xf32, #tpu.memory_space<hbm>>) dst(%arg9 : memref<128x128xf32, #tpu.memory_space<vmem>>)
      %dma_start3A_89 = arith.constant 0 : i32
      %dma_start3A_90 = arith.constant 0 : i32
      %dma_start3A_91 = tpu.memref_slice %arg8[%dma_start3A_89, %dma_start3A_90] : memref<16x128xi32, #tpu.memory_space<vmem>> -> memref<1x128xi32, #tpu.memory_space<vmem>>
      %dma_start3A_92 = tpu.memref_squeeze %dma_start3A_91 : memref<1x128xi32, #tpu.memory_space<vmem>> -> memref<128xi32, #tpu.memory_space<vmem>>
      %dma_start3A_93 = arith.constant 0 : i32
      %dma_start3A_94 = arith.constant 0 : i32
      %dma_start3A_95 = tpu.memref_slice %arg11[%dma_start3A_93, %dma_start3A_94] : memref<10240x128xf32, #tpu.memory_space<vmem_shared>> -> memref<10240x128xf32, #tpu.memory_space<vmem_shared>>
      tpu.enqueue_indirect_dma source(%arg9 : memref<128x128xf32, #tpu.memory_space<vmem>>) target(%dma_start3A_95 : memref<10240x128xf32, #tpu.memory_space<vmem_shared>>) offsets(%dma_start3A_92 : memref<128xi32, #tpu.memory_space<vmem>>) semaphore(%arg15 : memref<!tpu.dma_semaphore, #tpu.memory_space<semaphore_mem>>) {add = true}
      %dma_wait3A_96 = arith.constant 0 : i32
      %dma_wait3A_97 = arith.constant 0 : i32
      %dma_wait3A_98 = tpu.memref_slice %arg8[%dma_wait3A_96, %dma_wait3A_97] : memref<16x128xi32, #tpu.memory_space<vmem>> -> memref<1x128xi32, #tpu.memory_space<vmem>>
      %dma_wait3A_99 = tpu.memref_squeeze %dma_wait3A_98 : memref<1x128xi32, #tpu.memory_space<vmem>> -> memref<128xi32, #tpu.memory_space<vmem>>
      %dma_wait3A_100 = arith.constant 0 : i32
      %dma_wait3A_101 = arith.constant 0 : i32
      %dma_wait3A_102 = tpu.memref_slice %arg11[%dma_wait3A_100, %dma_wait3A_101] : memref<10240x128xf32, #tpu.memory_space<vmem_shared>> -> memref<10240x128xf32, #tpu.memory_space<vmem_shared>>
      tpu.wait_indirect_dma semaphore(%arg15 : memref<!tpu.dma_semaphore, #tpu.memory_space<semaphore_mem>>) src(%arg9 : memref<128x128xf32, #tpu.memory_space<vmem>>) dst(%dma_wait3A_102 : memref<10240x128xf32, #tpu.memory_space<vmem_shared>>)
      %dma_start3A_103 = arith.constant 2 : i32
      %dma_start3A_104 = arith.constant 0 : i32
      %dma_start3A_105 = tpu.memref_slice %arg7[%dma_start3A_103, %dma_start3A_104] : memref<16x128xi32, #tpu.memory_space<vmem>> -> memref<1x128xi32, #tpu.memory_space<vmem>>
      %dma_start3A_106 = tpu.memref_squeeze %dma_start3A_105 : memref<1x128xi32, #tpu.memory_space<vmem>> -> memref<128xi32, #tpu.memory_space<vmem>>
      %dma_start3A_107 = arith.constant 0 : i32
      %dma_start3A_108 = arith.constant 0 : i32
      %dma_start3A_109 = tpu.memref_slice %arg2[%dma_start3A_107, %dma_start3A_108] : memref<10240x128xf32, #tpu.memory_space<hbm>> -> memref<10240x128xf32, #tpu.memory_space<hbm>>
      tpu.enqueue_indirect_dma source(%dma_start3A_109 : memref<10240x128xf32, #tpu.memory_space<hbm>>) target(%arg9 : memref<128x128xf32, #tpu.memory_space<vmem>>) offsets(%dma_start3A_106 : memref<128xi32, #tpu.memory_space<vmem>>) semaphore(%arg13 : memref<!tpu.dma_semaphore, #tpu.memory_space<semaphore_mem>>)
      %dma_wait3A_110 = arith.constant 1 : i32
      %dma_wait3A_111 = arith.constant 0 : i32
      %dma_wait3A_112 = tpu.memref_slice %arg7[%dma_wait3A_110, %dma_wait3A_111] : memref<16x128xi32, #tpu.memory_space<vmem>> -> memref<1x128xi32, #tpu.memory_space<vmem>>
      %dma_wait3A_113 = tpu.memref_squeeze %dma_wait3A_112 : memref<1x128xi32, #tpu.memory_space<vmem>> -> memref<128xi32, #tpu.memory_space<vmem>>
      %dma_wait3A_114 = arith.constant 0 : i32
      %dma_wait3A_115 = arith.constant 0 : i32
      %dma_wait3A_116 = tpu.memref_slice %arg2[%dma_wait3A_114, %dma_wait3A_115] : memref<10240x128xf32, #tpu.memory_space<hbm>> -> memref<10240x128xf32, #tpu.memory_space<hbm>>
      tpu.wait_indirect_dma semaphore(%arg14 : memref<!tpu.dma_semaphore, #tpu.memory_space<semaphore_mem>>) src(%dma_wait3A_116 : memref<10240x128xf32, #tpu.memory_space<hbm>>) dst(%arg10 : memref<128x128xf32, #tpu.memory_space<vmem>>)
      %dma_start3A_117 = arith.constant 1 : i32
      %dma_start3A_118 = arith.constant 0 : i32
      %dma_start3A_119 = tpu.memref_slice %arg8[%dma_start3A_117, %dma_start3A_118] : memref<16x128xi32, #tpu.memory_space<vmem>> -> memref<1x128xi32, #tpu.memory_space<vmem>>
      %dma_start3A_120 = tpu.memref_squeeze %dma_start3A_119 : memref<1x128xi32, #tpu.memory_space<vmem>> -> memref<128xi32, #tpu.memory_space<vmem>>
      %dma_start3A_121 = arith.constant 0 : i32
      %dma_start3A_122 = arith.constant 0 : i32
      %dma_start3A_123 = tpu.memref_slice %arg11[%dma_start3A_121, %dma_start3A_122] : memref<10240x128xf32, #tpu.memory_space<vmem_shared>> -> memref<10240x128xf32, #tpu.memory_space<vmem_shared>>
      tpu.enqueue_indirect_dma source(%arg10 : memref<128x128xf32, #tpu.memory_space<vmem>>) target(%dma_start3A_123 : memref<10240x128xf32, #tpu.memory_space<vmem_shared>>) offsets(%dma_start3A_120 : memref<128xi32, #tpu.memory_space<vmem>>) semaphore(%arg16 : memref<!tpu.dma_semaphore, #tpu.memory_space<semaphore_mem>>) {add = true}
      %dma_wait3A_124 = arith.constant 1 : i32
      %dma_wait3A_125 = arith.constant 0 : i32
      %dma_wait3A_126 = tpu.memref_slice %arg8[%dma_wait3A_124, %dma_wait3A_125] : memref<16x128xi32, #tpu.memory_space<vmem>> -> memref<1x128xi32, #tpu.memory_space<vmem>>
      %dma_wait3A_127 = tpu.memref_squeeze %dma_wait3A_126 : memref<1x128xi32, #tpu.memory_space<vmem>> -> memref<128xi32, #tpu.memory_space<vmem>>
      %dma_wait3A_128 = arith.constant 0 : i32
      %dma_wait3A_129 = arith.constant 0 : i32
      %dma_wait3A_130 = tpu.memref_slice %arg11[%dma_wait3A_128, %dma_wait3A_129] : memref<10240x128xf32, #tpu.memory_space<vmem_shared>> -> memref<10240x128xf32, #tpu.memory_space<vmem_shared>>
      tpu.wait_indirect_dma semaphore(%arg16 : memref<!tpu.dma_semaphore, #tpu.memory_space<semaphore_mem>>) src(%arg10 : memref<128x128xf32, #tpu.memory_space<vmem>>) dst(%dma_wait3A_130 : memref<10240x128xf32, #tpu.memory_space<vmem_shared>>)
      %dma_start3A_131 = arith.constant 3 : i32
      %dma_start3A_132 = arith.constant 0 : i32
      %dma_start3A_133 = tpu.memref_slice %arg7[%dma_start3A_131, %dma_start3A_132] : memref<16x128xi32, #tpu.memory_space<vmem>> -> memref<1x128xi32, #tpu.memory_space<vmem>>
      %dma_start3A_134 = tpu.memref_squeeze %dma_start3A_133 : memref<1x128xi32, #tpu.memory_space<vmem>> -> memref<128xi32, #tpu.memory_space<vmem>>
      %dma_start3A_135 = arith.constant 0 : i32
      %dma_start3A_136 = arith.constant 0 : i32
      %dma_start3A_137 = tpu.memref_slice %arg2[%dma_start3A_135, %dma_start3A_136] : memref<10240x128xf32, #tpu.memory_space<hbm>> -> memref<10240x128xf32, #tpu.memory_space<hbm>>
      tpu.enqueue_indirect_dma source(%dma_start3A_137 : memref<10240x128xf32, #tpu.memory_space<hbm>>) target(%arg10 : memref<128x128xf32, #tpu.memory_space<vmem>>) offsets(%dma_start3A_134 : memref<128xi32, #tpu.memory_space<vmem>>) semaphore(%arg14 : memref<!tpu.dma_semaphore, #tpu.memory_space<semaphore_mem>>)
      %dma_wait3A_138 = arith.constant 2 : i32
      %dma_wait3A_139 = arith.constant 0 : i32
      %dma_wait3A_140 = tpu.memref_slice %arg7[%dma_wait3A_138, %dma_wait3A_139] : memref<16x128xi32, #tpu.memory_space<vmem>> -> memref<1x128xi32, #tpu.memory_space<vmem>>
      %dma_wait3A_141 = tpu.memref_squeeze %dma_wait3A_140 : memref<1x128xi32, #tpu.memory_space<vmem>> -> memref<128xi32, #tpu.memory_space<vmem>>
      %dma_wait3A_142 = arith.constant 0 : i32
      %dma_wait3A_143 = arith.constant 0 : i32
      %dma_wait3A_144 = tpu.memref_slice %arg2[%dma_wait3A_142, %dma_wait3A_143] : memref<10240x128xf32, #tpu.memory_space<hbm>> -> memref<10240x128xf32, #tpu.memory_space<hbm>>
      tpu.wait_indirect_dma semaphore(%arg13 : memref<!tpu.dma_semaphore, #tpu.memory_space<semaphore_mem>>) src(%dma_wait3A_144 : memref<10240x128xf32, #tpu.memory_space<hbm>>) dst(%arg9 : memref<128x128xf32, #tpu.memory_space<vmem>>)
      %dma_start3A_145 = arith.constant 2 : i32
      %dma_start3A_146 = arith.constant 0 : i32
      %dma_start3A_147 = tpu.memref_slice %arg8[%dma_start3A_145, %dma_start3A_146] : memref<16x128xi32, #tpu.memory_space<vmem>> -> memref<1x128xi32, #tpu.memory_space<vmem>>
      %dma_start3A_148 = tpu.memref_squeeze %dma_start3A_147 : memref<1x128xi32, #tpu.memory_space<vmem>> -> memref<128xi32, #tpu.memory_space<vmem>>
      %dma_start3A_149 = arith.constant 0 : i32
      %dma_start3A_150 = arith.constant 0 : i32
      %dma_start3A_151 = tpu.memref_slice %arg11[%dma_start3A_149, %dma_start3A_150] : memref<10240x128xf32, #tpu.memory_space<vmem_shared>> -> memref<10240x128xf32, #tpu.memory_space<vmem_shared>>
      tpu.enqueue_indirect_dma source(%arg9 : memref<128x128xf32, #tpu.memory_space<vmem>>) target(%dma_start3A_151 : memref<10240x128xf32, #tpu.memory_space<vmem_shared>>) offsets(%dma_start3A_148 : memref<128xi32, #tpu.memory_space<vmem>>) semaphore(%arg15 : memref<!tpu.dma_semaphore, #tpu.memory_space<semaphore_mem>>) {add = true}
      %dma_wait3A_152 = arith.constant 2 : i32
      %dma_wait3A_153 = arith.constant 0 : i32
      %dma_wait3A_154 = tpu.memref_slice %arg8[%dma_wait3A_152, %dma_wait3A_153] : memref<16x128xi32, #tpu.memory_space<vmem>> -> memref<1x128xi32, #tpu.memory_space<vmem>>
      %dma_wait3A_155 = tpu.memref_squeeze %dma_wait3A_154 : memref<1x128xi32, #tpu.memory_space<vmem>> -> memref<128xi32, #tpu.memory_space<vmem>>
      %dma_wait3A_156 = arith.constant 0 : i32
      %dma_wait3A_157 = arith.constant 0 : i32
      %dma_wait3A_158 = tpu.memref_slice %arg11[%dma_wait3A_156, %dma_wait3A_157] : memref<10240x128xf32, #tpu.memory_space<vmem_shared>> -> memref<10240x128xf32, #tpu.memory_space<vmem_shared>>
      tpu.wait_indirect_dma semaphore(%arg15 : memref<!tpu.dma_semaphore, #tpu.memory_space<semaphore_mem>>) src(%arg9 : memref<128x128xf32, #tpu.memory_space<vmem>>) dst(%dma_wait3A_158 : memref<10240x128xf32, #tpu.memory_space<vmem_shared>>)
      %dma_start3A_159 = arith.constant 4 : i32
      %dma_start3A_160 = arith.constant 0 : i32
      %dma_start3A_161 = tpu.memref_slice %arg7[%dma_start3A_159, %dma_start3A_160] : memref<16x128xi32, #tpu.memory_space<vmem>> -> memref<1x128xi32, #tpu.memory_space<vmem>>
      %dma_start3A_162 = tpu.memref_squeeze %dma_start3A_161 : memref<1x128xi32, #tpu.memory_space<vmem>> -> memref<128xi32, #tpu.memory_space<vmem>>
      %dma_start3A_163 = arith.constant 0 : i32
      %dma_start3A_164 = arith.constant 0 : i32
      %dma_start3A_165 = tpu.memref_slice %arg2[%dma_start3A_163, %dma_start3A_164] : memref<10240x128xf32, #tpu.memory_space<hbm>> -> memref<10240x128xf32, #tpu.memory_space<hbm>>
      tpu.enqueue_indirect_dma source(%dma_start3A_165 : memref<10240x128xf32, #tpu.memory_space<hbm>>) target(%arg9 : memref<128x128xf32, #tpu.memory_space<vmem>>) offsets(%dma_start3A_162 : memref<128xi32, #tpu.memory_space<vmem>>) semaphore(%arg13 : memref<!tpu.dma_semaphore, #tpu.memory_space<semaphore_mem>>)
      %dma_wait3A_166 = arith.constant 3 : i32
      %dma_wait3A_167 = arith.constant 0 : i32
      %dma_wait3A_168 = tpu.memref_slice %arg7[%dma_wait3A_166, %dma_wait3A_167] : memref<16x128xi32, #tpu.memory_space<vmem>> -> memref<1x128xi32, #tpu.memory_space<vmem>>
      %dma_wait3A_169 = tpu.memref_squeeze %dma_wait3A_168 : memref<1x128xi32, #tpu.memory_space<vmem>> -> memref<128xi32, #tpu.memory_space<vmem>>
      %dma_wait3A_170 = arith.constant 0 : i32
      %dma_wait3A_171 = arith.constant 0 : i32
      %dma_wait3A_172 = tpu.memref_slice %arg2[%dma_wait3A_170, %dma_wait3A_171] : memref<10240x128xf32, #tpu.memory_space<hbm>> -> memref<10240x128xf32, #tpu.memory_space<hbm>>
      tpu.wait_indirect_dma semaphore(%arg14 : memref<!tpu.dma_semaphore, #tpu.memory_space<semaphore_mem>>) src(%dma_wait3A_172 : memref<10240x128xf32, #tpu.memory_space<hbm>>) dst(%arg10 : memref<128x128xf32, #tpu.memory_space<vmem>>)
      %dma_start3A_173 = arith.constant 3 : i32
      %dma_start3A_174 = arith.constant 0 : i32
      %dma_start3A_175 = tpu.memref_slice %arg8[%dma_start3A_173, %dma_start3A_174] : memref<16x128xi32, #tpu.memory_space<vmem>> -> memref<1x128xi32, #tpu.memory_space<vmem>>
      %dma_start3A_176 = tpu.memref_squeeze %dma_start3A_175 : memref<1x128xi32, #tpu.memory_space<vmem>> -> memref<128xi32, #tpu.memory_space<vmem>>
      %dma_start3A_177 = arith.constant 0 : i32
      %dma_start3A_178 = arith.constant 0 : i32
      %dma_start3A_179 = tpu.memref_slice %arg11[%dma_start3A_177, %dma_start3A_178] : memref<10240x128xf32, #tpu.memory_space<vmem_shared>> -> memref<10240x128xf32, #tpu.memory_space<vmem_shared>>
      tpu.enqueue_indirect_dma source(%arg10 : memref<128x128xf32, #tpu.memory_space<vmem>>) target(%dma_start3A_179 : memref<10240x128xf32, #tpu.memory_space<vmem_shared>>) offsets(%dma_start3A_176 : memref<128xi32, #tpu.memory_space<vmem>>) semaphore(%arg16 : memref<!tpu.dma_semaphore, #tpu.memory_space<semaphore_mem>>) {add = true}
      %dma_wait3A_180 = arith.constant 3 : i32
      %dma_wait3A_181 = arith.constant 0 : i32
      %dma_wait3A_182 = tpu.memref_slice %arg8[%dma_wait3A_180, %dma_wait3A_181] : memref<16x128xi32, #tpu.memory_space<vmem>> -> memref<1x128xi32, #tpu.memory_space<vmem>>
      %dma_wait3A_183 = tpu.memref_squeeze %dma_wait3A_182 : memref<1x128xi32, #tpu.memory_space<vmem>> -> memref<128xi32, #tpu.memory_space<vmem>>
      %dma_wait3A_184 = arith.constant 0 : i32
      %dma_wait3A_185 = arith.constant 0 : i32
      %dma_wait3A_186 = tpu.memref_slice %arg11[%dma_wait3A_184, %dma_wait3A_185] : memref<10240x128xf32, #tpu.memory_space<vmem_shared>> -> memref<10240x128xf32, #tpu.memory_space<vmem_shared>>
      tpu.wait_indirect_dma semaphore(%arg16 : memref<!tpu.dma_semaphore, #tpu.memory_space<semaphore_mem>>) src(%arg10 : memref<128x128xf32, #tpu.memory_space<vmem>>) dst(%dma_wait3A_186 : memref<10240x128xf32, #tpu.memory_space<vmem_shared>>)
      %dma_start3A_187 = arith.constant 5 : i32
      %dma_start3A_188 = arith.constant 0 : i32
      %dma_start3A_189 = tpu.memref_slice %arg7[%dma_start3A_187, %dma_start3A_188] : memref<16x128xi32, #tpu.memory_space<vmem>> -> memref<1x128xi32, #tpu.memory_space<vmem>>
      %dma_start3A_190 = tpu.memref_squeeze %dma_start3A_189 : memref<1x128xi32, #tpu.memory_space<vmem>> -> memref<128xi32, #tpu.memory_space<vmem>>
      %dma_start3A_191 = arith.constant 0 : i32
      %dma_start3A_192 = arith.constant 0 : i32
      %dma_start3A_193 = tpu.memref_slice %arg2[%dma_start3A_191, %dma_start3A_192] : memref<10240x128xf32, #tpu.memory_space<hbm>> -> memref<10240x128xf32, #tpu.memory_space<hbm>>
      tpu.enqueue_indirect_dma source(%dma_start3A_193 : memref<10240x128xf32, #tpu.memory_space<hbm>>) target(%arg10 : memref<128x128xf32, #tpu.memory_space<vmem>>) offsets(%dma_start3A_190 : memref<128xi32, #tpu.memory_space<vmem>>) semaphore(%arg14 : memref<!tpu.dma_semaphore, #tpu.memory_space<semaphore_mem>>)
      %dma_wait3A_194 = arith.constant 4 : i32
      %dma_wait3A_195 = arith.constant 0 : i32
      %dma_wait3A_196 = tpu.memref_slice %arg7[%dma_wait3A_194, %dma_wait3A_195] : memref<16x128xi32, #tpu.memory_space<vmem>> -> memref<1x128xi32, #tpu.memory_space<vmem>>
      %dma_wait3A_197 = tpu.memref_squeeze %dma_wait3A_196 : memref<1x128xi32, #tpu.memory_space<vmem>> -> memref<128xi32, #tpu.memory_space<vmem>>
      %dma_wait3A_198 = arith.constant 0 : i32
      %dma_wait3A_199 = arith.constant 0 : i32
      %dma_wait3A_200 = tpu.memref_slice %arg2[%dma_wait3A_198, %dma_wait3A_199] : memref<10240x128xf32, #tpu.memory_space<hbm>> -> memref<10240x128xf32, #tpu.memory_space<hbm>>
      tpu.wait_indirect_dma semaphore(%arg13 : memref<!tpu.dma_semaphore, #tpu.memory_space<semaphore_mem>>) src(%dma_wait3A_200 : memref<10240x128xf32, #tpu.memory_space<hbm>>) dst(%arg9 : memref<128x128xf32, #tpu.memory_space<vmem>>)
      %dma_start3A_201 = arith.constant 4 : i32
      %dma_start3A_202 = arith.constant 0 : i32
      %dma_start3A_203 = tpu.memref_slice %arg8[%dma_start3A_201, %dma_start3A_202] : memref<16x128xi32, #tpu.memory_space<vmem>> -> memref<1x128xi32, #tpu.memory_space<vmem>>
      %dma_start3A_204 = tpu.memref_squeeze %dma_start3A_203 : memref<1x128xi32, #tpu.memory_space<vmem>> -> memref<128xi32, #tpu.memory_space<vmem>>
      %dma_start3A_205 = arith.constant 0 : i32
      %dma_start3A_206 = arith.constant 0 : i32
      %dma_start3A_207 = tpu.memref_slice %arg11[%dma_start3A_205, %dma_start3A_206] : memref<10240x128xf32, #tpu.memory_space<vmem_shared>> -> memref<10240x128xf32, #tpu.memory_space<vmem_shared>>
      tpu.enqueue_indirect_dma source(%arg9 : memref<128x128xf32, #tpu.memory_space<vmem>>) target(%dma_start3A_207 : memref<10240x128xf32, #tpu.memory_space<vmem_shared>>) offsets(%dma_start3A_204 : memref<128xi32, #tpu.memory_space<vmem>>) semaphore(%arg15 : memref<!tpu.dma_semaphore, #tpu.memory_space<semaphore_mem>>) {add = true}
      %dma_wait3A_208 = arith.constant 4 : i32
      %dma_wait3A_209 = arith.constant 0 : i32
      %dma_wait3A_210 = tpu.memref_slice %arg8[%dma_wait3A_208, %dma_wait3A_209] : memref<16x128xi32, #tpu.memory_space<vmem>> -> memref<1x128xi32, #tpu.memory_space<vmem>>
      %dma_wait3A_211 = tpu.memref_squeeze %dma_wait3A_210 : memref<1x128xi32, #tpu.memory_space<vmem>> -> memref<128xi32, #tpu.memory_space<vmem>>
      %dma_wait3A_212 = arith.constant 0 : i32
      %dma_wait3A_213 = arith.constant 0 : i32
      %dma_wait3A_214 = tpu.memref_slice %arg11[%dma_wait3A_212, %dma_wait3A_213] : memref<10240x128xf32, #tpu.memory_space<vmem_shared>> -> memref<10240x128xf32, #tpu.memory_space<vmem_shared>>
      tpu.wait_indirect_dma semaphore(%arg15 : memref<!tpu.dma_semaphore, #tpu.memory_space<semaphore_mem>>) src(%arg9 : memref<128x128xf32, #tpu.memory_space<vmem>>) dst(%dma_wait3A_214 : memref<10240x128xf32, #tpu.memory_space<vmem_shared>>)
      %dma_start3A_215 = arith.constant 6 : i32
      %dma_start3A_216 = arith.constant 0 : i32
      %dma_start3A_217 = tpu.memref_slice %arg7[%dma_start3A_215, %dma_start3A_216] : memref<16x128xi32, #tpu.memory_space<vmem>> -> memref<1x128xi32, #tpu.memory_space<vmem>>
      %dma_start3A_218 = tpu.memref_squeeze %dma_start3A_217 : memref<1x128xi32, #tpu.memory_space<vmem>> -> memref<128xi32, #tpu.memory_space<vmem>>
      %dma_start3A_219 = arith.constant 0 : i32
      %dma_start3A_220 = arith.constant 0 : i32
      %dma_start3A_221 = tpu.memref_slice %arg2[%dma_start3A_219, %dma_start3A_220] : memref<10240x128xf32, #tpu.memory_space<hbm>> -> memref<10240x128xf32, #tpu.memory_space<hbm>>
      tpu.enqueue_indirect_dma source(%dma_start3A_221 : memref<10240x128xf32, #tpu.memory_space<hbm>>) target(%arg9 : memref<128x128xf32, #tpu.memory_space<vmem>>) offsets(%dma_start3A_218 : memref<128xi32, #tpu.memory_space<vmem>>) semaphore(%arg13 : memref<!tpu.dma_semaphore, #tpu.memory_space<semaphore_mem>>)
      %dma_wait3A_222 = arith.constant 5 : i32
      %dma_wait3A_223 = arith.constant 0 : i32
      %dma_wait3A_224 = tpu.memref_slice %arg7[%dma_wait3A_222, %dma_wait3A_223] : memref<16x128xi32, #tpu.memory_space<vmem>> -> memref<1x128xi32, #tpu.memory_space<vmem>>
      %dma_wait3A_225 = tpu.memref_squeeze %dma_wait3A_224 : memref<1x128xi32, #tpu.memory_space<vmem>> -> memref<128xi32, #tpu.memory_space<vmem>>
      %dma_wait3A_226 = arith.constant 0 : i32
      %dma_wait3A_227 = arith.constant 0 : i32
      %dma_wait3A_228 = tpu.memref_slice %arg2[%dma_wait3A_226, %dma_wait3A_227] : memref<10240x128xf32, #tpu.memory_space<hbm>> -> memref<10240x128xf32, #tpu.memory_space<hbm>>
      tpu.wait_indirect_dma semaphore(%arg14 : memref<!tpu.dma_semaphore, #tpu.memory_space<semaphore_mem>>) src(%dma_wait3A_228 : memref<10240x128xf32, #tpu.memory_space<hbm>>) dst(%arg10 : memref<128x128xf32, #tpu.memory_space<vmem>>)
      %dma_start3A_229 = arith.constant 5 : i32
      %dma_start3A_230 = arith.constant 0 : i32
      %dma_start3A_231 = tpu.memref_slice %arg8[%dma_start3A_229, %dma_start3A_230] : memref<16x128xi32, #tpu.memory_space<vmem>> -> memref<1x128xi32, #tpu.memory_space<vmem>>
      %dma_start3A_232 = tpu.memref_squeeze %dma_start3A_231 : memref<1x128xi32, #tpu.memory_space<vmem>> -> memref<128xi32, #tpu.memory_space<vmem>>
      %dma_start3A_233 = arith.constant 0 : i32
      %dma_start3A_234 = arith.constant 0 : i32
      %dma_start3A_235 = tpu.memref_slice %arg11[%dma_start3A_233, %dma_start3A_234] : memref<10240x128xf32, #tpu.memory_space<vmem_shared>> -> memref<10240x128xf32, #tpu.memory_space<vmem_shared>>
      tpu.enqueue_indirect_dma source(%arg10 : memref<128x128xf32, #tpu.memory_space<vmem>>) target(%dma_start3A_235 : memref<10240x128xf32, #tpu.memory_space<vmem_shared>>) offsets(%dma_start3A_232 : memref<128xi32, #tpu.memory_space<vmem>>) semaphore(%arg16 : memref<!tpu.dma_semaphore, #tpu.memory_space<semaphore_mem>>) {add = true}
      %dma_wait3A_236 = arith.constant 5 : i32
      %dma_wait3A_237 = arith.constant 0 : i32
      %dma_wait3A_238 = tpu.memref_slice %arg8[%dma_wait3A_236, %dma_wait3A_237] : memref<16x128xi32, #tpu.memory_space<vmem>> -> memref<1x128xi32, #tpu.memory_space<vmem>>
      %dma_wait3A_239 = tpu.memref_squeeze %dma_wait3A_238 : memref<1x128xi32, #tpu.memory_space<vmem>> -> memref<128xi32, #tpu.memory_space<vmem>>
      %dma_wait3A_240 = arith.constant 0 : i32
      %dma_wait3A_241 = arith.constant 0 : i32
      %dma_wait3A_242 = tpu.memref_slice %arg11[%dma_wait3A_240, %dma_wait3A_241] : memref<10240x128xf32, #tpu.memory_space<vmem_shared>> -> memref<10240x128xf32, #tpu.memory_space<vmem_shared>>
      tpu.wait_indirect_dma semaphore(%arg16 : memref<!tpu.dma_semaphore, #tpu.memory_space<semaphore_mem>>) src(%arg10 : memref<128x128xf32, #tpu.memory_space<vmem>>) dst(%dma_wait3A_242 : memref<10240x128xf32, #tpu.memory_space<vmem_shared>>)
      %dma_start3A_243 = arith.constant 7 : i32
      %dma_start3A_244 = arith.constant 0 : i32
      %dma_start3A_245 = tpu.memref_slice %arg7[%dma_start3A_243, %dma_start3A_244] : memref<16x128xi32, #tpu.memory_space<vmem>> -> memref<1x128xi32, #tpu.memory_space<vmem>>
      %dma_start3A_246 = tpu.memref_squeeze %dma_start3A_245 : memref<1x128xi32, #tpu.memory_space<vmem>> -> memref<128xi32, #tpu.memory_space<vmem>>
      %dma_start3A_247 = arith.constant 0 : i32
      %dma_start3A_248 = arith.constant 0 : i32
      %dma_start3A_249 = tpu.memref_slice %arg2[%dma_start3A_247, %dma_start3A_248] : memref<10240x128xf32, #tpu.memory_space<hbm>> -> memref<10240x128xf32, #tpu.memory_space<hbm>>
      tpu.enqueue_indirect_dma source(%dma_start3A_249 : memref<10240x128xf32, #tpu.memory_space<hbm>>) target(%arg10 : memref<128x128xf32, #tpu.memory_space<vmem>>) offsets(%dma_start3A_246 : memref<128xi32, #tpu.memory_space<vmem>>) semaphore(%arg14 : memref<!tpu.dma_semaphore, #tpu.memory_space<semaphore_mem>>)
      %dma_wait3A_250 = arith.constant 6 : i32
      %dma_wait3A_251 = arith.constant 0 : i32
      %dma_wait3A_252 = tpu.memref_slice %arg7[%dma_wait3A_250, %dma_wait3A_251] : memref<16x128xi32, #tpu.memory_space<vmem>> -> memref<1x128xi32, #tpu.memory_space<vmem>>
      %dma_wait3A_253 = tpu.memref_squeeze %dma_wait3A_252 : memref<1x128xi32, #tpu.memory_space<vmem>> -> memref<128xi32, #tpu.memory_space<vmem>>
      %dma_wait3A_254 = arith.constant 0 : i32
      %dma_wait3A_255 = arith.constant 0 : i32
      %dma_wait3A_256 = tpu.memref_slice %arg2[%dma_wait3A_254, %dma_wait3A_255] : memref<10240x128xf32, #tpu.memory_space<hbm>> -> memref<10240x128xf32, #tpu.memory_space<hbm>>
      tpu.wait_indirect_dma semaphore(%arg13 : memref<!tpu.dma_semaphore, #tpu.memory_space<semaphore_mem>>) src(%dma_wait3A_256 : memref<10240x128xf32, #tpu.memory_space<hbm>>) dst(%arg9 : memref<128x128xf32, #tpu.memory_space<vmem>>)
      %dma_start3A_257 = arith.constant 6 : i32
      %dma_start3A_258 = arith.constant 0 : i32
      %dma_start3A_259 = tpu.memref_slice %arg8[%dma_start3A_257, %dma_start3A_258] : memref<16x128xi32, #tpu.memory_space<vmem>> -> memref<1x128xi32, #tpu.memory_space<vmem>>
      %dma_start3A_260 = tpu.memref_squeeze %dma_start3A_259 : memref<1x128xi32, #tpu.memory_space<vmem>> -> memref<128xi32, #tpu.memory_space<vmem>>
      %dma_start3A_261 = arith.constant 0 : i32
      %dma_start3A_262 = arith.constant 0 : i32
      %dma_start3A_263 = tpu.memref_slice %arg11[%dma_start3A_261, %dma_start3A_262] : memref<10240x128xf32, #tpu.memory_space<vmem_shared>> -> memref<10240x128xf32, #tpu.memory_space<vmem_shared>>
      tpu.enqueue_indirect_dma source(%arg9 : memref<128x128xf32, #tpu.memory_space<vmem>>) target(%dma_start3A_263 : memref<10240x128xf32, #tpu.memory_space<vmem_shared>>) offsets(%dma_start3A_260 : memref<128xi32, #tpu.memory_space<vmem>>) semaphore(%arg15 : memref<!tpu.dma_semaphore, #tpu.memory_space<semaphore_mem>>) {add = true}
      %dma_wait3A_264 = arith.constant 6 : i32
      %dma_wait3A_265 = arith.constant 0 : i32
      %dma_wait3A_266 = tpu.memref_slice %arg8[%dma_wait3A_264, %dma_wait3A_265] : memref<16x128xi32, #tpu.memory_space<vmem>> -> memref<1x128xi32, #tpu.memory_space<vmem>>
      %dma_wait3A_267 = tpu.memref_squeeze %dma_wait3A_266 : memref<1x128xi32, #tpu.memory_space<vmem>> -> memref<128xi32, #tpu.memory_space<vmem>>
      %dma_wait3A_268 = arith.constant 0 : i32
      %dma_wait3A_269 = arith.constant 0 : i32
      %dma_wait3A_270 = tpu.memref_slice %arg11[%dma_wait3A_268, %dma_wait3A_269] : memref<10240x128xf32, #tpu.memory_space<vmem_shared>> -> memref<10240x128xf32, #tpu.memory_space<vmem_shared>>
      tpu.wait_indirect_dma semaphore(%arg15 : memref<!tpu.dma_semaphore, #tpu.memory_space<semaphore_mem>>) src(%arg9 : memref<128x128xf32, #tpu.memory_space<vmem>>) dst(%dma_wait3A_270 : memref<10240x128xf32, #tpu.memory_space<vmem_shared>>)
      %dma_start3A_271 = arith.constant 8 : i32
      %dma_start3A_272 = arith.constant 0 : i32
      %dma_start3A_273 = tpu.memref_slice %arg7[%dma_start3A_271, %dma_start3A_272] : memref<16x128xi32, #tpu.memory_space<vmem>> -> memref<1x128xi32, #tpu.memory_space<vmem>>
      %dma_start3A_274 = tpu.memref_squeeze %dma_start3A_273 : memref<1x128xi32, #tpu.memory_space<vmem>> -> memref<128xi32, #tpu.memory_space<vmem>>
      %dma_start3A_275 = arith.constant 0 : i32
      %dma_start3A_276 = arith.constant 0 : i32
      %dma_start3A_277 = tpu.memref_slice %arg2[%dma_start3A_275, %dma_start3A_276] : memref<10240x128xf32, #tpu.memory_space<hbm>> -> memref<10240x128xf32, #tpu.memory_space<hbm>>
      tpu.enqueue_indirect_dma source(%dma_start3A_277 : memref<10240x128xf32, #tpu.memory_space<hbm>>) target(%arg9 : memref<128x128xf32, #tpu.memory_space<vmem>>) offsets(%dma_start3A_274 : memref<128xi32, #tpu.memory_space<vmem>>) semaphore(%arg13 : memref<!tpu.dma_semaphore, #tpu.memory_space<semaphore_mem>>)
      %dma_wait3A_278 = arith.constant 7 : i32
      %dma_wait3A_279 = arith.constant 0 : i32
      %dma_wait3A_280 = tpu.memref_slice %arg7[%dma_wait3A_278, %dma_wait3A_279] : memref<16x128xi32, #tpu.memory_space<vmem>> -> memref<1x128xi32, #tpu.memory_space<vmem>>
      %dma_wait3A_281 = tpu.memref_squeeze %dma_wait3A_280 : memref<1x128xi32, #tpu.memory_space<vmem>> -> memref<128xi32, #tpu.memory_space<vmem>>
      %dma_wait3A_282 = arith.constant 0 : i32
      %dma_wait3A_283 = arith.constant 0 : i32
      %dma_wait3A_284 = tpu.memref_slice %arg2[%dma_wait3A_282, %dma_wait3A_283] : memref<10240x128xf32, #tpu.memory_space<hbm>> -> memref<10240x128xf32, #tpu.memory_space<hbm>>
      tpu.wait_indirect_dma semaphore(%arg14 : memref<!tpu.dma_semaphore, #tpu.memory_space<semaphore_mem>>) src(%dma_wait3A_284 : memref<10240x128xf32, #tpu.memory_space<hbm>>) dst(%arg10 : memref<128x128xf32, #tpu.memory_space<vmem>>)
      %dma_start3A_285 = arith.constant 7 : i32
      %dma_start3A_286 = arith.constant 0 : i32
      %dma_start3A_287 = tpu.memref_slice %arg8[%dma_start3A_285, %dma_start3A_286] : memref<16x128xi32, #tpu.memory_space<vmem>> -> memref<1x128xi32, #tpu.memory_space<vmem>>
      %dma_start3A_288 = tpu.memref_squeeze %dma_start3A_287 : memref<1x128xi32, #tpu.memory_space<vmem>> -> memref<128xi32, #tpu.memory_space<vmem>>
      %dma_start3A_289 = arith.constant 0 : i32
      %dma_start3A_290 = arith.constant 0 : i32
      %dma_start3A_291 = tpu.memref_slice %arg11[%dma_start3A_289, %dma_start3A_290] : memref<10240x128xf32, #tpu.memory_space<vmem_shared>> -> memref<10240x128xf32, #tpu.memory_space<vmem_shared>>
      tpu.enqueue_indirect_dma source(%arg10 : memref<128x128xf32, #tpu.memory_space<vmem>>) target(%dma_start3A_291 : memref<10240x128xf32, #tpu.memory_space<vmem_shared>>) offsets(%dma_start3A_288 : memref<128xi32, #tpu.memory_space<vmem>>) semaphore(%arg16 : memref<!tpu.dma_semaphore, #tpu.memory_space<semaphore_mem>>) {add = true}
      %dma_wait3A_292 = arith.constant 7 : i32
      %dma_wait3A_293 = arith.constant 0 : i32
      %dma_wait3A_294 = tpu.memref_slice %arg8[%dma_wait3A_292, %dma_wait3A_293] : memref<16x128xi32, #tpu.memory_space<vmem>> -> memref<1x128xi32, #tpu.memory_space<vmem>>
      %dma_wait3A_295 = tpu.memref_squeeze %dma_wait3A_294 : memref<1x128xi32, #tpu.memory_space<vmem>> -> memref<128xi32, #tpu.memory_space<vmem>>
      %dma_wait3A_296 = arith.constant 0 : i32
      %dma_wait3A_297 = arith.constant 0 : i32
      %dma_wait3A_298 = tpu.memref_slice %arg11[%dma_wait3A_296, %dma_wait3A_297] : memref<10240x128xf32, #tpu.memory_space<vmem_shared>> -> memref<10240x128xf32, #tpu.memory_space<vmem_shared>>
      tpu.wait_indirect_dma semaphore(%arg16 : memref<!tpu.dma_semaphore, #tpu.memory_space<semaphore_mem>>) src(%arg10 : memref<128x128xf32, #tpu.memory_space<vmem>>) dst(%dma_wait3A_298 : memref<10240x128xf32, #tpu.memory_space<vmem_shared>>)
      %dma_start3A_299 = arith.constant 9 : i32
      %dma_start3A_300 = arith.constant 0 : i32
      %dma_start3A_301 = tpu.memref_slice %arg7[%dma_start3A_299, %dma_start3A_300] : memref<16x128xi32, #tpu.memory_space<vmem>> -> memref<1x128xi32, #tpu.memory_space<vmem>>
      %dma_start3A_302 = tpu.memref_squeeze %dma_start3A_301 : memref<1x128xi32, #tpu.memory_space<vmem>> -> memref<128xi32, #tpu.memory_space<vmem>>
      %dma_start3A_303 = arith.constant 0 : i32
      %dma_start3A_304 = arith.constant 0 : i32
      %dma_start3A_305 = tpu.memref_slice %arg2[%dma_start3A_303, %dma_start3A_304] : memref<10240x128xf32, #tpu.memory_space<hbm>> -> memref<10240x128xf32, #tpu.memory_space<hbm>>
      tpu.enqueue_indirect_dma source(%dma_start3A_305 : memref<10240x128xf32, #tpu.memory_space<hbm>>) target(%arg10 : memref<128x128xf32, #tpu.memory_space<vmem>>) offsets(%dma_start3A_302 : memref<128xi32, #tpu.memory_space<vmem>>) semaphore(%arg14 : memref<!tpu.dma_semaphore, #tpu.memory_space<semaphore_mem>>)
      %dma_wait3A_306 = arith.constant 8 : i32
      %dma_wait3A_307 = arith.constant 0 : i32
      %dma_wait3A_308 = tpu.memref_slice %arg7[%dma_wait3A_306, %dma_wait3A_307] : memref<16x128xi32, #tpu.memory_space<vmem>> -> memref<1x128xi32, #tpu.memory_space<vmem>>
      %dma_wait3A_309 = tpu.memref_squeeze %dma_wait3A_308 : memref<1x128xi32, #tpu.memory_space<vmem>> -> memref<128xi32, #tpu.memory_space<vmem>>
      %dma_wait3A_310 = arith.constant 0 : i32
      %dma_wait3A_311 = arith.constant 0 : i32
      %dma_wait3A_312 = tpu.memref_slice %arg2[%dma_wait3A_310, %dma_wait3A_311] : memref<10240x128xf32, #tpu.memory_space<hbm>> -> memref<10240x128xf32, #tpu.memory_space<hbm>>
      tpu.wait_indirect_dma semaphore(%arg13 : memref<!tpu.dma_semaphore, #tpu.memory_space<semaphore_mem>>) src(%dma_wait3A_312 : memref<10240x128xf32, #tpu.memory_space<hbm>>) dst(%arg9 : memref<128x128xf32, #tpu.memory_space<vmem>>)
      %dma_start3A_313 = arith.constant 8 : i32
      %dma_start3A_314 = arith.constant 0 : i32
      %dma_start3A_315 = tpu.memref_slice %arg8[%dma_start3A_313, %dma_start3A_314] : memref<16x128xi32, #tpu.memory_space<vmem>> -> memref<1x128xi32, #tpu.memory_space<vmem>>
      %dma_start3A_316 = tpu.memref_squeeze %dma_start3A_315 : memref<1x128xi32, #tpu.memory_space<vmem>> -> memref<128xi32, #tpu.memory_space<vmem>>
      %dma_start3A_317 = arith.constant 0 : i32
      %dma_start3A_318 = arith.constant 0 : i32
      %dma_start3A_319 = tpu.memref_slice %arg11[%dma_start3A_317, %dma_start3A_318] : memref<10240x128xf32, #tpu.memory_space<vmem_shared>> -> memref<10240x128xf32, #tpu.memory_space<vmem_shared>>
      tpu.enqueue_indirect_dma source(%arg9 : memref<128x128xf32, #tpu.memory_space<vmem>>) target(%dma_start3A_319 : memref<10240x128xf32, #tpu.memory_space<vmem_shared>>) offsets(%dma_start3A_316 : memref<128xi32, #tpu.memory_space<vmem>>) semaphore(%arg15 : memref<!tpu.dma_semaphore, #tpu.memory_space<semaphore_mem>>) {add = true}
      %dma_wait3A_320 = arith.constant 8 : i32
      %dma_wait3A_321 = arith.constant 0 : i32
      %dma_wait3A_322 = tpu.memref_slice %arg8[%dma_wait3A_320, %dma_wait3A_321] : memref<16x128xi32, #tpu.memory_space<vmem>> -> memref<1x128xi32, #tpu.memory_space<vmem>>
      %dma_wait3A_323 = tpu.memref_squeeze %dma_wait3A_322 : memref<1x128xi32, #tpu.memory_space<vmem>> -> memref<128xi32, #tpu.memory_space<vmem>>
      %dma_wait3A_324 = arith.constant 0 : i32
      %dma_wait3A_325 = arith.constant 0 : i32
      %dma_wait3A_326 = tpu.memref_slice %arg11[%dma_wait3A_324, %dma_wait3A_325] : memref<10240x128xf32, #tpu.memory_space<vmem_shared>> -> memref<10240x128xf32, #tpu.memory_space<vmem_shared>>
      tpu.wait_indirect_dma semaphore(%arg15 : memref<!tpu.dma_semaphore, #tpu.memory_space<semaphore_mem>>) src(%arg9 : memref<128x128xf32, #tpu.memory_space<vmem>>) dst(%dma_wait3A_326 : memref<10240x128xf32, #tpu.memory_space<vmem_shared>>)
      %dma_start3A_327 = arith.constant 10 : i32
      %dma_start3A_328 = arith.constant 0 : i32
      %dma_start3A_329 = tpu.memref_slice %arg7[%dma_start3A_327, %dma_start3A_328] : memref<16x128xi32, #tpu.memory_space<vmem>> -> memref<1x128xi32, #tpu.memory_space<vmem>>
      %dma_start3A_330 = tpu.memref_squeeze %dma_start3A_329 : memref<1x128xi32, #tpu.memory_space<vmem>> -> memref<128xi32, #tpu.memory_space<vmem>>
      %dma_start3A_331 = arith.constant 0 : i32
      %dma_start3A_332 = arith.constant 0 : i32
      %dma_start3A_333 = tpu.memref_slice %arg2[%dma_start3A_331, %dma_start3A_332] : memref<10240x128xf32, #tpu.memory_space<hbm>> -> memref<10240x128xf32, #tpu.memory_space<hbm>>
      tpu.enqueue_indirect_dma source(%dma_start3A_333 : memref<10240x128xf32, #tpu.memory_space<hbm>>) target(%arg9 : memref<128x128xf32, #tpu.memory_space<vmem>>) offsets(%dma_start3A_330 : memref<128xi32, #tpu.memory_space<vmem>>) semaphore(%arg13 : memref<!tpu.dma_semaphore, #tpu.memory_space<semaphore_mem>>)
      %dma_wait3A_334 = arith.constant 9 : i32
      %dma_wait3A_335 = arith.constant 0 : i32
      %dma_wait3A_336 = tpu.memref_slice %arg7[%dma_wait3A_334, %dma_wait3A_335] : memref<16x128xi32, #tpu.memory_space<vmem>> -> memref<1x128xi32, #tpu.memory_space<vmem>>
      %dma_wait3A_337 = tpu.memref_squeeze %dma_wait3A_336 : memref<1x128xi32, #tpu.memory_space<vmem>> -> memref<128xi32, #tpu.memory_space<vmem>>
      %dma_wait3A_338 = arith.constant 0 : i32
      %dma_wait3A_339 = arith.constant 0 : i32
      %dma_wait3A_340 = tpu.memref_slice %arg2[%dma_wait3A_338, %dma_wait3A_339] : memref<10240x128xf32, #tpu.memory_space<hbm>> -> memref<10240x128xf32, #tpu.memory_space<hbm>>
      tpu.wait_indirect_dma semaphore(%arg14 : memref<!tpu.dma_semaphore, #tpu.memory_space<semaphore_mem>>) src(%dma_wait3A_340 : memref<10240x128xf32, #tpu.memory_space<hbm>>) dst(%arg10 : memref<128x128xf32, #tpu.memory_space<vmem>>)
      %dma_start3A_341 = arith.constant 9 : i32
      %dma_start3A_342 = arith.constant 0 : i32
      %dma_start3A_343 = tpu.memref_slice %arg8[%dma_start3A_341, %dma_start3A_342] : memref<16x128xi32, #tpu.memory_space<vmem>> -> memref<1x128xi32, #tpu.memory_space<vmem>>
      %dma_start3A_344 = tpu.memref_squeeze %dma_start3A_343 : memref<1x128xi32, #tpu.memory_space<vmem>> -> memref<128xi32, #tpu.memory_space<vmem>>
      %dma_start3A_345 = arith.constant 0 : i32
      %dma_start3A_346 = arith.constant 0 : i32
      %dma_start3A_347 = tpu.memref_slice %arg11[%dma_start3A_345, %dma_start3A_346] : memref<10240x128xf32, #tpu.memory_space<vmem_shared>> -> memref<10240x128xf32, #tpu.memory_space<vmem_shared>>
      tpu.enqueue_indirect_dma source(%arg10 : memref<128x128xf32, #tpu.memory_space<vmem>>) target(%dma_start3A_347 : memref<10240x128xf32, #tpu.memory_space<vmem_shared>>) offsets(%dma_start3A_344 : memref<128xi32, #tpu.memory_space<vmem>>) semaphore(%arg16 : memref<!tpu.dma_semaphore, #tpu.memory_space<semaphore_mem>>) {add = true}
      %dma_wait3A_348 = arith.constant 9 : i32
      %dma_wait3A_349 = arith.constant 0 : i32
      %dma_wait3A_350 = tpu.memref_slice %arg8[%dma_wait3A_348, %dma_wait3A_349] : memref<16x128xi32, #tpu.memory_space<vmem>> -> memref<1x128xi32, #tpu.memory_space<vmem>>
      %dma_wait3A_351 = tpu.memref_squeeze %dma_wait3A_350 : memref<1x128xi32, #tpu.memory_space<vmem>> -> memref<128xi32, #tpu.memory_space<vmem>>
      %dma_wait3A_352 = arith.constant 0 : i32
      %dma_wait3A_353 = arith.constant 0 : i32
      %dma_wait3A_354 = tpu.memref_slice %arg11[%dma_wait3A_352, %dma_wait3A_353] : memref<10240x128xf32, #tpu.memory_space<vmem_shared>> -> memref<10240x128xf32, #tpu.memory_space<vmem_shared>>
      tpu.wait_indirect_dma semaphore(%arg16 : memref<!tpu.dma_semaphore, #tpu.memory_space<semaphore_mem>>) src(%arg10 : memref<128x128xf32, #tpu.memory_space<vmem>>) dst(%dma_wait3A_354 : memref<10240x128xf32, #tpu.memory_space<vmem_shared>>)
      %dma_start3A_355 = arith.constant 11 : i32
      %dma_start3A_356 = arith.constant 0 : i32
      %dma_start3A_357 = tpu.memref_slice %arg7[%dma_start3A_355, %dma_start3A_356] : memref<16x128xi32, #tpu.memory_space<vmem>> -> memref<1x128xi32, #tpu.memory_space<vmem>>
      %dma_start3A_358 = tpu.memref_squeeze %dma_start3A_357 : memref<1x128xi32, #tpu.memory_space<vmem>> -> memref<128xi32, #tpu.memory_space<vmem>>
      %dma_start3A_359 = arith.constant 0 : i32
      %dma_start3A_360 = arith.constant 0 : i32
      %dma_start3A_361 = tpu.memref_slice %arg2[%dma_start3A_359, %dma_start3A_360] : memref<10240x128xf32, #tpu.memory_space<hbm>> -> memref<10240x128xf32, #tpu.memory_space<hbm>>
      tpu.enqueue_indirect_dma source(%dma_start3A_361 : memref<10240x128xf32, #tpu.memory_space<hbm>>) target(%arg10 : memref<128x128xf32, #tpu.memory_space<vmem>>) offsets(%dma_start3A_358 : memref<128xi32, #tpu.memory_space<vmem>>) semaphore(%arg14 : memref<!tpu.dma_semaphore, #tpu.memory_space<semaphore_mem>>)
      %dma_wait3A_362 = arith.constant 10 : i32
      %dma_wait3A_363 = arith.constant 0 : i32
      %dma_wait3A_364 = tpu.memref_slice %arg7[%dma_wait3A_362, %dma_wait3A_363] : memref<16x128xi32, #tpu.memory_space<vmem>> -> memref<1x128xi32, #tpu.memory_space<vmem>>
      %dma_wait3A_365 = tpu.memref_squeeze %dma_wait3A_364 : memref<1x128xi32, #tpu.memory_space<vmem>> -> memref<128xi32, #tpu.memory_space<vmem>>
      %dma_wait3A_366 = arith.constant 0 : i32
      %dma_wait3A_367 = arith.constant 0 : i32
      %dma_wait3A_368 = tpu.memref_slice %arg2[%dma_wait3A_366, %dma_wait3A_367] : memref<10240x128xf32, #tpu.memory_space<hbm>> -> memref<10240x128xf32, #tpu.memory_space<hbm>>
      tpu.wait_indirect_dma semaphore(%arg13 : memref<!tpu.dma_semaphore, #tpu.memory_space<semaphore_mem>>) src(%dma_wait3A_368 : memref<10240x128xf32, #tpu.memory_space<hbm>>) dst(%arg9 : memref<128x128xf32, #tpu.memory_space<vmem>>)
      %dma_start3A_369 = arith.constant 10 : i32
      %dma_start3A_370 = arith.constant 0 : i32
      %dma_start3A_371 = tpu.memref_slice %arg8[%dma_start3A_369, %dma_start3A_370] : memref<16x128xi32, #tpu.memory_space<vmem>> -> memref<1x128xi32, #tpu.memory_space<vmem>>
      %dma_start3A_372 = tpu.memref_squeeze %dma_start3A_371 : memref<1x128xi32, #tpu.memory_space<vmem>> -> memref<128xi32, #tpu.memory_space<vmem>>
      %dma_start3A_373 = arith.constant 0 : i32
      %dma_start3A_374 = arith.constant 0 : i32
      %dma_start3A_375 = tpu.memref_slice %arg11[%dma_start3A_373, %dma_start3A_374] : memref<10240x128xf32, #tpu.memory_space<vmem_shared>> -> memref<10240x128xf32, #tpu.memory_space<vmem_shared>>
      tpu.enqueue_indirect_dma source(%arg9 : memref<128x128xf32, #tpu.memory_space<vmem>>) target(%dma_start3A_375 : memref<10240x128xf32, #tpu.memory_space<vmem_shared>>) offsets(%dma_start3A_372 : memref<128xi32, #tpu.memory_space<vmem>>) semaphore(%arg15 : memref<!tpu.dma_semaphore, #tpu.memory_space<semaphore_mem>>) {add = true}
      %dma_wait3A_376 = arith.constant 10 : i32
      %dma_wait3A_377 = arith.constant 0 : i32
      %dma_wait3A_378 = tpu.memref_slice %arg8[%dma_wait3A_376, %dma_wait3A_377] : memref<16x128xi32, #tpu.memory_space<vmem>> -> memref<1x128xi32, #tpu.memory_space<vmem>>
      %dma_wait3A_379 = tpu.memref_squeeze %dma_wait3A_378 : memref<1x128xi32, #tpu.memory_space<vmem>> -> memref<128xi32, #tpu.memory_space<vmem>>
      %dma_wait3A_380 = arith.constant 0 : i32
      %dma_wait3A_381 = arith.constant 0 : i32
      %dma_wait3A_382 = tpu.memref_slice %arg11[%dma_wait3A_380, %dma_wait3A_381] : memref<10240x128xf32, #tpu.memory_space<vmem_shared>> -> memref<10240x128xf32, #tpu.memory_space<vmem_shared>>
      tpu.wait_indirect_dma semaphore(%arg15 : memref<!tpu.dma_semaphore, #tpu.memory_space<semaphore_mem>>) src(%arg9 : memref<128x128xf32, #tpu.memory_space<vmem>>) dst(%dma_wait3A_382 : memref<10240x128xf32, #tpu.memory_space<vmem_shared>>)
      %dma_start3A_383 = arith.constant 12 : i32
      %dma_start3A_384 = arith.constant 0 : i32
      %dma_start3A_385 = tpu.memref_slice %arg7[%dma_start3A_383, %dma_start3A_384] : memref<16x128xi32, #tpu.memory_space<vmem>> -> memref<1x128xi32, #tpu.memory_space<vmem>>
      %dma_start3A_386 = tpu.memref_squeeze %dma_start3A_385 : memref<1x128xi32, #tpu.memory_space<vmem>> -> memref<128xi32, #tpu.memory_space<vmem>>
      %dma_start3A_387 = arith.constant 0 : i32
      %dma_start3A_388 = arith.constant 0 : i32
      %dma_start3A_389 = tpu.memref_slice %arg2[%dma_start3A_387, %dma_start3A_388] : memref<10240x128xf32, #tpu.memory_space<hbm>> -> memref<10240x128xf32, #tpu.memory_space<hbm>>
      tpu.enqueue_indirect_dma source(%dma_start3A_389 : memref<10240x128xf32, #tpu.memory_space<hbm>>) target(%arg9 : memref<128x128xf32, #tpu.memory_space<vmem>>) offsets(%dma_start3A_386 : memref<128xi32, #tpu.memory_space<vmem>>) semaphore(%arg13 : memref<!tpu.dma_semaphore, #tpu.memory_space<semaphore_mem>>)
      %dma_wait3A_390 = arith.constant 11 : i32
      %dma_wait3A_391 = arith.constant 0 : i32
      %dma_wait3A_392 = tpu.memref_slice %arg7[%dma_wait3A_390, %dma_wait3A_391] : memref<16x128xi32, #tpu.memory_space<vmem>> -> memref<1x128xi32, #tpu.memory_space<vmem>>
      %dma_wait3A_393 = tpu.memref_squeeze %dma_wait3A_392 : memref<1x128xi32, #tpu.memory_space<vmem>> -> memref<128xi32, #tpu.memory_space<vmem>>
      %dma_wait3A_394 = arith.constant 0 : i32
      %dma_wait3A_395 = arith.constant 0 : i32
      %dma_wait3A_396 = tpu.memref_slice %arg2[%dma_wait3A_394, %dma_wait3A_395] : memref<10240x128xf32, #tpu.memory_space<hbm>> -> memref<10240x128xf32, #tpu.memory_space<hbm>>
      tpu.wait_indirect_dma semaphore(%arg14 : memref<!tpu.dma_semaphore, #tpu.memory_space<semaphore_mem>>) src(%dma_wait3A_396 : memref<10240x128xf32, #tpu.memory_space<hbm>>) dst(%arg10 : memref<128x128xf32, #tpu.memory_space<vmem>>)
      %dma_start3A_397 = arith.constant 11 : i32
      %dma_start3A_398 = arith.constant 0 : i32
      %dma_start3A_399 = tpu.memref_slice %arg8[%dma_start3A_397, %dma_start3A_398] : memref<16x128xi32, #tpu.memory_space<vmem>> -> memref<1x128xi32, #tpu.memory_space<vmem>>
      %dma_start3A_400 = tpu.memref_squeeze %dma_start3A_399 : memref<1x128xi32, #tpu.memory_space<vmem>> -> memref<128xi32, #tpu.memory_space<vmem>>
      %dma_start3A_401 = arith.constant 0 : i32
      %dma_start3A_402 = arith.constant 0 : i32
      %dma_start3A_403 = tpu.memref_slice %arg11[%dma_start3A_401, %dma_start3A_402] : memref<10240x128xf32, #tpu.memory_space<vmem_shared>> -> memref<10240x128xf32, #tpu.memory_space<vmem_shared>>
      tpu.enqueue_indirect_dma source(%arg10 : memref<128x128xf32, #tpu.memory_space<vmem>>) target(%dma_start3A_403 : memref<10240x128xf32, #tpu.memory_space<vmem_shared>>) offsets(%dma_start3A_400 : memref<128xi32, #tpu.memory_space<vmem>>) semaphore(%arg16 : memref<!tpu.dma_semaphore, #tpu.memory_space<semaphore_mem>>) {add = true}
      %dma_wait3A_404 = arith.constant 11 : i32
      %dma_wait3A_405 = arith.constant 0 : i32
      %dma_wait3A_406 = tpu.memref_slice %arg8[%dma_wait3A_404, %dma_wait3A_405] : memref<16x128xi32, #tpu.memory_space<vmem>> -> memref<1x128xi32, #tpu.memory_space<vmem>>
      %dma_wait3A_407 = tpu.memref_squeeze %dma_wait3A_406 : memref<1x128xi32, #tpu.memory_space<vmem>> -> memref<128xi32, #tpu.memory_space<vmem>>
      %dma_wait3A_408 = arith.constant 0 : i32
      %dma_wait3A_409 = arith.constant 0 : i32
      %dma_wait3A_410 = tpu.memref_slice %arg11[%dma_wait3A_408, %dma_wait3A_409] : memref<10240x128xf32, #tpu.memory_space<vmem_shared>> -> memref<10240x128xf32, #tpu.memory_space<vmem_shared>>
      tpu.wait_indirect_dma semaphore(%arg16 : memref<!tpu.dma_semaphore, #tpu.memory_space<semaphore_mem>>) src(%arg10 : memref<128x128xf32, #tpu.memory_space<vmem>>) dst(%dma_wait3A_410 : memref<10240x128xf32, #tpu.memory_space<vmem_shared>>)
      %dma_start3A_411 = arith.constant 13 : i32
      %dma_start3A_412 = arith.constant 0 : i32
      %dma_start3A_413 = tpu.memref_slice %arg7[%dma_start3A_411, %dma_start3A_412] : memref<16x128xi32, #tpu.memory_space<vmem>> -> memref<1x128xi32, #tpu.memory_space<vmem>>
      %dma_start3A_414 = tpu.memref_squeeze %dma_start3A_413 : memref<1x128xi32, #tpu.memory_space<vmem>> -> memref<128xi32, #tpu.memory_space<vmem>>
      %dma_start3A_415 = arith.constant 0 : i32
      %dma_start3A_416 = arith.constant 0 : i32
      %dma_start3A_417 = tpu.memref_slice %arg2[%dma_start3A_415, %dma_start3A_416] : memref<10240x128xf32, #tpu.memory_space<hbm>> -> memref<10240x128xf32, #tpu.memory_space<hbm>>
      tpu.enqueue_indirect_dma source(%dma_start3A_417 : memref<10240x128xf32, #tpu.memory_space<hbm>>) target(%arg10 : memref<128x128xf32, #tpu.memory_space<vmem>>) offsets(%dma_start3A_414 : memref<128xi32, #tpu.memory_space<vmem>>) semaphore(%arg14 : memref<!tpu.dma_semaphore, #tpu.memory_space<semaphore_mem>>)
      %dma_wait3A_418 = arith.constant 12 : i32
      %dma_wait3A_419 = arith.constant 0 : i32
      %dma_wait3A_420 = tpu.memref_slice %arg7[%dma_wait3A_418, %dma_wait3A_419] : memref<16x128xi32, #tpu.memory_space<vmem>> -> memref<1x128xi32, #tpu.memory_space<vmem>>
      %dma_wait3A_421 = tpu.memref_squeeze %dma_wait3A_420 : memref<1x128xi32, #tpu.memory_space<vmem>> -> memref<128xi32, #tpu.memory_space<vmem>>
      %dma_wait3A_422 = arith.constant 0 : i32
      %dma_wait3A_423 = arith.constant 0 : i32
      %dma_wait3A_424 = tpu.memref_slice %arg2[%dma_wait3A_422, %dma_wait3A_423] : memref<10240x128xf32, #tpu.memory_space<hbm>> -> memref<10240x128xf32, #tpu.memory_space<hbm>>
      tpu.wait_indirect_dma semaphore(%arg13 : memref<!tpu.dma_semaphore, #tpu.memory_space<semaphore_mem>>) src(%dma_wait3A_424 : memref<10240x128xf32, #tpu.memory_space<hbm>>) dst(%arg9 : memref<128x128xf32, #tpu.memory_space<vmem>>)
      %dma_start3A_425 = arith.constant 12 : i32
      %dma_start3A_426 = arith.constant 0 : i32
      %dma_start3A_427 = tpu.memref_slice %arg8[%dma_start3A_425, %dma_start3A_426] : memref<16x128xi32, #tpu.memory_space<vmem>> -> memref<1x128xi32, #tpu.memory_space<vmem>>
      %dma_start3A_428 = tpu.memref_squeeze %dma_start3A_427 : memref<1x128xi32, #tpu.memory_space<vmem>> -> memref<128xi32, #tpu.memory_space<vmem>>
      %dma_start3A_429 = arith.constant 0 : i32
      %dma_start3A_430 = arith.constant 0 : i32
      %dma_start3A_431 = tpu.memref_slice %arg11[%dma_start3A_429, %dma_start3A_430] : memref<10240x128xf32, #tpu.memory_space<vmem_shared>> -> memref<10240x128xf32, #tpu.memory_space<vmem_shared>>
      tpu.enqueue_indirect_dma source(%arg9 : memref<128x128xf32, #tpu.memory_space<vmem>>) target(%dma_start3A_431 : memref<10240x128xf32, #tpu.memory_space<vmem_shared>>) offsets(%dma_start3A_428 : memref<128xi32, #tpu.memory_space<vmem>>) semaphore(%arg15 : memref<!tpu.dma_semaphore, #tpu.memory_space<semaphore_mem>>) {add = true}
      %dma_wait3A_432 = arith.constant 12 : i32
      %dma_wait3A_433 = arith.constant 0 : i32
      %dma_wait3A_434 = tpu.memref_slice %arg8[%dma_wait3A_432, %dma_wait3A_433] : memref<16x128xi32, #tpu.memory_space<vmem>> -> memref<1x128xi32, #tpu.memory_space<vmem>>
      %dma_wait3A_435 = tpu.memref_squeeze %dma_wait3A_434 : memref<1x128xi32, #tpu.memory_space<vmem>> -> memref<128xi32, #tpu.memory_space<vmem>>
      %dma_wait3A_436 = arith.constant 0 : i32
      %dma_wait3A_437 = arith.constant 0 : i32
      %dma_wait3A_438 = tpu.memref_slice %arg11[%dma_wait3A_436, %dma_wait3A_437] : memref<10240x128xf32, #tpu.memory_space<vmem_shared>> -> memref<10240x128xf32, #tpu.memory_space<vmem_shared>>
      tpu.wait_indirect_dma semaphore(%arg15 : memref<!tpu.dma_semaphore, #tpu.memory_space<semaphore_mem>>) src(%arg9 : memref<128x128xf32, #tpu.memory_space<vmem>>) dst(%dma_wait3A_438 : memref<10240x128xf32, #tpu.memory_space<vmem_shared>>)
      %dma_start3A_439 = arith.constant 14 : i32
      %dma_start3A_440 = arith.constant 0 : i32
      %dma_start3A_441 = tpu.memref_slice %arg7[%dma_start3A_439, %dma_start3A_440] : memref<16x128xi32, #tpu.memory_space<vmem>> -> memref<1x128xi32, #tpu.memory_space<vmem>>
      %dma_start3A_442 = tpu.memref_squeeze %dma_start3A_441 : memref<1x128xi32, #tpu.memory_space<vmem>> -> memref<128xi32, #tpu.memory_space<vmem>>
      %dma_start3A_443 = arith.constant 0 : i32
      %dma_start3A_444 = arith.constant 0 : i32
      %dma_start3A_445 = tpu.memref_slice %arg2[%dma_start3A_443, %dma_start3A_444] : memref<10240x128xf32, #tpu.memory_space<hbm>> -> memref<10240x128xf32, #tpu.memory_space<hbm>>
      tpu.enqueue_indirect_dma source(%dma_start3A_445 : memref<10240x128xf32, #tpu.memory_space<hbm>>) target(%arg9 : memref<128x128xf32, #tpu.memory_space<vmem>>) offsets(%dma_start3A_442 : memref<128xi32, #tpu.memory_space<vmem>>) semaphore(%arg13 : memref<!tpu.dma_semaphore, #tpu.memory_space<semaphore_mem>>)
      %dma_wait3A_446 = arith.constant 13 : i32
      %dma_wait3A_447 = arith.constant 0 : i32
      %dma_wait3A_448 = tpu.memref_slice %arg7[%dma_wait3A_446, %dma_wait3A_447] : memref<16x128xi32, #tpu.memory_space<vmem>> -> memref<1x128xi32, #tpu.memory_space<vmem>>
      %dma_wait3A_449 = tpu.memref_squeeze %dma_wait3A_448 : memref<1x128xi32, #tpu.memory_space<vmem>> -> memref<128xi32, #tpu.memory_space<vmem>>
      %dma_wait3A_450 = arith.constant 0 : i32
      %dma_wait3A_451 = arith.constant 0 : i32
      %dma_wait3A_452 = tpu.memref_slice %arg2[%dma_wait3A_450, %dma_wait3A_451] : memref<10240x128xf32, #tpu.memory_space<hbm>> -> memref<10240x128xf32, #tpu.memory_space<hbm>>
      tpu.wait_indirect_dma semaphore(%arg14 : memref<!tpu.dma_semaphore, #tpu.memory_space<semaphore_mem>>) src(%dma_wait3A_452 : memref<10240x128xf32, #tpu.memory_space<hbm>>) dst(%arg10 : memref<128x128xf32, #tpu.memory_space<vmem>>)
      %dma_start3A_453 = arith.constant 13 : i32
      %dma_start3A_454 = arith.constant 0 : i32
      %dma_start3A_455 = tpu.memref_slice %arg8[%dma_start3A_453, %dma_start3A_454] : memref<16x128xi32, #tpu.memory_space<vmem>> -> memref<1x128xi32, #tpu.memory_space<vmem>>
      %dma_start3A_456 = tpu.memref_squeeze %dma_start3A_455 : memref<1x128xi32, #tpu.memory_space<vmem>> -> memref<128xi32, #tpu.memory_space<vmem>>
      %dma_start3A_457 = arith.constant 0 : i32
      %dma_start3A_458 = arith.constant 0 : i32
      %dma_start3A_459 = tpu.memref_slice %arg11[%dma_start3A_457, %dma_start3A_458] : memref<10240x128xf32, #tpu.memory_space<vmem_shared>> -> memref<10240x128xf32, #tpu.memory_space<vmem_shared>>
      tpu.enqueue_indirect_dma source(%arg10 : memref<128x128xf32, #tpu.memory_space<vmem>>) target(%dma_start3A_459 : memref<10240x128xf32, #tpu.memory_space<vmem_shared>>) offsets(%dma_start3A_456 : memref<128xi32, #tpu.memory_space<vmem>>) semaphore(%arg16 : memref<!tpu.dma_semaphore, #tpu.memory_space<semaphore_mem>>) {add = true}
      %dma_wait3A_460 = arith.constant 13 : i32
      %dma_wait3A_461 = arith.constant 0 : i32
      %dma_wait3A_462 = tpu.memref_slice %arg8[%dma_wait3A_460, %dma_wait3A_461] : memref<16x128xi32, #tpu.memory_space<vmem>> -> memref<1x128xi32, #tpu.memory_space<vmem>>
      %dma_wait3A_463 = tpu.memref_squeeze %dma_wait3A_462 : memref<1x128xi32, #tpu.memory_space<vmem>> -> memref<128xi32, #tpu.memory_space<vmem>>
      %dma_wait3A_464 = arith.constant 0 : i32
      %dma_wait3A_465 = arith.constant 0 : i32
      %dma_wait3A_466 = tpu.memref_slice %arg11[%dma_wait3A_464, %dma_wait3A_465] : memref<10240x128xf32, #tpu.memory_space<vmem_shared>> -> memref<10240x128xf32, #tpu.memory_space<vmem_shared>>
      tpu.wait_indirect_dma semaphore(%arg16 : memref<!tpu.dma_semaphore, #tpu.memory_space<semaphore_mem>>) src(%arg10 : memref<128x128xf32, #tpu.memory_space<vmem>>) dst(%dma_wait3A_466 : memref<10240x128xf32, #tpu.memory_space<vmem_shared>>)
      %dma_start3A_467 = arith.constant 15 : i32
      %dma_start3A_468 = arith.constant 0 : i32
      %dma_start3A_469 = tpu.memref_slice %arg7[%dma_start3A_467, %dma_start3A_468] : memref<16x128xi32, #tpu.memory_space<vmem>> -> memref<1x128xi32, #tpu.memory_space<vmem>>
      %dma_start3A_470 = tpu.memref_squeeze %dma_start3A_469 : memref<1x128xi32, #tpu.memory_space<vmem>> -> memref<128xi32, #tpu.memory_space<vmem>>
      %dma_start3A_471 = arith.constant 0 : i32
      %dma_start3A_472 = arith.constant 0 : i32
      %dma_start3A_473 = tpu.memref_slice %arg2[%dma_start3A_471, %dma_start3A_472] : memref<10240x128xf32, #tpu.memory_space<hbm>> -> memref<10240x128xf32, #tpu.memory_space<hbm>>
      tpu.enqueue_indirect_dma source(%dma_start3A_473 : memref<10240x128xf32, #tpu.memory_space<hbm>>) target(%arg10 : memref<128x128xf32, #tpu.memory_space<vmem>>) offsets(%dma_start3A_470 : memref<128xi32, #tpu.memory_space<vmem>>) semaphore(%arg14 : memref<!tpu.dma_semaphore, #tpu.memory_space<semaphore_mem>>)
      %dma_wait3A_474 = arith.constant 14 : i32
      %dma_wait3A_475 = arith.constant 0 : i32
      %dma_wait3A_476 = tpu.memref_slice %arg7[%dma_wait3A_474, %dma_wait3A_475] : memref<16x128xi32, #tpu.memory_space<vmem>> -> memref<1x128xi32, #tpu.memory_space<vmem>>
      %dma_wait3A_477 = tpu.memref_squeeze %dma_wait3A_476 : memref<1x128xi32, #tpu.memory_space<vmem>> -> memref<128xi32, #tpu.memory_space<vmem>>
      %dma_wait3A_478 = arith.constant 0 : i32
      %dma_wait3A_479 = arith.constant 0 : i32
      %dma_wait3A_480 = tpu.memref_slice %arg2[%dma_wait3A_478, %dma_wait3A_479] : memref<10240x128xf32, #tpu.memory_space<hbm>> -> memref<10240x128xf32, #tpu.memory_space<hbm>>
      tpu.wait_indirect_dma semaphore(%arg13 : memref<!tpu.dma_semaphore, #tpu.memory_space<semaphore_mem>>) src(%dma_wait3A_480 : memref<10240x128xf32, #tpu.memory_space<hbm>>) dst(%arg9 : memref<128x128xf32, #tpu.memory_space<vmem>>)
      %dma_start3A_481 = arith.constant 14 : i32
      %dma_start3A_482 = arith.constant 0 : i32
      %dma_start3A_483 = tpu.memref_slice %arg8[%dma_start3A_481, %dma_start3A_482] : memref<16x128xi32, #tpu.memory_space<vmem>> -> memref<1x128xi32, #tpu.memory_space<vmem>>
      %dma_start3A_484 = tpu.memref_squeeze %dma_start3A_483 : memref<1x128xi32, #tpu.memory_space<vmem>> -> memref<128xi32, #tpu.memory_space<vmem>>
      %dma_start3A_485 = arith.constant 0 : i32
      %dma_start3A_486 = arith.constant 0 : i32
      %dma_start3A_487 = tpu.memref_slice %arg11[%dma_start3A_485, %dma_start3A_486] : memref<10240x128xf32, #tpu.memory_space<vmem_shared>> -> memref<10240x128xf32, #tpu.memory_space<vmem_shared>>
      tpu.enqueue_indirect_dma source(%arg9 : memref<128x128xf32, #tpu.memory_space<vmem>>) target(%dma_start3A_487 : memref<10240x128xf32, #tpu.memory_space<vmem_shared>>) offsets(%dma_start3A_484 : memref<128xi32, #tpu.memory_space<vmem>>) semaphore(%arg15 : memref<!tpu.dma_semaphore, #tpu.memory_space<semaphore_mem>>) {add = true}
      %dma_wait3A_488 = arith.constant 15 : i32
      %dma_wait3A_489 = arith.constant 0 : i32
      %dma_wait3A_490 = tpu.memref_slice %arg7[%dma_wait3A_488, %dma_wait3A_489] : memref<16x128xi32, #tpu.memory_space<vmem>> -> memref<1x128xi32, #tpu.memory_space<vmem>>
      %dma_wait3A_491 = tpu.memref_squeeze %dma_wait3A_490 : memref<1x128xi32, #tpu.memory_space<vmem>> -> memref<128xi32, #tpu.memory_space<vmem>>
      %dma_wait3A_492 = arith.constant 0 : i32
      %dma_wait3A_493 = arith.constant 0 : i32
      %dma_wait3A_494 = tpu.memref_slice %arg2[%dma_wait3A_492, %dma_wait3A_493] : memref<10240x128xf32, #tpu.memory_space<hbm>> -> memref<10240x128xf32, #tpu.memory_space<hbm>>
      tpu.wait_indirect_dma semaphore(%arg14 : memref<!tpu.dma_semaphore, #tpu.memory_space<semaphore_mem>>) src(%dma_wait3A_494 : memref<10240x128xf32, #tpu.memory_space<hbm>>) dst(%arg10 : memref<128x128xf32, #tpu.memory_space<vmem>>)
      %dma_start3A_495 = arith.constant 15 : i32
      %dma_start3A_496 = arith.constant 0 : i32
      %dma_start3A_497 = tpu.memref_slice %arg8[%dma_start3A_495, %dma_start3A_496] : memref<16x128xi32, #tpu.memory_space<vmem>> -> memref<1x128xi32, #tpu.memory_space<vmem>>
      %dma_start3A_498 = tpu.memref_squeeze %dma_start3A_497 : memref<1x128xi32, #tpu.memory_space<vmem>> -> memref<128xi32, #tpu.memory_space<vmem>>
      %dma_start3A_499 = arith.constant 0 : i32
      %dma_start3A_500 = arith.constant 0 : i32
      %dma_start3A_501 = tpu.memref_slice %arg11[%dma_start3A_499, %dma_start3A_500] : memref<10240x128xf32, #tpu.memory_space<vmem_shared>> -> memref<10240x128xf32, #tpu.memory_space<vmem_shared>>
      tpu.enqueue_indirect_dma source(%arg10 : memref<128x128xf32, #tpu.memory_space<vmem>>) target(%dma_start3A_501 : memref<10240x128xf32, #tpu.memory_space<vmem_shared>>) offsets(%dma_start3A_498 : memref<128xi32, #tpu.memory_space<vmem>>) semaphore(%arg16 : memref<!tpu.dma_semaphore, #tpu.memory_space<semaphore_mem>>) {add = true}
    }
    %scan3A_16 = arith.constant 5 : i32
    %dma_wait3A = arith.constant 14 : i32
    %dma_wait3A_17 = arith.constant 0 : i32
    %dma_wait3A_18 = tpu.memref_slice %arg8[%dma_wait3A, %dma_wait3A_17] : memref<16x128xi32, #tpu.memory_space<vmem>> -> memref<1x128xi32, #tpu.memory_space<vmem>>
    %dma_wait3A_19 = tpu.memref_squeeze %dma_wait3A_18 : memref<1x128xi32, #tpu.memory_space<vmem>> -> memref<128xi32, #tpu.memory_space<vmem>>
    %dma_wait3A_20 = arith.constant 0 : i32
    %dma_wait3A_21 = arith.constant 0 : i32
    %dma_wait3A_22 = tpu.memref_slice %arg11[%dma_wait3A_20, %dma_wait3A_21] : memref<10240x128xf32, #tpu.memory_space<vmem_shared>> -> memref<10240x128xf32, #tpu.memory_space<vmem_shared>>
    tpu.wait_indirect_dma semaphore(%arg15 : memref<!tpu.dma_semaphore, #tpu.memory_space<semaphore_mem>>) src(%arg9 : memref<128x128xf32, #tpu.memory_space<vmem>>) dst(%dma_wait3A_22 : memref<10240x128xf32, #tpu.memory_space<vmem_shared>>)
    %dma_wait3A_23 = arith.constant 15 : i32
    %dma_wait3A_24 = arith.constant 0 : i32
    %dma_wait3A_25 = tpu.memref_slice %arg8[%dma_wait3A_23, %dma_wait3A_24] : memref<16x128xi32, #tpu.memory_space<vmem>> -> memref<1x128xi32, #tpu.memory_space<vmem>>
    %dma_wait3A_26 = tpu.memref_squeeze %dma_wait3A_25 : memref<1x128xi32, #tpu.memory_space<vmem>> -> memref<128xi32, #tpu.memory_space<vmem>>
    %dma_wait3A_27 = arith.constant 0 : i32
    %dma_wait3A_28 = arith.constant 0 : i32
    %dma_wait3A_29 = tpu.memref_slice %arg11[%dma_wait3A_27, %dma_wait3A_28] : memref<10240x128xf32, #tpu.memory_space<vmem_shared>> -> memref<10240x128xf32, #tpu.memory_space<vmem_shared>>
    tpu.wait_indirect_dma semaphore(%arg16 : memref<!tpu.dma_semaphore, #tpu.memory_space<semaphore_mem>>) src(%arg10 : memref<128x128xf32, #tpu.memory_space<vmem>>) dst(%dma_wait3A_29 : memref<10240x128xf32, #tpu.memory_space<vmem_shared>>)
    %barrier3A_30 = arith.constant 0 : index
    tpu.barrier barrier_id(%barrier3A_30)
    %eq3A = arith.constant 0 : i32
    %eq3A_31 = arith.cmpi eq, %arg0, %eq3A : i32
    %convert_element_type3A = arith.extui %eq3A_31 : i1 to i32
    %cond3A = arith.constant 0 : i32
    %cond3A_32 = arith.cmpi ne, %convert_element_type3A, %cond3A : i32
    scf.if %cond3A_32 {
      %mul3A_38 = arith.constant 640 : i32
      %mul3A_39 = arith.muli %arg1, %mul3A_38 : i32
      %mul3A_40 = arith.constant 640 : i32
      %mul3A_41 = arith.muli %arg1, %mul3A_40 : i32
      "tpu.region"() ({
        %run_scoped3A = tpu.sem_alloc : memref<!tpu.dma_semaphore, #tpu.memory_space<semaphore_mem>>
        %dma_start3A = arith.constant 0 : i32
        %dma_start3A_42 = tpu.memref_slice %arg5[%mul3A_41, %dma_start3A] : memref<10240x128xf32, #tpu.memory_space<hbm>> -> memref<640x128xf32, #tpu.memory_space<hbm>>
        %dma_start3A_43 = arith.constant 0 : i32
        %dma_start3A_44 = tpu.memref_slice %arg11[%mul3A_39, %dma_start3A_43] : memref<10240x128xf32, #tpu.memory_space<vmem_shared>> -> memref<640x128xf32, #tpu.memory_space<vmem_shared>>
        tpu.enqueue_dma source(%dma_start3A_44 : memref<640x128xf32, #tpu.memory_space<vmem_shared>>) target(%dma_start3A_42 : memref<640x128xf32, #tpu.memory_space<hbm>>) target_semaphore(%run_scoped3A : memref<!tpu.dma_semaphore, #tpu.memory_space<semaphore_mem>>)
        %dma_wait3A_45 = arith.constant 0 : i32
        %dma_wait3A_46 = tpu.memref_slice %arg5[%mul3A_41, %dma_wait3A_45] : memref<10240x128xf32, #tpu.memory_space<hbm>> -> memref<640x128xf32, #tpu.memory_space<hbm>>
        %dma_wait3A_47 = arith.constant 0 : i32
        %dma_wait3A_48 = tpu.memref_slice %arg11[%mul3A_39, %dma_wait3A_47] : memref<10240x128xf32, #tpu.memory_space<vmem_shared>> -> memref<640x128xf32, #tpu.memory_space<vmem_shared>>
        tpu.wait_dma2 semaphore(%run_scoped3A : memref<!tpu.dma_semaphore, #tpu.memory_space<semaphore_mem>>) src(%dma_wait3A_48 : memref<640x128xf32, #tpu.memory_space<vmem_shared>>) dst(%dma_wait3A_46 : memref<640x128xf32, #tpu.memory_space<hbm>>)
        tpu.yield
      }) : () -> ()
    } else {
    }
    %eq3A_33 = arith.constant 1 : i32
    %eq3A_34 = arith.cmpi eq, %arg0, %eq3A_33 : i32
    %convert_element_type3A_35 = arith.extui %eq3A_34 : i1 to i32
    %cond3A_36 = arith.constant 0 : i32
    %cond3A_37 = arith.cmpi ne, %convert_element_type3A_35, %cond3A_36 : i32
    scf.if %cond3A_37 {
      %mul3A_38 = arith.constant 640 : i32
      %mul3A_39 = arith.muli %arg1, %mul3A_38 : i32
      %mul3A_40 = arith.constant 640 : i32
      %mul3A_41 = arith.muli %arg1, %mul3A_40 : i32
      "tpu.region"() ({
        %run_scoped3A = tpu.sem_alloc : memref<!tpu.dma_semaphore, #tpu.memory_space<semaphore_mem>>
        %dma_start3A = arith.constant 0 : i32
        %dma_start3A_42 = tpu.memref_slice %arg6[%mul3A_41, %dma_start3A] : memref<10240x128xf32, #tpu.memory_space<hbm>> -> memref<640x128xf32, #tpu.memory_space<hbm>>
        %dma_start3A_43 = arith.constant 0 : i32
        %dma_start3A_44 = tpu.memref_slice %arg11[%mul3A_39, %dma_start3A_43] : memref<10240x128xf32, #tpu.memory_space<vmem_shared>> -> memref<640x128xf32, #tpu.memory_space<vmem_shared>>
        tpu.enqueue_dma source(%dma_start3A_44 : memref<640x128xf32, #tpu.memory_space<vmem_shared>>) target(%dma_start3A_42 : memref<640x128xf32, #tpu.memory_space<hbm>>) target_semaphore(%run_scoped3A : memref<!tpu.dma_semaphore, #tpu.memory_space<semaphore_mem>>)
        %dma_wait3A_45 = arith.constant 0 : i32
        %dma_wait3A_46 = tpu.memref_slice %arg6[%mul3A_41, %dma_wait3A_45] : memref<10240x128xf32, #tpu.memory_space<hbm>> -> memref<640x128xf32, #tpu.memory_space<hbm>>
        %dma_wait3A_47 = arith.constant 0 : i32
        %dma_wait3A_48 = tpu.memref_slice %arg11[%mul3A_39, %dma_wait3A_47] : memref<10240x128xf32, #tpu.memory_space<vmem_shared>> -> memref<640x128xf32, #tpu.memory_space<vmem_shared>>
        tpu.wait_dma2 semaphore(%run_scoped3A : memref<!tpu.dma_semaphore, #tpu.memory_space<semaphore_mem>>) src(%dma_wait3A_48 : memref<640x128xf32, #tpu.memory_space<vmem_shared>>) dst(%dma_wait3A_46 : memref<640x128xf32, #tpu.memory_space<hbm>>)
        tpu.yield
      }) : () -> ()
    } else {
    }
    return
  }
}

#map = affine_map<(d0, d1) -> (0, 0)>
module attributes {stable_mosaic.version = 14 : i64} {
  func.func @scat(%arg0: i32, %arg1: i32, %arg2: memref<20480x128xf32, #tpu.memory_space<hbm>>, %arg3: memref<5120x128xi32, #tpu.memory_space<hbm>>, %arg4: memref<2560x128xi32, #tpu.memory_space<hbm>>, %arg5: memref<20480x128xf32, #tpu.memory_space<hbm>>, %arg6: memref<16x128xi32, #tpu.memory_space<vmem>>, %arg7: memref<16x128xi32, #tpu.memory_space<vmem>>, %arg8: memref<128x128xf32, #tpu.memory_space<vmem>>, %arg9: memref<128x128xf32, #tpu.memory_space<vmem>>, %arg10: memref<10240x128xf32, #tpu.memory_space<vmem_shared>>, %arg11: memref<!tpu.dma_semaphore, #tpu.memory_space<semaphore_mem>>, %arg12: memref<!tpu.dma_semaphore, #tpu.memory_space<semaphore_mem>>, %arg13: memref<!tpu.dma_semaphore, #tpu.memory_space<semaphore_mem>>, %arg14: memref<!tpu.dma_semaphore, #tpu.memory_space<semaphore_mem>>, %arg15: memref<!tpu.dma_semaphore, #tpu.memory_space<semaphore_mem>>) attributes {dimension_semantics = [#tpu.dimension_semantics<core_parallel>, #tpu.dimension_semantics<subcore_parallel>], iteration_bounds = array<i64: 2, 16>, scalar_prefetch = 0 : i64, scratch_operands = 10 : i64, tpu.core_type = #tpu.core_type<sc_vector_subcore>, window_params = [{transform_indices = #map}, {transform_indices = #map}, {transform_indices = #map}, {transform_indices = #map}]} {
    %mul3A = arith.constant 10240 : i32
    %mul3A_0 = arith.muli %arg0, %mul3A : i32
    %mul3A_1 = arith.constant 640 : i32
    %mul3A_2 = arith.muli %arg1, %mul3A_1 : i32
    %add3A = arith.addi %mul3A_0, %mul3A_2 : i32
    %mul3A_3 = arith.constant 640 : i32
    %mul3A_4 = arith.muli %arg1, %mul3A_3 : i32
    "tpu.region"() ({
      %run_scoped3A = tpu.sem_alloc : memref<!tpu.dma_semaphore, #tpu.memory_space<semaphore_mem>>
      %dma_start3A = arith.constant 0 : i32
      %dma_start3A_35 = tpu.memref_slice %arg10[%mul3A_4, %dma_start3A] : memref<10240x128xf32, #tpu.memory_space<vmem_shared>> -> memref<640x128xf32, #tpu.memory_space<vmem_shared>>
      %dma_start3A_36 = arith.constant 0 : i32
      %dma_start3A_37 = tpu.memref_slice %arg2[%add3A, %dma_start3A_36] : memref<20480x128xf32, #tpu.memory_space<hbm>> -> memref<640x128xf32, #tpu.memory_space<hbm>>
      tpu.enqueue_dma source(%dma_start3A_37 : memref<640x128xf32, #tpu.memory_space<hbm>>) target(%dma_start3A_35 : memref<640x128xf32, #tpu.memory_space<vmem_shared>>) target_semaphore(%run_scoped3A : memref<!tpu.dma_semaphore, #tpu.memory_space<semaphore_mem>>)
      %dma_wait3A_38 = arith.constant 0 : i32
      %dma_wait3A_39 = tpu.memref_slice %arg10[%mul3A_4, %dma_wait3A_38] : memref<10240x128xf32, #tpu.memory_space<vmem_shared>> -> memref<640x128xf32, #tpu.memory_space<vmem_shared>>
      %dma_wait3A_40 = arith.constant 0 : i32
      %dma_wait3A_41 = tpu.memref_slice %arg2[%add3A, %dma_wait3A_40] : memref<20480x128xf32, #tpu.memory_space<hbm>> -> memref<640x128xf32, #tpu.memory_space<hbm>>
      tpu.wait_dma2 semaphore(%run_scoped3A : memref<!tpu.dma_semaphore, #tpu.memory_space<semaphore_mem>>) src(%dma_wait3A_41 : memref<640x128xf32, #tpu.memory_space<hbm>>) dst(%dma_wait3A_39 : memref<640x128xf32, #tpu.memory_space<vmem_shared>>)
      tpu.yield
    }) : () -> ()
    %mul3A_5 = arith.constant 10240 : i32
    %mul3A_6 = arith.muli %arg0, %mul3A_5 : i32
    %mul3A_7 = arith.constant 160 : i32
    %mul3A_8 = arith.muli %arg1, %mul3A_7 : i32
    %mul3A_9 = arith.constant 2560 : i32
    %mul3A_10 = arith.muli %arg0, %mul3A_9 : i32
    %add3A_11 = arith.addi %mul3A_10, %mul3A_8 : i32
    %barrier3A = arith.constant 0 : index
    tpu.barrier barrier_id(%barrier3A)
    %scan3A = arith.constant 0 : i32
    %scan3A_12 = arith.constant 10 : i32
    %scan3A_13 = arith.addi %scan3A, %scan3A_12 : i32
    %scan3A_14 = arith.constant 1 : i32
    scf.for %scan3A_35 = %scan3A to %scan3A_13 step %scan3A_14  : i32 {
      %mul3A_36 = arith.constant 1 : i32
      %mul3A_37 = arith.muli %scan3A_35, %mul3A_36 : i32
      %add3A_38 = arith.constant 0 : i32
      %add3A_39 = arith.addi %add3A_38, %mul3A_37 : i32
      %gt3A = arith.constant 0 : i32
      %gt3A_40 = arith.cmpi sgt, %add3A_39, %gt3A : i32
      %convert_element_type3A = arith.extui %gt3A_40 : i1 to i32
      %cond3A = arith.constant 0 : i32
      %cond3A_41 = arith.cmpi ne, %convert_element_type3A, %cond3A : i32
      scf.if %cond3A_41 {
        %dma_wait3A_497 = arith.constant 14 : i32
        %dma_wait3A_498 = arith.constant 0 : i32
        %dma_wait3A_499 = tpu.memref_slice %arg7[%dma_wait3A_497, %dma_wait3A_498] : memref<16x128xi32, #tpu.memory_space<vmem>> -> memref<1x128xi32, #tpu.memory_space<vmem>>
        %dma_wait3A_500 = tpu.memref_squeeze %dma_wait3A_499 : memref<1x128xi32, #tpu.memory_space<vmem>> -> memref<128xi32, #tpu.memory_space<vmem>>
        %dma_wait3A_501 = arith.constant 0 : i32
        %dma_wait3A_502 = arith.constant 0 : i32
        %dma_wait3A_503 = tpu.memref_slice %arg10[%dma_wait3A_501, %dma_wait3A_502] : memref<10240x128xf32, #tpu.memory_space<vmem_shared>> -> memref<10240x128xf32, #tpu.memory_space<vmem_shared>>
        tpu.wait_indirect_dma semaphore(%arg14 : memref<!tpu.dma_semaphore, #tpu.memory_space<semaphore_mem>>) src(%arg8 : memref<128x128xf32, #tpu.memory_space<vmem>>) dst(%dma_wait3A_503 : memref<10240x128xf32, #tpu.memory_space<vmem_shared>>)
        %dma_wait3A_504 = arith.constant 15 : i32
        %dma_wait3A_505 = arith.constant 0 : i32
        %dma_wait3A_506 = tpu.memref_slice %arg7[%dma_wait3A_504, %dma_wait3A_505] : memref<16x128xi32, #tpu.memory_space<vmem>> -> memref<1x128xi32, #tpu.memory_space<vmem>>
        %dma_wait3A_507 = tpu.memref_squeeze %dma_wait3A_506 : memref<1x128xi32, #tpu.memory_space<vmem>> -> memref<128xi32, #tpu.memory_space<vmem>>
        %dma_wait3A_508 = arith.constant 0 : i32
        %dma_wait3A_509 = arith.constant 0 : i32
        %dma_wait3A_510 = tpu.memref_slice %arg10[%dma_wait3A_508, %dma_wait3A_509] : memref<10240x128xf32, #tpu.memory_space<vmem_shared>> -> memref<10240x128xf32, #tpu.memory_space<vmem_shared>>
        tpu.wait_indirect_dma semaphore(%arg15 : memref<!tpu.dma_semaphore, #tpu.memory_space<semaphore_mem>>) src(%arg9 : memref<128x128xf32, #tpu.memory_space<vmem>>) dst(%dma_wait3A_510 : memref<10240x128xf32, #tpu.memory_space<vmem_shared>>)
      } else {
      }
      %mul3A_42 = arith.constant 16 : i32
      %mul3A_43 = arith.muli %add3A_39, %mul3A_42 : i32
      %add3A_44 = arith.addi %add3A_11, %mul3A_43 : i32
      %dma_start3A = arith.constant 0 : i32
      %dma_start3A_45 = tpu.memref_slice %arg3[%add3A_44, %dma_start3A] : memref<5120x128xi32, #tpu.memory_space<hbm>> -> memref<16x128xi32, #tpu.memory_space<hbm>>
      %dma_start3A_46 = arith.constant 0 : i32
      %dma_start3A_47 = tpu.memref_slice %arg3[%add3A_44, %dma_start3A_46] : memref<5120x128xi32, #tpu.memory_space<hbm>> -> memref<16x128xi32, #tpu.memory_space<hbm>>
      tpu.enqueue_dma source(%dma_start3A_47 : memref<16x128xi32, #tpu.memory_space<hbm>>) target(%arg6 : memref<16x128xi32, #tpu.memory_space<vmem>>) target_semaphore(%arg11 : memref<!tpu.dma_semaphore, #tpu.memory_space<semaphore_mem>>)
      %mul3A_48 = arith.constant 16 : i32
      %mul3A_49 = arith.muli %add3A_39, %mul3A_48 : i32
      %add3A_50 = arith.addi %mul3A_8, %mul3A_49 : i32
      %dma_start3A_51 = arith.constant 0 : i32
      %dma_start3A_52 = tpu.memref_slice %arg4[%add3A_50, %dma_start3A_51] : memref<2560x128xi32, #tpu.memory_space<hbm>> -> memref<16x128xi32, #tpu.memory_space<hbm>>
      %dma_start3A_53 = arith.constant 0 : i32
      %dma_start3A_54 = tpu.memref_slice %arg4[%add3A_50, %dma_start3A_53] : memref<2560x128xi32, #tpu.memory_space<hbm>> -> memref<16x128xi32, #tpu.memory_space<hbm>>
      tpu.enqueue_dma source(%dma_start3A_54 : memref<16x128xi32, #tpu.memory_space<hbm>>) target(%arg7 : memref<16x128xi32, #tpu.memory_space<vmem>>) target_semaphore(%arg11 : memref<!tpu.dma_semaphore, #tpu.memory_space<semaphore_mem>>)
      %dma_wait3A_55 = arith.constant 0 : i32
      %dma_wait3A_56 = tpu.memref_slice %arg3[%add3A_44, %dma_wait3A_55] : memref<5120x128xi32, #tpu.memory_space<hbm>> -> memref<16x128xi32, #tpu.memory_space<hbm>>
      %dma_wait3A_57 = arith.constant 0 : i32
      %dma_wait3A_58 = tpu.memref_slice %arg3[%add3A_44, %dma_wait3A_57] : memref<5120x128xi32, #tpu.memory_space<hbm>> -> memref<16x128xi32, #tpu.memory_space<hbm>>
      tpu.wait_dma2 semaphore(%arg11 : memref<!tpu.dma_semaphore, #tpu.memory_space<semaphore_mem>>) src(%dma_wait3A_58 : memref<16x128xi32, #tpu.memory_space<hbm>>) dst(%arg6 : memref<16x128xi32, #tpu.memory_space<vmem>>)
      %dma_wait3A_59 = arith.constant 0 : i32
      %dma_wait3A_60 = tpu.memref_slice %arg4[%add3A_50, %dma_wait3A_59] : memref<2560x128xi32, #tpu.memory_space<hbm>> -> memref<16x128xi32, #tpu.memory_space<hbm>>
      %dma_wait3A_61 = arith.constant 0 : i32
      %dma_wait3A_62 = tpu.memref_slice %arg4[%add3A_50, %dma_wait3A_61] : memref<2560x128xi32, #tpu.memory_space<hbm>> -> memref<16x128xi32, #tpu.memory_space<hbm>>
      tpu.wait_dma2 semaphore(%arg11 : memref<!tpu.dma_semaphore, #tpu.memory_space<semaphore_mem>>) src(%dma_wait3A_62 : memref<16x128xi32, #tpu.memory_space<hbm>>) dst(%arg7 : memref<16x128xi32, #tpu.memory_space<vmem>>)
      %dma_start3A_63 = arith.constant 0 : i32
      %dma_start3A_64 = arith.constant 0 : i32
      %dma_start3A_65 = tpu.memref_slice %arg6[%dma_start3A_63, %dma_start3A_64] : memref<16x128xi32, #tpu.memory_space<vmem>> -> memref<1x128xi32, #tpu.memory_space<vmem>>
      %dma_start3A_66 = tpu.memref_squeeze %dma_start3A_65 : memref<1x128xi32, #tpu.memory_space<vmem>> -> memref<128xi32, #tpu.memory_space<vmem>>
      %dma_start3A_67 = arith.constant 0 : i32
      %dma_start3A_68 = arith.constant 0 : i32
      %dma_start3A_69 = tpu.memref_slice %arg2[%dma_start3A_67, %dma_start3A_68] : memref<20480x128xf32, #tpu.memory_space<hbm>> -> memref<20480x128xf32, #tpu.memory_space<hbm>>
      tpu.enqueue_indirect_dma source(%dma_start3A_69 : memref<20480x128xf32, #tpu.memory_space<hbm>>) target(%arg8 : memref<128x128xf32, #tpu.memory_space<vmem>>) offsets(%dma_start3A_66 : memref<128xi32, #tpu.memory_space<vmem>>) semaphore(%arg12 : memref<!tpu.dma_semaphore, #tpu.memory_space<semaphore_mem>>)
      %dma_start3A_70 = arith.constant 1 : i32
      %dma_start3A_71 = arith.constant 0 : i32
      %dma_start3A_72 = tpu.memref_slice %arg6[%dma_start3A_70, %dma_start3A_71] : memref<16x128xi32, #tpu.memory_space<vmem>> -> memref<1x128xi32, #tpu.memory_space<vmem>>
      %dma_start3A_73 = tpu.memref_squeeze %dma_start3A_72 : memref<1x128xi32, #tpu.memory_space<vmem>> -> memref<128xi32, #tpu.memory_space<vmem>>
      %dma_start3A_74 = arith.constant 0 : i32
      %dma_start3A_75 = arith.constant 0 : i32
      %dma_start3A_76 = tpu.memref_slice %arg2[%dma_start3A_74, %dma_start3A_75] : memref<20480x128xf32, #tpu.memory_space<hbm>> -> memref<20480x128xf32, #tpu.memory_space<hbm>>
      tpu.enqueue_indirect_dma source(%dma_start3A_76 : memref<20480x128xf32, #tpu.memory_space<hbm>>) target(%arg9 : memref<128x128xf32, #tpu.memory_space<vmem>>) offsets(%dma_start3A_73 : memref<128xi32, #tpu.memory_space<vmem>>) semaphore(%arg13 : memref<!tpu.dma_semaphore, #tpu.memory_space<semaphore_mem>>)
      %dma_wait3A_77 = arith.constant 0 : i32
      %dma_wait3A_78 = arith.constant 0 : i32
      %dma_wait3A_79 = tpu.memref_slice %arg6[%dma_wait3A_77, %dma_wait3A_78] : memref<16x128xi32, #tpu.memory_space<vmem>> -> memref<1x128xi32, #tpu.memory_space<vmem>>
      %dma_wait3A_80 = tpu.memref_squeeze %dma_wait3A_79 : memref<1x128xi32, #tpu.memory_space<vmem>> -> memref<128xi32, #tpu.memory_space<vmem>>
      %dma_wait3A_81 = arith.constant 0 : i32
      %dma_wait3A_82 = arith.constant 0 : i32
      %dma_wait3A_83 = tpu.memref_slice %arg2[%dma_wait3A_81, %dma_wait3A_82] : memref<20480x128xf32, #tpu.memory_space<hbm>> -> memref<20480x128xf32, #tpu.memory_space<hbm>>
      tpu.wait_indirect_dma semaphore(%arg12 : memref<!tpu.dma_semaphore, #tpu.memory_space<semaphore_mem>>) src(%dma_wait3A_83 : memref<20480x128xf32, #tpu.memory_space<hbm>>) dst(%arg8 : memref<128x128xf32, #tpu.memory_space<vmem>>)
      %dma_start3A_84 = arith.constant 0 : i32
      %dma_start3A_85 = arith.constant 0 : i32
      %dma_start3A_86 = tpu.memref_slice %arg7[%dma_start3A_84, %dma_start3A_85] : memref<16x128xi32, #tpu.memory_space<vmem>> -> memref<1x128xi32, #tpu.memory_space<vmem>>
      %dma_start3A_87 = tpu.memref_squeeze %dma_start3A_86 : memref<1x128xi32, #tpu.memory_space<vmem>> -> memref<128xi32, #tpu.memory_space<vmem>>
      %dma_start3A_88 = arith.constant 0 : i32
      %dma_start3A_89 = arith.constant 0 : i32
      %dma_start3A_90 = tpu.memref_slice %arg10[%dma_start3A_88, %dma_start3A_89] : memref<10240x128xf32, #tpu.memory_space<vmem_shared>> -> memref<10240x128xf32, #tpu.memory_space<vmem_shared>>
      tpu.enqueue_indirect_dma source(%arg8 : memref<128x128xf32, #tpu.memory_space<vmem>>) target(%dma_start3A_90 : memref<10240x128xf32, #tpu.memory_space<vmem_shared>>) offsets(%dma_start3A_87 : memref<128xi32, #tpu.memory_space<vmem>>) semaphore(%arg14 : memref<!tpu.dma_semaphore, #tpu.memory_space<semaphore_mem>>) {add = true}
      %dma_wait3A_91 = arith.constant 0 : i32
      %dma_wait3A_92 = arith.constant 0 : i32
      %dma_wait3A_93 = tpu.memref_slice %arg7[%dma_wait3A_91, %dma_wait3A_92] : memref<16x128xi32, #tpu.memory_space<vmem>> -> memref<1x128xi32, #tpu.memory_space<vmem>>
      %dma_wait3A_94 = tpu.memref_squeeze %dma_wait3A_93 : memref<1x128xi32, #tpu.memory_space<vmem>> -> memref<128xi32, #tpu.memory_space<vmem>>
      %dma_wait3A_95 = arith.constant 0 : i32
      %dma_wait3A_96 = arith.constant 0 : i32
      %dma_wait3A_97 = tpu.memref_slice %arg10[%dma_wait3A_95, %dma_wait3A_96] : memref<10240x128xf32, #tpu.memory_space<vmem_shared>> -> memref<10240x128xf32, #tpu.memory_space<vmem_shared>>
      tpu.wait_indirect_dma semaphore(%arg14 : memref<!tpu.dma_semaphore, #tpu.memory_space<semaphore_mem>>) src(%arg8 : memref<128x128xf32, #tpu.memory_space<vmem>>) dst(%dma_wait3A_97 : memref<10240x128xf32, #tpu.memory_space<vmem_shared>>)
      %dma_start3A_98 = arith.constant 2 : i32
      %dma_start3A_99 = arith.constant 0 : i32
      %dma_start3A_100 = tpu.memref_slice %arg6[%dma_start3A_98, %dma_start3A_99] : memref<16x128xi32, #tpu.memory_space<vmem>> -> memref<1x128xi32, #tpu.memory_space<vmem>>
      %dma_start3A_101 = tpu.memref_squeeze %dma_start3A_100 : memref<1x128xi32, #tpu.memory_space<vmem>> -> memref<128xi32, #tpu.memory_space<vmem>>
      %dma_start3A_102 = arith.constant 0 : i32
      %dma_start3A_103 = arith.constant 0 : i32
      %dma_start3A_104 = tpu.memref_slice %arg2[%dma_start3A_102, %dma_start3A_103] : memref<20480x128xf32, #tpu.memory_space<hbm>> -> memref<20480x128xf32, #tpu.memory_space<hbm>>
      tpu.enqueue_indirect_dma source(%dma_start3A_104 : memref<20480x128xf32, #tpu.memory_space<hbm>>) target(%arg8 : memref<128x128xf32, #tpu.memory_space<vmem>>) offsets(%dma_start3A_101 : memref<128xi32, #tpu.memory_space<vmem>>) semaphore(%arg12 : memref<!tpu.dma_semaphore, #tpu.memory_space<semaphore_mem>>)
      %dma_wait3A_105 = arith.constant 1 : i32
      %dma_wait3A_106 = arith.constant 0 : i32
      %dma_wait3A_107 = tpu.memref_slice %arg6[%dma_wait3A_105, %dma_wait3A_106] : memref<16x128xi32, #tpu.memory_space<vmem>> -> memref<1x128xi32, #tpu.memory_space<vmem>>
      %dma_wait3A_108 = tpu.memref_squeeze %dma_wait3A_107 : memref<1x128xi32, #tpu.memory_space<vmem>> -> memref<128xi32, #tpu.memory_space<vmem>>
      %dma_wait3A_109 = arith.constant 0 : i32
      %dma_wait3A_110 = arith.constant 0 : i32
      %dma_wait3A_111 = tpu.memref_slice %arg2[%dma_wait3A_109, %dma_wait3A_110] : memref<20480x128xf32, #tpu.memory_space<hbm>> -> memref<20480x128xf32, #tpu.memory_space<hbm>>
      tpu.wait_indirect_dma semaphore(%arg13 : memref<!tpu.dma_semaphore, #tpu.memory_space<semaphore_mem>>) src(%dma_wait3A_111 : memref<20480x128xf32, #tpu.memory_space<hbm>>) dst(%arg9 : memref<128x128xf32, #tpu.memory_space<vmem>>)
      %dma_start3A_112 = arith.constant 1 : i32
      %dma_start3A_113 = arith.constant 0 : i32
      %dma_start3A_114 = tpu.memref_slice %arg7[%dma_start3A_112, %dma_start3A_113] : memref<16x128xi32, #tpu.memory_space<vmem>> -> memref<1x128xi32, #tpu.memory_space<vmem>>
      %dma_start3A_115 = tpu.memref_squeeze %dma_start3A_114 : memref<1x128xi32, #tpu.memory_space<vmem>> -> memref<128xi32, #tpu.memory_space<vmem>>
      %dma_start3A_116 = arith.constant 0 : i32
      %dma_start3A_117 = arith.constant 0 : i32
      %dma_start3A_118 = tpu.memref_slice %arg10[%dma_start3A_116, %dma_start3A_117] : memref<10240x128xf32, #tpu.memory_space<vmem_shared>> -> memref<10240x128xf32, #tpu.memory_space<vmem_shared>>
      tpu.enqueue_indirect_dma source(%arg9 : memref<128x128xf32, #tpu.memory_space<vmem>>) target(%dma_start3A_118 : memref<10240x128xf32, #tpu.memory_space<vmem_shared>>) offsets(%dma_start3A_115 : memref<128xi32, #tpu.memory_space<vmem>>) semaphore(%arg15 : memref<!tpu.dma_semaphore, #tpu.memory_space<semaphore_mem>>) {add = true}
      %dma_wait3A_119 = arith.constant 1 : i32
      %dma_wait3A_120 = arith.constant 0 : i32
      %dma_wait3A_121 = tpu.memref_slice %arg7[%dma_wait3A_119, %dma_wait3A_120] : memref<16x128xi32, #tpu.memory_space<vmem>> -> memref<1x128xi32, #tpu.memory_space<vmem>>
      %dma_wait3A_122 = tpu.memref_squeeze %dma_wait3A_121 : memref<1x128xi32, #tpu.memory_space<vmem>> -> memref<128xi32, #tpu.memory_space<vmem>>
      %dma_wait3A_123 = arith.constant 0 : i32
      %dma_wait3A_124 = arith.constant 0 : i32
      %dma_wait3A_125 = tpu.memref_slice %arg10[%dma_wait3A_123, %dma_wait3A_124] : memref<10240x128xf32, #tpu.memory_space<vmem_shared>> -> memref<10240x128xf32, #tpu.memory_space<vmem_shared>>
      tpu.wait_indirect_dma semaphore(%arg15 : memref<!tpu.dma_semaphore, #tpu.memory_space<semaphore_mem>>) src(%arg9 : memref<128x128xf32, #tpu.memory_space<vmem>>) dst(%dma_wait3A_125 : memref<10240x128xf32, #tpu.memory_space<vmem_shared>>)
      %dma_start3A_126 = arith.constant 3 : i32
      %dma_start3A_127 = arith.constant 0 : i32
      %dma_start3A_128 = tpu.memref_slice %arg6[%dma_start3A_126, %dma_start3A_127] : memref<16x128xi32, #tpu.memory_space<vmem>> -> memref<1x128xi32, #tpu.memory_space<vmem>>
      %dma_start3A_129 = tpu.memref_squeeze %dma_start3A_128 : memref<1x128xi32, #tpu.memory_space<vmem>> -> memref<128xi32, #tpu.memory_space<vmem>>
      %dma_start3A_130 = arith.constant 0 : i32
      %dma_start3A_131 = arith.constant 0 : i32
      %dma_start3A_132 = tpu.memref_slice %arg2[%dma_start3A_130, %dma_start3A_131] : memref<20480x128xf32, #tpu.memory_space<hbm>> -> memref<20480x128xf32, #tpu.memory_space<hbm>>
      tpu.enqueue_indirect_dma source(%dma_start3A_132 : memref<20480x128xf32, #tpu.memory_space<hbm>>) target(%arg9 : memref<128x128xf32, #tpu.memory_space<vmem>>) offsets(%dma_start3A_129 : memref<128xi32, #tpu.memory_space<vmem>>) semaphore(%arg13 : memref<!tpu.dma_semaphore, #tpu.memory_space<semaphore_mem>>)
      %dma_wait3A_133 = arith.constant 2 : i32
      %dma_wait3A_134 = arith.constant 0 : i32
      %dma_wait3A_135 = tpu.memref_slice %arg6[%dma_wait3A_133, %dma_wait3A_134] : memref<16x128xi32, #tpu.memory_space<vmem>> -> memref<1x128xi32, #tpu.memory_space<vmem>>
      %dma_wait3A_136 = tpu.memref_squeeze %dma_wait3A_135 : memref<1x128xi32, #tpu.memory_space<vmem>> -> memref<128xi32, #tpu.memory_space<vmem>>
      %dma_wait3A_137 = arith.constant 0 : i32
      %dma_wait3A_138 = arith.constant 0 : i32
      %dma_wait3A_139 = tpu.memref_slice %arg2[%dma_wait3A_137, %dma_wait3A_138] : memref<20480x128xf32, #tpu.memory_space<hbm>> -> memref<20480x128xf32, #tpu.memory_space<hbm>>
      tpu.wait_indirect_dma semaphore(%arg12 : memref<!tpu.dma_semaphore, #tpu.memory_space<semaphore_mem>>) src(%dma_wait3A_139 : memref<20480x128xf32, #tpu.memory_space<hbm>>) dst(%arg8 : memref<128x128xf32, #tpu.memory_space<vmem>>)
      %dma_start3A_140 = arith.constant 2 : i32
      %dma_start3A_141 = arith.constant 0 : i32
      %dma_start3A_142 = tpu.memref_slice %arg7[%dma_start3A_140, %dma_start3A_141] : memref<16x128xi32, #tpu.memory_space<vmem>> -> memref<1x128xi32, #tpu.memory_space<vmem>>
      %dma_start3A_143 = tpu.memref_squeeze %dma_start3A_142 : memref<1x128xi32, #tpu.memory_space<vmem>> -> memref<128xi32, #tpu.memory_space<vmem>>
      %dma_start3A_144 = arith.constant 0 : i32
      %dma_start3A_145 = arith.constant 0 : i32
      %dma_start3A_146 = tpu.memref_slice %arg10[%dma_start3A_144, %dma_start3A_145] : memref<10240x128xf32, #tpu.memory_space<vmem_shared>> -> memref<10240x128xf32, #tpu.memory_space<vmem_shared>>
      tpu.enqueue_indirect_dma source(%arg8 : memref<128x128xf32, #tpu.memory_space<vmem>>) target(%dma_start3A_146 : memref<10240x128xf32, #tpu.memory_space<vmem_shared>>) offsets(%dma_start3A_143 : memref<128xi32, #tpu.memory_space<vmem>>) semaphore(%arg14 : memref<!tpu.dma_semaphore, #tpu.memory_space<semaphore_mem>>) {add = true}
      %dma_wait3A_147 = arith.constant 2 : i32
      %dma_wait3A_148 = arith.constant 0 : i32
      %dma_wait3A_149 = tpu.memref_slice %arg7[%dma_wait3A_147, %dma_wait3A_148] : memref<16x128xi32, #tpu.memory_space<vmem>> -> memref<1x128xi32, #tpu.memory_space<vmem>>
      %dma_wait3A_150 = tpu.memref_squeeze %dma_wait3A_149 : memref<1x128xi32, #tpu.memory_space<vmem>> -> memref<128xi32, #tpu.memory_space<vmem>>
      %dma_wait3A_151 = arith.constant 0 : i32
      %dma_wait3A_152 = arith.constant 0 : i32
      %dma_wait3A_153 = tpu.memref_slice %arg10[%dma_wait3A_151, %dma_wait3A_152] : memref<10240x128xf32, #tpu.memory_space<vmem_shared>> -> memref<10240x128xf32, #tpu.memory_space<vmem_shared>>
      tpu.wait_indirect_dma semaphore(%arg14 : memref<!tpu.dma_semaphore, #tpu.memory_space<semaphore_mem>>) src(%arg8 : memref<128x128xf32, #tpu.memory_space<vmem>>) dst(%dma_wait3A_153 : memref<10240x128xf32, #tpu.memory_space<vmem_shared>>)
      %dma_start3A_154 = arith.constant 4 : i32
      %dma_start3A_155 = arith.constant 0 : i32
      %dma_start3A_156 = tpu.memref_slice %arg6[%dma_start3A_154, %dma_start3A_155] : memref<16x128xi32, #tpu.memory_space<vmem>> -> memref<1x128xi32, #tpu.memory_space<vmem>>
      %dma_start3A_157 = tpu.memref_squeeze %dma_start3A_156 : memref<1x128xi32, #tpu.memory_space<vmem>> -> memref<128xi32, #tpu.memory_space<vmem>>
      %dma_start3A_158 = arith.constant 0 : i32
      %dma_start3A_159 = arith.constant 0 : i32
      %dma_start3A_160 = tpu.memref_slice %arg2[%dma_start3A_158, %dma_start3A_159] : memref<20480x128xf32, #tpu.memory_space<hbm>> -> memref<20480x128xf32, #tpu.memory_space<hbm>>
      tpu.enqueue_indirect_dma source(%dma_start3A_160 : memref<20480x128xf32, #tpu.memory_space<hbm>>) target(%arg8 : memref<128x128xf32, #tpu.memory_space<vmem>>) offsets(%dma_start3A_157 : memref<128xi32, #tpu.memory_space<vmem>>) semaphore(%arg12 : memref<!tpu.dma_semaphore, #tpu.memory_space<semaphore_mem>>)
      %dma_wait3A_161 = arith.constant 3 : i32
      %dma_wait3A_162 = arith.constant 0 : i32
      %dma_wait3A_163 = tpu.memref_slice %arg6[%dma_wait3A_161, %dma_wait3A_162] : memref<16x128xi32, #tpu.memory_space<vmem>> -> memref<1x128xi32, #tpu.memory_space<vmem>>
      %dma_wait3A_164 = tpu.memref_squeeze %dma_wait3A_163 : memref<1x128xi32, #tpu.memory_space<vmem>> -> memref<128xi32, #tpu.memory_space<vmem>>
      %dma_wait3A_165 = arith.constant 0 : i32
      %dma_wait3A_166 = arith.constant 0 : i32
      %dma_wait3A_167 = tpu.memref_slice %arg2[%dma_wait3A_165, %dma_wait3A_166] : memref<20480x128xf32, #tpu.memory_space<hbm>> -> memref<20480x128xf32, #tpu.memory_space<hbm>>
      tpu.wait_indirect_dma semaphore(%arg13 : memref<!tpu.dma_semaphore, #tpu.memory_space<semaphore_mem>>) src(%dma_wait3A_167 : memref<20480x128xf32, #tpu.memory_space<hbm>>) dst(%arg9 : memref<128x128xf32, #tpu.memory_space<vmem>>)
      %dma_start3A_168 = arith.constant 3 : i32
      %dma_start3A_169 = arith.constant 0 : i32
      %dma_start3A_170 = tpu.memref_slice %arg7[%dma_start3A_168, %dma_start3A_169] : memref<16x128xi32, #tpu.memory_space<vmem>> -> memref<1x128xi32, #tpu.memory_space<vmem>>
      %dma_start3A_171 = tpu.memref_squeeze %dma_start3A_170 : memref<1x128xi32, #tpu.memory_space<vmem>> -> memref<128xi32, #tpu.memory_space<vmem>>
      %dma_start3A_172 = arith.constant 0 : i32
      %dma_start3A_173 = arith.constant 0 : i32
      %dma_start3A_174 = tpu.memref_slice %arg10[%dma_start3A_172, %dma_start3A_173] : memref<10240x128xf32, #tpu.memory_space<vmem_shared>> -> memref<10240x128xf32, #tpu.memory_space<vmem_shared>>
      tpu.enqueue_indirect_dma source(%arg9 : memref<128x128xf32, #tpu.memory_space<vmem>>) target(%dma_start3A_174 : memref<10240x128xf32, #tpu.memory_space<vmem_shared>>) offsets(%dma_start3A_171 : memref<128xi32, #tpu.memory_space<vmem>>) semaphore(%arg15 : memref<!tpu.dma_semaphore, #tpu.memory_space<semaphore_mem>>) {add = true}
      %dma_wait3A_175 = arith.constant 3 : i32
      %dma_wait3A_176 = arith.constant 0 : i32
      %dma_wait3A_177 = tpu.memref_slice %arg7[%dma_wait3A_175, %dma_wait3A_176] : memref<16x128xi32, #tpu.memory_space<vmem>> -> memref<1x128xi32, #tpu.memory_space<vmem>>
      %dma_wait3A_178 = tpu.memref_squeeze %dma_wait3A_177 : memref<1x128xi32, #tpu.memory_space<vmem>> -> memref<128xi32, #tpu.memory_space<vmem>>
      %dma_wait3A_179 = arith.constant 0 : i32
      %dma_wait3A_180 = arith.constant 0 : i32
      %dma_wait3A_181 = tpu.memref_slice %arg10[%dma_wait3A_179, %dma_wait3A_180] : memref<10240x128xf32, #tpu.memory_space<vmem_shared>> -> memref<10240x128xf32, #tpu.memory_space<vmem_shared>>
      tpu.wait_indirect_dma semaphore(%arg15 : memref<!tpu.dma_semaphore, #tpu.memory_space<semaphore_mem>>) src(%arg9 : memref<128x128xf32, #tpu.memory_space<vmem>>) dst(%dma_wait3A_181 : memref<10240x128xf32, #tpu.memory_space<vmem_shared>>)
      %dma_start3A_182 = arith.constant 5 : i32
      %dma_start3A_183 = arith.constant 0 : i32
      %dma_start3A_184 = tpu.memref_slice %arg6[%dma_start3A_182, %dma_start3A_183] : memref<16x128xi32, #tpu.memory_space<vmem>> -> memref<1x128xi32, #tpu.memory_space<vmem>>
      %dma_start3A_185 = tpu.memref_squeeze %dma_start3A_184 : memref<1x128xi32, #tpu.memory_space<vmem>> -> memref<128xi32, #tpu.memory_space<vmem>>
      %dma_start3A_186 = arith.constant 0 : i32
      %dma_start3A_187 = arith.constant 0 : i32
      %dma_start3A_188 = tpu.memref_slice %arg2[%dma_start3A_186, %dma_start3A_187] : memref<20480x128xf32, #tpu.memory_space<hbm>> -> memref<20480x128xf32, #tpu.memory_space<hbm>>
      tpu.enqueue_indirect_dma source(%dma_start3A_188 : memref<20480x128xf32, #tpu.memory_space<hbm>>) target(%arg9 : memref<128x128xf32, #tpu.memory_space<vmem>>) offsets(%dma_start3A_185 : memref<128xi32, #tpu.memory_space<vmem>>) semaphore(%arg13 : memref<!tpu.dma_semaphore, #tpu.memory_space<semaphore_mem>>)
      %dma_wait3A_189 = arith.constant 4 : i32
      %dma_wait3A_190 = arith.constant 0 : i32
      %dma_wait3A_191 = tpu.memref_slice %arg6[%dma_wait3A_189, %dma_wait3A_190] : memref<16x128xi32, #tpu.memory_space<vmem>> -> memref<1x128xi32, #tpu.memory_space<vmem>>
      %dma_wait3A_192 = tpu.memref_squeeze %dma_wait3A_191 : memref<1x128xi32, #tpu.memory_space<vmem>> -> memref<128xi32, #tpu.memory_space<vmem>>
      %dma_wait3A_193 = arith.constant 0 : i32
      %dma_wait3A_194 = arith.constant 0 : i32
      %dma_wait3A_195 = tpu.memref_slice %arg2[%dma_wait3A_193, %dma_wait3A_194] : memref<20480x128xf32, #tpu.memory_space<hbm>> -> memref<20480x128xf32, #tpu.memory_space<hbm>>
      tpu.wait_indirect_dma semaphore(%arg12 : memref<!tpu.dma_semaphore, #tpu.memory_space<semaphore_mem>>) src(%dma_wait3A_195 : memref<20480x128xf32, #tpu.memory_space<hbm>>) dst(%arg8 : memref<128x128xf32, #tpu.memory_space<vmem>>)
      %dma_start3A_196 = arith.constant 4 : i32
      %dma_start3A_197 = arith.constant 0 : i32
      %dma_start3A_198 = tpu.memref_slice %arg7[%dma_start3A_196, %dma_start3A_197] : memref<16x128xi32, #tpu.memory_space<vmem>> -> memref<1x128xi32, #tpu.memory_space<vmem>>
      %dma_start3A_199 = tpu.memref_squeeze %dma_start3A_198 : memref<1x128xi32, #tpu.memory_space<vmem>> -> memref<128xi32, #tpu.memory_space<vmem>>
      %dma_start3A_200 = arith.constant 0 : i32
      %dma_start3A_201 = arith.constant 0 : i32
      %dma_start3A_202 = tpu.memref_slice %arg10[%dma_start3A_200, %dma_start3A_201] : memref<10240x128xf32, #tpu.memory_space<vmem_shared>> -> memref<10240x128xf32, #tpu.memory_space<vmem_shared>>
      tpu.enqueue_indirect_dma source(%arg8 : memref<128x128xf32, #tpu.memory_space<vmem>>) target(%dma_start3A_202 : memref<10240x128xf32, #tpu.memory_space<vmem_shared>>) offsets(%dma_start3A_199 : memref<128xi32, #tpu.memory_space<vmem>>) semaphore(%arg14 : memref<!tpu.dma_semaphore, #tpu.memory_space<semaphore_mem>>) {add = true}
      %dma_wait3A_203 = arith.constant 4 : i32
      %dma_wait3A_204 = arith.constant 0 : i32
      %dma_wait3A_205 = tpu.memref_slice %arg7[%dma_wait3A_203, %dma_wait3A_204] : memref<16x128xi32, #tpu.memory_space<vmem>> -> memref<1x128xi32, #tpu.memory_space<vmem>>
      %dma_wait3A_206 = tpu.memref_squeeze %dma_wait3A_205 : memref<1x128xi32, #tpu.memory_space<vmem>> -> memref<128xi32, #tpu.memory_space<vmem>>
      %dma_wait3A_207 = arith.constant 0 : i32
      %dma_wait3A_208 = arith.constant 0 : i32
      %dma_wait3A_209 = tpu.memref_slice %arg10[%dma_wait3A_207, %dma_wait3A_208] : memref<10240x128xf32, #tpu.memory_space<vmem_shared>> -> memref<10240x128xf32, #tpu.memory_space<vmem_shared>>
      tpu.wait_indirect_dma semaphore(%arg14 : memref<!tpu.dma_semaphore, #tpu.memory_space<semaphore_mem>>) src(%arg8 : memref<128x128xf32, #tpu.memory_space<vmem>>) dst(%dma_wait3A_209 : memref<10240x128xf32, #tpu.memory_space<vmem_shared>>)
      %dma_start3A_210 = arith.constant 6 : i32
      %dma_start3A_211 = arith.constant 0 : i32
      %dma_start3A_212 = tpu.memref_slice %arg6[%dma_start3A_210, %dma_start3A_211] : memref<16x128xi32, #tpu.memory_space<vmem>> -> memref<1x128xi32, #tpu.memory_space<vmem>>
      %dma_start3A_213 = tpu.memref_squeeze %dma_start3A_212 : memref<1x128xi32, #tpu.memory_space<vmem>> -> memref<128xi32, #tpu.memory_space<vmem>>
      %dma_start3A_214 = arith.constant 0 : i32
      %dma_start3A_215 = arith.constant 0 : i32
      %dma_start3A_216 = tpu.memref_slice %arg2[%dma_start3A_214, %dma_start3A_215] : memref<20480x128xf32, #tpu.memory_space<hbm>> -> memref<20480x128xf32, #tpu.memory_space<hbm>>
      tpu.enqueue_indirect_dma source(%dma_start3A_216 : memref<20480x128xf32, #tpu.memory_space<hbm>>) target(%arg8 : memref<128x128xf32, #tpu.memory_space<vmem>>) offsets(%dma_start3A_213 : memref<128xi32, #tpu.memory_space<vmem>>) semaphore(%arg12 : memref<!tpu.dma_semaphore, #tpu.memory_space<semaphore_mem>>)
      %dma_wait3A_217 = arith.constant 5 : i32
      %dma_wait3A_218 = arith.constant 0 : i32
      %dma_wait3A_219 = tpu.memref_slice %arg6[%dma_wait3A_217, %dma_wait3A_218] : memref<16x128xi32, #tpu.memory_space<vmem>> -> memref<1x128xi32, #tpu.memory_space<vmem>>
      %dma_wait3A_220 = tpu.memref_squeeze %dma_wait3A_219 : memref<1x128xi32, #tpu.memory_space<vmem>> -> memref<128xi32, #tpu.memory_space<vmem>>
      %dma_wait3A_221 = arith.constant 0 : i32
      %dma_wait3A_222 = arith.constant 0 : i32
      %dma_wait3A_223 = tpu.memref_slice %arg2[%dma_wait3A_221, %dma_wait3A_222] : memref<20480x128xf32, #tpu.memory_space<hbm>> -> memref<20480x128xf32, #tpu.memory_space<hbm>>
      tpu.wait_indirect_dma semaphore(%arg13 : memref<!tpu.dma_semaphore, #tpu.memory_space<semaphore_mem>>) src(%dma_wait3A_223 : memref<20480x128xf32, #tpu.memory_space<hbm>>) dst(%arg9 : memref<128x128xf32, #tpu.memory_space<vmem>>)
      %dma_start3A_224 = arith.constant 5 : i32
      %dma_start3A_225 = arith.constant 0 : i32
      %dma_start3A_226 = tpu.memref_slice %arg7[%dma_start3A_224, %dma_start3A_225] : memref<16x128xi32, #tpu.memory_space<vmem>> -> memref<1x128xi32, #tpu.memory_space<vmem>>
      %dma_start3A_227 = tpu.memref_squeeze %dma_start3A_226 : memref<1x128xi32, #tpu.memory_space<vmem>> -> memref<128xi32, #tpu.memory_space<vmem>>
      %dma_start3A_228 = arith.constant 0 : i32
      %dma_start3A_229 = arith.constant 0 : i32
      %dma_start3A_230 = tpu.memref_slice %arg10[%dma_start3A_228, %dma_start3A_229] : memref<10240x128xf32, #tpu.memory_space<vmem_shared>> -> memref<10240x128xf32, #tpu.memory_space<vmem_shared>>
      tpu.enqueue_indirect_dma source(%arg9 : memref<128x128xf32, #tpu.memory_space<vmem>>) target(%dma_start3A_230 : memref<10240x128xf32, #tpu.memory_space<vmem_shared>>) offsets(%dma_start3A_227 : memref<128xi32, #tpu.memory_space<vmem>>) semaphore(%arg15 : memref<!tpu.dma_semaphore, #tpu.memory_space<semaphore_mem>>) {add = true}
      %dma_wait3A_231 = arith.constant 5 : i32
      %dma_wait3A_232 = arith.constant 0 : i32
      %dma_wait3A_233 = tpu.memref_slice %arg7[%dma_wait3A_231, %dma_wait3A_232] : memref<16x128xi32, #tpu.memory_space<vmem>> -> memref<1x128xi32, #tpu.memory_space<vmem>>
      %dma_wait3A_234 = tpu.memref_squeeze %dma_wait3A_233 : memref<1x128xi32, #tpu.memory_space<vmem>> -> memref<128xi32, #tpu.memory_space<vmem>>
      %dma_wait3A_235 = arith.constant 0 : i32
      %dma_wait3A_236 = arith.constant 0 : i32
      %dma_wait3A_237 = tpu.memref_slice %arg10[%dma_wait3A_235, %dma_wait3A_236] : memref<10240x128xf32, #tpu.memory_space<vmem_shared>> -> memref<10240x128xf32, #tpu.memory_space<vmem_shared>>
      tpu.wait_indirect_dma semaphore(%arg15 : memref<!tpu.dma_semaphore, #tpu.memory_space<semaphore_mem>>) src(%arg9 : memref<128x128xf32, #tpu.memory_space<vmem>>) dst(%dma_wait3A_237 : memref<10240x128xf32, #tpu.memory_space<vmem_shared>>)
      %dma_start3A_238 = arith.constant 7 : i32
      %dma_start3A_239 = arith.constant 0 : i32
      %dma_start3A_240 = tpu.memref_slice %arg6[%dma_start3A_238, %dma_start3A_239] : memref<16x128xi32, #tpu.memory_space<vmem>> -> memref<1x128xi32, #tpu.memory_space<vmem>>
      %dma_start3A_241 = tpu.memref_squeeze %dma_start3A_240 : memref<1x128xi32, #tpu.memory_space<vmem>> -> memref<128xi32, #tpu.memory_space<vmem>>
      %dma_start3A_242 = arith.constant 0 : i32
      %dma_start3A_243 = arith.constant 0 : i32
      %dma_start3A_244 = tpu.memref_slice %arg2[%dma_start3A_242, %dma_start3A_243] : memref<20480x128xf32, #tpu.memory_space<hbm>> -> memref<20480x128xf32, #tpu.memory_space<hbm>>
      tpu.enqueue_indirect_dma source(%dma_start3A_244 : memref<20480x128xf32, #tpu.memory_space<hbm>>) target(%arg9 : memref<128x128xf32, #tpu.memory_space<vmem>>) offsets(%dma_start3A_241 : memref<128xi32, #tpu.memory_space<vmem>>) semaphore(%arg13 : memref<!tpu.dma_semaphore, #tpu.memory_space<semaphore_mem>>)
      %dma_wait3A_245 = arith.constant 6 : i32
      %dma_wait3A_246 = arith.constant 0 : i32
      %dma_wait3A_247 = tpu.memref_slice %arg6[%dma_wait3A_245, %dma_wait3A_246] : memref<16x128xi32, #tpu.memory_space<vmem>> -> memref<1x128xi32, #tpu.memory_space<vmem>>
      %dma_wait3A_248 = tpu.memref_squeeze %dma_wait3A_247 : memref<1x128xi32, #tpu.memory_space<vmem>> -> memref<128xi32, #tpu.memory_space<vmem>>
      %dma_wait3A_249 = arith.constant 0 : i32
      %dma_wait3A_250 = arith.constant 0 : i32
      %dma_wait3A_251 = tpu.memref_slice %arg2[%dma_wait3A_249, %dma_wait3A_250] : memref<20480x128xf32, #tpu.memory_space<hbm>> -> memref<20480x128xf32, #tpu.memory_space<hbm>>
      tpu.wait_indirect_dma semaphore(%arg12 : memref<!tpu.dma_semaphore, #tpu.memory_space<semaphore_mem>>) src(%dma_wait3A_251 : memref<20480x128xf32, #tpu.memory_space<hbm>>) dst(%arg8 : memref<128x128xf32, #tpu.memory_space<vmem>>)
      %dma_start3A_252 = arith.constant 6 : i32
      %dma_start3A_253 = arith.constant 0 : i32
      %dma_start3A_254 = tpu.memref_slice %arg7[%dma_start3A_252, %dma_start3A_253] : memref<16x128xi32, #tpu.memory_space<vmem>> -> memref<1x128xi32, #tpu.memory_space<vmem>>
      %dma_start3A_255 = tpu.memref_squeeze %dma_start3A_254 : memref<1x128xi32, #tpu.memory_space<vmem>> -> memref<128xi32, #tpu.memory_space<vmem>>
      %dma_start3A_256 = arith.constant 0 : i32
      %dma_start3A_257 = arith.constant 0 : i32
      %dma_start3A_258 = tpu.memref_slice %arg10[%dma_start3A_256, %dma_start3A_257] : memref<10240x128xf32, #tpu.memory_space<vmem_shared>> -> memref<10240x128xf32, #tpu.memory_space<vmem_shared>>
      tpu.enqueue_indirect_dma source(%arg8 : memref<128x128xf32, #tpu.memory_space<vmem>>) target(%dma_start3A_258 : memref<10240x128xf32, #tpu.memory_space<vmem_shared>>) offsets(%dma_start3A_255 : memref<128xi32, #tpu.memory_space<vmem>>) semaphore(%arg14 : memref<!tpu.dma_semaphore, #tpu.memory_space<semaphore_mem>>) {add = true}
      %dma_wait3A_259 = arith.constant 6 : i32
      %dma_wait3A_260 = arith.constant 0 : i32
      %dma_wait3A_261 = tpu.memref_slice %arg7[%dma_wait3A_259, %dma_wait3A_260] : memref<16x128xi32, #tpu.memory_space<vmem>> -> memref<1x128xi32, #tpu.memory_space<vmem>>
      %dma_wait3A_262 = tpu.memref_squeeze %dma_wait3A_261 : memref<1x128xi32, #tpu.memory_space<vmem>> -> memref<128xi32, #tpu.memory_space<vmem>>
      %dma_wait3A_263 = arith.constant 0 : i32
      %dma_wait3A_264 = arith.constant 0 : i32
      %dma_wait3A_265 = tpu.memref_slice %arg10[%dma_wait3A_263, %dma_wait3A_264] : memref<10240x128xf32, #tpu.memory_space<vmem_shared>> -> memref<10240x128xf32, #tpu.memory_space<vmem_shared>>
      tpu.wait_indirect_dma semaphore(%arg14 : memref<!tpu.dma_semaphore, #tpu.memory_space<semaphore_mem>>) src(%arg8 : memref<128x128xf32, #tpu.memory_space<vmem>>) dst(%dma_wait3A_265 : memref<10240x128xf32, #tpu.memory_space<vmem_shared>>)
      %dma_start3A_266 = arith.constant 8 : i32
      %dma_start3A_267 = arith.constant 0 : i32
      %dma_start3A_268 = tpu.memref_slice %arg6[%dma_start3A_266, %dma_start3A_267] : memref<16x128xi32, #tpu.memory_space<vmem>> -> memref<1x128xi32, #tpu.memory_space<vmem>>
      %dma_start3A_269 = tpu.memref_squeeze %dma_start3A_268 : memref<1x128xi32, #tpu.memory_space<vmem>> -> memref<128xi32, #tpu.memory_space<vmem>>
      %dma_start3A_270 = arith.constant 0 : i32
      %dma_start3A_271 = arith.constant 0 : i32
      %dma_start3A_272 = tpu.memref_slice %arg2[%dma_start3A_270, %dma_start3A_271] : memref<20480x128xf32, #tpu.memory_space<hbm>> -> memref<20480x128xf32, #tpu.memory_space<hbm>>
      tpu.enqueue_indirect_dma source(%dma_start3A_272 : memref<20480x128xf32, #tpu.memory_space<hbm>>) target(%arg8 : memref<128x128xf32, #tpu.memory_space<vmem>>) offsets(%dma_start3A_269 : memref<128xi32, #tpu.memory_space<vmem>>) semaphore(%arg12 : memref<!tpu.dma_semaphore, #tpu.memory_space<semaphore_mem>>)
      %dma_wait3A_273 = arith.constant 7 : i32
      %dma_wait3A_274 = arith.constant 0 : i32
      %dma_wait3A_275 = tpu.memref_slice %arg6[%dma_wait3A_273, %dma_wait3A_274] : memref<16x128xi32, #tpu.memory_space<vmem>> -> memref<1x128xi32, #tpu.memory_space<vmem>>
      %dma_wait3A_276 = tpu.memref_squeeze %dma_wait3A_275 : memref<1x128xi32, #tpu.memory_space<vmem>> -> memref<128xi32, #tpu.memory_space<vmem>>
      %dma_wait3A_277 = arith.constant 0 : i32
      %dma_wait3A_278 = arith.constant 0 : i32
      %dma_wait3A_279 = tpu.memref_slice %arg2[%dma_wait3A_277, %dma_wait3A_278] : memref<20480x128xf32, #tpu.memory_space<hbm>> -> memref<20480x128xf32, #tpu.memory_space<hbm>>
      tpu.wait_indirect_dma semaphore(%arg13 : memref<!tpu.dma_semaphore, #tpu.memory_space<semaphore_mem>>) src(%dma_wait3A_279 : memref<20480x128xf32, #tpu.memory_space<hbm>>) dst(%arg9 : memref<128x128xf32, #tpu.memory_space<vmem>>)
      %dma_start3A_280 = arith.constant 7 : i32
      %dma_start3A_281 = arith.constant 0 : i32
      %dma_start3A_282 = tpu.memref_slice %arg7[%dma_start3A_280, %dma_start3A_281] : memref<16x128xi32, #tpu.memory_space<vmem>> -> memref<1x128xi32, #tpu.memory_space<vmem>>
      %dma_start3A_283 = tpu.memref_squeeze %dma_start3A_282 : memref<1x128xi32, #tpu.memory_space<vmem>> -> memref<128xi32, #tpu.memory_space<vmem>>
      %dma_start3A_284 = arith.constant 0 : i32
      %dma_start3A_285 = arith.constant 0 : i32
      %dma_start3A_286 = tpu.memref_slice %arg10[%dma_start3A_284, %dma_start3A_285] : memref<10240x128xf32, #tpu.memory_space<vmem_shared>> -> memref<10240x128xf32, #tpu.memory_space<vmem_shared>>
      tpu.enqueue_indirect_dma source(%arg9 : memref<128x128xf32, #tpu.memory_space<vmem>>) target(%dma_start3A_286 : memref<10240x128xf32, #tpu.memory_space<vmem_shared>>) offsets(%dma_start3A_283 : memref<128xi32, #tpu.memory_space<vmem>>) semaphore(%arg15 : memref<!tpu.dma_semaphore, #tpu.memory_space<semaphore_mem>>) {add = true}
      %dma_wait3A_287 = arith.constant 7 : i32
      %dma_wait3A_288 = arith.constant 0 : i32
      %dma_wait3A_289 = tpu.memref_slice %arg7[%dma_wait3A_287, %dma_wait3A_288] : memref<16x128xi32, #tpu.memory_space<vmem>> -> memref<1x128xi32, #tpu.memory_space<vmem>>
      %dma_wait3A_290 = tpu.memref_squeeze %dma_wait3A_289 : memref<1x128xi32, #tpu.memory_space<vmem>> -> memref<128xi32, #tpu.memory_space<vmem>>
      %dma_wait3A_291 = arith.constant 0 : i32
      %dma_wait3A_292 = arith.constant 0 : i32
      %dma_wait3A_293 = tpu.memref_slice %arg10[%dma_wait3A_291, %dma_wait3A_292] : memref<10240x128xf32, #tpu.memory_space<vmem_shared>> -> memref<10240x128xf32, #tpu.memory_space<vmem_shared>>
      tpu.wait_indirect_dma semaphore(%arg15 : memref<!tpu.dma_semaphore, #tpu.memory_space<semaphore_mem>>) src(%arg9 : memref<128x128xf32, #tpu.memory_space<vmem>>) dst(%dma_wait3A_293 : memref<10240x128xf32, #tpu.memory_space<vmem_shared>>)
      %dma_start3A_294 = arith.constant 9 : i32
      %dma_start3A_295 = arith.constant 0 : i32
      %dma_start3A_296 = tpu.memref_slice %arg6[%dma_start3A_294, %dma_start3A_295] : memref<16x128xi32, #tpu.memory_space<vmem>> -> memref<1x128xi32, #tpu.memory_space<vmem>>
      %dma_start3A_297 = tpu.memref_squeeze %dma_start3A_296 : memref<1x128xi32, #tpu.memory_space<vmem>> -> memref<128xi32, #tpu.memory_space<vmem>>
      %dma_start3A_298 = arith.constant 0 : i32
      %dma_start3A_299 = arith.constant 0 : i32
      %dma_start3A_300 = tpu.memref_slice %arg2[%dma_start3A_298, %dma_start3A_299] : memref<20480x128xf32, #tpu.memory_space<hbm>> -> memref<20480x128xf32, #tpu.memory_space<hbm>>
      tpu.enqueue_indirect_dma source(%dma_start3A_300 : memref<20480x128xf32, #tpu.memory_space<hbm>>) target(%arg9 : memref<128x128xf32, #tpu.memory_space<vmem>>) offsets(%dma_start3A_297 : memref<128xi32, #tpu.memory_space<vmem>>) semaphore(%arg13 : memref<!tpu.dma_semaphore, #tpu.memory_space<semaphore_mem>>)
      %dma_wait3A_301 = arith.constant 8 : i32
      %dma_wait3A_302 = arith.constant 0 : i32
      %dma_wait3A_303 = tpu.memref_slice %arg6[%dma_wait3A_301, %dma_wait3A_302] : memref<16x128xi32, #tpu.memory_space<vmem>> -> memref<1x128xi32, #tpu.memory_space<vmem>>
      %dma_wait3A_304 = tpu.memref_squeeze %dma_wait3A_303 : memref<1x128xi32, #tpu.memory_space<vmem>> -> memref<128xi32, #tpu.memory_space<vmem>>
      %dma_wait3A_305 = arith.constant 0 : i32
      %dma_wait3A_306 = arith.constant 0 : i32
      %dma_wait3A_307 = tpu.memref_slice %arg2[%dma_wait3A_305, %dma_wait3A_306] : memref<20480x128xf32, #tpu.memory_space<hbm>> -> memref<20480x128xf32, #tpu.memory_space<hbm>>
      tpu.wait_indirect_dma semaphore(%arg12 : memref<!tpu.dma_semaphore, #tpu.memory_space<semaphore_mem>>) src(%dma_wait3A_307 : memref<20480x128xf32, #tpu.memory_space<hbm>>) dst(%arg8 : memref<128x128xf32, #tpu.memory_space<vmem>>)
      %dma_start3A_308 = arith.constant 8 : i32
      %dma_start3A_309 = arith.constant 0 : i32
      %dma_start3A_310 = tpu.memref_slice %arg7[%dma_start3A_308, %dma_start3A_309] : memref<16x128xi32, #tpu.memory_space<vmem>> -> memref<1x128xi32, #tpu.memory_space<vmem>>
      %dma_start3A_311 = tpu.memref_squeeze %dma_start3A_310 : memref<1x128xi32, #tpu.memory_space<vmem>> -> memref<128xi32, #tpu.memory_space<vmem>>
      %dma_start3A_312 = arith.constant 0 : i32
      %dma_start3A_313 = arith.constant 0 : i32
      %dma_start3A_314 = tpu.memref_slice %arg10[%dma_start3A_312, %dma_start3A_313] : memref<10240x128xf32, #tpu.memory_space<vmem_shared>> -> memref<10240x128xf32, #tpu.memory_space<vmem_shared>>
      tpu.enqueue_indirect_dma source(%arg8 : memref<128x128xf32, #tpu.memory_space<vmem>>) target(%dma_start3A_314 : memref<10240x128xf32, #tpu.memory_space<vmem_shared>>) offsets(%dma_start3A_311 : memref<128xi32, #tpu.memory_space<vmem>>) semaphore(%arg14 : memref<!tpu.dma_semaphore, #tpu.memory_space<semaphore_mem>>) {add = true}
      %dma_wait3A_315 = arith.constant 8 : i32
      %dma_wait3A_316 = arith.constant 0 : i32
      %dma_wait3A_317 = tpu.memref_slice %arg7[%dma_wait3A_315, %dma_wait3A_316] : memref<16x128xi32, #tpu.memory_space<vmem>> -> memref<1x128xi32, #tpu.memory_space<vmem>>
      %dma_wait3A_318 = tpu.memref_squeeze %dma_wait3A_317 : memref<1x128xi32, #tpu.memory_space<vmem>> -> memref<128xi32, #tpu.memory_space<vmem>>
      %dma_wait3A_319 = arith.constant 0 : i32
      %dma_wait3A_320 = arith.constant 0 : i32
      %dma_wait3A_321 = tpu.memref_slice %arg10[%dma_wait3A_319, %dma_wait3A_320] : memref<10240x128xf32, #tpu.memory_space<vmem_shared>> -> memref<10240x128xf32, #tpu.memory_space<vmem_shared>>
      tpu.wait_indirect_dma semaphore(%arg14 : memref<!tpu.dma_semaphore, #tpu.memory_space<semaphore_mem>>) src(%arg8 : memref<128x128xf32, #tpu.memory_space<vmem>>) dst(%dma_wait3A_321 : memref<10240x128xf32, #tpu.memory_space<vmem_shared>>)
      %dma_start3A_322 = arith.constant 10 : i32
      %dma_start3A_323 = arith.constant 0 : i32
      %dma_start3A_324 = tpu.memref_slice %arg6[%dma_start3A_322, %dma_start3A_323] : memref<16x128xi32, #tpu.memory_space<vmem>> -> memref<1x128xi32, #tpu.memory_space<vmem>>
      %dma_start3A_325 = tpu.memref_squeeze %dma_start3A_324 : memref<1x128xi32, #tpu.memory_space<vmem>> -> memref<128xi32, #tpu.memory_space<vmem>>
      %dma_start3A_326 = arith.constant 0 : i32
      %dma_start3A_327 = arith.constant 0 : i32
      %dma_start3A_328 = tpu.memref_slice %arg2[%dma_start3A_326, %dma_start3A_327] : memref<20480x128xf32, #tpu.memory_space<hbm>> -> memref<20480x128xf32, #tpu.memory_space<hbm>>
      tpu.enqueue_indirect_dma source(%dma_start3A_328 : memref<20480x128xf32, #tpu.memory_space<hbm>>) target(%arg8 : memref<128x128xf32, #tpu.memory_space<vmem>>) offsets(%dma_start3A_325 : memref<128xi32, #tpu.memory_space<vmem>>) semaphore(%arg12 : memref<!tpu.dma_semaphore, #tpu.memory_space<semaphore_mem>>)
      %dma_wait3A_329 = arith.constant 9 : i32
      %dma_wait3A_330 = arith.constant 0 : i32
      %dma_wait3A_331 = tpu.memref_slice %arg6[%dma_wait3A_329, %dma_wait3A_330] : memref<16x128xi32, #tpu.memory_space<vmem>> -> memref<1x128xi32, #tpu.memory_space<vmem>>
      %dma_wait3A_332 = tpu.memref_squeeze %dma_wait3A_331 : memref<1x128xi32, #tpu.memory_space<vmem>> -> memref<128xi32, #tpu.memory_space<vmem>>
      %dma_wait3A_333 = arith.constant 0 : i32
      %dma_wait3A_334 = arith.constant 0 : i32
      %dma_wait3A_335 = tpu.memref_slice %arg2[%dma_wait3A_333, %dma_wait3A_334] : memref<20480x128xf32, #tpu.memory_space<hbm>> -> memref<20480x128xf32, #tpu.memory_space<hbm>>
      tpu.wait_indirect_dma semaphore(%arg13 : memref<!tpu.dma_semaphore, #tpu.memory_space<semaphore_mem>>) src(%dma_wait3A_335 : memref<20480x128xf32, #tpu.memory_space<hbm>>) dst(%arg9 : memref<128x128xf32, #tpu.memory_space<vmem>>)
      %dma_start3A_336 = arith.constant 9 : i32
      %dma_start3A_337 = arith.constant 0 : i32
      %dma_start3A_338 = tpu.memref_slice %arg7[%dma_start3A_336, %dma_start3A_337] : memref<16x128xi32, #tpu.memory_space<vmem>> -> memref<1x128xi32, #tpu.memory_space<vmem>>
      %dma_start3A_339 = tpu.memref_squeeze %dma_start3A_338 : memref<1x128xi32, #tpu.memory_space<vmem>> -> memref<128xi32, #tpu.memory_space<vmem>>
      %dma_start3A_340 = arith.constant 0 : i32
      %dma_start3A_341 = arith.constant 0 : i32
      %dma_start3A_342 = tpu.memref_slice %arg10[%dma_start3A_340, %dma_start3A_341] : memref<10240x128xf32, #tpu.memory_space<vmem_shared>> -> memref<10240x128xf32, #tpu.memory_space<vmem_shared>>
      tpu.enqueue_indirect_dma source(%arg9 : memref<128x128xf32, #tpu.memory_space<vmem>>) target(%dma_start3A_342 : memref<10240x128xf32, #tpu.memory_space<vmem_shared>>) offsets(%dma_start3A_339 : memref<128xi32, #tpu.memory_space<vmem>>) semaphore(%arg15 : memref<!tpu.dma_semaphore, #tpu.memory_space<semaphore_mem>>) {add = true}
      %dma_wait3A_343 = arith.constant 9 : i32
      %dma_wait3A_344 = arith.constant 0 : i32
      %dma_wait3A_345 = tpu.memref_slice %arg7[%dma_wait3A_343, %dma_wait3A_344] : memref<16x128xi32, #tpu.memory_space<vmem>> -> memref<1x128xi32, #tpu.memory_space<vmem>>
      %dma_wait3A_346 = tpu.memref_squeeze %dma_wait3A_345 : memref<1x128xi32, #tpu.memory_space<vmem>> -> memref<128xi32, #tpu.memory_space<vmem>>
      %dma_wait3A_347 = arith.constant 0 : i32
      %dma_wait3A_348 = arith.constant 0 : i32
      %dma_wait3A_349 = tpu.memref_slice %arg10[%dma_wait3A_347, %dma_wait3A_348] : memref<10240x128xf32, #tpu.memory_space<vmem_shared>> -> memref<10240x128xf32, #tpu.memory_space<vmem_shared>>
      tpu.wait_indirect_dma semaphore(%arg15 : memref<!tpu.dma_semaphore, #tpu.memory_space<semaphore_mem>>) src(%arg9 : memref<128x128xf32, #tpu.memory_space<vmem>>) dst(%dma_wait3A_349 : memref<10240x128xf32, #tpu.memory_space<vmem_shared>>)
      %dma_start3A_350 = arith.constant 11 : i32
      %dma_start3A_351 = arith.constant 0 : i32
      %dma_start3A_352 = tpu.memref_slice %arg6[%dma_start3A_350, %dma_start3A_351] : memref<16x128xi32, #tpu.memory_space<vmem>> -> memref<1x128xi32, #tpu.memory_space<vmem>>
      %dma_start3A_353 = tpu.memref_squeeze %dma_start3A_352 : memref<1x128xi32, #tpu.memory_space<vmem>> -> memref<128xi32, #tpu.memory_space<vmem>>
      %dma_start3A_354 = arith.constant 0 : i32
      %dma_start3A_355 = arith.constant 0 : i32
      %dma_start3A_356 = tpu.memref_slice %arg2[%dma_start3A_354, %dma_start3A_355] : memref<20480x128xf32, #tpu.memory_space<hbm>> -> memref<20480x128xf32, #tpu.memory_space<hbm>>
      tpu.enqueue_indirect_dma source(%dma_start3A_356 : memref<20480x128xf32, #tpu.memory_space<hbm>>) target(%arg9 : memref<128x128xf32, #tpu.memory_space<vmem>>) offsets(%dma_start3A_353 : memref<128xi32, #tpu.memory_space<vmem>>) semaphore(%arg13 : memref<!tpu.dma_semaphore, #tpu.memory_space<semaphore_mem>>)
      %dma_wait3A_357 = arith.constant 10 : i32
      %dma_wait3A_358 = arith.constant 0 : i32
      %dma_wait3A_359 = tpu.memref_slice %arg6[%dma_wait3A_357, %dma_wait3A_358] : memref<16x128xi32, #tpu.memory_space<vmem>> -> memref<1x128xi32, #tpu.memory_space<vmem>>
      %dma_wait3A_360 = tpu.memref_squeeze %dma_wait3A_359 : memref<1x128xi32, #tpu.memory_space<vmem>> -> memref<128xi32, #tpu.memory_space<vmem>>
      %dma_wait3A_361 = arith.constant 0 : i32
      %dma_wait3A_362 = arith.constant 0 : i32
      %dma_wait3A_363 = tpu.memref_slice %arg2[%dma_wait3A_361, %dma_wait3A_362] : memref<20480x128xf32, #tpu.memory_space<hbm>> -> memref<20480x128xf32, #tpu.memory_space<hbm>>
      tpu.wait_indirect_dma semaphore(%arg12 : memref<!tpu.dma_semaphore, #tpu.memory_space<semaphore_mem>>) src(%dma_wait3A_363 : memref<20480x128xf32, #tpu.memory_space<hbm>>) dst(%arg8 : memref<128x128xf32, #tpu.memory_space<vmem>>)
      %dma_start3A_364 = arith.constant 10 : i32
      %dma_start3A_365 = arith.constant 0 : i32
      %dma_start3A_366 = tpu.memref_slice %arg7[%dma_start3A_364, %dma_start3A_365] : memref<16x128xi32, #tpu.memory_space<vmem>> -> memref<1x128xi32, #tpu.memory_space<vmem>>
      %dma_start3A_367 = tpu.memref_squeeze %dma_start3A_366 : memref<1x128xi32, #tpu.memory_space<vmem>> -> memref<128xi32, #tpu.memory_space<vmem>>
      %dma_start3A_368 = arith.constant 0 : i32
      %dma_start3A_369 = arith.constant 0 : i32
      %dma_start3A_370 = tpu.memref_slice %arg10[%dma_start3A_368, %dma_start3A_369] : memref<10240x128xf32, #tpu.memory_space<vmem_shared>> -> memref<10240x128xf32, #tpu.memory_space<vmem_shared>>
      tpu.enqueue_indirect_dma source(%arg8 : memref<128x128xf32, #tpu.memory_space<vmem>>) target(%dma_start3A_370 : memref<10240x128xf32, #tpu.memory_space<vmem_shared>>) offsets(%dma_start3A_367 : memref<128xi32, #tpu.memory_space<vmem>>) semaphore(%arg14 : memref<!tpu.dma_semaphore, #tpu.memory_space<semaphore_mem>>) {add = true}
      %dma_wait3A_371 = arith.constant 10 : i32
      %dma_wait3A_372 = arith.constant 0 : i32
      %dma_wait3A_373 = tpu.memref_slice %arg7[%dma_wait3A_371, %dma_wait3A_372] : memref<16x128xi32, #tpu.memory_space<vmem>> -> memref<1x128xi32, #tpu.memory_space<vmem>>
      %dma_wait3A_374 = tpu.memref_squeeze %dma_wait3A_373 : memref<1x128xi32, #tpu.memory_space<vmem>> -> memref<128xi32, #tpu.memory_space<vmem>>
      %dma_wait3A_375 = arith.constant 0 : i32
      %dma_wait3A_376 = arith.constant 0 : i32
      %dma_wait3A_377 = tpu.memref_slice %arg10[%dma_wait3A_375, %dma_wait3A_376] : memref<10240x128xf32, #tpu.memory_space<vmem_shared>> -> memref<10240x128xf32, #tpu.memory_space<vmem_shared>>
      tpu.wait_indirect_dma semaphore(%arg14 : memref<!tpu.dma_semaphore, #tpu.memory_space<semaphore_mem>>) src(%arg8 : memref<128x128xf32, #tpu.memory_space<vmem>>) dst(%dma_wait3A_377 : memref<10240x128xf32, #tpu.memory_space<vmem_shared>>)
      %dma_start3A_378 = arith.constant 12 : i32
      %dma_start3A_379 = arith.constant 0 : i32
      %dma_start3A_380 = tpu.memref_slice %arg6[%dma_start3A_378, %dma_start3A_379] : memref<16x128xi32, #tpu.memory_space<vmem>> -> memref<1x128xi32, #tpu.memory_space<vmem>>
      %dma_start3A_381 = tpu.memref_squeeze %dma_start3A_380 : memref<1x128xi32, #tpu.memory_space<vmem>> -> memref<128xi32, #tpu.memory_space<vmem>>
      %dma_start3A_382 = arith.constant 0 : i32
      %dma_start3A_383 = arith.constant 0 : i32
      %dma_start3A_384 = tpu.memref_slice %arg2[%dma_start3A_382, %dma_start3A_383] : memref<20480x128xf32, #tpu.memory_space<hbm>> -> memref<20480x128xf32, #tpu.memory_space<hbm>>
      tpu.enqueue_indirect_dma source(%dma_start3A_384 : memref<20480x128xf32, #tpu.memory_space<hbm>>) target(%arg8 : memref<128x128xf32, #tpu.memory_space<vmem>>) offsets(%dma_start3A_381 : memref<128xi32, #tpu.memory_space<vmem>>) semaphore(%arg12 : memref<!tpu.dma_semaphore, #tpu.memory_space<semaphore_mem>>)
      %dma_wait3A_385 = arith.constant 11 : i32
      %dma_wait3A_386 = arith.constant 0 : i32
      %dma_wait3A_387 = tpu.memref_slice %arg6[%dma_wait3A_385, %dma_wait3A_386] : memref<16x128xi32, #tpu.memory_space<vmem>> -> memref<1x128xi32, #tpu.memory_space<vmem>>
      %dma_wait3A_388 = tpu.memref_squeeze %dma_wait3A_387 : memref<1x128xi32, #tpu.memory_space<vmem>> -> memref<128xi32, #tpu.memory_space<vmem>>
      %dma_wait3A_389 = arith.constant 0 : i32
      %dma_wait3A_390 = arith.constant 0 : i32
      %dma_wait3A_391 = tpu.memref_slice %arg2[%dma_wait3A_389, %dma_wait3A_390] : memref<20480x128xf32, #tpu.memory_space<hbm>> -> memref<20480x128xf32, #tpu.memory_space<hbm>>
      tpu.wait_indirect_dma semaphore(%arg13 : memref<!tpu.dma_semaphore, #tpu.memory_space<semaphore_mem>>) src(%dma_wait3A_391 : memref<20480x128xf32, #tpu.memory_space<hbm>>) dst(%arg9 : memref<128x128xf32, #tpu.memory_space<vmem>>)
      %dma_start3A_392 = arith.constant 11 : i32
      %dma_start3A_393 = arith.constant 0 : i32
      %dma_start3A_394 = tpu.memref_slice %arg7[%dma_start3A_392, %dma_start3A_393] : memref<16x128xi32, #tpu.memory_space<vmem>> -> memref<1x128xi32, #tpu.memory_space<vmem>>
      %dma_start3A_395 = tpu.memref_squeeze %dma_start3A_394 : memref<1x128xi32, #tpu.memory_space<vmem>> -> memref<128xi32, #tpu.memory_space<vmem>>
      %dma_start3A_396 = arith.constant 0 : i32
      %dma_start3A_397 = arith.constant 0 : i32
      %dma_start3A_398 = tpu.memref_slice %arg10[%dma_start3A_396, %dma_start3A_397] : memref<10240x128xf32, #tpu.memory_space<vmem_shared>> -> memref<10240x128xf32, #tpu.memory_space<vmem_shared>>
      tpu.enqueue_indirect_dma source(%arg9 : memref<128x128xf32, #tpu.memory_space<vmem>>) target(%dma_start3A_398 : memref<10240x128xf32, #tpu.memory_space<vmem_shared>>) offsets(%dma_start3A_395 : memref<128xi32, #tpu.memory_space<vmem>>) semaphore(%arg15 : memref<!tpu.dma_semaphore, #tpu.memory_space<semaphore_mem>>) {add = true}
      %dma_wait3A_399 = arith.constant 11 : i32
      %dma_wait3A_400 = arith.constant 0 : i32
      %dma_wait3A_401 = tpu.memref_slice %arg7[%dma_wait3A_399, %dma_wait3A_400] : memref<16x128xi32, #tpu.memory_space<vmem>> -> memref<1x128xi32, #tpu.memory_space<vmem>>
      %dma_wait3A_402 = tpu.memref_squeeze %dma_wait3A_401 : memref<1x128xi32, #tpu.memory_space<vmem>> -> memref<128xi32, #tpu.memory_space<vmem>>
      %dma_wait3A_403 = arith.constant 0 : i32
      %dma_wait3A_404 = arith.constant 0 : i32
      %dma_wait3A_405 = tpu.memref_slice %arg10[%dma_wait3A_403, %dma_wait3A_404] : memref<10240x128xf32, #tpu.memory_space<vmem_shared>> -> memref<10240x128xf32, #tpu.memory_space<vmem_shared>>
      tpu.wait_indirect_dma semaphore(%arg15 : memref<!tpu.dma_semaphore, #tpu.memory_space<semaphore_mem>>) src(%arg9 : memref<128x128xf32, #tpu.memory_space<vmem>>) dst(%dma_wait3A_405 : memref<10240x128xf32, #tpu.memory_space<vmem_shared>>)
      %dma_start3A_406 = arith.constant 13 : i32
      %dma_start3A_407 = arith.constant 0 : i32
      %dma_start3A_408 = tpu.memref_slice %arg6[%dma_start3A_406, %dma_start3A_407] : memref<16x128xi32, #tpu.memory_space<vmem>> -> memref<1x128xi32, #tpu.memory_space<vmem>>
      %dma_start3A_409 = tpu.memref_squeeze %dma_start3A_408 : memref<1x128xi32, #tpu.memory_space<vmem>> -> memref<128xi32, #tpu.memory_space<vmem>>
      %dma_start3A_410 = arith.constant 0 : i32
      %dma_start3A_411 = arith.constant 0 : i32
      %dma_start3A_412 = tpu.memref_slice %arg2[%dma_start3A_410, %dma_start3A_411] : memref<20480x128xf32, #tpu.memory_space<hbm>> -> memref<20480x128xf32, #tpu.memory_space<hbm>>
      tpu.enqueue_indirect_dma source(%dma_start3A_412 : memref<20480x128xf32, #tpu.memory_space<hbm>>) target(%arg9 : memref<128x128xf32, #tpu.memory_space<vmem>>) offsets(%dma_start3A_409 : memref<128xi32, #tpu.memory_space<vmem>>) semaphore(%arg13 : memref<!tpu.dma_semaphore, #tpu.memory_space<semaphore_mem>>)
      %dma_wait3A_413 = arith.constant 12 : i32
      %dma_wait3A_414 = arith.constant 0 : i32
      %dma_wait3A_415 = tpu.memref_slice %arg6[%dma_wait3A_413, %dma_wait3A_414] : memref<16x128xi32, #tpu.memory_space<vmem>> -> memref<1x128xi32, #tpu.memory_space<vmem>>
      %dma_wait3A_416 = tpu.memref_squeeze %dma_wait3A_415 : memref<1x128xi32, #tpu.memory_space<vmem>> -> memref<128xi32, #tpu.memory_space<vmem>>
      %dma_wait3A_417 = arith.constant 0 : i32
      %dma_wait3A_418 = arith.constant 0 : i32
      %dma_wait3A_419 = tpu.memref_slice %arg2[%dma_wait3A_417, %dma_wait3A_418] : memref<20480x128xf32, #tpu.memory_space<hbm>> -> memref<20480x128xf32, #tpu.memory_space<hbm>>
      tpu.wait_indirect_dma semaphore(%arg12 : memref<!tpu.dma_semaphore, #tpu.memory_space<semaphore_mem>>) src(%dma_wait3A_419 : memref<20480x128xf32, #tpu.memory_space<hbm>>) dst(%arg8 : memref<128x128xf32, #tpu.memory_space<vmem>>)
      %dma_start3A_420 = arith.constant 12 : i32
      %dma_start3A_421 = arith.constant 0 : i32
      %dma_start3A_422 = tpu.memref_slice %arg7[%dma_start3A_420, %dma_start3A_421] : memref<16x128xi32, #tpu.memory_space<vmem>> -> memref<1x128xi32, #tpu.memory_space<vmem>>
      %dma_start3A_423 = tpu.memref_squeeze %dma_start3A_422 : memref<1x128xi32, #tpu.memory_space<vmem>> -> memref<128xi32, #tpu.memory_space<vmem>>
      %dma_start3A_424 = arith.constant 0 : i32
      %dma_start3A_425 = arith.constant 0 : i32
      %dma_start3A_426 = tpu.memref_slice %arg10[%dma_start3A_424, %dma_start3A_425] : memref<10240x128xf32, #tpu.memory_space<vmem_shared>> -> memref<10240x128xf32, #tpu.memory_space<vmem_shared>>
      tpu.enqueue_indirect_dma source(%arg8 : memref<128x128xf32, #tpu.memory_space<vmem>>) target(%dma_start3A_426 : memref<10240x128xf32, #tpu.memory_space<vmem_shared>>) offsets(%dma_start3A_423 : memref<128xi32, #tpu.memory_space<vmem>>) semaphore(%arg14 : memref<!tpu.dma_semaphore, #tpu.memory_space<semaphore_mem>>) {add = true}
      %dma_wait3A_427 = arith.constant 12 : i32
      %dma_wait3A_428 = arith.constant 0 : i32
      %dma_wait3A_429 = tpu.memref_slice %arg7[%dma_wait3A_427, %dma_wait3A_428] : memref<16x128xi32, #tpu.memory_space<vmem>> -> memref<1x128xi32, #tpu.memory_space<vmem>>
      %dma_wait3A_430 = tpu.memref_squeeze %dma_wait3A_429 : memref<1x128xi32, #tpu.memory_space<vmem>> -> memref<128xi32, #tpu.memory_space<vmem>>
      %dma_wait3A_431 = arith.constant 0 : i32
      %dma_wait3A_432 = arith.constant 0 : i32
      %dma_wait3A_433 = tpu.memref_slice %arg10[%dma_wait3A_431, %dma_wait3A_432] : memref<10240x128xf32, #tpu.memory_space<vmem_shared>> -> memref<10240x128xf32, #tpu.memory_space<vmem_shared>>
      tpu.wait_indirect_dma semaphore(%arg14 : memref<!tpu.dma_semaphore, #tpu.memory_space<semaphore_mem>>) src(%arg8 : memref<128x128xf32, #tpu.memory_space<vmem>>) dst(%dma_wait3A_433 : memref<10240x128xf32, #tpu.memory_space<vmem_shared>>)
      %dma_start3A_434 = arith.constant 14 : i32
      %dma_start3A_435 = arith.constant 0 : i32
      %dma_start3A_436 = tpu.memref_slice %arg6[%dma_start3A_434, %dma_start3A_435] : memref<16x128xi32, #tpu.memory_space<vmem>> -> memref<1x128xi32, #tpu.memory_space<vmem>>
      %dma_start3A_437 = tpu.memref_squeeze %dma_start3A_436 : memref<1x128xi32, #tpu.memory_space<vmem>> -> memref<128xi32, #tpu.memory_space<vmem>>
      %dma_start3A_438 = arith.constant 0 : i32
      %dma_start3A_439 = arith.constant 0 : i32
      %dma_start3A_440 = tpu.memref_slice %arg2[%dma_start3A_438, %dma_start3A_439] : memref<20480x128xf32, #tpu.memory_space<hbm>> -> memref<20480x128xf32, #tpu.memory_space<hbm>>
      tpu.enqueue_indirect_dma source(%dma_start3A_440 : memref<20480x128xf32, #tpu.memory_space<hbm>>) target(%arg8 : memref<128x128xf32, #tpu.memory_space<vmem>>) offsets(%dma_start3A_437 : memref<128xi32, #tpu.memory_space<vmem>>) semaphore(%arg12 : memref<!tpu.dma_semaphore, #tpu.memory_space<semaphore_mem>>)
      %dma_wait3A_441 = arith.constant 13 : i32
      %dma_wait3A_442 = arith.constant 0 : i32
      %dma_wait3A_443 = tpu.memref_slice %arg6[%dma_wait3A_441, %dma_wait3A_442] : memref<16x128xi32, #tpu.memory_space<vmem>> -> memref<1x128xi32, #tpu.memory_space<vmem>>
      %dma_wait3A_444 = tpu.memref_squeeze %dma_wait3A_443 : memref<1x128xi32, #tpu.memory_space<vmem>> -> memref<128xi32, #tpu.memory_space<vmem>>
      %dma_wait3A_445 = arith.constant 0 : i32
      %dma_wait3A_446 = arith.constant 0 : i32
      %dma_wait3A_447 = tpu.memref_slice %arg2[%dma_wait3A_445, %dma_wait3A_446] : memref<20480x128xf32, #tpu.memory_space<hbm>> -> memref<20480x128xf32, #tpu.memory_space<hbm>>
      tpu.wait_indirect_dma semaphore(%arg13 : memref<!tpu.dma_semaphore, #tpu.memory_space<semaphore_mem>>) src(%dma_wait3A_447 : memref<20480x128xf32, #tpu.memory_space<hbm>>) dst(%arg9 : memref<128x128xf32, #tpu.memory_space<vmem>>)
      %dma_start3A_448 = arith.constant 13 : i32
      %dma_start3A_449 = arith.constant 0 : i32
      %dma_start3A_450 = tpu.memref_slice %arg7[%dma_start3A_448, %dma_start3A_449] : memref<16x128xi32, #tpu.memory_space<vmem>> -> memref<1x128xi32, #tpu.memory_space<vmem>>
      %dma_start3A_451 = tpu.memref_squeeze %dma_start3A_450 : memref<1x128xi32, #tpu.memory_space<vmem>> -> memref<128xi32, #tpu.memory_space<vmem>>
      %dma_start3A_452 = arith.constant 0 : i32
      %dma_start3A_453 = arith.constant 0 : i32
      %dma_start3A_454 = tpu.memref_slice %arg10[%dma_start3A_452, %dma_start3A_453] : memref<10240x128xf32, #tpu.memory_space<vmem_shared>> -> memref<10240x128xf32, #tpu.memory_space<vmem_shared>>
      tpu.enqueue_indirect_dma source(%arg9 : memref<128x128xf32, #tpu.memory_space<vmem>>) target(%dma_start3A_454 : memref<10240x128xf32, #tpu.memory_space<vmem_shared>>) offsets(%dma_start3A_451 : memref<128xi32, #tpu.memory_space<vmem>>) semaphore(%arg15 : memref<!tpu.dma_semaphore, #tpu.memory_space<semaphore_mem>>) {add = true}
      %dma_wait3A_455 = arith.constant 13 : i32
      %dma_wait3A_456 = arith.constant 0 : i32
      %dma_wait3A_457 = tpu.memref_slice %arg7[%dma_wait3A_455, %dma_wait3A_456] : memref<16x128xi32, #tpu.memory_space<vmem>> -> memref<1x128xi32, #tpu.memory_space<vmem>>
      %dma_wait3A_458 = tpu.memref_squeeze %dma_wait3A_457 : memref<1x128xi32, #tpu.memory_space<vmem>> -> memref<128xi32, #tpu.memory_space<vmem>>
      %dma_wait3A_459 = arith.constant 0 : i32
      %dma_wait3A_460 = arith.constant 0 : i32
      %dma_wait3A_461 = tpu.memref_slice %arg10[%dma_wait3A_459, %dma_wait3A_460] : memref<10240x128xf32, #tpu.memory_space<vmem_shared>> -> memref<10240x128xf32, #tpu.memory_space<vmem_shared>>
      tpu.wait_indirect_dma semaphore(%arg15 : memref<!tpu.dma_semaphore, #tpu.memory_space<semaphore_mem>>) src(%arg9 : memref<128x128xf32, #tpu.memory_space<vmem>>) dst(%dma_wait3A_461 : memref<10240x128xf32, #tpu.memory_space<vmem_shared>>)
      %dma_start3A_462 = arith.constant 15 : i32
      %dma_start3A_463 = arith.constant 0 : i32
      %dma_start3A_464 = tpu.memref_slice %arg6[%dma_start3A_462, %dma_start3A_463] : memref<16x128xi32, #tpu.memory_space<vmem>> -> memref<1x128xi32, #tpu.memory_space<vmem>>
      %dma_start3A_465 = tpu.memref_squeeze %dma_start3A_464 : memref<1x128xi32, #tpu.memory_space<vmem>> -> memref<128xi32, #tpu.memory_space<vmem>>
      %dma_start3A_466 = arith.constant 0 : i32
      %dma_start3A_467 = arith.constant 0 : i32
      %dma_start3A_468 = tpu.memref_slice %arg2[%dma_start3A_466, %dma_start3A_467] : memref<20480x128xf32, #tpu.memory_space<hbm>> -> memref<20480x128xf32, #tpu.memory_space<hbm>>
      tpu.enqueue_indirect_dma source(%dma_start3A_468 : memref<20480x128xf32, #tpu.memory_space<hbm>>) target(%arg9 : memref<128x128xf32, #tpu.memory_space<vmem>>) offsets(%dma_start3A_465 : memref<128xi32, #tpu.memory_space<vmem>>) semaphore(%arg13 : memref<!tpu.dma_semaphore, #tpu.memory_space<semaphore_mem>>)
      %dma_wait3A_469 = arith.constant 14 : i32
      %dma_wait3A_470 = arith.constant 0 : i32
      %dma_wait3A_471 = tpu.memref_slice %arg6[%dma_wait3A_469, %dma_wait3A_470] : memref<16x128xi32, #tpu.memory_space<vmem>> -> memref<1x128xi32, #tpu.memory_space<vmem>>
      %dma_wait3A_472 = tpu.memref_squeeze %dma_wait3A_471 : memref<1x128xi32, #tpu.memory_space<vmem>> -> memref<128xi32, #tpu.memory_space<vmem>>
      %dma_wait3A_473 = arith.constant 0 : i32
      %dma_wait3A_474 = arith.constant 0 : i32
      %dma_wait3A_475 = tpu.memref_slice %arg2[%dma_wait3A_473, %dma_wait3A_474] : memref<20480x128xf32, #tpu.memory_space<hbm>> -> memref<20480x128xf32, #tpu.memory_space<hbm>>
      tpu.wait_indirect_dma semaphore(%arg12 : memref<!tpu.dma_semaphore, #tpu.memory_space<semaphore_mem>>) src(%dma_wait3A_475 : memref<20480x128xf32, #tpu.memory_space<hbm>>) dst(%arg8 : memref<128x128xf32, #tpu.memory_space<vmem>>)
      %dma_start3A_476 = arith.constant 14 : i32
      %dma_start3A_477 = arith.constant 0 : i32
      %dma_start3A_478 = tpu.memref_slice %arg7[%dma_start3A_476, %dma_start3A_477] : memref<16x128xi32, #tpu.memory_space<vmem>> -> memref<1x128xi32, #tpu.memory_space<vmem>>
      %dma_start3A_479 = tpu.memref_squeeze %dma_start3A_478 : memref<1x128xi32, #tpu.memory_space<vmem>> -> memref<128xi32, #tpu.memory_space<vmem>>
      %dma_start3A_480 = arith.constant 0 : i32
      %dma_start3A_481 = arith.constant 0 : i32
      %dma_start3A_482 = tpu.memref_slice %arg10[%dma_start3A_480, %dma_start3A_481] : memref<10240x128xf32, #tpu.memory_space<vmem_shared>> -> memref<10240x128xf32, #tpu.memory_space<vmem_shared>>
      tpu.enqueue_indirect_dma source(%arg8 : memref<128x128xf32, #tpu.memory_space<vmem>>) target(%dma_start3A_482 : memref<10240x128xf32, #tpu.memory_space<vmem_shared>>) offsets(%dma_start3A_479 : memref<128xi32, #tpu.memory_space<vmem>>) semaphore(%arg14 : memref<!tpu.dma_semaphore, #tpu.memory_space<semaphore_mem>>) {add = true}
      %dma_wait3A_483 = arith.constant 15 : i32
      %dma_wait3A_484 = arith.constant 0 : i32
      %dma_wait3A_485 = tpu.memref_slice %arg6[%dma_wait3A_483, %dma_wait3A_484] : memref<16x128xi32, #tpu.memory_space<vmem>> -> memref<1x128xi32, #tpu.memory_space<vmem>>
      %dma_wait3A_486 = tpu.memref_squeeze %dma_wait3A_485 : memref<1x128xi32, #tpu.memory_space<vmem>> -> memref<128xi32, #tpu.memory_space<vmem>>
      %dma_wait3A_487 = arith.constant 0 : i32
      %dma_wait3A_488 = arith.constant 0 : i32
      %dma_wait3A_489 = tpu.memref_slice %arg2[%dma_wait3A_487, %dma_wait3A_488] : memref<20480x128xf32, #tpu.memory_space<hbm>> -> memref<20480x128xf32, #tpu.memory_space<hbm>>
      tpu.wait_indirect_dma semaphore(%arg13 : memref<!tpu.dma_semaphore, #tpu.memory_space<semaphore_mem>>) src(%dma_wait3A_489 : memref<20480x128xf32, #tpu.memory_space<hbm>>) dst(%arg9 : memref<128x128xf32, #tpu.memory_space<vmem>>)
      %dma_start3A_490 = arith.constant 15 : i32
      %dma_start3A_491 = arith.constant 0 : i32
      %dma_start3A_492 = tpu.memref_slice %arg7[%dma_start3A_490, %dma_start3A_491] : memref<16x128xi32, #tpu.memory_space<vmem>> -> memref<1x128xi32, #tpu.memory_space<vmem>>
      %dma_start3A_493 = tpu.memref_squeeze %dma_start3A_492 : memref<1x128xi32, #tpu.memory_space<vmem>> -> memref<128xi32, #tpu.memory_space<vmem>>
      %dma_start3A_494 = arith.constant 0 : i32
      %dma_start3A_495 = arith.constant 0 : i32
      %dma_start3A_496 = tpu.memref_slice %arg10[%dma_start3A_494, %dma_start3A_495] : memref<10240x128xf32, #tpu.memory_space<vmem_shared>> -> memref<10240x128xf32, #tpu.memory_space<vmem_shared>>
      tpu.enqueue_indirect_dma source(%arg9 : memref<128x128xf32, #tpu.memory_space<vmem>>) target(%dma_start3A_496 : memref<10240x128xf32, #tpu.memory_space<vmem_shared>>) offsets(%dma_start3A_493 : memref<128xi32, #tpu.memory_space<vmem>>) semaphore(%arg15 : memref<!tpu.dma_semaphore, #tpu.memory_space<semaphore_mem>>) {add = true}
    }
    %scan3A_15 = arith.constant 10 : i32
    %dma_wait3A = arith.constant 14 : i32
    %dma_wait3A_16 = arith.constant 0 : i32
    %dma_wait3A_17 = tpu.memref_slice %arg7[%dma_wait3A, %dma_wait3A_16] : memref<16x128xi32, #tpu.memory_space<vmem>> -> memref<1x128xi32, #tpu.memory_space<vmem>>
    %dma_wait3A_18 = tpu.memref_squeeze %dma_wait3A_17 : memref<1x128xi32, #tpu.memory_space<vmem>> -> memref<128xi32, #tpu.memory_space<vmem>>
    %dma_wait3A_19 = arith.constant 0 : i32
    %dma_wait3A_20 = arith.constant 0 : i32
    %dma_wait3A_21 = tpu.memref_slice %arg10[%dma_wait3A_19, %dma_wait3A_20] : memref<10240x128xf32, #tpu.memory_space<vmem_shared>> -> memref<10240x128xf32, #tpu.memory_space<vmem_shared>>
    tpu.wait_indirect_dma semaphore(%arg14 : memref<!tpu.dma_semaphore, #tpu.memory_space<semaphore_mem>>) src(%arg8 : memref<128x128xf32, #tpu.memory_space<vmem>>) dst(%dma_wait3A_21 : memref<10240x128xf32, #tpu.memory_space<vmem_shared>>)
    %dma_wait3A_22 = arith.constant 15 : i32
    %dma_wait3A_23 = arith.constant 0 : i32
    %dma_wait3A_24 = tpu.memref_slice %arg7[%dma_wait3A_22, %dma_wait3A_23] : memref<16x128xi32, #tpu.memory_space<vmem>> -> memref<1x128xi32, #tpu.memory_space<vmem>>
    %dma_wait3A_25 = tpu.memref_squeeze %dma_wait3A_24 : memref<1x128xi32, #tpu.memory_space<vmem>> -> memref<128xi32, #tpu.memory_space<vmem>>
    %dma_wait3A_26 = arith.constant 0 : i32
    %dma_wait3A_27 = arith.constant 0 : i32
    %dma_wait3A_28 = tpu.memref_slice %arg10[%dma_wait3A_26, %dma_wait3A_27] : memref<10240x128xf32, #tpu.memory_space<vmem_shared>> -> memref<10240x128xf32, #tpu.memory_space<vmem_shared>>
    tpu.wait_indirect_dma semaphore(%arg15 : memref<!tpu.dma_semaphore, #tpu.memory_space<semaphore_mem>>) src(%arg9 : memref<128x128xf32, #tpu.memory_space<vmem>>) dst(%dma_wait3A_28 : memref<10240x128xf32, #tpu.memory_space<vmem_shared>>)
    %barrier3A_29 = arith.constant 0 : index
    tpu.barrier barrier_id(%barrier3A_29)
    %mul3A_30 = arith.constant 640 : i32
    %mul3A_31 = arith.muli %arg1, %mul3A_30 : i32
    %mul3A_32 = arith.constant 640 : i32
    %mul3A_33 = arith.muli %arg1, %mul3A_32 : i32
    %add3A_34 = arith.addi %mul3A_6, %mul3A_33 : i32
    "tpu.region"() ({
      %run_scoped3A = tpu.sem_alloc : memref<!tpu.dma_semaphore, #tpu.memory_space<semaphore_mem>>
      %dma_start3A = arith.constant 0 : i32
      %dma_start3A_35 = tpu.memref_slice %arg5[%add3A_34, %dma_start3A] : memref<20480x128xf32, #tpu.memory_space<hbm>> -> memref<640x128xf32, #tpu.memory_space<hbm>>
      %dma_start3A_36 = arith.constant 0 : i32
      %dma_start3A_37 = tpu.memref_slice %arg10[%mul3A_31, %dma_start3A_36] : memref<10240x128xf32, #tpu.memory_space<vmem_shared>> -> memref<640x128xf32, #tpu.memory_space<vmem_shared>>
      tpu.enqueue_dma source(%dma_start3A_37 : memref<640x128xf32, #tpu.memory_space<vmem_shared>>) target(%dma_start3A_35 : memref<640x128xf32, #tpu.memory_space<hbm>>) target_semaphore(%run_scoped3A : memref<!tpu.dma_semaphore, #tpu.memory_space<semaphore_mem>>)
      %dma_wait3A_38 = arith.constant 0 : i32
      %dma_wait3A_39 = tpu.memref_slice %arg5[%add3A_34, %dma_wait3A_38] : memref<20480x128xf32, #tpu.memory_space<hbm>> -> memref<640x128xf32, #tpu.memory_space<hbm>>
      %dma_wait3A_40 = arith.constant 0 : i32
      %dma_wait3A_41 = tpu.memref_slice %arg10[%mul3A_31, %dma_wait3A_40] : memref<10240x128xf32, #tpu.memory_space<vmem_shared>> -> memref<640x128xf32, #tpu.memory_space<vmem_shared>>
      tpu.wait_dma2 semaphore(%run_scoped3A : memref<!tpu.dma_semaphore, #tpu.memory_space<semaphore_mem>>) src(%dma_wait3A_41 : memref<640x128xf32, #tpu.memory_space<vmem_shared>>) dst(%dma_wait3A_39 : memref<640x128xf32, #tpu.memory_space<hbm>>)
      tpu.yield
    }) : () -> ()
    return
  }
}

module attributes {stable_mosaic.version = 14 : i64} {
  func.func @body(%arg0: i32, %arg1: i32, %arg2: memref<512x128xf32, #tpu.memory_space<vmem>>, %arg3: memref<128x128xf32, #tpu.memory_space<vmem>>, %arg4: memref<512x16xf32, #tpu.memory_space<vmem>>, %arg5: memref<512x16xf32, #tpu.memory_space<vmem>>, %arg6: memref<512x128xf32, #tpu.memory_space<vmem>>, %arg7: memref<512x1xf32, #tpu.memory_space<vmem>>) attributes {dimension_semantics = [#tpu.dimension_semantics<arbitrary>, #tpu.dimension_semantics<arbitrary>], iteration_bounds = array<i64: 20, 2>, scalar_prefetch = 0 : i64, scratch_operands = 0 : i64, tpu.core_type = #tpu.core_type<tc>, window_params = [{transform_indices = @transform_0, window_bounds = array<i64: 512, 128>}, {transform_indices = @transform_1, window_bounds = array<i64: 128, 128>}, {transform_indices = @transform_2, window_bounds = array<i64: 512, 16>}, {transform_indices = @transform_3, window_bounds = array<i64: 512, 16>}, {transform_indices = @transform_4, window_bounds = array<i64: 512, 128>}, {transform_indices = @transform_5, window_bounds = array<i64: 512, 1>}]} {
    %get3A = arith.constant 0 : index
    %get3A_0 = arith.constant 0 : index
    %get3A_1 = vector.load %arg4[%get3A, %get3A_0] : memref<512x16xf32, #tpu.memory_space<vmem>>, vector<512x1xf32>
    %get3A_2 = arith.constant 0 : index
    %get3A_3 = arith.constant 0 : index
    %get3A_4 = vector.load %arg5[%get3A_2, %get3A_3] : memref<512x16xf32, #tpu.memory_space<vmem>>, vector<512x1xf32>
    %add3A = arith.addf %get3A_1, %get3A_4 : vector<512x1xf32>
    %sub3A = arith.constant 1.000000e+00 : f32
    %sub3A_5 = vector.broadcast %sub3A : f32 to vector<512x1xf32>
    %sub3A_6 = arith.subf %add3A, %sub3A_5 : vector<512x1xf32>
    %rsqrt3A = math.rsqrt %sub3A_6 : vector<512x1xf32>
    %swap3A = arith.constant 0 : index
    %swap3A_7 = arith.constant 0 : index
    %swap3A_8 = vector.load %arg7[%swap3A, %swap3A_7] : memref<512x1xf32, #tpu.memory_space<vmem>>, vector<512x1xf32>
    tpu.vector_store %arg7[%swap3A, %swap3A_7], %rsqrt3A {strides = array<i32>} : memref<512x1xf32, #tpu.memory_space<vmem>>, vector<512x1xf32>,
    %get3A_9 = arith.constant 0 : index
    %get3A_10 = arith.constant 0 : index
    %get3A_11 = vector.load %arg2[%get3A_9, %get3A_10] : memref<512x128xf32, #tpu.memory_space<vmem>>, vector<512x128xf32>
    %get3A_12 = arith.constant 0 : index
    %get3A_13 = arith.constant 0 : index
    %get3A_14 = vector.load %arg3[%get3A_12, %get3A_13] : memref<128x128xf32, #tpu.memory_space<vmem>>, vector<128x128xf32>
    %dot_general3A = arith.constant dense<0.000000e+00> : vector<512x128xf32>
    %dot_general3A_15 = tpu.matmul %get3A_11, %get3A_14, %dot_general3A {dimension_numbers = #tpu.dot_dimension_numbers<[1], [0], [0], [1], [0, 0, 1, 1], [], []>, transpose_lhs_hint = false} : vector<512x128xf32>, vector<128x128xf32>, vector<512x128xf32> -> vector<512x128xf32>
    %mul3A = vector.broadcast %rsqrt3A : vector<512x1xf32> to vector<512x128xf32>
    %mul3A_16 = arith.mulf %dot_general3A_15, %mul3A : vector<512x128xf32>
    %swap3A_17 = arith.constant 0 : index
    %swap3A_18 = arith.constant 0 : index
    %swap3A_19 = vector.load %arg6[%swap3A_17, %swap3A_18] : memref<512x128xf32, #tpu.memory_space<vmem>>, vector<512x128xf32>
    tpu.vector_store %arg6[%swap3A_17, %swap3A_18], %mul3A_16 {strides = array<i32>} : memref<512x128xf32, #tpu.memory_space<vmem>>, vector<512x128xf32>,
    return
  }
  func.func @transform_0(%arg0: i32, %arg1: i32) -> (i32, i32) {
    %c0_i32 = arith.constant 0 : i32
    %c0_i32_0 = arith.constant 0 : i32
    return %arg0, %c0_i32 : i32, i32
  }
  func.func @transform_1(%arg0: i32, %arg1: i32) -> (i32, i32) {
    %c0_i32 = arith.constant 0 : i32
    %c0_i32_0 = arith.constant 0 : i32
    return %c0_i32, %arg1 : i32, i32
  }
  func.func @transform_2(%arg0: i32, %arg1: i32) -> (i32, i32) {
    %c0_i32 = arith.constant 0 : i32
    %c0_i32_0 = arith.constant 0 : i32
    return %arg0, %c0_i32 : i32, i32
  }
  func.func @transform_3(%arg0: i32, %arg1: i32) -> (i32, i32) {
    %add3A = arith.constant 20 : i32
    %add3A_0 = arith.addi %arg0, %add3A : i32
    %c0_i32 = arith.constant 0 : i32
    %c0_i32_1 = arith.constant 0 : i32
    return %add3A_0, %c0_i32 : i32, i32
  }
  func.func @transform_4(%arg0: i32, %arg1: i32) -> (i32, i32) {
    %mul3A = arith.constant 20 : i32
    %mul3A_0 = arith.muli %arg1, %mul3A : i32
    %add3A = arith.addi %mul3A_0, %arg0 : i32
    %c0_i32 = arith.constant 0 : i32
    %c0_i32_1 = arith.constant 0 : i32
    return %add3A, %c0_i32 : i32, i32
  }
  func.func @transform_5(%arg0: i32, %arg1: i32) -> (i32, i32) {
    %c0_i32 = arith.constant 0 : i32
    %c0_i32_0 = arith.constant 0 : i32
    return %arg0, %c0_i32 : i32, i32
  }
}

module attributes {stable_mosaic.version = 14 : i64} {
  func.func @body(%arg0: i32, %arg1: i32, %arg2: memref<512x128xf32, #tpu.memory_space<vmem>>, %arg3: memref<512x128xf32, #tpu.memory_space<vmem>>, %arg4: memref<512x1xf32, #tpu.memory_space<vmem>>, %arg5: memref<1x256xf32, #tpu.memory_space<vmem>>, %arg6: memref<1x256x128xf32, #tpu.memory_space<vmem>>, %arg7: memref<512x128xf32, #tpu.memory_space<vmem>>) attributes {dimension_semantics = [#tpu.dimension_semantics<arbitrary>, #tpu.dimension_semantics<arbitrary>], iteration_bounds = array<i64: 20, 2>, scalar_prefetch = 0 : i64, scratch_operands = 0 : i64, tpu.core_type = #tpu.core_type<tc>, window_params = [{transform_indices = @transform_0, window_bounds = array<i64: 512, 128>}, {transform_indices = @transform_1, window_bounds = array<i64: 512, 128>}, {transform_indices = @transform_2, window_bounds = array<i64: 512, 1>}, {pipeline_mode = #tpu.pipeline_mode<synchronous>, transform_indices = @transform_3, window_bounds = array<i64: 1, 256>}, {transform_indices = @transform_4, window_bounds = array<i64: 1, 256, 128>}, {transform_indices = @transform_5, window_bounds = array<i64: 512, 128>}]} {
    %get3A = arith.constant 0 : index
    %get3A_0 = arith.constant 0 : index
    %get3A_1 = vector.load %arg4[%get3A, %get3A_0] : memref<512x1xf32, #tpu.memory_space<vmem>>, vector<512x1xf32>
    %get3A_2 = arith.constant 0 : index
    %get3A_3 = arith.constant 0 : index
    %get3A_4 = vector.load %arg2[%get3A_2, %get3A_3] : memref<512x128xf32, #tpu.memory_space<vmem>>, vector<512x128xf32>
    %mul3A = vector.broadcast %get3A_1 : vector<512x1xf32> to vector<512x128xf32>
    %mul3A_5 = arith.mulf %get3A_4, %mul3A : vector<512x128xf32>
    %get3A_6 = arith.constant 0 : index
    %get3A_7 = arith.constant 0 : index
    %get3A_8 = vector.load %arg5[%get3A_6, %get3A_7] : memref<1x256xf32, #tpu.memory_space<vmem>>, vector<1x128xf32>
    %add3A = vector.broadcast %get3A_8 : vector<1x128xf32> to vector<512x128xf32>
    %add3A_9 = arith.addf %mul3A_5, %add3A : vector<512x128xf32>
    %max3A = arith.constant 0.000000e+00 : f32
    %max3A_10 = vector.broadcast %max3A : f32 to vector<512x128xf32>
    %max3A_11 = arith.maximumf %add3A_9, %max3A_10 : vector<512x128xf32>
    %get3A_12 = arith.constant 0 : index
    %get3A_13 = arith.constant 0 : index
    %get3A_14 = vector.load %arg3[%get3A_12, %get3A_13] : memref<512x128xf32, #tpu.memory_space<vmem>>, vector<512x128xf32>
    %mul3A_15 = vector.broadcast %get3A_1 : vector<512x1xf32> to vector<512x128xf32>
    %mul3A_16 = arith.mulf %get3A_14, %mul3A_15 : vector<512x128xf32>
    %get3A_17 = arith.constant 0 : index
    %get3A_18 = arith.constant 128 : index
    %get3A_19 = vector.load %arg5[%get3A_17, %get3A_18] : memref<1x256xf32, #tpu.memory_space<vmem>>, vector<1x128xf32>
    %add3A_20 = vector.broadcast %get3A_19 : vector<1x128xf32> to vector<512x128xf32>
    %add3A_21 = arith.addf %mul3A_16, %add3A_20 : vector<512x128xf32>
    %max3A_22 = arith.constant 0.000000e+00 : f32
    %max3A_23 = vector.broadcast %max3A_22 : f32 to vector<512x128xf32>
    %max3A_24 = arith.maximumf %add3A_21, %max3A_23 : vector<512x128xf32>
    %get3A_25 = arith.constant 0 : index
    %get3A_26 = arith.constant 0 : index
    %get3A_27 = arith.constant 0 : index
    %get3A_28 = vector.load %arg6[%get3A_25, %get3A_26, %get3A_27] : memref<1x256x128xf32, #tpu.memory_space<vmem>>, vector<1x128x128xf32>
    %get3A_29 = vector.shape_cast %get3A_28 : vector<1x128x128xf32> to vector<128x128xf32>
    %dot_general3A = arith.constant dense<0.000000e+00> : vector<512x128xf32>
    %dot_general3A_30 = tpu.matmul %max3A_11, %get3A_29, %dot_general3A {dimension_numbers = #tpu.dot_dimension_numbers<[1], [0], [0], [1], [0, 0, 1, 1], [], []>, transpose_lhs_hint = false} : vector<512x128xf32>, vector<128x128xf32>, vector<512x128xf32> -> vector<512x128xf32>
    %get3A_31 = arith.constant 0 : index
    %get3A_32 = arith.constant 128 : index
    %get3A_33 = arith.constant 0 : index
    %get3A_34 = vector.load %arg6[%get3A_31, %get3A_32, %get3A_33] : memref<1x256x128xf32, #tpu.memory_space<vmem>>, vector<1x128x128xf32>
    %get3A_35 = vector.shape_cast %get3A_34 : vector<1x128x128xf32> to vector<128x128xf32>
    %dot_general3A_36 = arith.constant dense<0.000000e+00> : vector<512x128xf32>
    %dot_general3A_37 = tpu.matmul %max3A_24, %get3A_35, %dot_general3A_36 {dimension_numbers = #tpu.dot_dimension_numbers<[1], [0], [0], [1], [0, 0, 1, 1], [], []>, transpose_lhs_hint = false} : vector<512x128xf32>, vector<128x128xf32>, vector<512x128xf32> -> vector<512x128xf32>
    %add3A_38 = arith.addf %dot_general3A_30, %dot_general3A_37 : vector<512x128xf32>
    %mul3A_39 = vector.broadcast %get3A_1 : vector<512x1xf32> to vector<512x128xf32>
    %mul3A_40 = arith.mulf %add3A_38, %mul3A_39 : vector<512x128xf32>
    %swap3A = arith.constant 0 : index
    %swap3A_41 = arith.constant 0 : index
    %swap3A_42 = vector.load %arg7[%swap3A, %swap3A_41] : memref<512x128xf32, #tpu.memory_space<vmem>>, vector<512x128xf32>
    tpu.vector_store %arg7[%swap3A, %swap3A_41], %mul3A_40 {strides = array<i32>} : memref<512x128xf32, #tpu.memory_space<vmem>>, vector<512x128xf32>,
    return
  }
  func.func @transform_0(%arg0: i32, %arg1: i32) -> (i32, i32) {
    %c0_i32 = arith.constant 0 : i32
    %c0_i32_0 = arith.constant 0 : i32
    return %arg0, %c0_i32 : i32, i32
  }
  func.func @transform_1(%arg0: i32, %arg1: i32) -> (i32, i32) {
    %add3A = arith.constant 20 : i32
    %add3A_0 = arith.addi %arg0, %add3A : i32
    %c0_i32 = arith.constant 0 : i32
    %c0_i32_1 = arith.constant 0 : i32
    return %add3A_0, %c0_i32 : i32, i32
  }
  func.func @transform_2(%arg0: i32, %arg1: i32) -> (i32, i32) {
    %c0_i32 = arith.constant 0 : i32
    %c0_i32_0 = arith.constant 0 : i32
    return %arg0, %c0_i32 : i32, i32
  }
  func.func @transform_3(%arg0: i32, %arg1: i32) -> (i32, i32) {
    %c0_i32 = arith.constant 0 : i32
    %c0_i32_0 = arith.constant 0 : i32
    %c0_i32_1 = arith.constant 0 : i32
    return %c0_i32, %c0_i32_0 : i32, i32
  }
  func.func @transform_4(%arg0: i32, %arg1: i32) -> (i32, i32, i32) {
    %c0_i32 = arith.constant 0 : i32
    %c0_i32_0 = arith.constant 0 : i32
    %c0_i32_1 = arith.constant 0 : i32
    return %arg1, %c0_i32, %c0_i32_0 : i32, i32, i32
  }
  func.func @transform_5(%arg0: i32, %arg1: i32) -> (i32, i32) {
    %mul3A = arith.constant 20 : i32
    %mul3A_0 = arith.muli %arg1, %mul3A : i32
    %add3A = arith.addi %mul3A_0, %arg0 : i32
    %c0_i32 = arith.constant 0 : i32
    %c0_i32_1 = arith.constant 0 : i32
    return %add3A, %c0_i32 : i32, i32
  }
}

module attributes {stable_mosaic.version = 14 : i64} {
  func.func @body(%arg0: i32, %arg1: memref<512x128xf32, #tpu.memory_space<vmem>>, %arg2: memref<512x128xf32, #tpu.memory_space<vmem>>, %arg3: memref<512x1xf32, #tpu.memory_space<vmem>>, %arg4: memref<1x256xf32, #tpu.memory_space<vmem>>, %arg5: memref<256x128xf32, #tpu.memory_space<vmem>>, %arg6: memref<512x128xf32, #tpu.memory_space<vmem>>) attributes {dimension_semantics = [#tpu.dimension_semantics<arbitrary>], iteration_bounds = array<i64: 20>, scalar_prefetch = 0 : i64, scratch_operands = 0 : i64, tpu.core_type = #tpu.core_type<tc>, window_params = [{transform_indices = @transform_0, window_bounds = array<i64: 512, 128>}, {transform_indices = @transform_1, window_bounds = array<i64: 512, 128>}, {transform_indices = @transform_2, window_bounds = array<i64: 512, 1>}, {pipeline_mode = #tpu.pipeline_mode<synchronous>, transform_indices = @transform_3, window_bounds = array<i64: 1, 256>}, {pipeline_mode = #tpu.pipeline_mode<synchronous>, transform_indices = @transform_4, window_bounds = array<i64: 256, 128>}, {transform_indices = @transform_5, window_bounds = array<i64: 512, 128>}]} {
    %get3A = arith.constant 0 : index
    %get3A_0 = arith.constant 0 : index
    %get3A_1 = vector.load %arg3[%get3A, %get3A_0] : memref<512x1xf32, #tpu.memory_space<vmem>>, vector<512x1xf32>
    %get3A_2 = arith.constant 0 : index
    %get3A_3 = arith.constant 0 : index
    %get3A_4 = vector.load %arg1[%get3A_2, %get3A_3] : memref<512x128xf32, #tpu.memory_space<vmem>>, vector<512x128xf32>
    %mul3A = vector.broadcast %get3A_1 : vector<512x1xf32> to vector<512x128xf32>
    %mul3A_5 = arith.mulf %get3A_4, %mul3A : vector<512x128xf32>
    %get3A_6 = arith.constant 0 : index
    %get3A_7 = arith.constant 0 : index
    %get3A_8 = vector.load %arg4[%get3A_6, %get3A_7] : memref<1x256xf32, #tpu.memory_space<vmem>>, vector<1x128xf32>
    %add3A = vector.broadcast %get3A_8 : vector<1x128xf32> to vector<512x128xf32>
    %add3A_9 = arith.addf %mul3A_5, %add3A : vector<512x128xf32>
    %max3A = arith.constant 0.000000e+00 : f32
    %max3A_10 = vector.broadcast %max3A : f32 to vector<512x128xf32>
    %max3A_11 = arith.maximumf %add3A_9, %max3A_10 : vector<512x128xf32>
    %get3A_12 = arith.constant 0 : index
    %get3A_13 = arith.constant 0 : index
    %get3A_14 = vector.load %arg2[%get3A_12, %get3A_13] : memref<512x128xf32, #tpu.memory_space<vmem>>, vector<512x128xf32>
    %mul3A_15 = vector.broadcast %get3A_1 : vector<512x1xf32> to vector<512x128xf32>
    %mul3A_16 = arith.mulf %get3A_14, %mul3A_15 : vector<512x128xf32>
    %get3A_17 = arith.constant 0 : index
    %get3A_18 = arith.constant 128 : index
    %get3A_19 = vector.load %arg4[%get3A_17, %get3A_18] : memref<1x256xf32, #tpu.memory_space<vmem>>, vector<1x128xf32>
    %add3A_20 = vector.broadcast %get3A_19 : vector<1x128xf32> to vector<512x128xf32>
    %add3A_21 = arith.addf %mul3A_16, %add3A_20 : vector<512x128xf32>
    %max3A_22 = arith.constant 0.000000e+00 : f32
    %max3A_23 = vector.broadcast %max3A_22 : f32 to vector<512x128xf32>
    %max3A_24 = arith.maximumf %add3A_21, %max3A_23 : vector<512x128xf32>
    %get3A_25 = arith.constant 0 : index
    %get3A_26 = arith.constant 0 : index
    %get3A_27 = vector.load %arg5[%get3A_25, %get3A_26] : memref<256x128xf32, #tpu.memory_space<vmem>>, vector<128x128xf32>
    %dot_general3A = arith.constant dense<0.000000e+00> : vector<512x128xf32>
    %dot_general3A_28 = tpu.matmul %max3A_11, %get3A_27, %dot_general3A {dimension_numbers = #tpu.dot_dimension_numbers<[1], [0], [0], [1], [0, 0, 1, 1], [], []>, transpose_lhs_hint = false} : vector<512x128xf32>, vector<128x128xf32>, vector<512x128xf32> -> vector<512x128xf32>
    %get3A_29 = arith.constant 128 : index
    %get3A_30 = arith.constant 0 : index
    %get3A_31 = vector.load %arg5[%get3A_29, %get3A_30] : memref<256x128xf32, #tpu.memory_space<vmem>>, vector<128x128xf32>
    %dot_general3A_32 = arith.constant dense<0.000000e+00> : vector<512x128xf32>
    %dot_general3A_33 = tpu.matmul %max3A_24, %get3A_31, %dot_general3A_32 {dimension_numbers = #tpu.dot_dimension_numbers<[1], [0], [0], [1], [0, 0, 1, 1], [], []>, transpose_lhs_hint = false} : vector<512x128xf32>, vector<128x128xf32>, vector<512x128xf32> -> vector<512x128xf32>
    %add3A_34 = arith.addf %dot_general3A_28, %dot_general3A_33 : vector<512x128xf32>
    %mul3A_35 = vector.broadcast %get3A_1 : vector<512x1xf32> to vector<512x128xf32>
    %mul3A_36 = arith.mulf %add3A_34, %mul3A_35 : vector<512x128xf32>
    %swap3A = arith.constant 0 : index
    %swap3A_37 = arith.constant 0 : index
    %swap3A_38 = vector.load %arg6[%swap3A, %swap3A_37] : memref<512x128xf32, #tpu.memory_space<vmem>>, vector<512x128xf32>
    tpu.vector_store %arg6[%swap3A, %swap3A_37], %mul3A_36 {strides = array<i32>} : memref<512x128xf32, #tpu.memory_space<vmem>>, vector<512x128xf32>,
    return
  }
  func.func @transform_0(%arg0: i32) -> (i32, i32) {
    %c0_i32 = arith.constant 0 : i32
    %c0_i32_0 = arith.constant 0 : i32
    return %arg0, %c0_i32 : i32, i32
  }
  func.func @transform_1(%arg0: i32) -> (i32, i32) {
    %add3A = arith.constant 20 : i32
    %add3A_0 = arith.addi %arg0, %add3A : i32
    %c0_i32 = arith.constant 0 : i32
    %c0_i32_1 = arith.constant 0 : i32
    return %add3A_0, %c0_i32 : i32, i32
  }
  func.func @transform_2(%arg0: i32) -> (i32, i32) {
    %c0_i32 = arith.constant 0 : i32
    %c0_i32_0 = arith.constant 0 : i32
    return %arg0, %c0_i32 : i32, i32
  }
  func.func @transform_3(%arg0: i32) -> (i32, i32) {
    %c0_i32 = arith.constant 0 : i32
    %c0_i32_0 = arith.constant 0 : i32
    %c0_i32_1 = arith.constant 0 : i32
    return %c0_i32, %c0_i32_0 : i32, i32
  }
  func.func @transform_4(%arg0: i32) -> (i32, i32) {
    %c0_i32 = arith.constant 0 : i32
    %c0_i32_0 = arith.constant 0 : i32
    %c0_i32_1 = arith.constant 0 : i32
    return %c0_i32, %c0_i32_0 : i32, i32
  }
  func.func @transform_5(%arg0: i32) -> (i32, i32) {
    %c0_i32 = arith.constant 0 : i32
    %c0_i32_0 = arith.constant 0 : i32
    return %arg0, %c0_i32 : i32, i32
  }
}

module attributes {stable_mosaic.version = 14 : i64} {
  func.func @body(%arg0: i32, %arg1: memref<768x128xf32, #tpu.memory_space<vmem>>, %arg2: memref<768x128xf32, #tpu.memory_space<vmem>>, %arg3: memref<768x128xf32, #tpu.memory_space<vmem>>, %arg4: memref<768x1xf32, #tpu.memory_space<vmem>>, %arg5: memref<1x128xf32, #tpu.memory_space<vmem>>, %arg6: memref<384x256xf32, #tpu.memory_space<vmem>>, %arg7: memref<1x256xf32, #tpu.memory_space<vmem>>, %arg8: memref<256x128xf32, #tpu.memory_space<vmem>>, %arg9: memref<1x128xf32, #tpu.memory_space<vmem>>, %arg10: memref<128x2xf32, #tpu.memory_space<vmem>>, %arg11: memref<1x2xf32, #tpu.memory_space<vmem>>, %arg12: memref<256x2xf32, #tpu.memory_space<vmem>>) attributes {dimension_semantics = [#tpu.dimension_semantics<arbitrary>], iteration_bounds = array<i64: 14>, scalar_prefetch = 0 : i64, scratch_operands = 0 : i64, tpu.core_type = #tpu.core_type<tc>, window_params = [{transform_indices = @transform_0, window_bounds = array<i64: 768, 128>}, {transform_indices = @transform_1, window_bounds = array<i64: 768, 128>}, {transform_indices = @transform_2, window_bounds = array<i64: 768, 128>}, {transform_indices = @transform_3, window_bounds = array<i64: 768, 1>}, {pipeline_mode = #tpu.pipeline_mode<synchronous>, transform_indices = @transform_4, window_bounds = array<i64: 1, 128>}, {pipeline_mode = #tpu.pipeline_mode<synchronous>, transform_indices = @transform_5, window_bounds = array<i64: 384, 256>}, {pipeline_mode = #tpu.pipeline_mode<synchronous>, transform_indices = @transform_6, window_bounds = array<i64: 1, 256>}, {pipeline_mode = #tpu.pipeline_mode<synchronous>, transform_indices = @transform_7, window_bounds = array<i64: 256, 128>}, {pipeline_mode = #tpu.pipeline_mode<synchronous>, transform_indices = @transform_8, window_bounds = array<i64: 1, 128>}, {pipeline_mode = #tpu.pipeline_mode<synchronous>, transform_indices = @transform_9, window_bounds = array<i64: 128, 2>}, {pipeline_mode = #tpu.pipeline_mode<synchronous>, transform_indices = @transform_10, window_bounds = array<i64: 1, 2>}, {transform_indices = @transform_11, window_bounds = array<i64: 256, 2>}]} {
    %get3A = arith.constant 0 : index
    %get3A_0 = arith.constant 0 : index
    %get3A_1 = vector.load %arg1[%get3A, %get3A_0] : memref<768x128xf32, #tpu.memory_space<vmem>>, vector<768x128xf32>
    %get3A_2 = arith.constant 0 : index
    %get3A_3 = arith.constant 0 : index
    %get3A_4 = vector.load %arg2[%get3A_2, %get3A_3] : memref<768x128xf32, #tpu.memory_space<vmem>>, vector<768x128xf32>
    %add3A = arith.addf %get3A_1, %get3A_4 : vector<768x128xf32>
    %get3A_5 = arith.constant 0 : index
    %get3A_6 = arith.constant 0 : index
    %get3A_7 = vector.load %arg3[%get3A_5, %get3A_6] : memref<768x128xf32, #tpu.memory_space<vmem>>, vector<768x128xf32>
    %add3A_8 = arith.addf %add3A, %get3A_7 : vector<768x128xf32>
    %get3A_9 = arith.constant 0 : index
    %get3A_10 = arith.constant 0 : index
    %get3A_11 = vector.load %arg4[%get3A_9, %get3A_10] : memref<768x1xf32, #tpu.memory_space<vmem>>, vector<768x1xf32>
    %mul3A = vector.broadcast %get3A_11 : vector<768x1xf32> to vector<768x128xf32>
    %mul3A_12 = arith.mulf %add3A_8, %mul3A : vector<768x128xf32>
    %get3A_13 = arith.constant 0 : index
    %get3A_14 = arith.constant 0 : index
    %get3A_15 = vector.load %arg5[%get3A_13, %get3A_14] : memref<1x128xf32, #tpu.memory_space<vmem>>, vector<1x128xf32>
    %add3A_16 = vector.broadcast %get3A_15 : vector<1x128xf32> to vector<768x128xf32>
    %add3A_17 = arith.addf %mul3A_12, %add3A_16 : vector<768x128xf32>
    %max3A = arith.constant 0.000000e+00 : f32
    %max3A_18 = vector.broadcast %max3A : f32 to vector<768x128xf32>
    %max3A_19 = arith.maximumf %add3A_17, %max3A_18 : vector<768x128xf32>
    %reshape3A = vector.shape_cast %max3A_19 : vector<768x128xf32> to vector<256x384xf32>
    %get3A_20 = arith.constant 0 : index
    %get3A_21 = arith.constant 0 : index
    %get3A_22 = vector.load %arg6[%get3A_20, %get3A_21] : memref<384x256xf32, #tpu.memory_space<vmem>>, vector<384x256xf32>
    %dot_general3A = arith.constant dense<0.000000e+00> : vector<256x256xf32>
    %dot_general3A_23 = tpu.matmul %reshape3A, %get3A_22, %dot_general3A {dimension_numbers = #tpu.dot_dimension_numbers<[1], [0], [0], [1], [0, 0, 1, 1], [], []>, transpose_lhs_hint = false} : vector<256x384xf32>, vector<384x256xf32>, vector<256x256xf32> -> vector<256x256xf32>
    %get3A_24 = arith.constant 0 : index
    %get3A_25 = arith.constant 0 : index
    %get3A_26 = vector.load %arg7[%get3A_24, %get3A_25] : memref<1x256xf32, #tpu.memory_space<vmem>>, vector<1x256xf32>
    %add3A_27 = vector.broadcast %get3A_26 : vector<1x256xf32> to vector<256x256xf32>
    %add3A_28 = arith.addf %dot_general3A_23, %add3A_27 : vector<256x256xf32>
    %max3A_29 = arith.constant 0.000000e+00 : f32
    %max3A_30 = vector.broadcast %max3A_29 : f32 to vector<256x256xf32>
    %max3A_31 = arith.maximumf %add3A_28, %max3A_30 : vector<256x256xf32>
    %get3A_32 = arith.constant 0 : index
    %get3A_33 = arith.constant 0 : index
    %get3A_34 = vector.load %arg8[%get3A_32, %get3A_33] : memref<256x128xf32, #tpu.memory_space<vmem>>, vector<256x128xf32>
    %dot_general3A_35 = arith.constant dense<0.000000e+00> : vector<256x128xf32>
    %dot_general3A_36 = tpu.matmul %max3A_31, %get3A_34, %dot_general3A_35 {dimension_numbers = #tpu.dot_dimension_numbers<[1], [0], [0], [1], [0, 0, 1, 1], [], []>, transpose_lhs_hint = false} : vector<256x256xf32>, vector<256x128xf32>, vector<256x128xf32> -> vector<256x128xf32>
    %get3A_37 = arith.constant 0 : index
    %get3A_38 = arith.constant 0 : index
    %get3A_39 = vector.load %arg9[%get3A_37, %get3A_38] : memref<1x128xf32, #tpu.memory_space<vmem>>, vector<1x128xf32>
    %add3A_40 = vector.broadcast %get3A_39 : vector<1x128xf32> to vector<256x128xf32>
    %add3A_41 = arith.addf %dot_general3A_36, %add3A_40 : vector<256x128xf32>
    %max3A_42 = arith.constant 0.000000e+00 : f32
    %max3A_43 = vector.broadcast %max3A_42 : f32 to vector<256x128xf32>
    %max3A_44 = arith.maximumf %add3A_41, %max3A_43 : vector<256x128xf32>
    %get3A_45 = arith.constant 0 : index
    %get3A_46 = arith.constant 0 : index
    %get3A_47 = vector.load %arg10[%get3A_45, %get3A_46] : memref<128x2xf32, #tpu.memory_space<vmem>>, vector<128x2xf32>
    %dot_general3A_48 = arith.constant dense<0.000000e+00> : vector<256x2xf32>
    %dot_general3A_49 = tpu.matmul %max3A_44, %get3A_47, %dot_general3A_48 {dimension_numbers = #tpu.dot_dimension_numbers<[1], [0], [0], [1], [0, 0, 1, 1], [], []>, transpose_lhs_hint = false} : vector<256x128xf32>, vector<128x2xf32>, vector<256x2xf32> -> vector<256x2xf32>
    %get3A_50 = arith.constant 0 : index
    %get3A_51 = arith.constant 0 : index
    %get3A_52 = vector.load %arg11[%get3A_50, %get3A_51] : memref<1x2xf32, #tpu.memory_space<vmem>>, vector<1x2xf32>
    %add3A_53 = vector.broadcast %get3A_52 : vector<1x2xf32> to vector<256x2xf32>
    %add3A_54 = arith.addf %dot_general3A_49, %add3A_53 : vector<256x2xf32>
    %reduce_max3A = arith.constant dense<0xFF800000> : vector<256xf32>
    %reduce_max3A_55 = vector.multi_reduction <maximumf>, %add3A_54, %reduce_max3A [1] : vector<256x2xf32> to vector<256xf32>
    %broadcast_in_dim3A = vector.shape_cast %reduce_max3A_55 : vector<256xf32> to vector<256x1xf32>
    %sub3A = vector.broadcast %broadcast_in_dim3A : vector<256x1xf32> to vector<256x2xf32>
    %sub3A_56 = arith.subf %add3A_54, %sub3A : vector<256x2xf32>
    %exp3A = math.exp %sub3A_56 : vector<256x2xf32>
    %reduce_sum3A = arith.constant dense<0.000000e+00> : vector<256xf32>
    %reduce_sum3A_57 = vector.multi_reduction <add>, %exp3A, %reduce_sum3A [1] : vector<256x2xf32> to vector<256xf32>
    %broadcast_in_dim3A_58 = vector.shape_cast %reduce_sum3A_57 : vector<256xf32> to vector<256x1xf32>
    %log3A = math.log %broadcast_in_dim3A_58 : vector<256x1xf32>
    %add3A_59 = arith.addf %broadcast_in_dim3A, %log3A : vector<256x1xf32>
    %sub3A_60 = vector.broadcast %add3A_59 : vector<256x1xf32> to vector<256x2xf32>
    %sub3A_61 = arith.subf %add3A_54, %sub3A_60 : vector<256x2xf32>
    %swap3A = arith.constant 0 : index
    %swap3A_62 = arith.constant 0 : index
    %swap3A_63 = vector.load %arg12[%swap3A, %swap3A_62] : memref<256x2xf32, #tpu.memory_space<vmem>>, vector<256x2xf32>
    tpu.vector_store %arg12[%swap3A, %swap3A_62], %sub3A_61 {strides = array<i32>} : memref<256x2xf32, #tpu.memory_space<vmem>>, vector<256x2xf32>,
    return
  }
  func.func @transform_0(%arg0: i32) -> (i32, i32) {
    %c0_i32 = arith.constant 0 : i32
    %c0_i32_0 = arith.constant 0 : i32
    return %arg0, %c0_i32 : i32, i32
  }
  func.func @transform_1(%arg0: i32) -> (i32, i32) {
    %c0_i32 = arith.constant 0 : i32
    %c0_i32_0 = arith.constant 0 : i32
    return %arg0, %c0_i32 : i32, i32
  }
  func.func @transform_2(%arg0: i32) -> (i32, i32) {
    %c0_i32 = arith.constant 0 : i32
    %c0_i32_0 = arith.constant 0 : i32
    return %arg0, %c0_i32 : i32, i32
  }
  func.func @transform_3(%arg0: i32) -> (i32, i32) {
    %c0_i32 = arith.constant 0 : i32
    %c0_i32_0 = arith.constant 0 : i32
    return %arg0, %c0_i32 : i32, i32
  }
  func.func @transform_4(%arg0: i32) -> (i32, i32) {
    %c0_i32 = arith.constant 0 : i32
    %c0_i32_0 = arith.constant 0 : i32
    %c0_i32_1 = arith.constant 0 : i32
    return %c0_i32, %c0_i32_0 : i32, i32
  }
  func.func @transform_5(%arg0: i32) -> (i32, i32) {
    %c0_i32 = arith.constant 0 : i32
    %c0_i32_0 = arith.constant 0 : i32
    %c0_i32_1 = arith.constant 0 : i32
    return %c0_i32, %c0_i32_0 : i32, i32
  }
  func.func @transform_6(%arg0: i32) -> (i32, i32) {
    %c0_i32 = arith.constant 0 : i32
    %c0_i32_0 = arith.constant 0 : i32
    %c0_i32_1 = arith.constant 0 : i32
    return %c0_i32, %c0_i32_0 : i32, i32
  }
  func.func @transform_7(%arg0: i32) -> (i32, i32) {
    %c0_i32 = arith.constant 0 : i32
    %c0_i32_0 = arith.constant 0 : i32
    %c0_i32_1 = arith.constant 0 : i32
    return %c0_i32, %c0_i32_0 : i32, i32
  }
  func.func @transform_8(%arg0: i32) -> (i32, i32) {
    %c0_i32 = arith.constant 0 : i32
    %c0_i32_0 = arith.constant 0 : i32
    %c0_i32_1 = arith.constant 0 : i32
    return %c0_i32, %c0_i32_0 : i32, i32
  }
  func.func @transform_9(%arg0: i32) -> (i32, i32) {
    %c0_i32 = arith.constant 0 : i32
    %c0_i32_0 = arith.constant 0 : i32
    %c0_i32_1 = arith.constant 0 : i32
    return %c0_i32, %c0_i32_0 : i32, i32
  }
  func.func @transform_10(%arg0: i32) -> (i32, i32) {
    %c0_i32 = arith.constant 0 : i32
    %c0_i32_0 = arith.constant 0 : i32
    %c0_i32_1 = arith.constant 0 : i32
    return %c0_i32, %c0_i32_0 : i32, i32
  }
  func.func @transform_11(%arg0: i32) -> (i32, i32) {
    %c0_i32 = arith.constant 0 : i32
    %c0_i32_0 = arith.constant 0 : i32
    return %arg0, %c0_i32 : i32, i32
  }
}

</mosaic_0001>

<sc_bundles>
// kernel: kernel.10.cloned.1.call-start
scs
__scs_entry_jumppad:
0x0: {  	(pc) =	sbr.rel $0x88, $3  }
0x1: {  	(tag) =	ssettag $0x0;
	lr =	simm.s32 $0x1  }
0x2: {  	[smem:$0x3F93] =	sst lr;
	_ =	strace $0xD0000000  }
0x3: {  	_ = 	snop  }
0x4: {  	_ = 	snop  }
0x5: {  	_ = 	snop  }
0x6: {  	_ = 	snop  }
0x7: {  	_ = 	snop  }
__scs_overlays_trampoline_lowered:
0x8: {  	[smem:$0x3FA2] =	sst s0  }
0x9: {  	[smem:$0x3FA3] =	sst s1  }
0xa: {  	[smem:$0x3FA4] =	sst s2  }
0xb: {  	[smem:$0x3FA5] =	sst s3  }
0xc: {  	[smem:$0x3FA6] =	sst s4  }
0xd: {  	[smem:$0x3FA7] =	sst s5  }
0xe: {  	[smem:$0x3FA8] =	sst s6  }
0xf: {  	[smem:$0x3FA9] =	sst s7  }
0x10: {  	[smem:$0x3FAA] =	sst s8  }
0x11: {  	[smem:$0x3FAB] =	sst s9;
	s0 =	simm.s32 @!p0 $0x0  }
0x12: {  	s1 =	sld [smem:$0x3F91];
	s0 =	simm.s32 @p0 $0x1  }
0x13: {  	[smem:$0x3FAC] =	sst s0;
	s0 =	simm.s32 @!p1 $0x0  }
0x14: {  	s2 =	sld [smem:$0x3F90];
	s0 =	simm.s32 @p1 $0x1  }
0x15: {  	[smem:$0x3FAD] =	sst s0;
	s0 =	simm.s32 @!p2 $0x0  }
0x16: {  	s3 =	sld [smem:$0x3FDB];
	s0 =	simm.s32 @p2 $0x1  }
0x17: {  	s4 =	simm.s32 $0x1BF5;
	[smem:$0x3FAF] =	sst s0  }
0x18: {  	s0 =	sld [smem:$0x3F92];
	_ =	swait.ge [sflag:s4], $0x0  }
0x19: {  	s7 =	sld [smem:$0x3F93]  }
0x1a: {  	s8 =	sadd.s32 $0xFFFFE003, lr  }
0x1b: {  	s9 =	sadd.s32 $0xFFFFFEF7, lr;
	s5 =	simm.s32 $0xFFFFFFFF;
	p2 =	slt.u32 s8, $0xFFFFF086  }
0x1c: {  	p1 =	slt.u32 s9, $0xF7A;
	s5 =	simm.s32 @!p2 $0x0  }
0x1d: {  	s5 =	simm.s32 @p1 $0x1;
	p0 =	seq.s32 s7, s2  }
0x1e: {  	s7 =	smul.u32 @!p0 $0xF7A, s2;
	p2 =	seq.s32 @!p0 s5, $0x0  }
0x1f: {  	s9 =	smul.u32 $0xF7A, s1;
	s8 =	simm.s32 @!p0 $0x1BF5;
	p2 =	por !p2, p0  }
0x20: {  	[sflag:s8] =	ssyncset.s32 @!p0 $0xFFFFF086;
	s6 =	sadd.s32 @!p0 s3, s7;
	s7 =	simm.s32 @!p0 $0x108  }
0x21: {  	s3 =	sadd.s32 s3, s9;
	s6 =	sadd.s32 @!p0 $0x88, s6;
	s7 =	simm.s32 @p2 $0x1082  }
0x22: {  	[simem:s7], [sflag:s8] =	dma.local @!p0 [hbm:s6], $0xF7A  }
0x23: {  	s9 =	sor.u32 $0xD0000000, s2;
	s6 =	simm.s32 $0x108;
	_ =	swait.ge @!p0 [sflag:s8], $0x0  }
0x24: {  	s3 =	sadd.s32 $0x88, s3;
	s6 =	simm.s32 @!p1 $0x1082;
	[sflag:s4] =	ssyncset.s32 $0xFFFFF086  }
0x25: {  	[simem:s6], [sflag:s4] =	dma.local [hbm:s3], $0xF7A  }
0x26: {  	[smem:$0x3F93] =	sst s1;
	(tag) =	ssettag s2;
	_ =	strace s9  }
0x27: {  	s1 =	sld [smem:$0x3FA3]  }
0x28: {  	s2 =	sld [smem:$0x3FA4]  }
0x29: {  	s4 =	sld [smem:$0x3FA6]  }
0x2a: {  	p0 =	seq.s32 s5, $0x0;
	s5 =	sld [smem:$0x3FA7]  }
0x2b: {  	s6 =	sld [smem:$0x3FA8]  }
0x2c: {  	s7 =	sld [smem:$0x3FA9]  }
0x2d: {  	s3 =	simm.s32 $0x108;
	s8 =	sld [smem:$0x3FAA]  }
0x2e: {  	s3 =	simm.s32 @!p0 $0x1082;
	s9 =	sld [smem:$0x3FAB]  }
0x2f: {  	lr =	sadd.s32 s0, s3;
	s0 =	sld [smem:$0x3FA2]  }
0x30: {  	s3 =	sld [smem:$0x3FA5]  }
0x31: {  	[smem:$0x3FAE] =	sst s10  }
0x32: {  	s10 =	sld [smem:$0x3FAC];
	_ =	sdelay $0x3  }
0x33: {  	p0 =	seq.s32 s10, $0x1;
	s10 =	sld [smem:$0x3FAE];
	_ =	sdelay $0x3  }
0x34: {  	[smem:$0x3FAE] =	sst s10  }
0x35: {  	s10 =	sld [smem:$0x3FAD];
	_ =	sdelay $0x3  }
0x36: {  	p1 =	seq.s32 s10, $0x1;
	s10 =	sld [smem:$0x3FAE];
	_ =	sdelay $0x3  }
0x37: {  	[smem:$0x3FAE] =	sst s10  }
0x38: {  	s10 =	sld [smem:$0x3FAF]  }
0x39: {  	_ = 	snop;
	(pc) =	sbr.ind lr, $3  }
0x3a: {  	_ = 	snop  }
0x3b: {  	_ = 	snop  }
0x3c: {  	p2 =	seq.s32 s10, $0x1;
	s10 =	sld [smem:$0x3FAE]  }
0x3d: {  	_ =	shalt  }
0x3e: {  	_ =	shalt  }
0x3f: {  	_ =	shalt  }
0x40: {  	_ =	shalt  }
0x41: {  	_ =	shalt  }
0x42: {  	_ =	shalt  }
0x43: {  	_ =	shalt  }
0x44: {  	_ =	shalt  }
0x45: {  	_ =	shalt  }
0x46: {  	_ =	shalt  }
0x47: {  	_ =	shalt  }
0x48: {  	_ =	shalt  }
0x49: {  	_ =	shalt  }
0x4a: {  	_ =	shalt  }
0x4b: {  	_ =	shalt  }
0x4c: {  	_ =	shalt  }
0x4d: {  	_ =	shalt  }
0x4e: {  	_ =	shalt  }
0x4f: {  	_ =	shalt  }
0x50: {  	_ =	shalt  }
0x51: {  	_ =	shalt  }
0x52: {  	_ =	shalt  }
0x53: {  	_ =	shalt  }
0x54: {  	_ =	shalt  }
0x55: {  	_ =	shalt  }
0x56: {  	_ =	shalt  }
0x57: {  	_ =	shalt  }
0x58: {  	_ =	shalt  }
0x59: {  	_ =	shalt  }
0x5a: {  	_ =	shalt  }
0x5b: {  	_ =	shalt  }
0x5c: {  	_ =	shalt  }
0x5d: {  	_ =	shalt  }
0x5e: {  	_ =	shalt  }
0x5f: {  	_ =	shalt  }
0x60: {  	_ =	shalt  }
0x61: {  	_ =	shalt  }
0x62: {  	_ =	shalt  }
0x63: {  	_ =	shalt  }
0x64: {  	_ =	shalt  }
0x65: {  	_ =	shalt  }
0x66: {  	_ =	shalt  }
0x67: {  	_ =	shalt  }
0x68: {  	_ =	shalt  }
0x69: {  	_ =	shalt  }
0x6a: {  	_ =	shalt  }
0x6b: {  	_ =	shalt  }
0x6c: {  	_ =	shalt  }
0x6d: {  	_ =	shalt  }
0x6e: {  	_ =	shalt  }
0x6f: {  	_ =	shalt  }
0x70: {  	_ =	shalt  }
0x71: {  	_ =	shalt  }
0x72: {  	_ =	shalt  }
0x73: {  	_ =	shalt  }
0x74: {  	_ =	shalt  }
0x75: {  	_ =	shalt  }
0x76: {  	_ =	shalt  }
0x77: {  	_ =	shalt  }
0x78: {  	_ =	shalt  }
0x79: {  	_ =	shalt  }
0x7a: {  	_ =	shalt  }
0x7b: {  	_ =	shalt  }
0x7c: {  	_ =	shalt  }
0x7d: {  	_ =	shalt  }
0x7e: {  	_ =	shalt  }
0x7f: {  	_ =	shalt  }
0x80: {  	_ =	shalt  }
0x81: {  	_ =	shalt  }
0x82: {  	_ =	shalt  }
0x83: {  	_ =	shalt  }
0x84: {  	_ =	shalt  }
0x85: {  	_ =	shalt  }
0x86: {  	_ =	shalt  }
0x87: {  	_ =	shalt  }
.Lfunc_end0:
.L_simem_size_0:
called_computation_lowered:
.L_overlay_start_0:
0x88: {  	s2 =	sld [smem:$0x3FD9]  }
0x89: {  	s3 =	sld [smem:$0x3FFE];
	_ =	sdelay $0x1  }
0x8a: {  	s1 =	srdreg.scid  }
0x8b: {  	s0 =	sand.u32 $0x1, s1  }
0x8c: {  	s16 =	sshll.u32 s0, $0xA;
	s2 =	sadd.s32 s3, s2  }
0x8d: {  	s2 =	sadd.s32 s2, s16  }
0x8e: {  	[smem:$0x3FBA] =	sst s2  }
0x8f: {  	_ = 	snop  }
0x90: {  	(tm) =	ssettm $0x1  }
0x91: {  	s17 =	sld [smem:$0x3FFB];
	_ =	sdelay $0x3  }
0x92: {  	_ =	strace s17  }
0x93: {  	s2 =	sld [smem:$0x3FFC];
	_ =	sdelay $0x3  }
0x94: {  	_ =	strace s2  }
0x95: {  	s2 =	sld [smem:$0x3FFD];
	_ =	sdelay $0x3  }
0x96: {  	_ =	strace s2  }
0x97: {  	_ =	strace $0x8FFFFFFF  }
0x98: {  	s18 =	sld [smem:$0x3FDB];
	_ =	sdelay $0x1  }
0x99: {  	s19 =	simm.s32 $_scs_section_size  }
0x9a: {  	s4 =	simm.s32 $_size__tile_overlayer_lowered;
	s5 =	simm.s32 $_tile_overlayer_lowered  }
0x9b: {  	s22 =	simm.s32 $0x1BFF;
	s21 =	sshll.u32 s5, $0x1;
	s2 =	sadd.s32 s19, s18  }
0x9c: {  	s6 =	simm.s32 $0x0;
	s20 =	sshll.u32 s4, $0x1;
	s4 =	sadd.s32 s21, s2  }
0x9d: {  	[timem:s6], [sflag:s22] =	dma.local [hbm:s4], s20  }
0x9e: {  	_ =	swait.ge [sflag:s22], s20  }
0x9f: {  	s3 =	ssub.s32 $0x0, s20;
	[sflag:s22] =	ssyncset.done $0x0  }
0xa0: {  	[sflag:s22] =	ssyncadd.s32 s3;
	_ =	sdelay $0x1  }
0xa1: {  	s23 =	simm.s32 $0x1B8B  }
0xa2: {  	_ =	swait.ge [sflag:s23], $0x1  }
0xa3: {  	[sflag:s23] =	ssyncset.done $0x0  }
0xa4: {  	s25 =	simm.s32 $0x1B8E;
	s24 =	sld [smem:$0x3FFE];
	[sflag:s23] =	ssyncadd.s32 $0xFFFFFFFF  }
0xa5: {  	s26 =	simm.s32 $execute0_lowered;
	[smem:$0x3FD2] =	sst s25  }
0xa6: {  	s4 =	sshll.u32 s26, $0x1;
	_ =	strace $0x80000046;
	[dreg:$0x1] =	wrdreg $0xFFFFFFFF  }
0xa7: {  	s28 =	simm.s32 $_size_execute0_lowered;
	s2 =	sadd.s32 s2, s4;
	[dreg:$0x0] =	wrdreg $0x0  }
0xa8: {  	s4 =	sshll.u32 s28, $0x1;
	[dreg:$0x2] =	wrdreg s2  }
0xa9: {  	[dreg:$0x3] =	wrdreg s4  }
0xaa: {  	[dreg:$0x4] =	wrdreg $0xC0  }
0xab: {  	_ =	task [dreg:s6], $0x5FFFF  }
0xac: {  	[dreg:$0x1] =	wrdreg $0xFFFFFFFF  }
0xad: {  	[dreg:$0x0] =	wrdreg $0x60  }
0xae: {  	[dreg:$0x2] =	wrdreg s24  }
0xaf: {  	[dreg:$0x3] =	wrdreg $0x48000  }
0xb0: {  	[dreg:$0x4] =	wrdreg $0x9  }
0xb1: {  	_ =	task.clear_ibuf [dreg:s6], $0x5FFFF;
	_ =	strace $0x90000046  }
0xb2: {  	s29 =	simm.s32 $0x9;
	_ =	strace $0x80000048  }
0xb3: {  	_ =	swait.ge [sflag:s29], $0x1  }
0xb4: {  	[sflag:s29] =	ssyncadd.s32 $0xFFFFFFFF  }
0xb5: {  	_ =	strace $0x90000048  }
0xb6: {  	_ =	sfence  }
0xb7: {  	s30 =	sld [smem:$0x0];
	_ =	sdelay $0x2  }
0xb8: {  	s31 =	sshll.u32 s1, $0xD;
	s1 =	sshrl.u32 s1, $0x2  }
0xb9: {  	s3 =	sand.u32 $0x4000, s31;
	s1 =	sadd.s32 s1, s30  }
0xba: {  	s0 =	sor.u32 s3, s0;
	s1 =	sshll.u32 s1, $0x11  }
0xbb: {  	s0 =	sor.u32 s1, s0  }
0xbc: {  	s0 =	sadd.s32 $0x8F2B, s0  }
0xbd: {  	[sflag:s0] =	ssyncadd.remote.s32 $0x1  }
0xbe: {  	_ =	sfence.sel $0xFFFF  }
0xbf: {  	[dreg:$0x0] =	wrdreg $0xFFFFFFFF;
	(pc) =	sbr.abs _section_cstart, $3  }
0xc0: {  	[dreg:$0x1] =	wrdreg $0xFFFFFFFF  }
0xc1: {  	_ =	task.clear_ibuf [dreg:s6], $0x2FFFF;
	_ =	strace $0x9FFFFFFF  }
0xc2: {  	(tm) =	ssettm $0x7FFFFFFF  }
0xc3: {  	_ =	shalt  }
tec
execute0_lowered:
.L_overlay_start_1:
0x0: {  	(tag) =	ssettag $0x1  }
0x1: {  	s0 =	rddreg [dreg:$0x0]  }
0x2: {  	s2 =	srdreg.scid;
	s1 =	rddreg [dreg:$0x1];
	s3 =	simm.s32 $0x0  }
0x3: {  	s8 =	stileid.u32;
	s12 =	simm.s32 $0x800;
	s13 =	simm.s32 $0x3  }
0x4: {  	s14 =	simm.s32 $0x1;
	s15 =	simm.s32 $0x80;
	s16 =	simm.s32 $0x100  }
0x5: {  	s17 =	simm.s32 $0x180;
	s18 =	simm.s32 $0x200;
	s6 =	smul.u32 $0x2800, s8  }
0x6: {  	s19 =	simm.s32 $0x280;
	s28 =	simm.s32 $0x680;
	s7 =	smul.u32 $0x50000, s8  }
0x7: {  	s29 =	simm.s32 $0x700;
	s2 =	sand.u32 $0x1, s2;
	s23 =	smul.u32 $0x500, s8  }
0x8: {  	s30 =	simm.s32 $0x780;
	s31 =	simm.s32 $0x2;
	s4 =	smul.u32 $0x5000, s2  }
0x9: {  	[smem:$0x7FF] =	sst s3;
	s5 =	smul.u32 $0x28000, s2;
	s2 =	ssub.s32 $0x2, s2  }
0xa: {  	_ =	strace $0x80000047;
	s21 =	sshrl.u32 s2, $0x1;
	s22 =	sshrl.u32 s7, $0x2  }
0xb: {  	s11 =	sadd.s32 s4, s0;
	s20 =	sadd.s32 s6, s5;
	s2 =	ssub.s32 s2, s21  }
0xc: {  	s4 =	sadd.s32 s22, s1;
	s21 =	simm.s32 $0x380;
	s22 =	simm.s32 $0x400  }
0xd: {  	s0 =	sadd.s32 s20, s0;
	s24 =	smax.u32 s2, $0x1;
	s25 =	sadd.s32 $0x4000, s4  }
0xe: {  	s8 =	sadd.s32 $0x8000, s4;
	s9 =	sadd.s32 $0xC000, s4;
	s10 =	sadd.s32 $0x10000, s4  }
0xf: {  	s26 =	sadd.s32 s23, s11;
	s20 =	simm.s32 $0x300;
	[dreg:$0x4] =	wrdreg s24  }
0x10: {  	s23 =	simm.s32 $0x480;
	s0 =	sadd.s32 $0xE400, s0;
	[dreg:$0x5] =	wrdreg s25  }
0x11: {  	s11 =	sadd.s32 $0x4400, s26;
	s24 =	simm.s32 $0x500;
	s25 =	simm.s32 $0x580  }
0x12: {  	v0 =	vimm.f32 $1.000000000e+00;
	s26 =	simm.s32 $0x600;
	[dreg:$0x3] =	wrdreg s0;
	s0 =	simm.s32 $0x0  }
.LBB2_1:
0x13: {  	s2 =	simm.s32 $0x200;
	s5 =	simm.s32 $0x0  }
.LBB2_2:
0x14: {  	p0 =	sne.s32 s2, $0xFE00;
	[tilespmem:s5+$0x800] =	vst v0;
	s5 =	smov.u32 s2;
	s2 =	sadd.s32 $0x200, s2  }
.Ltmp0:
0x15: {  	(pc) =	sbr.rel @p0 .LBB2_2-.Ltmp0, $2  }
0x16: {  	_ =	sdelay $0x2  }
0x17: {  	s5 =	sshra.s32 s5, $0x2  }
0x18: {  	[tilespmem:s5+$0x800] =	vst v0  }
0x19: {  	[spmem:s4] =	stream.linear.scatter [tilespmem:s12], [sflag:$0x3], $0x4000, $0x38;
	[tilespmem:$0x7000] =	vst v63  }
0x1a: {  	_ =	swait.ge [sflag:s13], $0x4000  }
0x1b: {  	[sflag:s13] =	ssyncset.done $0x0  }
0x1c: {  	s2 =	rddreg [dreg:$0x5];
	[sflag:s13] =	ssyncadd.s32 $0xFFFFC000  }
0x1d: {  	[spmem:s2] =	stream.linear.scatter [tilespmem:s12], [sflag:$0x3], $0x4000, $0x38;
	[tilespmem:$0x7000] =	vst v63  }
0x1e: {  	_ =	swait.ge [sflag:s13], $0x4000  }
0x1f: {  	[sflag:s13] =	ssyncset.done $0x0  }
0x20: {  	[sflag:s13] =	ssyncadd.s32 $0xFFFFC000  }
0x21: {  	[spmem:s8] =	stream.linear.scatter [tilespmem:s12], [sflag:$0x3], $0x4000, $0x38;
	[tilespmem:$0x7000] =	vst v63  }
0x22: {  	_ =	swait.ge [sflag:s13], $0x4000  }
0x23: {  	[sflag:s13] =	ssyncset.done $0x0  }
0x24: {  	[sflag:s13] =	ssyncadd.s32 $0xFFFFC000  }
0x25: {  	[spmem:s9] =	stream.linear.scatter [tilespmem:s12], [sflag:$0x3], $0x4000, $0x38;
	[tilespmem:$0x7000] =	vst v63  }
0x26: {  	_ =	swait.ge [sflag:s13], $0x4000  }
0x27: {  	[sflag:s13] =	ssyncset.done $0x0  }
0x28: {  	[sflag:s13] =	ssyncadd.s32 $0xFFFFC000  }
0x29: {  	[spmem:s10] =	stream.linear.scatter [tilespmem:s12], [sflag:$0x3], $0x4000, $0x38;
	[tilespmem:$0x7000] =	vst v63  }
0x2a: {  	_ =	swait.ge [sflag:s13], $0x4000  }
0x2b: {  	p0 =	por $0x1, $0x1;
	[sflag:s13] =	ssyncset.done $0x0  }
0x2c: {  	p0 =	por p0, p0;
	[sflag:s13] =	ssyncadd.s32 $0xFFFFC000  }
0x2d: {  	s2 =	simm.s32 @!p0 $0x2;
	[bflag:$0x0] =	sbarrier.arrive $0xFFFF  }
0x2e: {  	_ =	swait.ge @!p0 [sflag:s2], $0x800  }
0x2f: {  	[sflag:s2] =	ssyncset.done @!p0 $0x0  }
0x30: {  	[sflag:s2] =	ssyncadd.s32 @!p0 $0xFFFFF800  }
0x31: {  	_ =	swait.ge @!p0 [sflag:s2], $0x800  }
0x32: {  	[sflag:s2] =	ssyncset.done @!p0 $0x0  }
0x33: {  	[sflag:s2] =	ssyncadd.s32 @!p0 $0xFFFFF800  }
0x34: {  	_ =	swait.ge @!p0 [sflag:s2], $0x800  }
0x35: {  	[sflag:s2] =	ssyncset.done @!p0 $0x0  }
0x36: {  	[sflag:s2] =	ssyncadd.s32 @!p0 $0xFFFFF800  }
0x37: {  	_ =	swait.ge @!p0 [sflag:s2], $0x800  }
0x38: {  	[sflag:s2] =	ssyncset.done @!p0 $0x0  }
0x39: {  	[sflag:s2] =	ssyncadd.s32 @!p0 $0xFFFFF800  }
0x3a: {  	_ =	swait.ge @!p0 [sflag:s2], $0x800  }
0x3b: {  	[sflag:s2] =	ssyncset.done @!p0 $0x0  }
0x3c: {  	[sflag:s2] =	ssyncadd.s32 @!p0 $0xFFFFF800  }
0x3d: {  	_ =	swait.ge @!p0 [sflag:s2], $0x800  }
0x3e: {  	[sflag:s2] =	ssyncset.done @!p0 $0x0  }
0x3f: {  	[sflag:s2] =	ssyncadd.s32 @!p0 $0xFFFFF800  }
0x40: {  	_ =	swait.ge @!p0 [sflag:s2], $0x800  }
0x41: {  	[sflag:s2] =	ssyncset.done @!p0 $0x0  }
0x42: {  	[sflag:s2] =	ssyncadd.s32 @!p0 $0xFFFFF800  }
0x43: {  	_ =	swait.ge @!p0 [sflag:s2], $0x800  }
0x44: {  	[sflag:s2] =	ssyncset.done @!p0 $0x0  }
0x45: {  	[sflag:s2] =	ssyncadd.s32 @!p0 $0xFFFFF800  }
0x46: {  	_ =	swait.ge @!p0 [sflag:s2], $0x800  }
0x47: {  	[sflag:s2] =	ssyncset.done @!p0 $0x0  }
0x48: {  	[sflag:s2] =	ssyncadd.s32 @!p0 $0xFFFFF800  }
0x49: {  	_ =	swait.ge @!p0 [sflag:s2], $0x800  }
0x4a: {  	[sflag:s2] =	ssyncset.done @!p0 $0x0  }
0x4b: {  	[sflag:s2] =	ssyncadd.s32 @!p0 $0xFFFFF800  }
0x4c: {  	_ =	swait.ge @!p0 [sflag:s2], $0x800  }
0x4d: {  	[sflag:s2] =	ssyncset.done @!p0 $0x0  }
0x4e: {  	[sflag:s2] =	ssyncadd.s32 @!p0 $0xFFFFF800  }
0x4f: {  	_ =	swait.ge @!p0 [sflag:s2], $0x800  }
0x50: {  	[sflag:s2] =	ssyncset.done @!p0 $0x0  }
0x51: {  	[sflag:s2] =	ssyncadd.s32 @!p0 $0xFFFFF800  }
0x52: {  	_ =	swait.ge @!p0 [sflag:s2], $0x800  }
0x53: {  	[sflag:s2] =	ssyncset.done @!p0 $0x0  }
0x54: {  	[sflag:s2] =	ssyncadd.s32 @!p0 $0xFFFFF800  }
0x55: {  	_ =	swait.ge @!p0 [sflag:s2], $0x800  }
0x56: {  	[sflag:s2] =	ssyncset.done @!p0 $0x0  }
0x57: {  	[sflag:s2] =	ssyncadd.s32 @!p0 $0xFFFFF800  }
0x58: {  	_ =	swait.ge @!p0 [sflag:s2], $0x800  }
0x59: {  	[sflag:s2] =	ssyncset.done @!p0 $0x0  }
0x5a: {  	[sflag:s2] =	ssyncadd.s32 @!p0 $0xFFFFF800  }
0x5b: {  	_ =	swait.ge @!p0 [sflag:s2], $0x800  }
0x5c: {  	[sflag:s2] =	ssyncset.done @!p0 $0x0  }
0x5d: {  	s7 =	sadd.s32 $0x0, s11;
	[sflag:s2] =	ssyncadd.s32 @!p0 $0xFFFFF800  }
0x5e: {  	[tilespmem:s3], [sflag:$0x1] =	stream.linear.gather [hbm4b:s7+s3], $0x800, $0x38;
	[tilespmem:$0x7000] =	vst v63  }
0x5f: {  	_ =	swait.ge [sflag:s14], $0x800  }
0x60: {  	[sflag:s14] =	ssyncset.done $0x0  }
0x61: {  	[sflag:s14] =	ssyncadd.s32 $0xFFFFF800  }
0x62: {  	[spmem:s1] =	stream.indirect.scatter.add.f32 [tilespmem:s12], [sflag:$0x2], $0x10, s3, s15, $0xb8;
	[tilespmem:$0x7000] =	vst v63  }
0x63: {  	_ = 	snop  }
0x64: {  	[spmem:s1] =	stream.indirect.scatter.add.f32 [tilespmem:s12], [sflag:$0x2], $0x10, s15, s15, $0xb8;
	[tilespmem:$0x7000] =	vst v63  }
0x65: {  	_ = 	snop  }
0x66: {  	[spmem:s1] =	stream.indirect.scatter.add.f32 [tilespmem:s12], [sflag:$0x2], $0x10, s16, s15, $0xb8;
	[tilespmem:$0x7000] =	vst v63  }
0x67: {  	_ = 	snop  }
0x68: {  	[spmem:s1] =	stream.indirect.scatter.add.f32 [tilespmem:s12], [sflag:$0x2], $0x10, s17, s15, $0xb8;
	[tilespmem:$0x7000] =	vst v63  }
0x69: {  	_ = 	snop  }
0x6a: {  	[spmem:s1] =	stream.indirect.scatter.add.f32 [tilespmem:s12], [sflag:$0x2], $0x10, s18, s15, $0xb8;
	[tilespmem:$0x7000] =	vst v63  }
0x6b: {  	_ = 	snop  }
0x6c: {  	[spmem:s1] =	stream.indirect.scatter.add.f32 [tilespmem:s12], [sflag:$0x2], $0x10, s19, s15, $0xb8;
	[tilespmem:$0x7000] =	vst v63  }
0x6d: {  	_ = 	snop  }
0x6e: {  	[spmem:s1] =	stream.indirect.scatter.add.f32 [tilespmem:s12], [sflag:$0x2], $0x10, s20, s15, $0xb8;
	[tilespmem:$0x7000] =	vst v63  }
0x6f: {  	_ = 	snop  }
0x70: {  	[spmem:s1] =	stream.indirect.scatter.add.f32 [tilespmem:s12], [sflag:$0x2], $0x10, s21, s15, $0xb8;
	[tilespmem:$0x7000] =	vst v63  }
0x71: {  	_ = 	snop  }
0x72: {  	[spmem:s1] =	stream.indirect.scatter.add.f32 [tilespmem:s12], [sflag:$0x2], $0x10, s22, s15, $0xb8;
	[tilespmem:$0x7000] =	vst v63  }
0x73: {  	_ = 	snop  }
0x74: {  	[spmem:s1] =	stream.indirect.scatter.add.f32 [tilespmem:s12], [sflag:$0x2], $0x10, s23, s15, $0xb8;
	[tilespmem:$0x7000] =	vst v63  }
0x75: {  	_ = 	snop  }
0x76: {  	[spmem:s1] =	stream.indirect.scatter.add.f32 [tilespmem:s12], [sflag:$0x2], $0x10, s24, s15, $0xb8;
	[tilespmem:$0x7000] =	vst v63  }
0x77: {  	_ = 	snop  }
0x78: {  	[spmem:s1] =	stream.indirect.scatter.add.f32 [tilespmem:s12], [sflag:$0x2], $0x10, s25, s15, $0xb8;
	[tilespmem:$0x7000] =	vst v63  }
0x79: {  	_ = 	snop  }
0x7a: {  	[spmem:s1] =	stream.indirect.scatter.add.f32 [tilespmem:s12], [sflag:$0x2], $0x10, s26, s15, $0xb8;
	[tilespmem:$0x7000] =	vst v63  }
0x7b: {  	p6 =	por $0x0, $0x0  }
0x7c: {  	[spmem:s1] =	stream.indirect.scatter.add.f32 [tilespmem:s12], [sflag:$0x2], $0x10, s28, s15, $0xb8;
	[tilespmem:$0x7000] =	vst v63  }
0x7d: {  	s5 =	simm.s32 $0x200;
	s2 =	simm.s32 $0x100;
	p0 =	por p6, p6  }
0x7e: {  	[spmem:s1] =	stream.indirect.scatter.add.f32 [tilespmem:s12], [sflag:$0x2], $0x10, s29, s15, $0xb8;
	[tilespmem:$0x7000] =	vst v63  }
.LBB2_4:
0x7f: {  	[spmem:s1] =	stream.indirect.scatter.add.f32 [tilespmem:s12], [sflag:$0x2], $0x10, s30, s15, $0xb8;
	[tilespmem:$0x7000] =	vst v63  }
0x80: {  	s6 =	smov.u32 s5  }
0x81: {  	s5 =	sadd.s32 $0x100, s5;
	s7 =	simm.s32 @!p0 $0x2;
	p2 =	seq.s32 s6, $0x0  }
0x82: {  	p1 =	sne.s32 s5, $0x500;
	_ =	swait.ge @!p0 [sflag:s7], $0x800  }
0x83: {  	[sflag:s7] =	ssyncset.done @!p0 $0x0  }
0x84: {  	[sflag:s7] =	ssyncadd.s32 @!p0 $0xFFFFF800  }
0x85: {  	_ =	swait.ge @!p0 [sflag:s7], $0x800  }
0x86: {  	[sflag:s7] =	ssyncset.done @!p0 $0x0  }
0x87: {  	[sflag:s7] =	ssyncadd.s32 @!p0 $0xFFFFF800  }
0x88: {  	_ =	swait.ge @!p0 [sflag:s7], $0x800  }
0x89: {  	[sflag:s7] =	ssyncset.done @!p0 $0x0  }
0x8a: {  	[sflag:s7] =	ssyncadd.s32 @!p0 $0xFFFFF800  }
0x8b: {  	_ =	swait.ge @!p0 [sflag:s7], $0x800  }
0x8c: {  	[sflag:s7] =	ssyncset.done @!p0 $0x0  }
0x8d: {  	[sflag:s7] =	ssyncadd.s32 @!p0 $0xFFFFF800  }
0x8e: {  	_ =	swait.ge @!p0 [sflag:s7], $0x800  }
0x8f: {  	[sflag:s7] =	ssyncset.done @!p0 $0x0  }
0x90: {  	[sflag:s7] =	ssyncadd.s32 @!p0 $0xFFFFF800  }
0x91: {  	_ =	swait.ge @!p0 [sflag:s7], $0x800  }
0x92: {  	[sflag:s7] =	ssyncset.done @!p0 $0x0  }
0x93: {  	[sflag:s7] =	ssyncadd.s32 @!p0 $0xFFFFF800  }
0x94: {  	_ =	swait.ge @!p0 [sflag:s7], $0x800  }
0x95: {  	[sflag:s7] =	ssyncset.done @!p0 $0x0  }
0x96: {  	[sflag:s7] =	ssyncadd.s32 @!p0 $0xFFFFF800  }
0x97: {  	_ =	swait.ge @!p0 [sflag:s7], $0x800  }
0x98: {  	[sflag:s7] =	ssyncset.done @!p0 $0x0  }
0x99: {  	[sflag:s7] =	ssyncadd.s32 @!p0 $0xFFFFF800  }
0x9a: {  	_ =	swait.ge @!p0 [sflag:s7], $0x800  }
0x9b: {  	[sflag:s7] =	ssyncset.done @!p0 $0x0  }
0x9c: {  	[sflag:s7] =	ssyncadd.s32 @!p0 $0xFFFFF800  }
0x9d: {  	_ =	swait.ge @!p0 [sflag:s7], $0x800  }
0x9e: {  	[sflag:s7] =	ssyncset.done @!p0 $0x0  }
0x9f: {  	[sflag:s7] =	ssyncadd.s32 @!p0 $0xFFFFF800  }
0xa0: {  	_ =	swait.ge @!p0 [sflag:s7], $0x800  }
0xa1: {  	[sflag:s7] =	ssyncset.done @!p0 $0x0  }
0xa2: {  	[sflag:s7] =	ssyncadd.s32 @!p0 $0xFFFFF800  }
0xa3: {  	_ =	swait.ge @!p0 [sflag:s7], $0x800  }
0xa4: {  	[sflag:s7] =	ssyncset.done @!p0 $0x0  }
0xa5: {  	[sflag:s7] =	ssyncadd.s32 @!p0 $0xFFFFF800  }
0xa6: {  	_ =	swait.ge @!p0 [sflag:s7], $0x800  }
0xa7: {  	[sflag:s7] =	ssyncset.done @!p0 $0x0  }
0xa8: {  	[sflag:s7] =	ssyncadd.s32 @!p0 $0xFFFFF800  }
0xa9: {  	_ =	swait.ge @!p0 [sflag:s7], $0x800  }
0xaa: {  	[sflag:s7] =	ssyncset.done @!p0 $0x0  }
0xab: {  	[sflag:s7] =	ssyncadd.s32 @!p0 $0xFFFFF800  }
0xac: {  	_ =	swait.ge @!p0 [sflag:s7], $0x800  }
0xad: {  	[sflag:s7] =	ssyncset.done @!p0 $0x0  }
0xae: {  	[sflag:s7] =	ssyncadd.s32 @!p0 $0xFFFFF800  }
0xaf: {  	_ =	swait.ge @!p0 [sflag:s7], $0x800  }
0xb0: {  	[sflag:s7] =	ssyncset.done @!p0 $0x0  }
0xb1: {  	[sflag:s7] =	ssyncadd.s32 @!p0 $0xFFFFF800;
	s7 =	sadd.s32 s2, s11;
	s2 =	smov.u32 s6  }
0xb2: {  	[tilespmem:s3], [sflag:$0x1] =	stream.linear.gather [hbm4b:s7+s3], $0x800, $0x38;
	[tilespmem:$0x7000] =	vst v63  }
0xb3: {  	p0 =	por p2, p2;
	_ =	swait.ge [sflag:s14], $0x800  }
0xb4: {  	[sflag:s14] =	ssyncset.done $0x0  }
0xb5: {  	[sflag:s14] =	ssyncadd.s32 $0xFFFFF800  }
0xb6: {  	[spmem:s1] =	stream.indirect.scatter.add.f32 [tilespmem:s12], [sflag:$0x2], $0x10, s3, s15, $0xb8;
	[tilespmem:$0x7000] =	vst v63  }
0xb7: {  	_ = 	snop  }
0xb8: {  	[spmem:s1] =	stream.indirect.scatter.add.f32 [tilespmem:s12], [sflag:$0x2], $0x10, s15, s15, $0xb8;
	[tilespmem:$0x7000] =	vst v63  }
0xb9: {  	_ = 	snop  }
0xba: {  	[spmem:s1] =	stream.indirect.scatter.add.f32 [tilespmem:s12], [sflag:$0x2], $0x10, s16, s15, $0xb8;
	[tilespmem:$0x7000] =	vst v63  }
0xbb: {  	_ = 	snop  }
0xbc: {  	[spmem:s1] =	stream.indirect.scatter.add.f32 [tilespmem:s12], [sflag:$0x2], $0x10, s17, s15, $0xb8;
	[tilespmem:$0x7000] =	vst v63  }
0xbd: {  	_ = 	snop  }
0xbe: {  	[spmem:s1] =	stream.indirect.scatter.add.f32 [tilespmem:s12], [sflag:$0x2], $0x10, s18, s15, $0xb8;
	[tilespmem:$0x7000] =	vst v63  }
0xbf: {  	_ = 	snop  }
0xc0: {  	[spmem:s1] =	stream.indirect.scatter.add.f32 [tilespmem:s12], [sflag:$0x2], $0x10, s19, s15, $0xb8;
	[tilespmem:$0x7000] =	vst v63  }
0xc1: {  	_ = 	snop  }
0xc2: {  	[spmem:s1] =	stream.indirect.scatter.add.f32 [tilespmem:s12], [sflag:$0x2], $0x10, s20, s15, $0xb8;
	[tilespmem:$0x7000] =	vst v63  }
0xc3: {  	_ = 	snop  }
0xc4: {  	[spmem:s1] =	stream.indirect.scatter.add.f32 [tilespmem:s12], [sflag:$0x2], $0x10, s21, s15, $0xb8;
	[tilespmem:$0x7000] =	vst v63  }
0xc5: {  	_ = 	snop  }
0xc6: {  	[spmem:s1] =	stream.indirect.scatter.add.f32 [tilespmem:s12], [sflag:$0x2], $0x10, s22, s15, $0xb8;
	[tilespmem:$0x7000] =	vst v63  }
0xc7: {  	_ = 	snop  }
0xc8: {  	[spmem:s1] =	stream.indirect.scatter.add.f32 [tilespmem:s12], [sflag:$0x2], $0x10, s23, s15, $0xb8;
	[tilespmem:$0x7000] =	vst v63  }
0xc9: {  	_ = 	snop  }
0xca: {  	[spmem:s1] =	stream.indirect.scatter.add.f32 [tilespmem:s12], [sflag:$0x2], $0x10, s24, s15, $0xb8;
	[tilespmem:$0x7000] =	vst v63  }
0xcb: {  	_ = 	snop  }
0xcc: {  	[spmem:s1] =	stream.indirect.scatter.add.f32 [tilespmem:s12], [sflag:$0x2], $0x10, s25, s15, $0xb8;
	[tilespmem:$0x7000] =	vst v63  }
0xcd: {  	_ = 	snop  }
0xce: {  	[spmem:s1] =	stream.indirect.scatter.add.f32 [tilespmem:s12], [sflag:$0x2], $0x10, s26, s15, $0xb8;
	[tilespmem:$0x7000] =	vst v63  }
.Ltmp1:
0xcf: {  	_ = 	snop;
	(pc) =	sbr.rel @p1 .LBB2_4-.Ltmp1, $4  }
0xd0: {  	_ = 	snop  }
0xd1: {  	[spmem:s1] =	stream.indirect.scatter.add.f32 [tilespmem:s12], [sflag:$0x2], $0x10, s28, s15, $0xb8;
	[tilespmem:$0x7000] =	vst v63  }
0xd2: {  	_ = 	snop  }
0xd3: {  	[spmem:s1] =	stream.indirect.scatter.add.f32 [tilespmem:s12], [sflag:$0x2], $0x10, s29, s15, $0xb8;
	[tilespmem:$0x7000] =	vst v63  }
0xd4: {  	[spmem:s1] =	stream.indirect.scatter.add.f32 [tilespmem:s12], [sflag:$0x2], $0x10, s30, s15, $0xb8;
	[tilespmem:$0x7000] =	vst v63  }
0xd5: {  	s5 =	simm.s32 @!p0 $0x2  }
0xd6: {  	_ =	swait.ge @!p0 [sflag:s5], $0x800  }
0xd7: {  	[sflag:s5] =	ssyncset.done @!p0 $0x0  }
0xd8: {  	[sflag:s5] =	ssyncadd.s32 @!p0 $0xFFFFF800  }
0xd9: {  	_ =	swait.ge @!p0 [sflag:s5], $0x800  }
0xda: {  	[sflag:s5] =	ssyncset.done @!p0 $0x0  }
0xdb: {  	[sflag:s5] =	ssyncadd.s32 @!p0 $0xFFFFF800  }
0xdc: {  	_ =	swait.ge @!p0 [sflag:s5], $0x800  }
0xdd: {  	[sflag:s5] =	ssyncset.done @!p0 $0x0  }
0xde: {  	[sflag:s5] =	ssyncadd.s32 @!p0 $0xFFFFF800  }
0xdf: {  	_ =	swait.ge @!p0 [sflag:s5], $0x800  }
0xe0: {  	[sflag:s5] =	ssyncset.done @!p0 $0x0  }
0xe1: {  	[sflag:s5] =	ssyncadd.s32 @!p0 $0xFFFFF800  }
0xe2: {  	_ =	swait.ge @!p0 [sflag:s5], $0x800  }
0xe3: {  	[sflag:s5] =	ssyncset.done @!p0 $0x0  }
0xe4: {  	[sflag:s5] =	ssyncadd.s32 @!p0 $0xFFFFF800  }
0xe5: {  	_ =	swait.ge @!p0 [sflag:s5], $0x800  }
0xe6: {  	[sflag:s5] =	ssyncset.done @!p0 $0x0  }
0xe7: {  	[sflag:s5] =	ssyncadd.s32 @!p0 $0xFFFFF800  }
0xe8: {  	_ =	swait.ge @!p0 [sflag:s5], $0x800  }
0xe9: {  	[sflag:s5] =	ssyncset.done @!p0 $0x0  }
0xea: {  	[sflag:s5] =	ssyncadd.s32 @!p0 $0xFFFFF800  }
0xeb: {  	_ =	swait.ge @!p0 [sflag:s5], $0x800  }
0xec: {  	[sflag:s5] =	ssyncset.done @!p0 $0x0  }
0xed: {  	[sflag:s5] =	ssyncadd.s32 @!p0 $0xFFFFF800  }
0xee: {  	_ =	swait.ge @!p0 [sflag:s5], $0x800  }
0xef: {  	[sflag:s5] =	ssyncset.done @!p0 $0x0  }
0xf0: {  	[sflag:s5] =	ssyncadd.s32 @!p0 $0xFFFFF800  }
0xf1: {  	_ =	swait.ge @!p0 [sflag:s5], $0x800  }
0xf2: {  	[sflag:s5] =	ssyncset.done @!p0 $0x0  }
0xf3: {  	[sflag:s5] =	ssyncadd.s32 @!p0 $0xFFFFF800  }
0xf4: {  	_ =	swait.ge @!p0 [sflag:s5], $0x800  }
0xf5: {  	[sflag:s5] =	ssyncset.done @!p0 $0x0  }
0xf6: {  	[sflag:s5] =	ssyncadd.s32 @!p0 $0xFFFFF800  }
0xf7: {  	_ =	swait.ge @!p0 [sflag:s5], $0x800  }
0xf8: {  	[sflag:s5] =	ssyncset.done @!p0 $0x0  }
0xf9: {  	[sflag:s5] =	ssyncadd.s32 @!p0 $0xFFFFF800  }
0xfa: {  	_ =	swait.ge @!p0 [sflag:s5], $0x800  }
0xfb: {  	[sflag:s5] =	ssyncset.done @!p0 $0x0  }
0xfc: {  	[sflag:s5] =	ssyncadd.s32 @!p0 $0xFFFFF800  }
0xfd: {  	_ =	swait.ge @!p0 [sflag:s5], $0x800  }
0xfe: {  	[sflag:s5] =	ssyncset.done @!p0 $0x0  }
0xff: {  	[sflag:s5] =	ssyncadd.s32 @!p0 $0xFFFFF800  }
0x100: {  	_ =	swait.ge @!p0 [sflag:s5], $0x800  }
0x101: {  	[sflag:s5] =	ssyncset.done @!p0 $0x0  }
0x102: {  	[sflag:s5] =	ssyncadd.s32 @!p0 $0xFFFFF800  }
0x103: {  	_ =	swait.ge @!p0 [sflag:s5], $0x800  }
0x104: {  	[sflag:s5] =	ssyncset.done @!p0 $0x0  }
0x105: {  	s2 =	sadd.s32 s2, s11;
	[sflag:s5] =	ssyncadd.s32 @!p0 $0xFFFFF800  }
0x106: {  	[tilespmem:s3], [sflag:$0x1] =	stream.linear.gather [hbm4b:s2+s3], $0x800, $0x38;
	[tilespmem:$0x7000] =	vst v63  }
0x107: {  	_ =	swait.ge [sflag:s14], $0x800  }
0x108: {  	[sflag:s14] =	ssyncset.done $0x0  }
0x109: {  	[sflag:s14] =	ssyncadd.s32 $0xFFFFF800  }
0x10a: {  	[spmem:s1] =	stream.indirect.scatter.add.f32 [tilespmem:s12], [sflag:$0x2], $0x10, s3, s15, $0xb8;
	[tilespmem:$0x7000] =	vst v63  }
0x10b: {  	_ = 	snop  }
0x10c: {  	[spmem:s1] =	stream.indirect.scatter.add.f32 [tilespmem:s12], [sflag:$0x2], $0x10, s15, s15, $0xb8;
	[tilespmem:$0x7000] =	vst v63  }
0x10d: {  	_ = 	snop  }
0x10e: {  	[spmem:s1] =	stream.indirect.scatter.add.f32 [tilespmem:s12], [sflag:$0x2], $0x10, s16, s15, $0xb8;
	[tilespmem:$0x7000] =	vst v63  }
0x10f: {  	_ = 	snop  }
0x110: {  	[spmem:s1] =	stream.indirect.scatter.add.f32 [tilespmem:s12], [sflag:$0x2], $0x10, s17, s15, $0xb8;
	[tilespmem:$0x7000] =	vst v63  }
0x111: {  	_ = 	snop  }
0x112: {  	[spmem:s1] =	stream.indirect.scatter.add.f32 [tilespmem:s12], [sflag:$0x2], $0x10, s18, s15, $0xb8;
	[tilespmem:$0x7000] =	vst v63  }
0x113: {  	_ = 	snop  }
0x114: {  	[spmem:s1] =	stream.indirect.scatter.add.f32 [tilespmem:s12], [sflag:$0x2], $0x10, s19, s15, $0xb8;
	[tilespmem:$0x7000] =	vst v63  }
0x115: {  	_ = 	snop  }
0x116: {  	[spmem:s1] =	stream.indirect.scatter.add.f32 [tilespmem:s12], [sflag:$0x2], $0x10, s20, s15, $0xb8;
	[tilespmem:$0x7000] =	vst v63  }
0x117: {  	_ = 	snop  }
0x118: {  	[spmem:s1] =	stream.indirect.scatter.add.f32 [tilespmem:s12], [sflag:$0x2], $0x10, s21, s15, $0xb8;
	[tilespmem:$0x7000] =	vst v63  }
0x119: {  	_ = 	snop  }
0x11a: {  	[spmem:s1] =	stream.indirect.scatter.add.f32 [tilespmem:s12], [sflag:$0x2], $0x10, s22, s15, $0xb8;
	[tilespmem:$0x7000] =	vst v63  }
0x11b: {  	_ = 	snop  }
0x11c: {  	[spmem:s1] =	stream.indirect.scatter.add.f32 [tilespmem:s12], [sflag:$0x2], $0x10, s23, s15, $0xb8;
	[tilespmem:$0x7000] =	vst v63  }
0x11d: {  	_ = 	snop  }
0x11e: {  	[spmem:s1] =	stream.indirect.scatter.add.f32 [tilespmem:s12], [sflag:$0x2], $0x10, s24, s15, $0xb8;
	[tilespmem:$0x7000] =	vst v63  }
0x11f: {  	_ = 	snop  }
0x120: {  	[spmem:s1] =	stream.indirect.scatter.add.f32 [tilespmem:s12], [sflag:$0x2], $0x10, s25, s15, $0xb8;
	[tilespmem:$0x7000] =	vst v63  }
0x121: {  	_ = 	snop  }
0x122: {  	[spmem:s1] =	stream.indirect.scatter.add.f32 [tilespmem:s12], [sflag:$0x2], $0x10, s26, s15, $0xb8;
	[tilespmem:$0x7000] =	vst v63  }
0x123: {  	_ = 	snop  }
0x124: {  	[spmem:s1] =	stream.indirect.scatter.add.f32 [tilespmem:s12], [sflag:$0x2], $0x10, s28, s15, $0xb8;
	[tilespmem:$0x7000] =	vst v63  }
0x125: {  	_ = 	snop  }
0x126: {  	[spmem:s1] =	stream.indirect.scatter.add.f32 [tilespmem:s12], [sflag:$0x2], $0x10, s29, s15, $0xb8;
	[tilespmem:$0x7000] =	vst v63  }
0x127: {  	_ = 	snop  }
0x128: {  	[spmem:s1] =	stream.indirect.scatter.add.f32 [tilespmem:s12], [sflag:$0x2], $0x10, s30, s15, $0xb8;
	[tilespmem:$0x7000] =	vst v63  }
0x129: {  	_ =	swait.ge [sflag:s31], $0x800  }
0x12a: {  	[sflag:s31] =	ssyncset.done $0x0  }
0x12b: {  	[sflag:s31] =	ssyncadd.s32 $0xFFFFF800  }
0x12c: {  	_ =	swait.ge [sflag:s31], $0x800  }
0x12d: {  	[sflag:s31] =	ssyncset.done $0x0  }
0x12e: {  	[sflag:s31] =	ssyncadd.s32 $0xFFFFF800  }
0x12f: {  	_ =	swait.ge [sflag:s31], $0x800  }
0x130: {  	[sflag:s31] =	ssyncset.done $0x0  }
0x131: {  	[sflag:s31] =	ssyncadd.s32 $0xFFFFF800  }
0x132: {  	_ =	swait.ge [sflag:s31], $0x800  }
0x133: {  	[sflag:s31] =	ssyncset.done $0x0  }
0x134: {  	[sflag:s31] =	ssyncadd.s32 $0xFFFFF800  }
0x135: {  	_ =	swait.ge [sflag:s31], $0x800  }
0x136: {  	[sflag:s31] =	ssyncset.done $0x0  }
0x137: {  	[sflag:s31] =	ssyncadd.s32 $0xFFFFF800  }
0x138: {  	_ =	swait.ge [sflag:s31], $0x800  }
0x139: {  	[sflag:s31] =	ssyncset.done $0x0  }
0x13a: {  	[sflag:s31] =	ssyncadd.s32 $0xFFFFF800  }
0x13b: {  	_ =	swait.ge [sflag:s31], $0x800  }
0x13c: {  	[sflag:s31] =	ssyncset.done $0x0  }
0x13d: {  	[sflag:s31] =	ssyncadd.s32 $0xFFFFF800  }
0x13e: {  	_ =	swait.ge [sflag:s31], $0x800  }
0x13f: {  	[sflag:s31] =	ssyncset.done $0x0  }
0x140: {  	[sflag:s31] =	ssyncadd.s32 $0xFFFFF800  }
0x141: {  	_ =	swait.ge [sflag:s31], $0x800  }
0x142: {  	[sflag:s31] =	ssyncset.done $0x0  }
0x143: {  	[sflag:s31] =	ssyncadd.s32 $0xFFFFF800  }
0x144: {  	_ =	swait.ge [sflag:s31], $0x800  }
0x145: {  	[sflag:s31] =	ssyncset.done $0x0  }
0x146: {  	[sflag:s31] =	ssyncadd.s32 $0xFFFFF800  }
0x147: {  	_ =	swait.ge [sflag:s31], $0x800  }
0x148: {  	[sflag:s31] =	ssyncset.done $0x0  }
0x149: {  	[sflag:s31] =	ssyncadd.s32 $0xFFFFF800  }
0x14a: {  	_ =	swait.ge [sflag:s31], $0x800  }
0x14b: {  	[sflag:s31] =	ssyncset.done $0x0  }
0x14c: {  	[sflag:s31] =	ssyncadd.s32 $0xFFFFF800  }
0x14d: {  	_ =	swait.ge [sflag:s31], $0x800  }
0x14e: {  	[sflag:s31] =	ssyncset.done $0x0  }
0x14f: {  	[sflag:s31] =	ssyncadd.s32 $0xFFFFF800  }
0x150: {  	_ =	swait.ge [sflag:s31], $0x800  }
0x151: {  	[sflag:s31] =	ssyncset.done $0x0  }
0x152: {  	[sflag:s31] =	ssyncadd.s32 $0xFFFFF800  }
0x153: {  	_ =	swait.ge [sflag:s31], $0x800  }
0x154: {  	[sflag:s31] =	ssyncset.done $0x0  }
0x155: {  	[sflag:s31] =	ssyncadd.s32 $0xFFFFF800  }
0x156: {  	_ =	swait.ge [sflag:s31], $0x800  }
0x157: {  	[sflag:s31] =	ssyncset.done $0x0  }
0x158: {  	s6 =	stileid.u32;
	[sflag:s31] =	ssyncadd.s32 $0xFFFFF800  }
0x159: {  	s2 =	sshll.u32 s6, $0x6;
	[bflag:$0x0] =	sbarrier.arrive $0xFFFF  }
0x15a: {  	s7 =	sshrl.u32 s4, $0x3;
	s2 =	sor.u32 $0x1C03, s2;
	s6 =	rddreg [dreg:$0x3]  }
0x15b: {  	[hbm:s6], [sflag:s2] =	dma.local [spmem:s7], $0x2800  }
0x15c: {  	_ =	swait.ge [sflag:s13], $0x2800  }
0x15d: {  	s0 =	sadd.s32 $0x1, s0;
	s7 =	rddreg [dreg:$0x4]  }
0x15e: {  	p0 =	sne.s32 s0, s7  }
.Ltmp2:
0x15f: {  	_ = 	snop;
	(pc) =	sbr.rel @p0 .LBB2_1-.Ltmp2, $3  }
0x160: {  	_ =	sdelay $0x1  }
0x161: {  	[sflag:s13] =	ssyncset.done $0x0  }
0x162: {  	[sflag:s13] =	ssyncadd.s32 $0xFFFFD800  }
0x163: {  	_ =	sfence.sel $0x180000  }
0x164: {  	[bflag:$0x0] =	sbarrier.arrive $0xFFFF  }
0x165: {  	_ =	strace $0x90000047  }
0x166: {  	s0 =	stileid.u32;
	[bflag:$0x2] =	sbarrier.arrive $0xFFFF  }
0x167: {  	p0 =	sne.s32 s0, $0x0;
	s0 =	rddreg [dreg:$0x2]  }
0x168: {  	s0 =	sadd.s32 @!p0 $0x100000, s0  }
0x169: {  	[sflag:s0] =	ssyncadd.tile.s32 @!p0 $0x1;
	_ =	shalt  }
.Lfunc_end2:
_tile_overlayer_lowered:
.L_overlay_start_2:
0x16a: {  	(tag) =	ssettag $0x2  }
0x16b: {  	s0 =	rddreg [dreg:$0x0];
	s2 =	stileid.u32  }
0x16c: {  	s1 =	rddreg [dreg:$0x1];
	p0 =	sne.s32 s2, $0x0  }
0x16d: {  	s3 =	rddreg [dreg:$0x2];
	[bflag:$0x3] =	sbarrier.arrive $0xFFFF;
	s2 =	simm.s32 @!p0 $0x1C03  }
0x16e: {  	[timem:s3], [sflag:s2] =	dma.local @!p0 [hbm:s0], s1  }
0x16f: {  	s0 =	simm.s32 @!p0 $0x3  }
0x170: {  	_ =	swait.ge @!p0 [sflag:s0], s1  }
0x171: {  	s1 =	ssub.s32 @!p0 $0x0, s1;
	[sflag:s0] =	ssyncset.done @!p0 $0x0  }
0x172: {  	[sflag:s0] =	ssyncadd.s32 @!p0 s1  }
0x173: {  	[bflag:$0x3] =	sbarrier.arrive $0xFFFF  }
0x174: {  	_ =	shalt  }

// kernel: kernel.13.cloned.1.call-start
scs
__scs_entry_jumppad:
0x0: {  	(pc) =	sbr.rel $0x88, $3  }
0x1: {  	(tag) =	ssettag $0x0;
	lr =	simm.s32 $0x1  }
0x2: {  	[smem:$0x3F93] =	sst lr;
	_ =	strace $0xD0000000  }
0x3: {  	_ = 	snop  }
0x4: {  	_ = 	snop  }
0x5: {  	_ = 	snop  }
0x6: {  	_ = 	snop  }
0x7: {  	_ = 	snop  }
__scs_overlays_trampoline_lowered:
0x8: {  	[smem:$0x3FA2] =	sst s0  }
0x9: {  	[smem:$0x3FA3] =	sst s1  }
0xa: {  	[smem:$0x3FA4] =	sst s2  }
0xb: {  	[smem:$0x3FA5] =	sst s3  }
0xc: {  	[smem:$0x3FA6] =	sst s4  }
0xd: {  	[smem:$0x3FA7] =	sst s5  }
0xe: {  	[smem:$0x3FA8] =	sst s6  }
0xf: {  	[smem:$0x3FA9] =	sst s7  }
0x10: {  	[smem:$0x3FAA] =	sst s8  }
0x11: {  	[smem:$0x3FAB] =	sst s9;
	s0 =	simm.s32 @!p0 $0x0  }
0x12: {  	s1 =	sld [smem:$0x3F91];
	s0 =	simm.s32 @p0 $0x1  }
0x13: {  	[smem:$0x3FAC] =	sst s0;
	s0 =	simm.s32 @!p1 $0x0  }
0x14: {  	s2 =	sld [smem:$0x3F90];
	s0 =	simm.s32 @p1 $0x1  }
0x15: {  	[smem:$0x3FAD] =	sst s0;
	s0 =	simm.s32 @!p2 $0x0  }
0x16: {  	s3 =	sld [smem:$0x3FDB];
	s0 =	simm.s32 @p2 $0x1  }
0x17: {  	s4 =	simm.s32 $0x1BF5;
	[smem:$0x3FAF] =	sst s0  }
0x18: {  	s0 =	sld [smem:$0x3F92];
	_ =	swait.ge [sflag:s4], $0x0  }
0x19: {  	s7 =	sld [smem:$0x3F93]  }
0x1a: {  	s8 =	sadd.s32 $0xFFFFE003, lr  }
0x1b: {  	s9 =	sadd.s32 $0xFFFFFEF7, lr;
	s5 =	simm.s32 $0xFFFFFFFF;
	p2 =	slt.u32 s8, $0xFFFFF086  }
0x1c: {  	p1 =	slt.u32 s9, $0xF7A;
	s5 =	simm.s32 @!p2 $0x0  }
0x1d: {  	s5 =	simm.s32 @p1 $0x1;
	p0 =	seq.s32 s7, s2  }
0x1e: {  	s7 =	smul.u32 @!p0 $0xF7A, s2;
	p2 =	seq.s32 @!p0 s5, $0x0  }
0x1f: {  	s9 =	smul.u32 $0xF7A, s1;
	s8 =	simm.s32 @!p0 $0x1BF5;
	p2 =	por !p2, p0  }
0x20: {  	[sflag:s8] =	ssyncset.s32 @!p0 $0xFFFFF086;
	s6 =	sadd.s32 @!p0 s3, s7;
	s7 =	simm.s32 @!p0 $0x108  }
0x21: {  	s3 =	sadd.s32 s3, s9;
	s6 =	sadd.s32 @!p0 $0x88, s6;
	s7 =	simm.s32 @p2 $0x1082  }
0x22: {  	[simem:s7], [sflag:s8] =	dma.local @!p0 [hbm:s6], $0xF7A  }
0x23: {  	s9 =	sor.u32 $0xD0000000, s2;
	s6 =	simm.s32 $0x108;
	_ =	swait.ge @!p0 [sflag:s8], $0x0  }
0x24: {  	s3 =	sadd.s32 $0x88, s3;
	s6 =	simm.s32 @!p1 $0x1082;
	[sflag:s4] =	ssyncset.s32 $0xFFFFF086  }
0x25: {  	[simem:s6], [sflag:s4] =	dma.local [hbm:s3], $0xF7A  }
0x26: {  	[smem:$0x3F93] =	sst s1;
	(tag) =	ssettag s2;
	_ =	strace s9  }
0x27: {  	s1 =	sld [smem:$0x3FA3]  }
0x28: {  	s2 =	sld [smem:$0x3FA4]  }
0x29: {  	s4 =	sld [smem:$0x3FA6]  }
0x2a: {  	p0 =	seq.s32 s5, $0x0;
	s5 =	sld [smem:$0x3FA7]  }
0x2b: {  	s6 =	sld [smem:$0x3FA8]  }
0x2c: {  	s7 =	sld [smem:$0x3FA9]  }
0x2d: {  	s3 =	simm.s32 $0x108;
	s8 =	sld [smem:$0x3FAA]  }
0x2e: {  	s3 =	simm.s32 @!p0 $0x1082;
	s9 =	sld [smem:$0x3FAB]  }
0x2f: {  	lr =	sadd.s32 s0, s3;
	s0 =	sld [smem:$0x3FA2]  }
0x30: {  	s3 =	sld [smem:$0x3FA5]  }
0x31: {  	[smem:$0x3FAE] =	sst s10  }
0x32: {  	s10 =	sld [smem:$0x3FAC];
	_ =	sdelay $0x3  }
0x33: {  	p0 =	seq.s32 s10, $0x1;
	s10 =	sld [smem:$0x3FAE];
	_ =	sdelay $0x3  }
0x34: {  	[smem:$0x3FAE] =	sst s10  }
0x35: {  	s10 =	sld [smem:$0x3FAD];
	_ =	sdelay $0x3  }
0x36: {  	p1 =	seq.s32 s10, $0x1;
	s10 =	sld [smem:$0x3FAE];
	_ =	sdelay $0x3  }
0x37: {  	[smem:$0x3FAE] =	sst s10  }
0x38: {  	s10 =	sld [smem:$0x3FAF]  }
0x39: {  	_ = 	snop;
	(pc) =	sbr.ind lr, $3  }
0x3a: {  	_ = 	snop  }
0x3b: {  	_ = 	snop  }
0x3c: {  	p2 =	seq.s32 s10, $0x1;
	s10 =	sld [smem:$0x3FAE]  }
0x3d: {  	_ =	shalt  }
0x3e: {  	_ =	shalt  }
0x3f: {  	_ =	shalt  }
0x40: {  	_ =	shalt  }
0x41: {  	_ =	shalt  }
0x42: {  	_ =	shalt  }
0x43: {  	_ =	shalt  }
0x44: {  	_ =	shalt  }
0x45: {  	_ =	shalt  }
0x46: {  	_ =	shalt  }
0x47: {  	_ =	shalt  }
0x48: {  	_ =	shalt  }
0x49: {  	_ =	shalt  }
0x4a: {  	_ =	shalt  }
0x4b: {  	_ =	shalt  }
0x4c: {  	_ =	shalt  }
0x4d: {  	_ =	shalt  }
0x4e: {  	_ =	shalt  }
0x4f: {  	_ =	shalt  }
0x50: {  	_ =	shalt  }
0x51: {  	_ =	shalt  }
0x52: {  	_ =	shalt  }
0x53: {  	_ =	shalt  }
0x54: {  	_ =	shalt  }
0x55: {  	_ =	shalt  }
0x56: {  	_ =	shalt  }
0x57: {  	_ =	shalt  }
0x58: {  	_ =	shalt  }
0x59: {  	_ =	shalt  }
0x5a: {  	_ =	shalt  }
0x5b: {  	_ =	shalt  }
0x5c: {  	_ =	shalt  }
0x5d: {  	_ =	shalt  }
0x5e: {  	_ =	shalt  }
0x5f: {  	_ =	shalt  }
0x60: {  	_ =	shalt  }
0x61: {  	_ =	shalt  }
0x62: {  	_ =	shalt  }
0x63: {  	_ =	shalt  }
0x64: {  	_ =	shalt  }
0x65: {  	_ =	shalt  }
0x66: {  	_ =	shalt  }
0x67: {  	_ =	shalt  }
0x68: {  	_ =	shalt  }
0x69: {  	_ =	shalt  }
0x6a: {  	_ =	shalt  }
0x6b: {  	_ =	shalt  }
0x6c: {  	_ =	shalt  }
0x6d: {  	_ =	shalt  }
0x6e: {  	_ =	shalt  }
0x6f: {  	_ =	shalt  }
0x70: {  	_ =	shalt  }
0x71: {  	_ =	shalt  }
0x72: {  	_ =	shalt  }
0x73: {  	_ =	shalt  }
0x74: {  	_ =	shalt  }
0x75: {  	_ =	shalt  }
0x76: {  	_ =	shalt  }
0x77: {  	_ =	shalt  }
0x78: {  	_ =	shalt  }
0x79: {  	_ =	shalt  }
0x7a: {  	_ =	shalt  }
0x7b: {  	_ =	shalt  }
0x7c: {  	_ =	shalt  }
0x7d: {  	_ =	shalt  }
0x7e: {  	_ =	shalt  }
0x7f: {  	_ =	shalt  }
0x80: {  	_ =	shalt  }
0x81: {  	_ =	shalt  }
0x82: {  	_ =	shalt  }
0x83: {  	_ =	shalt  }
0x84: {  	_ =	shalt  }
0x85: {  	_ =	shalt  }
0x86: {  	_ =	shalt  }
0x87: {  	_ =	shalt  }
.Lfunc_end0:
.L_simem_size_0:
called_computation.1_lowered:
.L_overlay_start_0:
0x88: {  	s2 =	sld [smem:$0x3FD9]  }
0x89: {  	s3 =	sld [smem:$0x3FFE];
	_ =	sdelay $0x1  }
0x8a: {  	s1 =	srdreg.scid  }
0x8b: {  	s0 =	sand.u32 $0x1, s1  }
0x8c: {  	s16 =	sshll.u32 s0, $0xA;
	s2 =	sadd.s32 s3, s2  }
0x8d: {  	s2 =	sadd.s32 s2, s16  }
0x8e: {  	[smem:$0x3FBA] =	sst s2  }
0x8f: {  	_ = 	snop  }
0x90: {  	(tm) =	ssettm $0x1  }
0x91: {  	s17 =	sld [smem:$0x3FFB];
	_ =	sdelay $0x3  }
0x92: {  	_ =	strace s17  }
0x93: {  	s2 =	sld [smem:$0x3FFC];
	_ =	sdelay $0x3  }
0x94: {  	_ =	strace s2  }
0x95: {  	s2 =	sld [smem:$0x3FFD];
	_ =	sdelay $0x3  }
0x96: {  	_ =	strace s2  }
0x97: {  	_ =	strace $0x8FFFFFFF  }
0x98: {  	s18 =	sld [smem:$0x3FDB];
	_ =	sdelay $0x1  }
0x99: {  	s19 =	simm.s32 $_scs_section_size  }
0x9a: {  	s4 =	simm.s32 $_size__tile_overlayer_lowered;
	s5 =	simm.s32 $_tile_overlayer_lowered  }
0x9b: {  	s22 =	simm.s32 $0x1BFF;
	s21 =	sshll.u32 s5, $0x1;
	s2 =	sadd.s32 s19, s18  }
0x9c: {  	s6 =	simm.s32 $0x0;
	s20 =	sshll.u32 s4, $0x1;
	s4 =	sadd.s32 s21, s2  }
0x9d: {  	[timem:s6], [sflag:s22] =	dma.local [hbm:s4], s20  }
0x9e: {  	_ =	swait.ge [sflag:s22], s20  }
0x9f: {  	s3 =	ssub.s32 $0x0, s20;
	[sflag:s22] =	ssyncset.done $0x0  }
0xa0: {  	[sflag:s22] =	ssyncadd.s32 s3;
	_ =	sdelay $0x1  }
0xa1: {  	s23 =	simm.s32 $0x1B8B  }
0xa2: {  	_ =	swait.ge [sflag:s23], $0x1  }
0xa3: {  	[sflag:s23] =	ssyncset.done $0x0  }
0xa4: {  	s25 =	simm.s32 $0x1B8E;
	s24 =	sld [smem:$0x3FFE];
	[sflag:s23] =	ssyncadd.s32 $0xFFFFFFFF  }
0xa5: {  	s26 =	simm.s32 $execute0_lowered;
	[smem:$0x3FD2] =	sst s25  }
0xa6: {  	s4 =	sshll.u32 s26, $0x1;
	_ =	strace $0x80000049;
	[dreg:$0x1] =	wrdreg $0xFFFFFFFF  }
0xa7: {  	s28 =	simm.s32 $_size_execute0_lowered;
	s2 =	sadd.s32 s2, s4;
	[dreg:$0x0] =	wrdreg $0x0  }
0xa8: {  	s4 =	sshll.u32 s28, $0x1;
	[dreg:$0x2] =	wrdreg s2  }
0xa9: {  	[dreg:$0x3] =	wrdreg s4  }
0xaa: {  	[dreg:$0x4] =	wrdreg $0xC0  }
0xab: {  	_ =	task [dreg:s6], $0x5FFFF  }
0xac: {  	[dreg:$0x1] =	wrdreg $0xFFFFFFFF  }
0xad: {  	[dreg:$0x0] =	wrdreg $0x60  }
0xae: {  	[dreg:$0x2] =	wrdreg s24  }
0xaf: {  	[dreg:$0x3] =	wrdreg $0x90000  }
0xb0: {  	[dreg:$0x4] =	wrdreg $0x9  }
0xb1: {  	_ =	task.clear_ibuf [dreg:s6], $0x5FFFF;
	_ =	strace $0x90000049  }
0xb2: {  	s29 =	simm.s32 $0x9;
	_ =	strace $0x8000004B  }
0xb3: {  	_ =	swait.ge [sflag:s29], $0x1  }
0xb4: {  	[sflag:s29] =	ssyncadd.s32 $0xFFFFFFFF  }
0xb5: {  	_ =	strace $0x9000004B  }
0xb6: {  	_ =	sfence  }
0xb7: {  	s30 =	sld [smem:$0x0];
	_ =	sdelay $0x2  }
0xb8: {  	s31 =	sshll.u32 s1, $0xD;
	s1 =	sshrl.u32 s1, $0x2  }
0xb9: {  	s3 =	sand.u32 $0x4000, s31;
	s1 =	sadd.s32 s1, s30  }
0xba: {  	s0 =	sor.u32 s3, s0;
	s1 =	sshll.u32 s1, $0x11  }
0xbb: {  	s0 =	sor.u32 s1, s0  }
0xbc: {  	s0 =	sadd.s32 $0x8F2B, s0  }
0xbd: {  	[sflag:s0] =	ssyncadd.remote.s32 $0x1  }
0xbe: {  	_ =	sfence.sel $0xFFFF  }
0xbf: {  	[dreg:$0x0] =	wrdreg $0xFFFFFFFF;
	(pc) =	sbr.abs _section_cstart, $3  }
0xc0: {  	[dreg:$0x1] =	wrdreg $0xFFFFFFFF  }
0xc1: {  	_ =	task.clear_ibuf [dreg:s6], $0x2FFFF;
	_ =	strace $0x9FFFFFFF  }
0xc2: {  	(tm) =	ssettm $0x7FFFFFFF  }
0xc3: {  	_ =	shalt  }
tec
execute0_lowered:
.L_overlay_start_1:
0x0: {  	(tag) =	ssettag $0x1  }
0x1: {  	s0 =	rddreg [dreg:$0x0];
	s10 =	stileid.u32  }
0x2: {  	s1 =	srdreg.scid;
	s2 =	rddreg [dreg:$0x1];
	s3 =	simm.s32 $0x0  }
0x3: {  	s12 =	simm.s32 $0x880;
	s13 =	simm.s32 $0x180;
	s14 =	simm.s32 $0x900  }
0x4: {  	s15 =	simm.s32 $0x200;
	s16 =	simm.s32 $0x980;
	s17 =	simm.s32 $0x280  }
0x5: {  	s18 =	simm.s32 $0xA00;
	s19 =	simm.s32 $0x300;
	[smem:$0x7FF] =	sst s3  }
0x6: {  	s20 =	simm.s32 $0xA80;
	_ =	strace $0x8000004A;
	[dreg:$0x6] =	wrdreg s12  }
0x7: {  	s21 =	simm.s32 $0x380;
	s22 =	simm.s32 $0xB00;
	[dreg:$0x7] =	wrdreg s13  }
0x8: {  	s23 =	simm.s32 $0x400;
	s24 =	simm.s32 $0xB80;
	[dreg:$0x8] =	wrdreg s14  }
0x9: {  	s25 =	simm.s32 $0x480;
	s28 =	simm.s32 $0xE00;
	[dreg:$0x9] =	wrdreg s15  }
0xa: {  	s29 =	simm.s32 $0x700;
	s30 =	simm.s32 $0xE80;
	[dreg:$0xa] =	wrdreg s16  }
0xb: {  	s31 =	simm.s32 $0x780;
	s5 =	smul.u32 $0xA00, s10;
	[dreg:$0xb] =	wrdreg s17  }
0xc: {  	s1 =	sand.u32 $0x1, s1;
	s7 =	smul.u32 $0x280, s10;
	[dreg:$0xc] =	wrdreg s18  }
0xd: {  	s4 =	sadd.s32 $0xE400, s0;
	s8 =	smul.u32 $0x50000, s10;
	[dreg:$0xd] =	wrdreg s19  }
0xe: {  	s11 =	sshll.u32 s10, $0x6;
	s6 =	smul.u32 $0x2800, s1;
	[dreg:$0xe] =	wrdreg s20  }
0xf: {  	s26 =	smul.u32 $0xA000, s1;
	s1 =	ssub.s32 $0x2, s1;
	[dreg:$0xf] =	wrdreg s21  }
0x10: {  	s12 =	simm.s32 $0x1;
	s13 =	simm.s32 $0x80;
	[dreg:$0x10] =	wrdreg s22  }
0x11: {  	s14 =	simm.s32 $0x1000;
	s15 =	simm.s32 $0x5000;
	[dreg:$0x11] =	wrdreg s23  }
0x12: {  	s16 =	simm.s32 $0x2;
	s17 =	simm.s32 $0x4;
	[dreg:$0x12] =	wrdreg s24  }
0x13: {  	s18 =	simm.s32 $0x3;
	s19 =	simm.s32 $0x5;
	[dreg:$0x13] =	wrdreg s25  }
0x14: {  	s20 =	simm.s32 $0x500;
	s21 =	simm.s32 $0xC80;
	s22 =	simm.s32 $0x580  }
0x15: {  	s23 =	simm.s32 $0xD00;
	s24 =	simm.s32 $0x600;
	s25 =	simm.s32 $0xD80  }
0x16: {  	s5 =	sadd.s32 s5, s0;
	s9 =	sshrl.u32 s1, $0x1;
	s8 =	sshrl.u32 s8, $0x2  }
0x17: {  	s6 =	sadd.s32 s7, s6;
	s7 =	sadd.s32 s26, s5;
	s5 =	sadd.s32 $0x4400, s5  }
0x18: {  	s1 =	ssub.s32 s1, s9;
	s9 =	simm.s32 $0x100;
	[dreg:$0x4] =	wrdreg s5  }
0x19: {  	s8 =	sadd.s32 s8, s2;
	s26 =	simm.s32 $0xC00;
	[dreg:$0x5] =	wrdreg s9  }
0x1a: {  	s6 =	sshll.u32 s6, $0x4;
	s7 =	sadd.s32 $0x68400, s7;
	[dreg:$0x14] =	wrdreg s26  }
0x1b: {  	s1 =	smax.u32 s1, $0x1;
	s26 =	simm.s32 $0x680;
	[dreg:$0x3] =	wrdreg s7  }
0x1c: {  	s0 =	sadd.s32 s6, s0;
	s6 =	sadd.s32 s4, s6;
	[dreg:$0x18] =	wrdreg s1  }
0x1d: {  	s9 =	simm.s32 $0x0;
	s7 =	sshrl.u32 s8, $0x3;
	[dreg:$0x15] =	wrdreg s6  }
0x1e: {  	s8 =	simm.s32 $0x6;
	s0 =	sadd.s32 $0xA4400, s0;
	[dreg:$0x19] =	wrdreg s7  }
0x1f: {  	s1 =	simm.s32 $0xF00;
	s6 =	sor.u32 $0x1C06, s11;
	[dreg:$0x17] =	wrdreg s0  }
0x20: {  	s11 =	simm.s32 $0x800;
	s0 =	simm.s32 $0xF80;
	[dreg:$0x16] =	wrdreg s6  }
.LBB2_1:
0x21: {  	[dreg:$0x1a] =	wrdreg s9  }
0x22: {  	s5 =	rddreg [dreg:$0x15]  }
0x23: {  	[spmem:s7], [sflag:s6] =	dma.local [hbm:s5], $0x2800  }
0x24: {  	_ =	swait.ge [sflag:s8], $0x2800  }
0x25: {  	[sflag:s8] =	ssyncset.done $0x0  }
0x26: {  	p0 =	por $0x1, $0x1;
	[sflag:s8] =	ssyncadd.s32 $0xFFFFD800  }
0x27: {  	s7 =	simm.s32 @!p0 $0x4;
	[bflag:$0x0] =	sbarrier.arrive $0xFFFF  }
0x28: {  	_ =	swait.ge @!p0 [sflag:s7], $0x4000  }
0x29: {  	[sflag:s7] =	ssyncset.done @!p0 $0x0  }
0x2a: {  	[sflag:s7] =	ssyncadd.s32 @!p0 $0xFFFFC000;
	s7 =	simm.s32 @!p0 $0x5  }
0x2b: {  	_ =	swait.ge @!p0 [sflag:s7], $0x4000  }
0x2c: {  	s10 =	rddreg [dreg:$0x3];
	[sflag:s7] =	ssyncset.done @!p0 $0x0  }
0x2d: {  	s5 =	rddreg [dreg:$0x4];
	[sflag:s7] =	ssyncadd.s32 @!p0 $0xFFFFC000;
	s9 =	sadd.s32 $0x0, s10  }
0x2e: {  	[tilespmem:s3], [sflag:$0x1] =	stream.linear.gather [hbm4b:s9+s3], $0x800, $0x38;
	[tilespmem:$0x1D000] =	vst v63  }
0x2f: {  	s6 =	sadd.s32 $0x0, s5  }
0x30: {  	[tilespmem:s11], [sflag:$0x1] =	stream.linear.gather [hbm4b:s6+s3], $0x800, $0x38;
	[tilespmem:$0x1D000] =	vst v63  }
0x31: {  	_ =	swait.ge [sflag:s12], $0x800  }
0x32: {  	[sflag:s12] =	ssyncset.done $0x0  }
0x33: {  	[sflag:s12] =	ssyncadd.s32 $0xFFFFF800  }
0x34: {  	_ =	swait.ge [sflag:s12], $0x800  }
0x35: {  	[sflag:s12] =	ssyncset.done $0x0  }
0x36: {  	[sflag:s12] =	ssyncadd.s32 $0xFFFFF800  }
0x37: {  	[tilespmem:s14], [sflag:$0x2] =	stream.indirect.gather [hbm4b:s4+s13], $0x80, s3, s13, $0xb8;
	[tilespmem:$0x1D000] =	vst v63  }
0x38: {  	_ = 	snop  }
0x39: {  	[tilespmem:s15], [sflag:$0x3] =	stream.indirect.gather [hbm4b:s4+s13], $0x80, s13, s13, $0xb8;
	[tilespmem:$0x1D000] =	vst v63  }
0x3a: {  	_ =	swait.ge [sflag:s16], $0x4000  }
0x3b: {  	[sflag:s16] =	ssyncset.done $0x0  }
0x3c: {  	[sflag:s16] =	ssyncadd.s32 $0xFFFFC000  }
0x3d: {  	[spmem:s2] =	stream.indirect.scatter.add.f32 [tilespmem:s14], [sflag:$0x4], $0x80, s11, s13, $0xb8;
	[tilespmem:$0x1D000] =	vst v63  }
0x3e: {  	_ =	swait.ge [sflag:s17], $0x4000  }
0x3f: {  	[sflag:s17] =	ssyncset.done $0x0  }
0x40: {  	s10 =	rddreg [dreg:$0x5];
	[sflag:s17] =	ssyncadd.s32 $0xFFFFC000  }
0x41: {  	[tilespmem:s14], [sflag:$0x2] =	stream.indirect.gather [hbm4b:s4+s13], $0x80, s10, s13, $0xb8;
	[tilespmem:$0x1D000] =	vst v63  }
0x42: {  	_ =	swait.ge [sflag:s18], $0x4000  }
0x43: {  	[sflag:s18] =	ssyncset.done $0x0  }
0x44: {  	s5 =	rddreg [dreg:$0x6];
	[sflag:s18] =	ssyncadd.s32 $0xFFFFC000  }
0x45: {  	[spmem:s2] =	stream.indirect.scatter.add.f32 [tilespmem:s15], [sflag:$0x5], $0x80, s5, s13, $0xb8;
	[tilespmem:$0x1D000] =	vst v63  }
0x46: {  	_ =	swait.ge [sflag:s19], $0x4000  }
0x47: {  	[sflag:s19] =	ssyncset.done $0x0  }
0x48: {  	s7 =	rddreg [dreg:$0x7];
	[sflag:s19] =	ssyncadd.s32 $0xFFFFC000  }
0x49: {  	[tilespmem:s15], [sflag:$0x3] =	stream.indirect.gather [hbm4b:s4+s13], $0x80, s7, s13, $0xb8;
	[tilespmem:$0x1D000] =	vst v63  }
0x4a: {  	_ =	swait.ge [sflag:s16], $0x4000  }
0x4b: {  	[sflag:s16] =	ssyncset.done $0x0  }
0x4c: {  	s8 =	rddreg [dreg:$0x8];
	[sflag:s16] =	ssyncadd.s32 $0xFFFFC000  }
0x4d: {  	[spmem:s2] =	stream.indirect.scatter.add.f32 [tilespmem:s14], [sflag:$0x4], $0x80, s8, s13, $0xb8;
	[tilespmem:$0x1D000] =	vst v63  }
0x4e: {  	_ =	swait.ge [sflag:s17], $0x4000  }
0x4f: {  	[sflag:s17] =	ssyncset.done $0x0  }
0x50: {  	s9 =	rddreg [dreg:$0x9];
	[sflag:s17] =	ssyncadd.s32 $0xFFFFC000  }
0x51: {  	[tilespmem:s14], [sflag:$0x2] =	stream.indirect.gather [hbm4b:s4+s13], $0x80, s9, s13, $0xb8;
	[tilespmem:$0x1D000] =	vst v63  }
0x52: {  	_ =	swait.ge [sflag:s18], $0x4000  }
0x53: {  	[sflag:s18] =	ssyncset.done $0x0  }
0x54: {  	s10 =	rddreg [dreg:$0xa];
	[sflag:s18] =	ssyncadd.s32 $0xFFFFC000  }
0x55: {  	[spmem:s2] =	stream.indirect.scatter.add.f32 [tilespmem:s15], [sflag:$0x5], $0x80, s10, s13, $0xb8;
	[tilespmem:$0x1D000] =	vst v63  }
0x56: {  	_ =	swait.ge [sflag:s19], $0x4000  }
0x57: {  	[sflag:s19] =	ssyncset.done $0x0  }
0x58: {  	s5 =	rddreg [dreg:$0xb];
	[sflag:s19] =	ssyncadd.s32 $0xFFFFC000  }
0x59: {  	[tilespmem:s15], [sflag:$0x3] =	stream.indirect.gather [hbm4b:s4+s13], $0x80, s5, s13, $0xb8;
	[tilespmem:$0x1D000] =	vst v63  }
0x5a: {  	_ =	swait.ge [sflag:s16], $0x4000  }
0x5b: {  	[sflag:s16] =	ssyncset.done $0x0  }
0x5c: {  	s7 =	rddreg [dreg:$0xc];
	[sflag:s16] =	ssyncadd.s32 $0xFFFFC000  }
0x5d: {  	[spmem:s2] =	stream.indirect.scatter.add.f32 [tilespmem:s14], [sflag:$0x4], $0x80, s7, s13, $0xb8;
	[tilespmem:$0x1D000] =	vst v63  }
0x5e: {  	_ =	swait.ge [sflag:s17], $0x4000  }
0x5f: {  	[sflag:s17] =	ssyncset.done $0x0  }
0x60: {  	s8 =	rddreg [dreg:$0xd];
	[sflag:s17] =	ssyncadd.s32 $0xFFFFC000  }
0x61: {  	[tilespmem:s14], [sflag:$0x2] =	stream.indirect.gather [hbm4b:s4+s13], $0x80, s8, s13, $0xb8;
	[tilespmem:$0x1D000] =	vst v63  }
0x62: {  	_ =	swait.ge [sflag:s18], $0x4000  }
0x63: {  	[sflag:s18] =	ssyncset.done $0x0  }
0x64: {  	s9 =	rddreg [dreg:$0xe];
	[sflag:s18] =	ssyncadd.s32 $0xFFFFC000  }
0x65: {  	[spmem:s2] =	stream.indirect.scatter.add.f32 [tilespmem:s15], [sflag:$0x5], $0x80, s9, s13, $0xb8;
	[tilespmem:$0x1D000] =	vst v63  }
0x66: {  	_ =	swait.ge [sflag:s19], $0x4000  }
0x67: {  	[sflag:s19] =	ssyncset.done $0x0  }
0x68: {  	s10 =	rddreg [dreg:$0xf];
	[sflag:s19] =	ssyncadd.s32 $0xFFFFC000  }
0x69: {  	[tilespmem:s15], [sflag:$0x3] =	stream.indirect.gather [hbm4b:s4+s13], $0x80, s10, s13, $0xb8;
	[tilespmem:$0x1D000] =	vst v63  }
0x6a: {  	_ =	swait.ge [sflag:s16], $0x4000  }
0x6b: {  	[sflag:s16] =	ssyncset.done $0x0  }
0x6c: {  	s5 =	rddreg [dreg:$0x10];
	[sflag:s16] =	ssyncadd.s32 $0xFFFFC000  }
0x6d: {  	[spmem:s2] =	stream.indirect.scatter.add.f32 [tilespmem:s14], [sflag:$0x4], $0x80, s5, s13, $0xb8;
	[tilespmem:$0x1D000] =	vst v63  }
0x6e: {  	_ =	swait.ge [sflag:s17], $0x4000  }
0x6f: {  	[sflag:s17] =	ssyncset.done $0x0  }
0x70: {  	s7 =	rddreg [dreg:$0x11];
	[sflag:s17] =	ssyncadd.s32 $0xFFFFC000  }
0x71: {  	[tilespmem:s14], [sflag:$0x2] =	stream.indirect.gather [hbm4b:s4+s13], $0x80, s7, s13, $0xb8;
	[tilespmem:$0x1D000] =	vst v63  }
0x72: {  	_ =	swait.ge [sflag:s18], $0x4000  }
0x73: {  	[sflag:s18] =	ssyncset.done $0x0  }
0x74: {  	s8 =	rddreg [dreg:$0x12];
	[sflag:s18] =	ssyncadd.s32 $0xFFFFC000  }
0x75: {  	[spmem:s2] =	stream.indirect.scatter.add.f32 [tilespmem:s15], [sflag:$0x5], $0x80, s8, s13, $0xb8;
	[tilespmem:$0x1D000] =	vst v63  }
0x76: {  	_ =	swait.ge [sflag:s19], $0x4000  }
0x77: {  	[sflag:s19] =	ssyncset.done $0x0  }
0x78: {  	s9 =	rddreg [dreg:$0x13];
	[sflag:s19] =	ssyncadd.s32 $0xFFFFC000  }
0x79: {  	[tilespmem:s15], [sflag:$0x3] =	stream.indirect.gather [hbm4b:s4+s13], $0x80, s9, s13, $0xb8;
	[tilespmem:$0x1D000] =	vst v63  }
0x7a: {  	_ =	swait.ge [sflag:s16], $0x4000  }
0x7b: {  	[sflag:s16] =	ssyncset.done $0x0  }
0x7c: {  	s10 =	rddreg [dreg:$0x14];
	[sflag:s16] =	ssyncadd.s32 $0xFFFFC000  }
0x7d: {  	[spmem:s2] =	stream.indirect.scatter.add.f32 [tilespmem:s14], [sflag:$0x4], $0x80, s10, s13, $0xb8;
	[tilespmem:$0x1D000] =	vst v63  }
0x7e: {  	_ =	swait.ge [sflag:s17], $0x4000  }
0x7f: {  	[sflag:s17] =	ssyncset.done $0x0  }
0x80: {  	[sflag:s17] =	ssyncadd.s32 $0xFFFFC000  }
0x81: {  	[tilespmem:s14], [sflag:$0x2] =	stream.indirect.gather [hbm4b:s4+s13], $0x80, s20, s13, $0xb8;
	[tilespmem:$0x1D000] =	vst v63  }
0x82: {  	_ =	swait.ge [sflag:s18], $0x4000  }
0x83: {  	[sflag:s18] =	ssyncset.done $0x0  }
0x84: {  	[sflag:s18] =	ssyncadd.s32 $0xFFFFC000  }
0x85: {  	[spmem:s2] =	stream.indirect.scatter.add.f32 [tilespmem:s15], [sflag:$0x5], $0x80, s21, s13, $0xb8;
	[tilespmem:$0x1D000] =	vst v63  }
0x86: {  	_ =	swait.ge [sflag:s19], $0x4000  }
0x87: {  	[sflag:s19] =	ssyncset.done $0x0  }
0x88: {  	[sflag:s19] =	ssyncadd.s32 $0xFFFFC000  }
0x89: {  	[tilespmem:s15], [sflag:$0x3] =	stream.indirect.gather [hbm4b:s4+s13], $0x80, s22, s13, $0xb8;
	[tilespmem:$0x1D000] =	vst v63  }
0x8a: {  	_ =	swait.ge [sflag:s16], $0x4000  }
0x8b: {  	[sflag:s16] =	ssyncset.done $0x0  }
0x8c: {  	[sflag:s16] =	ssyncadd.s32 $0xFFFFC000  }
0x8d: {  	[spmem:s2] =	stream.indirect.scatter.add.f32 [tilespmem:s14], [sflag:$0x4], $0x80, s23, s13, $0xb8;
	[tilespmem:$0x1D000] =	vst v63  }
0x8e: {  	_ =	swait.ge [sflag:s17], $0x4000  }
0x8f: {  	[sflag:s17] =	ssyncset.done $0x0  }
0x90: {  	[sflag:s17] =	ssyncadd.s32 $0xFFFFC000  }
0x91: {  	[tilespmem:s14], [sflag:$0x2] =	stream.indirect.gather [hbm4b:s4+s13], $0x80, s24, s13, $0xb8;
	[tilespmem:$0x1D000] =	vst v63  }
0x92: {  	_ =	swait.ge [sflag:s18], $0x4000  }
0x93: {  	[sflag:s18] =	ssyncset.done $0x0  }
0x94: {  	[sflag:s18] =	ssyncadd.s32 $0xFFFFC000  }
0x95: {  	[spmem:s2] =	stream.indirect.scatter.add.f32 [tilespmem:s15], [sflag:$0x5], $0x80, s25, s13, $0xb8;
	[tilespmem:$0x1D000] =	vst v63  }
0x96: {  	_ =	swait.ge [sflag:s19], $0x4000  }
0x97: {  	[sflag:s19] =	ssyncset.done $0x0  }
0x98: {  	[sflag:s19] =	ssyncadd.s32 $0xFFFFC000  }
0x99: {  	[tilespmem:s15], [sflag:$0x3] =	stream.indirect.gather [hbm4b:s4+s13], $0x80, s26, s13, $0xb8;
	[tilespmem:$0x1D000] =	vst v63  }
0x9a: {  	_ =	swait.ge [sflag:s16], $0x4000  }
0x9b: {  	[sflag:s16] =	ssyncset.done $0x0  }
0x9c: {  	[sflag:s16] =	ssyncadd.s32 $0xFFFFC000  }
0x9d: {  	[spmem:s2] =	stream.indirect.scatter.add.f32 [tilespmem:s14], [sflag:$0x4], $0x80, s28, s13, $0xb8;
	[tilespmem:$0x1D000] =	vst v63  }
0x9e: {  	_ =	swait.ge [sflag:s17], $0x4000  }
0x9f: {  	[sflag:s17] =	ssyncset.done $0x0  }
0xa0: {  	[sflag:s17] =	ssyncadd.s32 $0xFFFFC000  }
0xa1: {  	[tilespmem:s14], [sflag:$0x2] =	stream.indirect.gather [hbm4b:s4+s13], $0x80, s29, s13, $0xb8;
	[tilespmem:$0x1D000] =	vst v63  }
0xa2: {  	_ =	swait.ge [sflag:s18], $0x4000  }
0xa3: {  	[sflag:s18] =	ssyncset.done $0x0  }
0xa4: {  	[sflag:s18] =	ssyncadd.s32 $0xFFFFC000  }
0xa5: {  	[spmem:s2] =	stream.indirect.scatter.add.f32 [tilespmem:s15], [sflag:$0x5], $0x80, s30, s13, $0xb8;
	[tilespmem:$0x1D000] =	vst v63  }
0xa6: {  	_ =	swait.ge [sflag:s19], $0x4000  }
0xa7: {  	[sflag:s19] =	ssyncset.done $0x0  }
0xa8: {  	[sflag:s19] =	ssyncadd.s32 $0xFFFFC000  }
0xa9: {  	[tilespmem:s15], [sflag:$0x3] =	stream.indirect.gather [hbm4b:s4+s13], $0x80, s31, s13, $0xb8;
	[tilespmem:$0x1D000] =	vst v63  }
0xaa: {  	_ =	swait.ge [sflag:s16], $0x4000  }
0xab: {  	[sflag:s16] =	ssyncset.done $0x0  }
0xac: {  	[sflag:s16] =	ssyncadd.s32 $0xFFFFC000  }
0xad: {  	[spmem:s2] =	stream.indirect.scatter.add.f32 [tilespmem:s14], [sflag:$0x4], $0x80, s1, s13, $0xb8;
	[tilespmem:$0x1D000] =	vst v63  }
0xae: {  	p1 =	por $0x0, $0x0;
	_ =	swait.ge [sflag:s18], $0x4000  }
0xaf: {  	s7 =	simm.s32 $0x100;
	s8 =	simm.s32 $0x200;
	[sflag:s18] =	ssyncset.done $0x0  }
.LBB2_2:
0xb0: {  	s6 =	simm.s32 @!p1 $0x4;
	[sflag:s18] =	ssyncadd.s32 $0xFFFFC000  }
0xb1: {  	[spmem:s2] =	stream.indirect.scatter.add.f32 [tilespmem:s15], [sflag:$0x5], $0x80, s0, s13, $0xb8;
	[tilespmem:$0x1D000] =	vst v63  }
0xb2: {  	_ =	swait.ge @!p1 [sflag:s6], $0x4000  }
0xb3: {  	[sflag:s6] =	ssyncset.done @!p1 $0x0  }
0xb4: {  	[sflag:s6] =	ssyncadd.s32 @!p1 $0xFFFFC000;
	s6 =	simm.s32 @!p1 $0x5  }
0xb5: {  	_ =	swait.ge @!p1 [sflag:s6], $0x4000  }
0xb6: {  	s10 =	rddreg [dreg:$0x3];
	[sflag:s6] =	ssyncset.done @!p1 $0x0  }
0xb7: {  	s5 =	rddreg [dreg:$0x4];
	[sflag:s6] =	ssyncadd.s32 @!p1 $0xFFFFC000;
	s10 =	sadd.s32 s7, s10  }
0xb8: {  	[tilespmem:s3], [sflag:$0x1] =	stream.linear.gather [hbm4b:s10+s3], $0x800, $0x38;
	[tilespmem:$0x1D000] =	vst v63  }
0xb9: {  	s5 =	sadd.s32 s7, s5  }
0xba: {  	[tilespmem:s11], [sflag:$0x1] =	stream.linear.gather [hbm4b:s5+s3], $0x800, $0x38;
	[tilespmem:$0x1D000] =	vst v63  }
0xbb: {  	_ =	swait.ge [sflag:s12], $0x800  }
0xbc: {  	[sflag:s12] =	ssyncset.done $0x0  }
0xbd: {  	[sflag:s12] =	ssyncadd.s32 $0xFFFFF800  }
0xbe: {  	_ =	swait.ge [sflag:s12], $0x800  }
0xbf: {  	[sflag:s12] =	ssyncset.done $0x0  }
0xc0: {  	[sflag:s12] =	ssyncadd.s32 $0xFFFFF800  }
0xc1: {  	[tilespmem:s14], [sflag:$0x2] =	stream.indirect.gather [hbm4b:s4+s13], $0x80, s3, s13, $0xb8;
	[tilespmem:$0x1D000] =	vst v63  }
0xc2: {  	_ = 	snop  }
0xc3: {  	[tilespmem:s15], [sflag:$0x3] =	stream.indirect.gather [hbm4b:s4+s13], $0x80, s13, s13, $0xb8;
	[tilespmem:$0x1D000] =	vst v63  }
0xc4: {  	_ =	swait.ge [sflag:s16], $0x4000  }
0xc5: {  	[sflag:s16] =	ssyncset.done $0x0  }
0xc6: {  	[sflag:s16] =	ssyncadd.s32 $0xFFFFC000  }
0xc7: {  	[spmem:s2] =	stream.indirect.scatter.add.f32 [tilespmem:s14], [sflag:$0x4], $0x80, s11, s13, $0xb8;
	[tilespmem:$0x1D000] =	vst v63  }
0xc8: {  	_ =	swait.ge [sflag:s17], $0x4000  }
0xc9: {  	[sflag:s17] =	ssyncset.done $0x0  }
0xca: {  	s10 =	rddreg [dreg:$0x5];
	[sflag:s17] =	ssyncadd.s32 $0xFFFFC000  }
0xcb: {  	[tilespmem:s14], [sflag:$0x2] =	stream.indirect.gather [hbm4b:s4+s13], $0x80, s10, s13, $0xb8;
	[tilespmem:$0x1D000] =	vst v63  }
0xcc: {  	_ =	swait.ge [sflag:s18], $0x4000  }
0xcd: {  	[sflag:s18] =	ssyncset.done $0x0  }
0xce: {  	s6 =	rddreg [dreg:$0x6];
	[sflag:s18] =	ssyncadd.s32 $0xFFFFC000  }
0xcf: {  	[spmem:s2] =	stream.indirect.scatter.add.f32 [tilespmem:s15], [sflag:$0x5], $0x80, s6, s13, $0xb8;
	[tilespmem:$0x1D000] =	vst v63  }
0xd0: {  	_ =	swait.ge [sflag:s19], $0x4000  }
0xd1: {  	s9 =	smov.u32 s8;
	[sflag:s19] =	ssyncset.done $0x0  }
0xd2: {  	s7 =	smov.u32 s9;
	s9 =	rddreg [dreg:$0x7];
	[sflag:s19] =	ssyncadd.s32 $0xFFFFC000  }
0xd3: {  	[tilespmem:s15], [sflag:$0x3] =	stream.indirect.gather [hbm4b:s4+s13], $0x80, s9, s13, $0xb8;
	[tilespmem:$0x1D000] =	vst v63  }
0xd4: {  	_ =	swait.ge [sflag:s16], $0x4000  }
0xd5: {  	[sflag:s16] =	ssyncset.done $0x0  }
0xd6: {  	s10 =	rddreg [dreg:$0x8];
	[sflag:s16] =	ssyncadd.s32 $0xFFFFC000  }
0xd7: {  	[spmem:s2] =	stream.indirect.scatter.add.f32 [tilespmem:s14], [sflag:$0x4], $0x80, s10, s13, $0xb8;
	[tilespmem:$0x1D000] =	vst v63  }
0xd8: {  	_ =	swait.ge [sflag:s17], $0x4000  }
0xd9: {  	[sflag:s17] =	ssyncset.done $0x0  }
0xda: {  	s6 =	rddreg [dreg:$0x9];
	[sflag:s17] =	ssyncadd.s32 $0xFFFFC000  }
0xdb: {  	[tilespmem:s14], [sflag:$0x2] =	stream.indirect.gather [hbm4b:s4+s13], $0x80, s6, s13, $0xb8;
	[tilespmem:$0x1D000] =	vst v63  }
0xdc: {  	_ =	swait.ge [sflag:s18], $0x4000  }
0xdd: {  	[sflag:s18] =	ssyncset.done $0x0  }
0xde: {  	s9 =	rddreg [dreg:$0xa];
	[sflag:s18] =	ssyncadd.s32 $0xFFFFC000  }
0xdf: {  	[spmem:s2] =	stream.indirect.scatter.add.f32 [tilespmem:s15], [sflag:$0x5], $0x80, s9, s13, $0xb8;
	[tilespmem:$0x1D000] =	vst v63  }
0xe0: {  	_ =	swait.ge [sflag:s19], $0x4000  }
0xe1: {  	[sflag:s19] =	ssyncset.done $0x0  }
0xe2: {  	s10 =	rddreg [dreg:$0xb];
	[sflag:s19] =	ssyncadd.s32 $0xFFFFC000  }
0xe3: {  	[tilespmem:s15], [sflag:$0x3] =	stream.indirect.gather [hbm4b:s4+s13], $0x80, s10, s13, $0xb8;
	[tilespmem:$0x1D000] =	vst v63  }
0xe4: {  	_ =	swait.ge [sflag:s16], $0x4000  }
0xe5: {  	[sflag:s16] =	ssyncset.done $0x0  }
0xe6: {  	s6 =	rddreg [dreg:$0xc];
	[sflag:s16] =	ssyncadd.s32 $0xFFFFC000  }
0xe7: {  	[spmem:s2] =	stream.indirect.scatter.add.f32 [tilespmem:s14], [sflag:$0x4], $0x80, s6, s13, $0xb8;
	[tilespmem:$0x1D000] =	vst v63  }
0xe8: {  	_ =	swait.ge [sflag:s17], $0x4000  }
0xe9: {  	[sflag:s17] =	ssyncset.done $0x0  }
0xea: {  	s9 =	rddreg [dreg:$0xd];
	[sflag:s17] =	ssyncadd.s32 $0xFFFFC000  }
0xeb: {  	[tilespmem:s14], [sflag:$0x2] =	stream.indirect.gather [hbm4b:s4+s13], $0x80, s9, s13, $0xb8;
	[tilespmem:$0x1D000] =	vst v63  }
0xec: {  	_ =	swait.ge [sflag:s18], $0x4000  }
0xed: {  	[sflag:s18] =	ssyncset.done $0x0  }
0xee: {  	s10 =	rddreg [dreg:$0xe];
	[sflag:s18] =	ssyncadd.s32 $0xFFFFC000  }
0xef: {  	[spmem:s2] =	stream.indirect.scatter.add.f32 [tilespmem:s15], [sflag:$0x5], $0x80, s10, s13, $0xb8;
	[tilespmem:$0x1D000] =	vst v63  }
0xf0: {  	_ =	swait.ge [sflag:s19], $0x4000  }
0xf1: {  	[sflag:s19] =	ssyncset.done $0x0  }
0xf2: {  	s6 =	rddreg [dreg:$0xf];
	[sflag:s19] =	ssyncadd.s32 $0xFFFFC000  }
0xf3: {  	[tilespmem:s15], [sflag:$0x3] =	stream.indirect.gather [hbm4b:s4+s13], $0x80, s6, s13, $0xb8;
	[tilespmem:$0x1D000] =	vst v63  }
0xf4: {  	_ =	swait.ge [sflag:s16], $0x4000  }
0xf5: {  	[sflag:s16] =	ssyncset.done $0x0  }
0xf6: {  	s9 =	rddreg [dreg:$0x10];
	[sflag:s16] =	ssyncadd.s32 $0xFFFFC000  }
0xf7: {  	[spmem:s2] =	stream.indirect.scatter.add.f32 [tilespmem:s14], [sflag:$0x4], $0x80, s9, s13, $0xb8;
	[tilespmem:$0x1D000] =	vst v63  }
0xf8: {  	_ =	swait.ge [sflag:s17], $0x4000  }
0xf9: {  	[sflag:s17] =	ssyncset.done $0x0  }
0xfa: {  	s10 =	rddreg [dreg:$0x11];
	[sflag:s17] =	ssyncadd.s32 $0xFFFFC000  }
0xfb: {  	[tilespmem:s14], [sflag:$0x2] =	stream.indirect.gather [hbm4b:s4+s13], $0x80, s10, s13, $0xb8;
	[tilespmem:$0x1D000] =	vst v63  }
0xfc: {  	_ =	swait.ge [sflag:s18], $0x4000  }
0xfd: {  	[sflag:s18] =	ssyncset.done $0x0  }
0xfe: {  	s6 =	rddreg [dreg:$0x12];
	[sflag:s18] =	ssyncadd.s32 $0xFFFFC000  }
0xff: {  	[spmem:s2] =	stream.indirect.scatter.add.f32 [tilespmem:s15], [sflag:$0x5], $0x80, s6, s13, $0xb8;
	[tilespmem:$0x1D000] =	vst v63  }
0x100: {  	_ =	swait.ge [sflag:s19], $0x4000  }
0x101: {  	[sflag:s19] =	ssyncset.done $0x0  }
0x102: {  	s9 =	rddreg [dreg:$0x13];
	[sflag:s19] =	ssyncadd.s32 $0xFFFFC000  }
0x103: {  	[tilespmem:s15], [sflag:$0x3] =	stream.indirect.gather [hbm4b:s4+s13], $0x80, s9, s13, $0xb8;
	[tilespmem:$0x1D000] =	vst v63  }
0x104: {  	_ =	swait.ge [sflag:s16], $0x4000  }
0x105: {  	[sflag:s16] =	ssyncset.done $0x0  }
0x106: {  	s10 =	rddreg [dreg:$0x14];
	[sflag:s16] =	ssyncadd.s32 $0xFFFFC000  }
0x107: {  	[spmem:s2] =	stream.indirect.scatter.add.f32 [tilespmem:s14], [sflag:$0x4], $0x80, s10, s13, $0xb8;
	[tilespmem:$0x1D000] =	vst v63  }
0x108: {  	_ =	swait.ge [sflag:s17], $0x4000  }
0x109: {  	[sflag:s17] =	ssyncset.done $0x0  }
0x10a: {  	[sflag:s17] =	ssyncadd.s32 $0xFFFFC000  }
0x10b: {  	[tilespmem:s14], [sflag:$0x2] =	stream.indirect.gather [hbm4b:s4+s13], $0x80, s20, s13, $0xb8;
	[tilespmem:$0x1D000] =	vst v63  }
0x10c: {  	_ =	swait.ge [sflag:s18], $0x4000  }
0x10d: {  	[sflag:s18] =	ssyncset.done $0x0  }
0x10e: {  	[sflag:s18] =	ssyncadd.s32 $0xFFFFC000  }
0x10f: {  	[spmem:s2] =	stream.indirect.scatter.add.f32 [tilespmem:s15], [sflag:$0x5], $0x80, s21, s13, $0xb8;
	[tilespmem:$0x1D000] =	vst v63  }
0x110: {  	_ =	swait.ge [sflag:s19], $0x4000  }
0x111: {  	[sflag:s19] =	ssyncset.done $0x0  }
0x112: {  	[sflag:s19] =	ssyncadd.s32 $0xFFFFC000  }
0x113: {  	[tilespmem:s15], [sflag:$0x3] =	stream.indirect.gather [hbm4b:s4+s13], $0x80, s22, s13, $0xb8;
	[tilespmem:$0x1D000] =	vst v63  }
0x114: {  	_ =	swait.ge [sflag:s16], $0x4000  }
0x115: {  	[sflag:s16] =	ssyncset.done $0x0  }
0x116: {  	[sflag:s16] =	ssyncadd.s32 $0xFFFFC000  }
0x117: {  	[spmem:s2] =	stream.indirect.scatter.add.f32 [tilespmem:s14], [sflag:$0x4], $0x80, s23, s13, $0xb8;
	[tilespmem:$0x1D000] =	vst v63  }
0x118: {  	_ =	swait.ge [sflag:s17], $0x4000  }
0x119: {  	[sflag:s17] =	ssyncset.done $0x0  }
0x11a: {  	[sflag:s17] =	ssyncadd.s32 $0xFFFFC000  }
0x11b: {  	[tilespmem:s14], [sflag:$0x2] =	stream.indirect.gather [hbm4b:s4+s13], $0x80, s24, s13, $0xb8;
	[tilespmem:$0x1D000] =	vst v63  }
0x11c: {  	_ =	swait.ge [sflag:s18], $0x4000  }
0x11d: {  	[sflag:s18] =	ssyncset.done $0x0  }
0x11e: {  	[sflag:s18] =	ssyncadd.s32 $0xFFFFC000  }
0x11f: {  	[spmem:s2] =	stream.indirect.scatter.add.f32 [tilespmem:s15], [sflag:$0x5], $0x80, s25, s13, $0xb8;
	[tilespmem:$0x1D000] =	vst v63  }
0x120: {  	_ =	swait.ge [sflag:s19], $0x4000  }
0x121: {  	[sflag:s19] =	ssyncset.done $0x0  }
0x122: {  	[sflag:s19] =	ssyncadd.s32 $0xFFFFC000  }
0x123: {  	[tilespmem:s15], [sflag:$0x3] =	stream.indirect.gather [hbm4b:s4+s13], $0x80, s26, s13, $0xb8;
	[tilespmem:$0x1D000] =	vst v63  }
0x124: {  	_ =	swait.ge [sflag:s16], $0x4000  }
0x125: {  	[sflag:s16] =	ssyncset.done $0x0  }
0x126: {  	[sflag:s16] =	ssyncadd.s32 $0xFFFFC000  }
0x127: {  	[spmem:s2] =	stream.indirect.scatter.add.f32 [tilespmem:s14], [sflag:$0x4], $0x80, s28, s13, $0xb8;
	[tilespmem:$0x1D000] =	vst v63  }
0x128: {  	_ =	swait.ge [sflag:s17], $0x4000  }
0x129: {  	[sflag:s17] =	ssyncset.done $0x0  }
0x12a: {  	[sflag:s17] =	ssyncadd.s32 $0xFFFFC000  }
0x12b: {  	[tilespmem:s14], [sflag:$0x2] =	stream.indirect.gather [hbm4b:s4+s13], $0x80, s29, s13, $0xb8;
	[tilespmem:$0x1D000] =	vst v63  }
0x12c: {  	_ =	swait.ge [sflag:s18], $0x4000  }
0x12d: {  	[sflag:s18] =	ssyncset.done $0x0  }
0x12e: {  	[sflag:s18] =	ssyncadd.s32 $0xFFFFC000  }
0x12f: {  	[spmem:s2] =	stream.indirect.scatter.add.f32 [tilespmem:s15], [sflag:$0x5], $0x80, s30, s13, $0xb8;
	[tilespmem:$0x1D000] =	vst v63  }
0x130: {  	_ =	swait.ge [sflag:s19], $0x4000  }
0x131: {  	[sflag:s19] =	ssyncset.done $0x0  }
0x132: {  	s8 =	sadd.s32 $0x100, s8;
	[sflag:s19] =	ssyncadd.s32 $0xFFFFC000  }
0x133: {  	[tilespmem:s15], [sflag:$0x3] =	stream.indirect.gather [hbm4b:s4+s13], $0x80, s31, s13, $0xb8;
	[tilespmem:$0x1D000] =	vst v63  }
0x134: {  	p0 =	sne.s32 s8, $0xA00;
	_ =	swait.ge [sflag:s16], $0x4000  }
.Ltmp0:
0x135: {  	[sflag:s16] =	ssyncset.done $0x0;
	(pc) =	sbr.rel @p0 .LBB2_2-.Ltmp0, $4  }
0x136: {  	[sflag:s16] =	ssyncadd.s32 $0xFFFFC000  }
0x137: {  	[spmem:s2] =	stream.indirect.scatter.add.f32 [tilespmem:s14], [sflag:$0x4], $0x80, s1, s13, $0xb8;
	[tilespmem:$0x1D000] =	vst v63  }
0x138: {  	_ =	swait.ge [sflag:s18], $0x4000  }
0x139: {  	p1 =	seq.s32 s7, $0x0;
	[sflag:s18] =	ssyncset.done $0x0  }
0x13a: {  	s5 =	simm.s32 @!p1 $0x4;
	[sflag:s18] =	ssyncadd.s32 $0xFFFFC000  }
0x13b: {  	[spmem:s2] =	stream.indirect.scatter.add.f32 [tilespmem:s15], [sflag:$0x5], $0x80, s0, s13, $0xb8;
	[tilespmem:$0x1D000] =	vst v63  }
0x13c: {  	_ =	swait.ge @!p1 [sflag:s5], $0x4000  }
0x13d: {  	[sflag:s5] =	ssyncset.done @!p1 $0x0  }
0x13e: {  	[sflag:s5] =	ssyncadd.s32 @!p1 $0xFFFFC000;
	s5 =	simm.s32 @!p1 $0x5  }
0x13f: {  	_ =	swait.ge @!p1 [sflag:s5], $0x4000  }
0x140: {  	s6 =	rddreg [dreg:$0x3];
	[sflag:s5] =	ssyncset.done @!p1 $0x0  }
0x141: {  	s8 =	rddreg [dreg:$0x4];
	[sflag:s5] =	ssyncadd.s32 @!p1 $0xFFFFC000;
	s6 =	sadd.s32 s7, s6  }
0x142: {  	[tilespmem:s3], [sflag:$0x1] =	stream.linear.gather [hbm4b:s6+s3], $0x800, $0x38;
	[tilespmem:$0x1D000] =	vst v63  }
0x143: {  	s7 =	sadd.s32 s7, s8  }
0x144: {  	[tilespmem:s11], [sflag:$0x1] =	stream.linear.gather [hbm4b:s7+s3], $0x800, $0x38;
	[tilespmem:$0x1D000] =	vst v63  }
0x145: {  	_ =	swait.ge [sflag:s12], $0x800  }
0x146: {  	[sflag:s12] =	ssyncset.done $0x0  }
0x147: {  	[sflag:s12] =	ssyncadd.s32 $0xFFFFF800  }
0x148: {  	_ =	swait.ge [sflag:s12], $0x800  }
0x149: {  	[sflag:s12] =	ssyncset.done $0x0  }
0x14a: {  	[sflag:s12] =	ssyncadd.s32 $0xFFFFF800  }
0x14b: {  	[tilespmem:s14], [sflag:$0x2] =	stream.indirect.gather [hbm4b:s4+s13], $0x80, s3, s13, $0xb8;
	[tilespmem:$0x1D000] =	vst v63  }
0x14c: {  	_ = 	snop  }
0x14d: {  	[tilespmem:s15], [sflag:$0x3] =	stream.indirect.gather [hbm4b:s4+s13], $0x80, s13, s13, $0xb8;
	[tilespmem:$0x1D000] =	vst v63  }
0x14e: {  	_ =	swait.ge [sflag:s16], $0x4000  }
0x14f: {  	[sflag:s16] =	ssyncset.done $0x0  }
0x150: {  	[sflag:s16] =	ssyncadd.s32 $0xFFFFC000  }
0x151: {  	[spmem:s2] =	stream.indirect.scatter.add.f32 [tilespmem:s14], [sflag:$0x4], $0x80, s11, s13, $0xb8;
	[tilespmem:$0x1D000] =	vst v63  }
0x152: {  	_ =	swait.ge [sflag:s17], $0x4000  }
0x153: {  	[sflag:s17] =	ssyncset.done $0x0  }
0x154: {  	s8 =	rddreg [dreg:$0x5];
	[sflag:s17] =	ssyncadd.s32 $0xFFFFC000  }
0x155: {  	[tilespmem:s14], [sflag:$0x2] =	stream.indirect.gather [hbm4b:s4+s13], $0x80, s8, s13, $0xb8;
	[tilespmem:$0x1D000] =	vst v63  }
0x156: {  	_ =	swait.ge [sflag:s18], $0x4000  }
0x157: {  	[sflag:s18] =	ssyncset.done $0x0  }
0x158: {  	s9 =	rddreg [dreg:$0x6];
	[sflag:s18] =	ssyncadd.s32 $0xFFFFC000  }
0x159: {  	[spmem:s2] =	stream.indirect.scatter.add.f32 [tilespmem:s15], [sflag:$0x5], $0x80, s9, s13, $0xb8;
	[tilespmem:$0x1D000] =	vst v63  }
0x15a: {  	_ =	swait.ge [sflag:s19], $0x4000  }
0x15b: {  	[sflag:s19] =	ssyncset.done $0x0  }
0x15c: {  	s10 =	rddreg [dreg:$0x7];
	[sflag:s19] =	ssyncadd.s32 $0xFFFFC000  }
0x15d: {  	[tilespmem:s15], [sflag:$0x3] =	stream.indirect.gather [hbm4b:s4+s13], $0x80, s10, s13, $0xb8;
	[tilespmem:$0x1D000] =	vst v63  }
0x15e: {  	_ =	swait.ge [sflag:s16], $0x4000  }
0x15f: {  	[sflag:s16] =	ssyncset.done $0x0  }
0x160: {  	s6 =	rddreg [dreg:$0x8];
	[sflag:s16] =	ssyncadd.s32 $0xFFFFC000  }
0x161: {  	[spmem:s2] =	stream.indirect.scatter.add.f32 [tilespmem:s14], [sflag:$0x4], $0x80, s6, s13, $0xb8;
	[tilespmem:$0x1D000] =	vst v63  }
0x162: {  	_ =	swait.ge [sflag:s17], $0x4000  }
0x163: {  	[sflag:s17] =	ssyncset.done $0x0  }
0x164: {  	s7 =	rddreg [dreg:$0x9];
	[sflag:s17] =	ssyncadd.s32 $0xFFFFC000  }
0x165: {  	[tilespmem:s14], [sflag:$0x2] =	stream.indirect.gather [hbm4b:s4+s13], $0x80, s7, s13, $0xb8;
	[tilespmem:$0x1D000] =	vst v63  }
0x166: {  	_ =	swait.ge [sflag:s18], $0x4000  }
0x167: {  	[sflag:s18] =	ssyncset.done $0x0  }
0x168: {  	s8 =	rddreg [dreg:$0xa];
	[sflag:s18] =	ssyncadd.s32 $0xFFFFC000  }
0x169: {  	[spmem:s2] =	stream.indirect.scatter.add.f32 [tilespmem:s15], [sflag:$0x5], $0x80, s8, s13, $0xb8;
	[tilespmem:$0x1D000] =	vst v63  }
0x16a: {  	_ =	swait.ge [sflag:s19], $0x4000  }
0x16b: {  	[sflag:s19] =	ssyncset.done $0x0  }
0x16c: {  	s9 =	rddreg [dreg:$0xb];
	[sflag:s19] =	ssyncadd.s32 $0xFFFFC000  }
0x16d: {  	[tilespmem:s15], [sflag:$0x3] =	stream.indirect.gather [hbm4b:s4+s13], $0x80, s9, s13, $0xb8;
	[tilespmem:$0x1D000] =	vst v63  }
0x16e: {  	_ =	swait.ge [sflag:s16], $0x4000  }
0x16f: {  	[sflag:s16] =	ssyncset.done $0x0  }
0x170: {  	s10 =	rddreg [dreg:$0xc];
	[sflag:s16] =	ssyncadd.s32 $0xFFFFC000  }
0x171: {  	[spmem:s2] =	stream.indirect.scatter.add.f32 [tilespmem:s14], [sflag:$0x4], $0x80, s10, s13, $0xb8;
	[tilespmem:$0x1D000] =	vst v63  }
0x172: {  	_ =	swait.ge [sflag:s17], $0x4000  }
0x173: {  	[sflag:s17] =	ssyncset.done $0x0  }
0x174: {  	s6 =	rddreg [dreg:$0xd];
	[sflag:s17] =	ssyncadd.s32 $0xFFFFC000  }
0x175: {  	[tilespmem:s14], [sflag:$0x2] =	stream.indirect.gather [hbm4b:s4+s13], $0x80, s6, s13, $0xb8;
	[tilespmem:$0x1D000] =	vst v63  }
0x176: {  	_ =	swait.ge [sflag:s18], $0x4000  }
0x177: {  	[sflag:s18] =	ssyncset.done $0x0  }
0x178: {  	s7 =	rddreg [dreg:$0xe];
	[sflag:s18] =	ssyncadd.s32 $0xFFFFC000  }
0x179: {  	[spmem:s2] =	stream.indirect.scatter.add.f32 [tilespmem:s15], [sflag:$0x5], $0x80, s7, s13, $0xb8;
	[tilespmem:$0x1D000] =	vst v63  }
0x17a: {  	_ =	swait.ge [sflag:s19], $0x4000  }
0x17b: {  	[sflag:s19] =	ssyncset.done $0x0  }
0x17c: {  	s8 =	rddreg [dreg:$0xf];
	[sflag:s19] =	ssyncadd.s32 $0xFFFFC000  }
0x17d: {  	[tilespmem:s15], [sflag:$0x3] =	stream.indirect.gather [hbm4b:s4+s13], $0x80, s8, s13, $0xb8;
	[tilespmem:$0x1D000] =	vst v63  }
0x17e: {  	_ =	swait.ge [sflag:s16], $0x4000  }
0x17f: {  	[sflag:s16] =	ssyncset.done $0x0  }
0x180: {  	s9 =	rddreg [dreg:$0x10];
	[sflag:s16] =	ssyncadd.s32 $0xFFFFC000  }
0x181: {  	[spmem:s2] =	stream.indirect.scatter.add.f32 [tilespmem:s14], [sflag:$0x4], $0x80, s9, s13, $0xb8;
	[tilespmem:$0x1D000] =	vst v63  }
0x182: {  	_ =	swait.ge [sflag:s17], $0x4000  }
0x183: {  	[sflag:s17] =	ssyncset.done $0x0  }
0x184: {  	s10 =	rddreg [dreg:$0x11];
	[sflag:s17] =	ssyncadd.s32 $0xFFFFC000  }
0x185: {  	[tilespmem:s14], [sflag:$0x2] =	stream.indirect.gather [hbm4b:s4+s13], $0x80, s10, s13, $0xb8;
	[tilespmem:$0x1D000] =	vst v63  }
0x186: {  	_ =	swait.ge [sflag:s18], $0x4000  }
0x187: {  	[sflag:s18] =	ssyncset.done $0x0  }
0x188: {  	s6 =	rddreg [dreg:$0x12];
	[sflag:s18] =	ssyncadd.s32 $0xFFFFC000  }
0x189: {  	[spmem:s2] =	stream.indirect.scatter.add.f32 [tilespmem:s15], [sflag:$0x5], $0x80, s6, s13, $0xb8;
	[tilespmem:$0x1D000] =	vst v63  }
0x18a: {  	_ =	swait.ge [sflag:s19], $0x4000  }
0x18b: {  	[sflag:s19] =	ssyncset.done $0x0  }
0x18c: {  	s7 =	rddreg [dreg:$0x13];
	[sflag:s19] =	ssyncadd.s32 $0xFFFFC000  }
0x18d: {  	[tilespmem:s15], [sflag:$0x3] =	stream.indirect.gather [hbm4b:s4+s13], $0x80, s7, s13, $0xb8;
	[tilespmem:$0x1D000] =	vst v63  }
0x18e: {  	_ =	swait.ge [sflag:s16], $0x4000  }
0x18f: {  	[sflag:s16] =	ssyncset.done $0x0  }
0x190: {  	s8 =	rddreg [dreg:$0x14];
	[sflag:s16] =	ssyncadd.s32 $0xFFFFC000  }
0x191: {  	[spmem:s2] =	stream.indirect.scatter.add.f32 [tilespmem:s14], [sflag:$0x4], $0x80, s8, s13, $0xb8;
	[tilespmem:$0x1D000] =	vst v63  }
0x192: {  	_ =	swait.ge [sflag:s17], $0x4000  }
0x193: {  	[sflag:s17] =	ssyncset.done $0x0  }
0x194: {  	[sflag:s17] =	ssyncadd.s32 $0xFFFFC000  }
0x195: {  	[tilespmem:s14], [sflag:$0x2] =	stream.indirect.gather [hbm4b:s4+s13], $0x80, s20, s13, $0xb8;
	[tilespmem:$0x1D000] =	vst v63  }
0x196: {  	_ =	swait.ge [sflag:s18], $0x4000  }
0x197: {  	[sflag:s18] =	ssyncset.done $0x0  }
0x198: {  	[sflag:s18] =	ssyncadd.s32 $0xFFFFC000  }
0x199: {  	[spmem:s2] =	stream.indirect.scatter.add.f32 [tilespmem:s15], [sflag:$0x5], $0x80, s21, s13, $0xb8;
	[tilespmem:$0x1D000] =	vst v63  }
0x19a: {  	_ =	swait.ge [sflag:s19], $0x4000  }
0x19b: {  	[sflag:s19] =	ssyncset.done $0x0  }
0x19c: {  	[sflag:s19] =	ssyncadd.s32 $0xFFFFC000  }
0x19d: {  	[tilespmem:s15], [sflag:$0x3] =	stream.indirect.gather [hbm4b:s4+s13], $0x80, s22, s13, $0xb8;
	[tilespmem:$0x1D000] =	vst v63  }
0x19e: {  	_ =	swait.ge [sflag:s16], $0x4000  }
0x19f: {  	[sflag:s16] =	ssyncset.done $0x0  }
0x1a0: {  	[sflag:s16] =	ssyncadd.s32 $0xFFFFC000  }
0x1a1: {  	[spmem:s2] =	stream.indirect.scatter.add.f32 [tilespmem:s14], [sflag:$0x4], $0x80, s23, s13, $0xb8;
	[tilespmem:$0x1D000] =	vst v63  }
0x1a2: {  	_ =	swait.ge [sflag:s17], $0x4000  }
0x1a3: {  	[sflag:s17] =	ssyncset.done $0x0  }
0x1a4: {  	[sflag:s17] =	ssyncadd.s32 $0xFFFFC000  }
0x1a5: {  	[tilespmem:s14], [sflag:$0x2] =	stream.indirect.gather [hbm4b:s4+s13], $0x80, s24, s13, $0xb8;
	[tilespmem:$0x1D000] =	vst v63  }
0x1a6: {  	_ =	swait.ge [sflag:s18], $0x4000  }
0x1a7: {  	[sflag:s18] =	ssyncset.done $0x0  }
0x1a8: {  	[sflag:s18] =	ssyncadd.s32 $0xFFFFC000  }
0x1a9: {  	[spmem:s2] =	stream.indirect.scatter.add.f32 [tilespmem:s15], [sflag:$0x5], $0x80, s25, s13, $0xb8;
	[tilespmem:$0x1D000] =	vst v63  }
0x1aa: {  	_ =	swait.ge [sflag:s19], $0x4000  }
0x1ab: {  	[sflag:s19] =	ssyncset.done $0x0  }
0x1ac: {  	[sflag:s19] =	ssyncadd.s32 $0xFFFFC000  }
0x1ad: {  	[tilespmem:s15], [sflag:$0x3] =	stream.indirect.gather [hbm4b:s4+s13], $0x80, s26, s13, $0xb8;
	[tilespmem:$0x1D000] =	vst v63  }
0x1ae: {  	_ =	swait.ge [sflag:s16], $0x4000  }
0x1af: {  	[sflag:s16] =	ssyncset.done $0x0  }
0x1b0: {  	[sflag:s16] =	ssyncadd.s32 $0xFFFFC000  }
0x1b1: {  	[spmem:s2] =	stream.indirect.scatter.add.f32 [tilespmem:s14], [sflag:$0x4], $0x80, s28, s13, $0xb8;
	[tilespmem:$0x1D000] =	vst v63  }
0x1b2: {  	_ =	swait.ge [sflag:s17], $0x4000  }
0x1b3: {  	[sflag:s17] =	ssyncset.done $0x0  }
0x1b4: {  	[sflag:s17] =	ssyncadd.s32 $0xFFFFC000  }
0x1b5: {  	[tilespmem:s14], [sflag:$0x2] =	stream.indirect.gather [hbm4b:s4+s13], $0x80, s29, s13, $0xb8;
	[tilespmem:$0x1D000] =	vst v63  }
0x1b6: {  	_ =	swait.ge [sflag:s18], $0x4000  }
0x1b7: {  	[sflag:s18] =	ssyncset.done $0x0  }
0x1b8: {  	[sflag:s18] =	ssyncadd.s32 $0xFFFFC000  }
0x1b9: {  	[spmem:s2] =	stream.indirect.scatter.add.f32 [tilespmem:s15], [sflag:$0x5], $0x80, s30, s13, $0xb8;
	[tilespmem:$0x1D000] =	vst v63  }
0x1ba: {  	_ =	swait.ge [sflag:s19], $0x4000  }
0x1bb: {  	[sflag:s19] =	ssyncset.done $0x0  }
0x1bc: {  	[sflag:s19] =	ssyncadd.s32 $0xFFFFC000  }
0x1bd: {  	[tilespmem:s15], [sflag:$0x3] =	stream.indirect.gather [hbm4b:s4+s13], $0x80, s31, s13, $0xb8;
	[tilespmem:$0x1D000] =	vst v63  }
0x1be: {  	_ =	swait.ge [sflag:s16], $0x4000  }
0x1bf: {  	[sflag:s16] =	ssyncset.done $0x0  }
0x1c0: {  	[sflag:s16] =	ssyncadd.s32 $0xFFFFC000  }
0x1c1: {  	[spmem:s2] =	stream.indirect.scatter.add.f32 [tilespmem:s14], [sflag:$0x4], $0x80, s1, s13, $0xb8;
	[tilespmem:$0x1D000] =	vst v63  }
0x1c2: {  	_ =	swait.ge [sflag:s18], $0x4000  }
0x1c3: {  	[sflag:s18] =	ssyncset.done $0x0  }
0x1c4: {  	[sflag:s18] =	ssyncadd.s32 $0xFFFFC000  }
0x1c5: {  	[spmem:s2] =	stream.indirect.scatter.add.f32 [tilespmem:s15], [sflag:$0x5], $0x80, s0, s13, $0xb8;
	[tilespmem:$0x1D000] =	vst v63  }
0x1c6: {  	_ =	swait.ge [sflag:s17], $0x4000  }
0x1c7: {  	[sflag:s17] =	ssyncset.done $0x0  }
0x1c8: {  	[sflag:s17] =	ssyncadd.s32 $0xFFFFC000  }
0x1c9: {  	_ =	swait.ge [sflag:s19], $0x4000  }
0x1ca: {  	[sflag:s19] =	ssyncset.done $0x0  }
0x1cb: {  	[sflag:s19] =	ssyncadd.s32 $0xFFFFC000  }
0x1cc: {  	[bflag:$0x0] =	sbarrier.arrive $0xFFFF  }
0x1cd: {  	s6 =	rddreg [dreg:$0x16]  }
0x1ce: {  	s9 =	rddreg [dreg:$0x17]  }
0x1cf: {  	s8 =	simm.s32 $0x6;
	s7 =	rddreg [dreg:$0x19]  }
0x1d0: {  	[hbm:s9], [sflag:s6] =	dma.local [spmem:s7], $0x2800  }
0x1d1: {  	_ =	swait.ge [sflag:s8], $0x2800  }
0x1d2: {  	s9 =	rddreg [dreg:$0x1a]  }
0x1d3: {  	s10 =	rddreg [dreg:$0x18];
	s9 =	sadd.s32 $0x1, s9  }
0x1d4: {  	p0 =	sne.s32 s9, s10  }
.Ltmp1:
0x1d5: {  	_ = 	snop;
	(pc) =	sbr.rel @p0 .LBB2_1-.Ltmp1, $3  }
0x1d6: {  	_ =	sdelay $0x1  }
0x1d7: {  	[sflag:s8] =	ssyncset.done $0x0  }
0x1d8: {  	[sflag:s8] =	ssyncadd.s32 $0xFFFFD800  }
0x1d9: {  	_ =	sfence.sel $0x180000  }
0x1da: {  	[bflag:$0x0] =	sbarrier.arrive $0xFFFF  }
0x1db: {  	_ =	strace $0x9000004A  }
0x1dc: {  	s0 =	stileid.u32;
	[bflag:$0x2] =	sbarrier.arrive $0xFFFF  }
0x1dd: {  	p0 =	sne.s32 s0, $0x0;
	s0 =	rddreg [dreg:$0x2]  }
0x1de: {  	s0 =	sadd.s32 @!p0 $0x100000, s0  }
0x1df: {  	[sflag:s0] =	ssyncadd.tile.s32 @!p0 $0x1;
	_ =	shalt  }
.Lfunc_end2:
_tile_overlayer_lowered:
.L_overlay_start_2:
0x1e0: {  	(tag) =	ssettag $0x2  }
0x1e1: {  	s0 =	rddreg [dreg:$0x0];
	s2 =	stileid.u32  }
0x1e2: {  	s1 =	rddreg [dreg:$0x1];
	p0 =	sne.s32 s2, $0x0  }
0x1e3: {  	s3 =	rddreg [dreg:$0x2];
	[bflag:$0x3] =	sbarrier.arrive $0xFFFF;
	s2 =	simm.s32 @!p0 $0x1C06  }
0x1e4: {  	[timem:s3], [sflag:s2] =	dma.local @!p0 [hbm:s0], s1  }
0x1e5: {  	s0 =	simm.s32 @!p0 $0x6  }
0x1e6: {  	_ =	swait.ge @!p0 [sflag:s0], s1  }
0x1e7: {  	s1 =	ssub.s32 @!p0 $0x0, s1;
	[sflag:s0] =	ssyncset.done @!p0 $0x0  }
0x1e8: {  	[sflag:s0] =	ssyncadd.s32 @!p0 s1  }
0x1e9: {  	[bflag:$0x3] =	sbarrier.arrive $0xFFFF  }
0x1ea: {  	_ =	shalt  }

// kernel: kernel.16.cloned.1.call-start
scs
__scs_entry_jumppad:
0x0: {  	(pc) =	sbr.rel $0x88, $3  }
0x1: {  	(tag) =	ssettag $0x0;
	lr =	simm.s32 $0x1  }
0x2: {  	[smem:$0x3F93] =	sst lr;
	_ =	strace $0xD0000000  }
0x3: {  	_ = 	snop  }
0x4: {  	_ = 	snop  }
0x5: {  	_ = 	snop  }
0x6: {  	_ = 	snop  }
0x7: {  	_ = 	snop  }
__scs_overlays_trampoline_lowered:
0x8: {  	[smem:$0x3FA2] =	sst s0  }
0x9: {  	[smem:$0x3FA3] =	sst s1  }
0xa: {  	[smem:$0x3FA4] =	sst s2  }
0xb: {  	[smem:$0x3FA5] =	sst s3  }
0xc: {  	[smem:$0x3FA6] =	sst s4  }
0xd: {  	[smem:$0x3FA7] =	sst s5  }
0xe: {  	[smem:$0x3FA8] =	sst s6  }
0xf: {  	[smem:$0x3FA9] =	sst s7  }
0x10: {  	[smem:$0x3FAA] =	sst s8  }
0x11: {  	[smem:$0x3FAB] =	sst s9;
	s0 =	simm.s32 @!p0 $0x0  }
0x12: {  	s1 =	sld [smem:$0x3F91];
	s0 =	simm.s32 @p0 $0x1  }
0x13: {  	[smem:$0x3FAC] =	sst s0;
	s0 =	simm.s32 @!p1 $0x0  }
0x14: {  	s2 =	sld [smem:$0x3F90];
	s0 =	simm.s32 @p1 $0x1  }
0x15: {  	[smem:$0x3FAD] =	sst s0;
	s0 =	simm.s32 @!p2 $0x0  }
0x16: {  	s3 =	sld [smem:$0x3FDB];
	s0 =	simm.s32 @p2 $0x1  }
0x17: {  	s4 =	simm.s32 $0x1BF5;
	[smem:$0x3FAF] =	sst s0  }
0x18: {  	s0 =	sld [smem:$0x3F92];
	_ =	swait.ge [sflag:s4], $0x0  }
0x19: {  	s7 =	sld [smem:$0x3F93]  }
0x1a: {  	s8 =	sadd.s32 $0xFFFFE003, lr  }
0x1b: {  	s9 =	sadd.s32 $0xFFFFFEF7, lr;
	s5 =	simm.s32 $0xFFFFFFFF;
	p2 =	slt.u32 s8, $0xFFFFF086  }
0x1c: {  	p1 =	slt.u32 s9, $0xF7A;
	s5 =	simm.s32 @!p2 $0x0  }
0x1d: {  	s5 =	simm.s32 @p1 $0x1;
	p0 =	seq.s32 s7, s2  }
0x1e: {  	s7 =	smul.u32 @!p0 $0xF7A, s2;
	p2 =	seq.s32 @!p0 s5, $0x0  }
0x1f: {  	s9 =	smul.u32 $0xF7A, s1;
	s8 =	simm.s32 @!p0 $0x1BF5;
	p2 =	por !p2, p0  }
0x20: {  	[sflag:s8] =	ssyncset.s32 @!p0 $0xFFFFF086;
	s6 =	sadd.s32 @!p0 s3, s7;
	s7 =	simm.s32 @!p0 $0x108  }
0x21: {  	s3 =	sadd.s32 s3, s9;
	s6 =	sadd.s32 @!p0 $0x88, s6;
	s7 =	simm.s32 @p2 $0x1082  }
0x22: {  	[simem:s7], [sflag:s8] =	dma.local @!p0 [hbm:s6], $0xF7A  }
0x23: {  	s9 =	sor.u32 $0xD0000000, s2;
	s6 =	simm.s32 $0x108;
	_ =	swait.ge @!p0 [sflag:s8], $0x0  }
0x24: {  	s3 =	sadd.s32 $0x88, s3;
	s6 =	simm.s32 @!p1 $0x1082;
	[sflag:s4] =	ssyncset.s32 $0xFFFFF086  }
0x25: {  	[simem:s6], [sflag:s4] =	dma.local [hbm:s3], $0xF7A  }
0x26: {  	[smem:$0x3F93] =	sst s1;
	(tag) =	ssettag s2;
	_ =	strace s9  }
0x27: {  	s1 =	sld [smem:$0x3FA3]  }
0x28: {  	s2 =	sld [smem:$0x3FA4]  }
0x29: {  	s4 =	sld [smem:$0x3FA6]  }
0x2a: {  	p0 =	seq.s32 s5, $0x0;
	s5 =	sld [smem:$0x3FA7]  }
0x2b: {  	s6 =	sld [smem:$0x3FA8]  }
0x2c: {  	s7 =	sld [smem:$0x3FA9]  }
0x2d: {  	s3 =	simm.s32 $0x108;
	s8 =	sld [smem:$0x3FAA]  }
0x2e: {  	s3 =	simm.s32 @!p0 $0x1082;
	s9 =	sld [smem:$0x3FAB]  }
0x2f: {  	lr =	sadd.s32 s0, s3;
	s0 =	sld [smem:$0x3FA2]  }
0x30: {  	s3 =	sld [smem:$0x3FA5]  }
0x31: {  	[smem:$0x3FAE] =	sst s10  }
0x32: {  	s10 =	sld [smem:$0x3FAC];
	_ =	sdelay $0x3  }
0x33: {  	p0 =	seq.s32 s10, $0x1;
	s10 =	sld [smem:$0x3FAE];
	_ =	sdelay $0x3  }
0x34: {  	[smem:$0x3FAE] =	sst s10  }
0x35: {  	s10 =	sld [smem:$0x3FAD];
	_ =	sdelay $0x3  }
0x36: {  	p1 =	seq.s32 s10, $0x1;
	s10 =	sld [smem:$0x3FAE];
	_ =	sdelay $0x3  }
0x37: {  	[smem:$0x3FAE] =	sst s10  }
0x38: {  	s10 =	sld [smem:$0x3FAF]  }
0x39: {  	_ = 	snop;
	(pc) =	sbr.ind lr, $3  }
0x3a: {  	_ = 	snop  }
0x3b: {  	_ = 	snop  }
0x3c: {  	p2 =	seq.s32 s10, $0x1;
	s10 =	sld [smem:$0x3FAE]  }
0x3d: {  	_ =	shalt  }
0x3e: {  	_ =	shalt  }
0x3f: {  	_ =	shalt  }
0x40: {  	_ =	shalt  }
0x41: {  	_ =	shalt  }
0x42: {  	_ =	shalt  }
0x43: {  	_ =	shalt  }
0x44: {  	_ =	shalt  }
0x45: {  	_ =	shalt  }
0x46: {  	_ =	shalt  }
0x47: {  	_ =	shalt  }
0x48: {  	_ =	shalt  }
0x49: {  	_ =	shalt  }
0x4a: {  	_ =	shalt  }
0x4b: {  	_ =	shalt  }
0x4c: {  	_ =	shalt  }
0x4d: {  	_ =	shalt  }
0x4e: {  	_ =	shalt  }
0x4f: {  	_ =	shalt  }
0x50: {  	_ =	shalt  }
0x51: {  	_ =	shalt  }
0x52: {  	_ =	shalt  }
0x53: {  	_ =	shalt  }
0x54: {  	_ =	shalt  }
0x55: {  	_ =	shalt  }
0x56: {  	_ =	shalt  }
0x57: {  	_ =	shalt  }
0x58: {  	_ =	shalt  }
0x59: {  	_ =	shalt  }
0x5a: {  	_ =	shalt  }
0x5b: {  	_ =	shalt  }
0x5c: {  	_ =	shalt  }
0x5d: {  	_ =	shalt  }
0x5e: {  	_ =	shalt  }
0x5f: {  	_ =	shalt  }
0x60: {  	_ =	shalt  }
0x61: {  	_ =	shalt  }
0x62: {  	_ =	shalt  }
0x63: {  	_ =	shalt  }
0x64: {  	_ =	shalt  }
0x65: {  	_ =	shalt  }
0x66: {  	_ =	shalt  }
0x67: {  	_ =	shalt  }
0x68: {  	_ =	shalt  }
0x69: {  	_ =	shalt  }
0x6a: {  	_ =	shalt  }
0x6b: {  	_ =	shalt  }
0x6c: {  	_ =	shalt  }
0x6d: {  	_ =	shalt  }
0x6e: {  	_ =	shalt  }
0x6f: {  	_ =	shalt  }
0x70: {  	_ =	shalt  }
0x71: {  	_ =	shalt  }
0x72: {  	_ =	shalt  }
0x73: {  	_ =	shalt  }
0x74: {  	_ =	shalt  }
0x75: {  	_ =	shalt  }
0x76: {  	_ =	shalt  }
0x77: {  	_ =	shalt  }
0x78: {  	_ =	shalt  }
0x79: {  	_ =	shalt  }
0x7a: {  	_ =	shalt  }
0x7b: {  	_ =	shalt  }
0x7c: {  	_ =	shalt  }
0x7d: {  	_ =	shalt  }
0x7e: {  	_ =	shalt  }
0x7f: {  	_ =	shalt  }
0x80: {  	_ =	shalt  }
0x81: {  	_ =	shalt  }
0x82: {  	_ =	shalt  }
0x83: {  	_ =	shalt  }
0x84: {  	_ =	shalt  }
0x85: {  	_ =	shalt  }
0x86: {  	_ =	shalt  }
0x87: {  	_ =	shalt  }
.Lfunc_end0:
.L_simem_size_0:
called_computation.2_lowered:
.L_overlay_start_0:
0x88: {  	s2 =	sld [smem:$0x3FD9]  }
0x89: {  	s3 =	sld [smem:$0x3FFE];
	_ =	sdelay $0x1  }
0x8a: {  	s1 =	srdreg.scid  }
0x8b: {  	s0 =	sand.u32 $0x1, s1  }
0x8c: {  	s16 =	sshll.u32 s0, $0xA;
	s2 =	sadd.s32 s3, s2  }
0x8d: {  	s2 =	sadd.s32 s2, s16  }
0x8e: {  	[smem:$0x3FBA] =	sst s2  }
0x8f: {  	_ = 	snop  }
0x90: {  	(tm) =	ssettm $0x1  }
0x91: {  	s17 =	sld [smem:$0x3FFB];
	_ =	sdelay $0x3  }
0x92: {  	_ =	strace s17  }
0x93: {  	s2 =	sld [smem:$0x3FFC];
	_ =	sdelay $0x3  }
0x94: {  	_ =	strace s2  }
0x95: {  	s2 =	sld [smem:$0x3FFD];
	_ =	sdelay $0x3  }
0x96: {  	_ =	strace s2  }
0x97: {  	_ =	strace $0x8FFFFFFF  }
0x98: {  	s18 =	sld [smem:$0x3FDB];
	_ =	sdelay $0x1  }
0x99: {  	s19 =	simm.s32 $_scs_section_size  }
0x9a: {  	s4 =	simm.s32 $_size__tile_overlayer_lowered;
	s5 =	simm.s32 $_tile_overlayer_lowered  }
0x9b: {  	s22 =	simm.s32 $0x1BFF;
	s21 =	sshll.u32 s5, $0x1;
	s2 =	sadd.s32 s19, s18  }
0x9c: {  	s6 =	simm.s32 $0x0;
	s20 =	sshll.u32 s4, $0x1;
	s4 =	sadd.s32 s21, s2  }
0x9d: {  	[timem:s6], [sflag:s22] =	dma.local [hbm:s4], s20  }
0x9e: {  	_ =	swait.ge [sflag:s22], s20  }
0x9f: {  	s3 =	ssub.s32 $0x0, s20;
	[sflag:s22] =	ssyncset.done $0x0  }
0xa0: {  	[sflag:s22] =	ssyncadd.s32 s3;
	_ =	sdelay $0x1  }
0xa1: {  	s23 =	simm.s32 $0x1B8B  }
0xa2: {  	_ =	swait.ge [sflag:s23], $0x1  }
0xa3: {  	[sflag:s23] =	ssyncset.done $0x0  }
0xa4: {  	s25 =	simm.s32 $0x1B8E;
	s24 =	sld [smem:$0x3FFE];
	[sflag:s23] =	ssyncadd.s32 $0xFFFFFFFF  }
0xa5: {  	s26 =	simm.s32 $execute0_lowered;
	[smem:$0x3FD2] =	sst s25  }
0xa6: {  	s4 =	sshll.u32 s26, $0x1;
	_ =	strace $0x8000004C;
	[dreg:$0x1] =	wrdreg $0xFFFFFFFF  }
0xa7: {  	s28 =	simm.s32 $_size_execute0_lowered;
	s2 =	sadd.s32 s2, s4;
	[dreg:$0x0] =	wrdreg $0x0  }
0xa8: {  	s4 =	sshll.u32 s28, $0x1;
	[dreg:$0x2] =	wrdreg s2  }
0xa9: {  	[dreg:$0x3] =	wrdreg s4  }
0xaa: {  	[dreg:$0x4] =	wrdreg $0xC0  }
0xab: {  	_ =	task [dreg:s6], $0x5FFFF  }
0xac: {  	[dreg:$0x1] =	wrdreg $0xFFFFFFFF  }
0xad: {  	[dreg:$0x0] =	wrdreg $0x60  }
0xae: {  	[dreg:$0x2] =	wrdreg s24  }
0xaf: {  	[dreg:$0x3] =	wrdreg $0x90000  }
0xb0: {  	[dreg:$0x4] =	wrdreg $0x9  }
0xb1: {  	_ =	task.clear_ibuf [dreg:s6], $0x5FFFF;
	_ =	strace $0x9000004C  }
0xb2: {  	s29 =	simm.s32 $0x9;
	_ =	strace $0x8000004E  }
0xb3: {  	_ =	swait.ge [sflag:s29], $0x1  }
0xb4: {  	[sflag:s29] =	ssyncadd.s32 $0xFFFFFFFF  }
0xb5: {  	_ =	strace $0x9000004E  }
0xb6: {  	_ =	sfence  }
0xb7: {  	s30 =	sld [smem:$0x0];
	_ =	sdelay $0x2  }
0xb8: {  	s31 =	sshll.u32 s1, $0xD;
	s1 =	sshrl.u32 s1, $0x2  }
0xb9: {  	s3 =	sand.u32 $0x4000, s31;
	s1 =	sadd.s32 s1, s30  }
0xba: {  	s0 =	sor.u32 s3, s0;
	s1 =	sshll.u32 s1, $0x11  }
0xbb: {  	s0 =	sor.u32 s1, s0  }
0xbc: {  	s0 =	sadd.s32 $0x8F2B, s0  }
0xbd: {  	[sflag:s0] =	ssyncadd.remote.s32 $0x1  }
0xbe: {  	_ =	sfence.sel $0xFFFF  }
0xbf: {  	[dreg:$0x0] =	wrdreg $0xFFFFFFFF;
	(pc) =	sbr.abs _section_cstart, $3  }
0xc0: {  	[dreg:$0x1] =	wrdreg $0xFFFFFFFF  }
0xc1: {  	_ =	task.clear_ibuf [dreg:s6], $0x2FFFF;
	_ =	strace $0x9FFFFFFF  }
0xc2: {  	(tm) =	ssettm $0x7FFFFFFF  }
0xc3: {  	_ =	shalt  }
tec
execute0_lowered:
.L_overlay_start_1:
0x0: {  	(tag) =	ssettag $0x1  }
0x1: {  	s0 =	rddreg [dreg:$0x0];
	s10 =	stileid.u32  }
0x2: {  	s1 =	srdreg.scid;
	s2 =	rddreg [dreg:$0x1];
	s3 =	simm.s32 $0x0  }
0x3: {  	s12 =	simm.s32 $0x880;
	s13 =	simm.s32 $0x180;
	s14 =	simm.s32 $0x900  }
0x4: {  	s15 =	simm.s32 $0x200;
	s16 =	simm.s32 $0x980;
	s17 =	simm.s32 $0x280  }
0x5: {  	s18 =	simm.s32 $0xA00;
	s19 =	simm.s32 $0x300;
	[smem:$0x7FF] =	sst s3  }
0x6: {  	s20 =	simm.s32 $0xA80;
	_ =	strace $0x8000004D;
	[dreg:$0x6] =	wrdreg s12  }
0x7: {  	s21 =	simm.s32 $0x380;
	s22 =	simm.s32 $0xB00;
	[dreg:$0x7] =	wrdreg s13  }
0x8: {  	s23 =	simm.s32 $0x400;
	s24 =	simm.s32 $0xB80;
	[dreg:$0x8] =	wrdreg s14  }
0x9: {  	s25 =	simm.s32 $0x480;
	s28 =	simm.s32 $0xE00;
	[dreg:$0x9] =	wrdreg s15  }
0xa: {  	s29 =	simm.s32 $0x700;
	s30 =	simm.s32 $0xE80;
	[dreg:$0xa] =	wrdreg s16  }
0xb: {  	s31 =	simm.s32 $0x780;
	s5 =	smul.u32 $0xA00, s10;
	[dreg:$0xb] =	wrdreg s17  }
0xc: {  	s1 =	sand.u32 $0x1, s1;
	s7 =	smul.u32 $0x280, s10;
	[dreg:$0xc] =	wrdreg s18  }
0xd: {  	s4 =	sadd.s32 $0xE400, s0;
	s8 =	smul.u32 $0x50000, s10;
	[dreg:$0xd] =	wrdreg s19  }
0xe: {  	s11 =	sshll.u32 s10, $0x6;
	s6 =	smul.u32 $0x2800, s1;
	[dreg:$0xe] =	wrdreg s20  }
0xf: {  	s26 =	smul.u32 $0xA000, s1;
	s1 =	ssub.s32 $0x2, s1;
	[dreg:$0xf] =	wrdreg s21  }
0x10: {  	s12 =	simm.s32 $0x1;
	s13 =	simm.s32 $0x80;
	[dreg:$0x10] =	wrdreg s22  }
0x11: {  	s14 =	simm.s32 $0x1000;
	s15 =	simm.s32 $0x5000;
	[dreg:$0x11] =	wrdreg s23  }
0x12: {  	s16 =	simm.s32 $0x2;
	s17 =	simm.s32 $0x4;
	[dreg:$0x12] =	wrdreg s24  }
0x13: {  	s18 =	simm.s32 $0x3;
	s19 =	simm.s32 $0x5;
	[dreg:$0x13] =	wrdreg s25  }
0x14: {  	s20 =	simm.s32 $0x500;
	s21 =	simm.s32 $0xC80;
	s22 =	simm.s32 $0x580  }
0x15: {  	s23 =	simm.s32 $0xD00;
	s24 =	simm.s32 $0x600;
	s25 =	simm.s32 $0xD80  }
0x16: {  	s5 =	sadd.s32 s5, s0;
	s9 =	sshrl.u32 s1, $0x1;
	s8 =	sshrl.u32 s8, $0x2  }
0x17: {  	s6 =	sadd.s32 s7, s6;
	s7 =	sadd.s32 s26, s5;
	s5 =	sadd.s32 $0x4400, s5  }
0x18: {  	s1 =	ssub.s32 s1, s9;
	s9 =	simm.s32 $0x100;
	[dreg:$0x4] =	wrdreg s5  }
0x19: {  	s8 =	sadd.s32 s8, s2;
	s26 =	simm.s32 $0xC00;
	[dreg:$0x5] =	wrdreg s9  }
0x1a: {  	s6 =	sshll.u32 s6, $0x4;
	s7 =	sadd.s32 $0x68400, s7;
	[dreg:$0x14] =	wrdreg s26  }
0x1b: {  	s1 =	smax.u32 s1, $0x1;
	s26 =	simm.s32 $0x680;
	[dreg:$0x3] =	wrdreg s7  }
0x1c: {  	s0 =	sadd.s32 s6, s0;
	s6 =	sadd.s32 s4, s6;
	[dreg:$0x18] =	wrdreg s1  }
0x1d: {  	s9 =	simm.s32 $0x0;
	s7 =	sshrl.u32 s8, $0x3;
	[dreg:$0x15] =	wrdreg s6  }
0x1e: {  	s8 =	simm.s32 $0x6;
	s0 =	sadd.s32 $0xA4400, s0;
	[dreg:$0x19] =	wrdreg s7  }
0x1f: {  	s1 =	simm.s32 $0xF00;
	s6 =	sor.u32 $0x1C06, s11;
	[dreg:$0x17] =	wrdreg s0  }
0x20: {  	s11 =	simm.s32 $0x800;
	s0 =	simm.s32 $0xF80;
	[dreg:$0x16] =	wrdreg s6  }
.LBB2_1:
0x21: {  	[dreg:$0x1a] =	wrdreg s9  }
0x22: {  	s5 =	rddreg [dreg:$0x15]  }
0x23: {  	[spmem:s7], [sflag:s6] =	dma.local [hbm:s5], $0x2800  }
0x24: {  	_ =	swait.ge [sflag:s8], $0x2800  }
0x25: {  	[sflag:s8] =	ssyncset.done $0x0  }
0x26: {  	p0 =	por $0x1, $0x1;
	[sflag:s8] =	ssyncadd.s32 $0xFFFFD800  }
0x27: {  	s7 =	simm.s32 @!p0 $0x4;
	[bflag:$0x0] =	sbarrier.arrive $0xFFFF  }
0x28: {  	_ =	swait.ge @!p0 [sflag:s7], $0x4000  }
0x29: {  	[sflag:s7] =	ssyncset.done @!p0 $0x0  }
0x2a: {  	[sflag:s7] =	ssyncadd.s32 @!p0 $0xFFFFC000;
	s7 =	simm.s32 @!p0 $0x5  }
0x2b: {  	_ =	swait.ge @!p0 [sflag:s7], $0x4000  }
0x2c: {  	s10 =	rddreg [dreg:$0x3];
	[sflag:s7] =	ssyncset.done @!p0 $0x0  }
0x2d: {  	s5 =	rddreg [dreg:$0x4];
	[sflag:s7] =	ssyncadd.s32 @!p0 $0xFFFFC000;
	s9 =	sadd.s32 $0x0, s10  }
0x2e: {  	[tilespmem:s3], [sflag:$0x1] =	stream.linear.gather [hbm4b:s9+s3], $0x800, $0x38;
	[tilespmem:$0x1D000] =	vst v63  }
0x2f: {  	s6 =	sadd.s32 $0x0, s5  }
0x30: {  	[tilespmem:s11], [sflag:$0x1] =	stream.linear.gather [hbm4b:s6+s3], $0x800, $0x38;
	[tilespmem:$0x1D000] =	vst v63  }
0x31: {  	_ =	swait.ge [sflag:s12], $0x800  }
0x32: {  	[sflag:s12] =	ssyncset.done $0x0  }
0x33: {  	[sflag:s12] =	ssyncadd.s32 $0xFFFFF800  }
0x34: {  	_ =	swait.ge [sflag:s12], $0x800  }
0x35: {  	[sflag:s12] =	ssyncset.done $0x0  }
0x36: {  	[sflag:s12] =	ssyncadd.s32 $0xFFFFF800  }
0x37: {  	[tilespmem:s14], [sflag:$0x2] =	stream.indirect.gather [hbm4b:s4+s13], $0x80, s3, s13, $0xb8;
	[tilespmem:$0x1D000] =	vst v63  }
0x38: {  	_ = 	snop  }
0x39: {  	[tilespmem:s15], [sflag:$0x3] =	stream.indirect.gather [hbm4b:s4+s13], $0x80, s13, s13, $0xb8;
	[tilespmem:$0x1D000] =	vst v63  }
0x3a: {  	_ =	swait.ge [sflag:s16], $0x4000  }
0x3b: {  	[sflag:s16] =	ssyncset.done $0x0  }
0x3c: {  	[sflag:s16] =	ssyncadd.s32 $0xFFFFC000  }
0x3d: {  	[spmem:s2] =	stream.indirect.scatter.add.f32 [tilespmem:s14], [sflag:$0x4], $0x80, s11, s13, $0xb8;
	[tilespmem:$0x1D000] =	vst v63  }
0x3e: {  	_ =	swait.ge [sflag:s17], $0x4000  }
0x3f: {  	[sflag:s17] =	ssyncset.done $0x0  }
0x40: {  	s10 =	rddreg [dreg:$0x5];
	[sflag:s17] =	ssyncadd.s32 $0xFFFFC000  }
0x41: {  	[tilespmem:s14], [sflag:$0x2] =	stream.indirect.gather [hbm4b:s4+s13], $0x80, s10, s13, $0xb8;
	[tilespmem:$0x1D000] =	vst v63  }
0x42: {  	_ =	swait.ge [sflag:s18], $0x4000  }
0x43: {  	[sflag:s18] =	ssyncset.done $0x0  }
0x44: {  	s5 =	rddreg [dreg:$0x6];
	[sflag:s18] =	ssyncadd.s32 $0xFFFFC000  }
0x45: {  	[spmem:s2] =	stream.indirect.scatter.add.f32 [tilespmem:s15], [sflag:$0x5], $0x80, s5, s13, $0xb8;
	[tilespmem:$0x1D000] =	vst v63  }
0x46: {  	_ =	swait.ge [sflag:s19], $0x4000  }
0x47: {  	[sflag:s19] =	ssyncset.done $0x0  }
0x48: {  	s7 =	rddreg [dreg:$0x7];
	[sflag:s19] =	ssyncadd.s32 $0xFFFFC000  }
0x49: {  	[tilespmem:s15], [sflag:$0x3] =	stream.indirect.gather [hbm4b:s4+s13], $0x80, s7, s13, $0xb8;
	[tilespmem:$0x1D000] =	vst v63  }
0x4a: {  	_ =	swait.ge [sflag:s16], $0x4000  }
0x4b: {  	[sflag:s16] =	ssyncset.done $0x0  }
0x4c: {  	s8 =	rddreg [dreg:$0x8];
	[sflag:s16] =	ssyncadd.s32 $0xFFFFC000  }
0x4d: {  	[spmem:s2] =	stream.indirect.scatter.add.f32 [tilespmem:s14], [sflag:$0x4], $0x80, s8, s13, $0xb8;
	[tilespmem:$0x1D000] =	vst v63  }
0x4e: {  	_ =	swait.ge [sflag:s17], $0x4000  }
0x4f: {  	[sflag:s17] =	ssyncset.done $0x0  }
0x50: {  	s9 =	rddreg [dreg:$0x9];
	[sflag:s17] =	ssyncadd.s32 $0xFFFFC000  }
0x51: {  	[tilespmem:s14], [sflag:$0x2] =	stream.indirect.gather [hbm4b:s4+s13], $0x80, s9, s13, $0xb8;
	[tilespmem:$0x1D000] =	vst v63  }
0x52: {  	_ =	swait.ge [sflag:s18], $0x4000  }
0x53: {  	[sflag:s18] =	ssyncset.done $0x0  }
0x54: {  	s10 =	rddreg [dreg:$0xa];
	[sflag:s18] =	ssyncadd.s32 $0xFFFFC000  }
0x55: {  	[spmem:s2] =	stream.indirect.scatter.add.f32 [tilespmem:s15], [sflag:$0x5], $0x80, s10, s13, $0xb8;
	[tilespmem:$0x1D000] =	vst v63  }
0x56: {  	_ =	swait.ge [sflag:s19], $0x4000  }
0x57: {  	[sflag:s19] =	ssyncset.done $0x0  }
0x58: {  	s5 =	rddreg [dreg:$0xb];
	[sflag:s19] =	ssyncadd.s32 $0xFFFFC000  }
0x59: {  	[tilespmem:s15], [sflag:$0x3] =	stream.indirect.gather [hbm4b:s4+s13], $0x80, s5, s13, $0xb8;
	[tilespmem:$0x1D000] =	vst v63  }
0x5a: {  	_ =	swait.ge [sflag:s16], $0x4000  }
0x5b: {  	[sflag:s16] =	ssyncset.done $0x0  }
0x5c: {  	s7 =	rddreg [dreg:$0xc];
	[sflag:s16] =	ssyncadd.s32 $0xFFFFC000  }
0x5d: {  	[spmem:s2] =	stream.indirect.scatter.add.f32 [tilespmem:s14], [sflag:$0x4], $0x80, s7, s13, $0xb8;
	[tilespmem:$0x1D000] =	vst v63  }
0x5e: {  	_ =	swait.ge [sflag:s17], $0x4000  }
0x5f: {  	[sflag:s17] =	ssyncset.done $0x0  }
0x60: {  	s8 =	rddreg [dreg:$0xd];
	[sflag:s17] =	ssyncadd.s32 $0xFFFFC000  }
0x61: {  	[tilespmem:s14], [sflag:$0x2] =	stream.indirect.gather [hbm4b:s4+s13], $0x80, s8, s13, $0xb8;
	[tilespmem:$0x1D000] =	vst v63  }
0x62: {  	_ =	swait.ge [sflag:s18], $0x4000  }
0x63: {  	[sflag:s18] =	ssyncset.done $0x0  }
0x64: {  	s9 =	rddreg [dreg:$0xe];
	[sflag:s18] =	ssyncadd.s32 $0xFFFFC000  }
0x65: {  	[spmem:s2] =	stream.indirect.scatter.add.f32 [tilespmem:s15], [sflag:$0x5], $0x80, s9, s13, $0xb8;
	[tilespmem:$0x1D000] =	vst v63  }
0x66: {  	_ =	swait.ge [sflag:s19], $0x4000  }
0x67: {  	[sflag:s19] =	ssyncset.done $0x0  }
0x68: {  	s10 =	rddreg [dreg:$0xf];
	[sflag:s19] =	ssyncadd.s32 $0xFFFFC000  }
0x69: {  	[tilespmem:s15], [sflag:$0x3] =	stream.indirect.gather [hbm4b:s4+s13], $0x80, s10, s13, $0xb8;
	[tilespmem:$0x1D000] =	vst v63  }
0x6a: {  	_ =	swait.ge [sflag:s16], $0x4000  }
0x6b: {  	[sflag:s16] =	ssyncset.done $0x0  }
0x6c: {  	s5 =	rddreg [dreg:$0x10];
	[sflag:s16] =	ssyncadd.s32 $0xFFFFC000  }
0x6d: {  	[spmem:s2] =	stream.indirect.scatter.add.f32 [tilespmem:s14], [sflag:$0x4], $0x80, s5, s13, $0xb8;
	[tilespmem:$0x1D000] =	vst v63  }
0x6e: {  	_ =	swait.ge [sflag:s17], $0x4000  }
0x6f: {  	[sflag:s17] =	ssyncset.done $0x0  }
0x70: {  	s7 =	rddreg [dreg:$0x11];
	[sflag:s17] =	ssyncadd.s32 $0xFFFFC000  }
0x71: {  	[tilespmem:s14], [sflag:$0x2] =	stream.indirect.gather [hbm4b:s4+s13], $0x80, s7, s13, $0xb8;
	[tilespmem:$0x1D000] =	vst v63  }
0x72: {  	_ =	swait.ge [sflag:s18], $0x4000  }
0x73: {  	[sflag:s18] =	ssyncset.done $0x0  }
0x74: {  	s8 =	rddreg [dreg:$0x12];
	[sflag:s18] =	ssyncadd.s32 $0xFFFFC000  }
0x75: {  	[spmem:s2] =	stream.indirect.scatter.add.f32 [tilespmem:s15], [sflag:$0x5], $0x80, s8, s13, $0xb8;
	[tilespmem:$0x1D000] =	vst v63  }
0x76: {  	_ =	swait.ge [sflag:s19], $0x4000  }
0x77: {  	[sflag:s19] =	ssyncset.done $0x0  }
0x78: {  	s9 =	rddreg [dreg:$0x13];
	[sflag:s19] =	ssyncadd.s32 $0xFFFFC000  }
0x79: {  	[tilespmem:s15], [sflag:$0x3] =	stream.indirect.gather [hbm4b:s4+s13], $0x80, s9, s13, $0xb8;
	[tilespmem:$0x1D000] =	vst v63  }
0x7a: {  	_ =	swait.ge [sflag:s16], $0x4000  }
0x7b: {  	[sflag:s16] =	ssyncset.done $0x0  }
0x7c: {  	s10 =	rddreg [dreg:$0x14];
	[sflag:s16] =	ssyncadd.s32 $0xFFFFC000  }
0x7d: {  	[spmem:s2] =	stream.indirect.scatter.add.f32 [tilespmem:s14], [sflag:$0x4], $0x80, s10, s13, $0xb8;
	[tilespmem:$0x1D000] =	vst v63  }
0x7e: {  	_ =	swait.ge [sflag:s17], $0x4000  }
0x7f: {  	[sflag:s17] =	ssyncset.done $0x0  }
0x80: {  	[sflag:s17] =	ssyncadd.s32 $0xFFFFC000  }
0x81: {  	[tilespmem:s14], [sflag:$0x2] =	stream.indirect.gather [hbm4b:s4+s13], $0x80, s20, s13, $0xb8;
	[tilespmem:$0x1D000] =	vst v63  }
0x82: {  	_ =	swait.ge [sflag:s18], $0x4000  }
0x83: {  	[sflag:s18] =	ssyncset.done $0x0  }
0x84: {  	[sflag:s18] =	ssyncadd.s32 $0xFFFFC000  }
0x85: {  	[spmem:s2] =	stream.indirect.scatter.add.f32 [tilespmem:s15], [sflag:$0x5], $0x80, s21, s13, $0xb8;
	[tilespmem:$0x1D000] =	vst v63  }
0x86: {  	_ =	swait.ge [sflag:s19], $0x4000  }
0x87: {  	[sflag:s19] =	ssyncset.done $0x0  }
0x88: {  	[sflag:s19] =	ssyncadd.s32 $0xFFFFC000  }
0x89: {  	[tilespmem:s15], [sflag:$0x3] =	stream.indirect.gather [hbm4b:s4+s13], $0x80, s22, s13, $0xb8;
	[tilespmem:$0x1D000] =	vst v63  }
0x8a: {  	_ =	swait.ge [sflag:s16], $0x4000  }
0x8b: {  	[sflag:s16] =	ssyncset.done $0x0  }
0x8c: {  	[sflag:s16] =	ssyncadd.s32 $0xFFFFC000  }
0x8d: {  	[spmem:s2] =	stream.indirect.scatter.add.f32 [tilespmem:s14], [sflag:$0x4], $0x80, s23, s13, $0xb8;
	[tilespmem:$0x1D000] =	vst v63  }
0x8e: {  	_ =	swait.ge [sflag:s17], $0x4000  }
0x8f: {  	[sflag:s17] =	ssyncset.done $0x0  }
0x90: {  	[sflag:s17] =	ssyncadd.s32 $0xFFFFC000  }
0x91: {  	[tilespmem:s14], [sflag:$0x2] =	stream.indirect.gather [hbm4b:s4+s13], $0x80, s24, s13, $0xb8;
	[tilespmem:$0x1D000] =	vst v63  }
0x92: {  	_ =	swait.ge [sflag:s18], $0x4000  }
0x93: {  	[sflag:s18] =	ssyncset.done $0x0  }
0x94: {  	[sflag:s18] =	ssyncadd.s32 $0xFFFFC000  }
0x95: {  	[spmem:s2] =	stream.indirect.scatter.add.f32 [tilespmem:s15], [sflag:$0x5], $0x80, s25, s13, $0xb8;
	[tilespmem:$0x1D000] =	vst v63  }
0x96: {  	_ =	swait.ge [sflag:s19], $0x4000  }
0x97: {  	[sflag:s19] =	ssyncset.done $0x0  }
0x98: {  	[sflag:s19] =	ssyncadd.s32 $0xFFFFC000  }
0x99: {  	[tilespmem:s15], [sflag:$0x3] =	stream.indirect.gather [hbm4b:s4+s13], $0x80, s26, s13, $0xb8;
	[tilespmem:$0x1D000] =	vst v63  }
0x9a: {  	_ =	swait.ge [sflag:s16], $0x4000  }
0x9b: {  	[sflag:s16] =	ssyncset.done $0x0  }
0x9c: {  	[sflag:s16] =	ssyncadd.s32 $0xFFFFC000  }
0x9d: {  	[spmem:s2] =	stream.indirect.scatter.add.f32 [tilespmem:s14], [sflag:$0x4], $0x80, s28, s13, $0xb8;
	[tilespmem:$0x1D000] =	vst v63  }
0x9e: {  	_ =	swait.ge [sflag:s17], $0x4000  }
0x9f: {  	[sflag:s17] =	ssyncset.done $0x0  }
0xa0: {  	[sflag:s17] =	ssyncadd.s32 $0xFFFFC000  }
0xa1: {  	[tilespmem:s14], [sflag:$0x2] =	stream.indirect.gather [hbm4b:s4+s13], $0x80, s29, s13, $0xb8;
	[tilespmem:$0x1D000] =	vst v63  }
0xa2: {  	_ =	swait.ge [sflag:s18], $0x4000  }
0xa3: {  	[sflag:s18] =	ssyncset.done $0x0  }
0xa4: {  	[sflag:s18] =	ssyncadd.s32 $0xFFFFC000  }
0xa5: {  	[spmem:s2] =	stream.indirect.scatter.add.f32 [tilespmem:s15], [sflag:$0x5], $0x80, s30, s13, $0xb8;
	[tilespmem:$0x1D000] =	vst v63  }
0xa6: {  	_ =	swait.ge [sflag:s19], $0x4000  }
0xa7: {  	[sflag:s19] =	ssyncset.done $0x0  }
0xa8: {  	[sflag:s19] =	ssyncadd.s32 $0xFFFFC000  }
0xa9: {  	[tilespmem:s15], [sflag:$0x3] =	stream.indirect.gather [hbm4b:s4+s13], $0x80, s31, s13, $0xb8;
	[tilespmem:$0x1D000] =	vst v63  }
0xaa: {  	_ =	swait.ge [sflag:s16], $0x4000  }
0xab: {  	[sflag:s16] =	ssyncset.done $0x0  }
0xac: {  	[sflag:s16] =	ssyncadd.s32 $0xFFFFC000  }
0xad: {  	[spmem:s2] =	stream.indirect.scatter.add.f32 [tilespmem:s14], [sflag:$0x4], $0x80, s1, s13, $0xb8;
	[tilespmem:$0x1D000] =	vst v63  }
0xae: {  	p1 =	por $0x0, $0x0;
	_ =	swait.ge [sflag:s18], $0x4000  }
0xaf: {  	s7 =	simm.s32 $0x100;
	s8 =	simm.s32 $0x200;
	[sflag:s18] =	ssyncset.done $0x0  }
.LBB2_2:
0xb0: {  	s6 =	simm.s32 @!p1 $0x4;
	[sflag:s18] =	ssyncadd.s32 $0xFFFFC000  }
0xb1: {  	[spmem:s2] =	stream.indirect.scatter.add.f32 [tilespmem:s15], [sflag:$0x5], $0x80, s0, s13, $0xb8;
	[tilespmem:$0x1D000] =	vst v63  }
0xb2: {  	_ =	swait.ge @!p1 [sflag:s6], $0x4000  }
0xb3: {  	[sflag:s6] =	ssyncset.done @!p1 $0x0  }
0xb4: {  	[sflag:s6] =	ssyncadd.s32 @!p1 $0xFFFFC000;
	s6 =	simm.s32 @!p1 $0x5  }
0xb5: {  	_ =	swait.ge @!p1 [sflag:s6], $0x4000  }
0xb6: {  	s10 =	rddreg [dreg:$0x3];
	[sflag:s6] =	ssyncset.done @!p1 $0x0  }
0xb7: {  	s5 =	rddreg [dreg:$0x4];
	[sflag:s6] =	ssyncadd.s32 @!p1 $0xFFFFC000;
	s10 =	sadd.s32 s7, s10  }
0xb8: {  	[tilespmem:s3], [sflag:$0x1] =	stream.linear.gather [hbm4b:s10+s3], $0x800, $0x38;
	[tilespmem:$0x1D000] =	vst v63  }
0xb9: {  	s5 =	sadd.s32 s7, s5  }
0xba: {  	[tilespmem:s11], [sflag:$0x1] =	stream.linear.gather [hbm4b:s5+s3], $0x800, $0x38;
	[tilespmem:$0x1D000] =	vst v63  }
0xbb: {  	_ =	swait.ge [sflag:s12], $0x800  }
0xbc: {  	[sflag:s12] =	ssyncset.done $0x0  }
0xbd: {  	[sflag:s12] =	ssyncadd.s32 $0xFFFFF800  }
0xbe: {  	_ =	swait.ge [sflag:s12], $0x800  }
0xbf: {  	[sflag:s12] =	ssyncset.done $0x0  }
0xc0: {  	[sflag:s12] =	ssyncadd.s32 $0xFFFFF800  }
0xc1: {  	[tilespmem:s14], [sflag:$0x2] =	stream.indirect.gather [hbm4b:s4+s13], $0x80, s3, s13, $0xb8;
	[tilespmem:$0x1D000] =	vst v63  }
0xc2: {  	_ = 	snop  }
0xc3: {  	[tilespmem:s15], [sflag:$0x3] =	stream.indirect.gather [hbm4b:s4+s13], $0x80, s13, s13, $0xb8;
	[tilespmem:$0x1D000] =	vst v63  }
0xc4: {  	_ =	swait.ge [sflag:s16], $0x4000  }
0xc5: {  	[sflag:s16] =	ssyncset.done $0x0  }
0xc6: {  	[sflag:s16] =	ssyncadd.s32 $0xFFFFC000  }
0xc7: {  	[spmem:s2] =	stream.indirect.scatter.add.f32 [tilespmem:s14], [sflag:$0x4], $0x80, s11, s13, $0xb8;
	[tilespmem:$0x1D000] =	vst v63  }
0xc8: {  	_ =	swait.ge [sflag:s17], $0x4000  }
0xc9: {  	[sflag:s17] =	ssyncset.done $0x0  }
0xca: {  	s10 =	rddreg [dreg:$0x5];
	[sflag:s17] =	ssyncadd.s32 $0xFFFFC000  }
0xcb: {  	[tilespmem:s14], [sflag:$0x2] =	stream.indirect.gather [hbm4b:s4+s13], $0x80, s10, s13, $0xb8;
	[tilespmem:$0x1D000] =	vst v63  }
0xcc: {  	_ =	swait.ge [sflag:s18], $0x4000  }
0xcd: {  	[sflag:s18] =	ssyncset.done $0x0  }
0xce: {  	s6 =	rddreg [dreg:$0x6];
	[sflag:s18] =	ssyncadd.s32 $0xFFFFC000  }
0xcf: {  	[spmem:s2] =	stream.indirect.scatter.add.f32 [tilespmem:s15], [sflag:$0x5], $0x80, s6, s13, $0xb8;
	[tilespmem:$0x1D000] =	vst v63  }
0xd0: {  	_ =	swait.ge [sflag:s19], $0x4000  }
0xd1: {  	s9 =	smov.u32 s8;
	[sflag:s19] =	ssyncset.done $0x0  }
0xd2: {  	s7 =	smov.u32 s9;
	s9 =	rddreg [dreg:$0x7];
	[sflag:s19] =	ssyncadd.s32 $0xFFFFC000  }
0xd3: {  	[tilespmem:s15], [sflag:$0x3] =	stream.indirect.gather [hbm4b:s4+s13], $0x80, s9, s13, $0xb8;
	[tilespmem:$0x1D000] =	vst v63  }
0xd4: {  	_ =	swait.ge [sflag:s16], $0x4000  }
0xd5: {  	[sflag:s16] =	ssyncset.done $0x0  }
0xd6: {  	s10 =	rddreg [dreg:$0x8];
	[sflag:s16] =	ssyncadd.s32 $0xFFFFC000  }
0xd7: {  	[spmem:s2] =	stream.indirect.scatter.add.f32 [tilespmem:s14], [sflag:$0x4], $0x80, s10, s13, $0xb8;
	[tilespmem:$0x1D000] =	vst v63  }
0xd8: {  	_ =	swait.ge [sflag:s17], $0x4000  }
0xd9: {  	[sflag:s17] =	ssyncset.done $0x0  }
0xda: {  	s6 =	rddreg [dreg:$0x9];
	[sflag:s17] =	ssyncadd.s32 $0xFFFFC000  }
0xdb: {  	[tilespmem:s14], [sflag:$0x2] =	stream.indirect.gather [hbm4b:s4+s13], $0x80, s6, s13, $0xb8;
	[tilespmem:$0x1D000] =	vst v63  }
0xdc: {  	_ =	swait.ge [sflag:s18], $0x4000  }
0xdd: {  	[sflag:s18] =	ssyncset.done $0x0  }
0xde: {  	s9 =	rddreg [dreg:$0xa];
	[sflag:s18] =	ssyncadd.s32 $0xFFFFC000  }
0xdf: {  	[spmem:s2] =	stream.indirect.scatter.add.f32 [tilespmem:s15], [sflag:$0x5], $0x80, s9, s13, $0xb8;
	[tilespmem:$0x1D000] =	vst v63  }
0xe0: {  	_ =	swait.ge [sflag:s19], $0x4000  }
0xe1: {  	[sflag:s19] =	ssyncset.done $0x0  }
0xe2: {  	s10 =	rddreg [dreg:$0xb];
	[sflag:s19] =	ssyncadd.s32 $0xFFFFC000  }
0xe3: {  	[tilespmem:s15], [sflag:$0x3] =	stream.indirect.gather [hbm4b:s4+s13], $0x80, s10, s13, $0xb8;
	[tilespmem:$0x1D000] =	vst v63  }
0xe4: {  	_ =	swait.ge [sflag:s16], $0x4000  }
0xe5: {  	[sflag:s16] =	ssyncset.done $0x0  }
0xe6: {  	s6 =	rddreg [dreg:$0xc];
	[sflag:s16] =	ssyncadd.s32 $0xFFFFC000  }
0xe7: {  	[spmem:s2] =	stream.indirect.scatter.add.f32 [tilespmem:s14], [sflag:$0x4], $0x80, s6, s13, $0xb8;
	[tilespmem:$0x1D000] =	vst v63  }
0xe8: {  	_ =	swait.ge [sflag:s17], $0x4000  }
0xe9: {  	[sflag:s17] =	ssyncset.done $0x0  }
0xea: {  	s9 =	rddreg [dreg:$0xd];
	[sflag:s17] =	ssyncadd.s32 $0xFFFFC000  }
0xeb: {  	[tilespmem:s14], [sflag:$0x2] =	stream.indirect.gather [hbm4b:s4+s13], $0x80, s9, s13, $0xb8;
	[tilespmem:$0x1D000] =	vst v63  }
0xec: {  	_ =	swait.ge [sflag:s18], $0x4000  }
0xed: {  	[sflag:s18] =	ssyncset.done $0x0  }
0xee: {  	s10 =	rddreg [dreg:$0xe];
	[sflag:s18] =	ssyncadd.s32 $0xFFFFC000  }
0xef: {  	[spmem:s2] =	stream.indirect.scatter.add.f32 [tilespmem:s15], [sflag:$0x5], $0x80, s10, s13, $0xb8;
	[tilespmem:$0x1D000] =	vst v63  }
0xf0: {  	_ =	swait.ge [sflag:s19], $0x4000  }
0xf1: {  	[sflag:s19] =	ssyncset.done $0x0  }
0xf2: {  	s6 =	rddreg [dreg:$0xf];
	[sflag:s19] =	ssyncadd.s32 $0xFFFFC000  }
0xf3: {  	[tilespmem:s15], [sflag:$0x3] =	stream.indirect.gather [hbm4b:s4+s13], $0x80, s6, s13, $0xb8;
	[tilespmem:$0x1D000] =	vst v63  }
0xf4: {  	_ =	swait.ge [sflag:s16], $0x4000  }
0xf5: {  	[sflag:s16] =	ssyncset.done $0x0  }
0xf6: {  	s9 =	rddreg [dreg:$0x10];
	[sflag:s16] =	ssyncadd.s32 $0xFFFFC000  }
0xf7: {  	[spmem:s2] =	stream.indirect.scatter.add.f32 [tilespmem:s14], [sflag:$0x4], $0x80, s9, s13, $0xb8;
	[tilespmem:$0x1D000] =	vst v63  }
0xf8: {  	_ =	swait.ge [sflag:s17], $0x4000  }
0xf9: {  	[sflag:s17] =	ssyncset.done $0x0  }
0xfa: {  	s10 =	rddreg [dreg:$0x11];
	[sflag:s17] =	ssyncadd.s32 $0xFFFFC000  }
0xfb: {  	[tilespmem:s14], [sflag:$0x2] =	stream.indirect.gather [hbm4b:s4+s13], $0x80, s10, s13, $0xb8;
	[tilespmem:$0x1D000] =	vst v63  }
0xfc: {  	_ =	swait.ge [sflag:s18], $0x4000  }
0xfd: {  	[sflag:s18] =	ssyncset.done $0x0  }
0xfe: {  	s6 =	rddreg [dreg:$0x12];
	[sflag:s18] =	ssyncadd.s32 $0xFFFFC000  }
0xff: {  	[spmem:s2] =	stream.indirect.scatter.add.f32 [tilespmem:s15], [sflag:$0x5], $0x80, s6, s13, $0xb8;
	[tilespmem:$0x1D000] =	vst v63  }
0x100: {  	_ =	swait.ge [sflag:s19], $0x4000  }
0x101: {  	[sflag:s19] =	ssyncset.done $0x0  }
0x102: {  	s9 =	rddreg [dreg:$0x13];
	[sflag:s19] =	ssyncadd.s32 $0xFFFFC000  }
0x103: {  	[tilespmem:s15], [sflag:$0x3] =	stream.indirect.gather [hbm4b:s4+s13], $0x80, s9, s13, $0xb8;
	[tilespmem:$0x1D000] =	vst v63  }
0x104: {  	_ =	swait.ge [sflag:s16], $0x4000  }
0x105: {  	[sflag:s16] =	ssyncset.done $0x0  }
0x106: {  	s10 =	rddreg [dreg:$0x14];
	[sflag:s16] =	ssyncadd.s32 $0xFFFFC000  }
0x107: {  	[spmem:s2] =	stream.indirect.scatter.add.f32 [tilespmem:s14], [sflag:$0x4], $0x80, s10, s13, $0xb8;
	[tilespmem:$0x1D000] =	vst v63  }
0x108: {  	_ =	swait.ge [sflag:s17], $0x4000  }
0x109: {  	[sflag:s17] =	ssyncset.done $0x0  }
0x10a: {  	[sflag:s17] =	ssyncadd.s32 $0xFFFFC000  }
0x10b: {  	[tilespmem:s14], [sflag:$0x2] =	stream.indirect.gather [hbm4b:s4+s13], $0x80, s20, s13, $0xb8;
	[tilespmem:$0x1D000] =	vst v63  }
0x10c: {  	_ =	swait.ge [sflag:s18], $0x4000  }
0x10d: {  	[sflag:s18] =	ssyncset.done $0x0  }
0x10e: {  	[sflag:s18] =	ssyncadd.s32 $0xFFFFC000  }
0x10f: {  	[spmem:s2] =	stream.indirect.scatter.add.f32 [tilespmem:s15], [sflag:$0x5], $0x80, s21, s13, $0xb8;
	[tilespmem:$0x1D000] =	vst v63  }
0x110: {  	_ =	swait.ge [sflag:s19], $0x4000  }
0x111: {  	[sflag:s19] =	ssyncset.done $0x0  }
0x112: {  	[sflag:s19] =	ssyncadd.s32 $0xFFFFC000  }
0x113: {  	[tilespmem:s15], [sflag:$0x3] =	stream.indirect.gather [hbm4b:s4+s13], $0x80, s22, s13, $0xb8;
	[tilespmem:$0x1D000] =	vst v63  }
0x114: {  	_ =	swait.ge [sflag:s16], $0x4000  }
0x115: {  	[sflag:s16] =	ssyncset.done $0x0  }
0x116: {  	[sflag:s16] =	ssyncadd.s32 $0xFFFFC000  }
0x117: {  	[spmem:s2] =	stream.indirect.scatter.add.f32 [tilespmem:s14], [sflag:$0x4], $0x80, s23, s13, $0xb8;
	[tilespmem:$0x1D000] =	vst v63  }
0x118: {  	_ =	swait.ge [sflag:s17], $0x4000  }
0x119: {  	[sflag:s17] =	ssyncset.done $0x0  }
0x11a: {  	[sflag:s17] =	ssyncadd.s32 $0xFFFFC000  }
0x11b: {  	[tilespmem:s14], [sflag:$0x2] =	stream.indirect.gather [hbm4b:s4+s13], $0x80, s24, s13, $0xb8;
	[tilespmem:$0x1D000] =	vst v63  }
0x11c: {  	_ =	swait.ge [sflag:s18], $0x4000  }
0x11d: {  	[sflag:s18] =	ssyncset.done $0x0  }
0x11e: {  	[sflag:s18] =	ssyncadd.s32 $0xFFFFC000  }
0x11f: {  	[spmem:s2] =	stream.indirect.scatter.add.f32 [tilespmem:s15], [sflag:$0x5], $0x80, s25, s13, $0xb8;
	[tilespmem:$0x1D000] =	vst v63  }
0x120: {  	_ =	swait.ge [sflag:s19], $0x4000  }
0x121: {  	[sflag:s19] =	ssyncset.done $0x0  }
0x122: {  	[sflag:s19] =	ssyncadd.s32 $0xFFFFC000  }
0x123: {  	[tilespmem:s15], [sflag:$0x3] =	stream.indirect.gather [hbm4b:s4+s13], $0x80, s26, s13, $0xb8;
	[tilespmem:$0x1D000] =	vst v63  }
0x124: {  	_ =	swait.ge [sflag:s16], $0x4000  }
0x125: {  	[sflag:s16] =	ssyncset.done $0x0  }
0x126: {  	[sflag:s16] =	ssyncadd.s32 $0xFFFFC000  }
0x127: {  	[spmem:s2] =	stream.indirect.scatter.add.f32 [tilespmem:s14], [sflag:$0x4], $0x80, s28, s13, $0xb8;
	[tilespmem:$0x1D000] =	vst v63  }
0x128: {  	_ =	swait.ge [sflag:s17], $0x4000  }
0x129: {  	[sflag:s17] =	ssyncset.done $0x0  }
0x12a: {  	[sflag:s17] =	ssyncadd.s32 $0xFFFFC000  }
0x12b: {  	[tilespmem:s14], [sflag:$0x2] =	stream.indirect.gather [hbm4b:s4+s13], $0x80, s29, s13, $0xb8;
	[tilespmem:$0x1D000] =	vst v63  }
0x12c: {  	_ =	swait.ge [sflag:s18], $0x4000  }
0x12d: {  	[sflag:s18] =	ssyncset.done $0x0  }
0x12e: {  	[sflag:s18] =	ssyncadd.s32 $0xFFFFC000  }
0x12f: {  	[spmem:s2] =	stream.indirect.scatter.add.f32 [tilespmem:s15], [sflag:$0x5], $0x80, s30, s13, $0xb8;
	[tilespmem:$0x1D000] =	vst v63  }
0x130: {  	_ =	swait.ge [sflag:s19], $0x4000  }
0x131: {  	[sflag:s19] =	ssyncset.done $0x0  }
0x132: {  	s8 =	sadd.s32 $0x100, s8;
	[sflag:s19] =	ssyncadd.s32 $0xFFFFC000  }
0x133: {  	[tilespmem:s15], [sflag:$0x3] =	stream.indirect.gather [hbm4b:s4+s13], $0x80, s31, s13, $0xb8;
	[tilespmem:$0x1D000] =	vst v63  }
0x134: {  	p0 =	sne.s32 s8, $0xA00;
	_ =	swait.ge [sflag:s16], $0x4000  }
.Ltmp0:
0x135: {  	[sflag:s16] =	ssyncset.done $0x0;
	(pc) =	sbr.rel @p0 .LBB2_2-.Ltmp0, $4  }
0x136: {  	[sflag:s16] =	ssyncadd.s32 $0xFFFFC000  }
0x137: {  	[spmem:s2] =	stream.indirect.scatter.add.f32 [tilespmem:s14], [sflag:$0x4], $0x80, s1, s13, $0xb8;
	[tilespmem:$0x1D000] =	vst v63  }
0x138: {  	_ =	swait.ge [sflag:s18], $0x4000  }
0x139: {  	p1 =	seq.s32 s7, $0x0;
	[sflag:s18] =	ssyncset.done $0x0  }
0x13a: {  	s5 =	simm.s32 @!p1 $0x4;
	[sflag:s18] =	ssyncadd.s32 $0xFFFFC000  }
0x13b: {  	[spmem:s2] =	stream.indirect.scatter.add.f32 [tilespmem:s15], [sflag:$0x5], $0x80, s0, s13, $0xb8;
	[tilespmem:$0x1D000] =	vst v63  }
0x13c: {  	_ =	swait.ge @!p1 [sflag:s5], $0x4000  }
0x13d: {  	[sflag:s5] =	ssyncset.done @!p1 $0x0  }
0x13e: {  	[sflag:s5] =	ssyncadd.s32 @!p1 $0xFFFFC000;
	s5 =	simm.s32 @!p1 $0x5  }
0x13f: {  	_ =	swait.ge @!p1 [sflag:s5], $0x4000  }
0x140: {  	s6 =	rddreg [dreg:$0x3];
	[sflag:s5] =	ssyncset.done @!p1 $0x0  }
0x141: {  	s8 =	rddreg [dreg:$0x4];
	[sflag:s5] =	ssyncadd.s32 @!p1 $0xFFFFC000;
	s6 =	sadd.s32 s7, s6  }
0x142: {  	[tilespmem:s3], [sflag:$0x1] =	stream.linear.gather [hbm4b:s6+s3], $0x800, $0x38;
	[tilespmem:$0x1D000] =	vst v63  }
0x143: {  	s7 =	sadd.s32 s7, s8  }
0x144: {  	[tilespmem:s11], [sflag:$0x1] =	stream.linear.gather [hbm4b:s7+s3], $0x800, $0x38;
	[tilespmem:$0x1D000] =	vst v63  }
0x145: {  	_ =	swait.ge [sflag:s12], $0x800  }
0x146: {  	[sflag:s12] =	ssyncset.done $0x0  }
0x147: {  	[sflag:s12] =	ssyncadd.s32 $0xFFFFF800  }
0x148: {  	_ =	swait.ge [sflag:s12], $0x800  }
0x149: {  	[sflag:s12] =	ssyncset.done $0x0  }
0x14a: {  	[sflag:s12] =	ssyncadd.s32 $0xFFFFF800  }
0x14b: {  	[tilespmem:s14], [sflag:$0x2] =	stream.indirect.gather [hbm4b:s4+s13], $0x80, s3, s13, $0xb8;
	[tilespmem:$0x1D000] =	vst v63  }
0x14c: {  	_ = 	snop  }
0x14d: {  	[tilespmem:s15], [sflag:$0x3] =	stream.indirect.gather [hbm4b:s4+s13], $0x80, s13, s13, $0xb8;
	[tilespmem:$0x1D000] =	vst v63  }
0x14e: {  	_ =	swait.ge [sflag:s16], $0x4000  }
0x14f: {  	[sflag:s16] =	ssyncset.done $0x0  }
0x150: {  	[sflag:s16] =	ssyncadd.s32 $0xFFFFC000  }
0x151: {  	[spmem:s2] =	stream.indirect.scatter.add.f32 [tilespmem:s14], [sflag:$0x4], $0x80, s11, s13, $0xb8;
	[tilespmem:$0x1D000] =	vst v63  }
0x152: {  	_ =	swait.ge [sflag:s17], $0x4000  }
0x153: {  	[sflag:s17] =	ssyncset.done $0x0  }
0x154: {  	s8 =	rddreg [dreg:$0x5];
	[sflag:s17] =	ssyncadd.s32 $0xFFFFC000  }
0x155: {  	[tilespmem:s14], [sflag:$0x2] =	stream.indirect.gather [hbm4b:s4+s13], $0x80, s8, s13, $0xb8;
	[tilespmem:$0x1D000] =	vst v63  }
0x156: {  	_ =	swait.ge [sflag:s18], $0x4000  }
0x157: {  	[sflag:s18] =	ssyncset.done $0x0  }
0x158: {  	s9 =	rddreg [dreg:$0x6];
	[sflag:s18] =	ssyncadd.s32 $0xFFFFC000  }
0x159: {  	[spmem:s2] =	stream.indirect.scatter.add.f32 [tilespmem:s15], [sflag:$0x5], $0x80, s9, s13, $0xb8;
	[tilespmem:$0x1D000] =	vst v63  }
0x15a: {  	_ =	swait.ge [sflag:s19], $0x4000  }
0x15b: {  	[sflag:s19] =	ssyncset.done $0x0  }
0x15c: {  	s10 =	rddreg [dreg:$0x7];
	[sflag:s19] =	ssyncadd.s32 $0xFFFFC000  }
0x15d: {  	[tilespmem:s15], [sflag:$0x3] =	stream.indirect.gather [hbm4b:s4+s13], $0x80, s10, s13, $0xb8;
	[tilespmem:$0x1D000] =	vst v63  }
0x15e: {  	_ =	swait.ge [sflag:s16], $0x4000  }
0x15f: {  	[sflag:s16] =	ssyncset.done $0x0  }
0x160: {  	s6 =	rddreg [dreg:$0x8];
	[sflag:s16] =	ssyncadd.s32 $0xFFFFC000  }
0x161: {  	[spmem:s2] =	stream.indirect.scatter.add.f32 [tilespmem:s14], [sflag:$0x4], $0x80, s6, s13, $0xb8;
	[tilespmem:$0x1D000] =	vst v63  }
0x162: {  	_ =	swait.ge [sflag:s17], $0x4000  }
0x163: {  	[sflag:s17] =	ssyncset.done $0x0  }
0x164: {  	s7 =	rddreg [dreg:$0x9];
	[sflag:s17] =	ssyncadd.s32 $0xFFFFC000  }
0x165: {  	[tilespmem:s14], [sflag:$0x2] =	stream.indirect.gather [hbm4b:s4+s13], $0x80, s7, s13, $0xb8;
	[tilespmem:$0x1D000] =	vst v63  }
0x166: {  	_ =	swait.ge [sflag:s18], $0x4000  }
0x167: {  	[sflag:s18] =	ssyncset.done $0x0  }
0x168: {  	s8 =	rddreg [dreg:$0xa];
	[sflag:s18] =	ssyncadd.s32 $0xFFFFC000  }
0x169: {  	[spmem:s2] =	stream.indirect.scatter.add.f32 [tilespmem:s15], [sflag:$0x5], $0x80, s8, s13, $0xb8;
	[tilespmem:$0x1D000] =	vst v63  }
0x16a: {  	_ =	swait.ge [sflag:s19], $0x4000  }
0x16b: {  	[sflag:s19] =	ssyncset.done $0x0  }
0x16c: {  	s9 =	rddreg [dreg:$0xb];
	[sflag:s19] =	ssyncadd.s32 $0xFFFFC000  }
0x16d: {  	[tilespmem:s15], [sflag:$0x3] =	stream.indirect.gather [hbm4b:s4+s13], $0x80, s9, s13, $0xb8;
	[tilespmem:$0x1D000] =	vst v63  }
0x16e: {  	_ =	swait.ge [sflag:s16], $0x4000  }
0x16f: {  	[sflag:s16] =	ssyncset.done $0x0  }
0x170: {  	s10 =	rddreg [dreg:$0xc];
	[sflag:s16] =	ssyncadd.s32 $0xFFFFC000  }
0x171: {  	[spmem:s2] =	stream.indirect.scatter.add.f32 [tilespmem:s14], [sflag:$0x4], $0x80, s10, s13, $0xb8;
	[tilespmem:$0x1D000] =	vst v63  }
0x172: {  	_ =	swait.ge [sflag:s17], $0x4000  }
0x173: {  	[sflag:s17] =	ssyncset.done $0x0  }
0x174: {  	s6 =	rddreg [dreg:$0xd];
	[sflag:s17] =	ssyncadd.s32 $0xFFFFC000  }
0x175: {  	[tilespmem:s14], [sflag:$0x2] =	stream.indirect.gather [hbm4b:s4+s13], $0x80, s6, s13, $0xb8;
	[tilespmem:$0x1D000] =	vst v63  }
0x176: {  	_ =	swait.ge [sflag:s18], $0x4000  }
0x177: {  	[sflag:s18] =	ssyncset.done $0x0  }
0x178: {  	s7 =	rddreg [dreg:$0xe];
	[sflag:s18] =	ssyncadd.s32 $0xFFFFC000  }
0x179: {  	[spmem:s2] =	stream.indirect.scatter.add.f32 [tilespmem:s15], [sflag:$0x5], $0x80, s7, s13, $0xb8;
	[tilespmem:$0x1D000] =	vst v63  }
0x17a: {  	_ =	swait.ge [sflag:s19], $0x4000  }
0x17b: {  	[sflag:s19] =	ssyncset.done $0x0  }
0x17c: {  	s8 =	rddreg [dreg:$0xf];
	[sflag:s19] =	ssyncadd.s32 $0xFFFFC000  }
0x17d: {  	[tilespmem:s15], [sflag:$0x3] =	stream.indirect.gather [hbm4b:s4+s13], $0x80, s8, s13, $0xb8;
	[tilespmem:$0x1D000] =	vst v63  }
0x17e: {  	_ =	swait.ge [sflag:s16], $0x4000  }
0x17f: {  	[sflag:s16] =	ssyncset.done $0x0  }
0x180: {  	s9 =	rddreg [dreg:$0x10];
	[sflag:s16] =	ssyncadd.s32 $0xFFFFC000  }
0x181: {  	[spmem:s2] =	stream.indirect.scatter.add.f32 [tilespmem:s14], [sflag:$0x4], $0x80, s9, s13, $0xb8;
	[tilespmem:$0x1D000] =	vst v63  }
0x182: {  	_ =	swait.ge [sflag:s17], $0x4000  }
0x183: {  	[sflag:s17] =	ssyncset.done $0x0  }
0x184: {  	s10 =	rddreg [dreg:$0x11];
	[sflag:s17] =	ssyncadd.s32 $0xFFFFC000  }
0x185: {  	[tilespmem:s14], [sflag:$0x2] =	stream.indirect.gather [hbm4b:s4+s13], $0x80, s10, s13, $0xb8;
	[tilespmem:$0x1D000] =	vst v63  }
0x186: {  	_ =	swait.ge [sflag:s18], $0x4000  }
0x187: {  	[sflag:s18] =	ssyncset.done $0x0  }
0x188: {  	s6 =	rddreg [dreg:$0x12];
	[sflag:s18] =	ssyncadd.s32 $0xFFFFC000  }
0x189: {  	[spmem:s2] =	stream.indirect.scatter.add.f32 [tilespmem:s15], [sflag:$0x5], $0x80, s6, s13, $0xb8;
	[tilespmem:$0x1D000] =	vst v63  }
0x18a: {  	_ =	swait.ge [sflag:s19], $0x4000  }
0x18b: {  	[sflag:s19] =	ssyncset.done $0x0  }
0x18c: {  	s7 =	rddreg [dreg:$0x13];
	[sflag:s19] =	ssyncadd.s32 $0xFFFFC000  }
0x18d: {  	[tilespmem:s15], [sflag:$0x3] =	stream.indirect.gather [hbm4b:s4+s13], $0x80, s7, s13, $0xb8;
	[tilespmem:$0x1D000] =	vst v63  }
0x18e: {  	_ =	swait.ge [sflag:s16], $0x4000  }
0x18f: {  	[sflag:s16] =	ssyncset.done $0x0  }
0x190: {  	s8 =	rddreg [dreg:$0x14];
	[sflag:s16] =	ssyncadd.s32 $0xFFFFC000  }
0x191: {  	[spmem:s2] =	stream.indirect.scatter.add.f32 [tilespmem:s14], [sflag:$0x4], $0x80, s8, s13, $0xb8;
	[tilespmem:$0x1D000] =	vst v63  }
0x192: {  	_ =	swait.ge [sflag:s17], $0x4000  }
0x193: {  	[sflag:s17] =	ssyncset.done $0x0  }
0x194: {  	[sflag:s17] =	ssyncadd.s32 $0xFFFFC000  }
0x195: {  	[tilespmem:s14], [sflag:$0x2] =	stream.indirect.gather [hbm4b:s4+s13], $0x80, s20, s13, $0xb8;
	[tilespmem:$0x1D000] =	vst v63  }
0x196: {  	_ =	swait.ge [sflag:s18], $0x4000  }
0x197: {  	[sflag:s18] =	ssyncset.done $0x0  }
0x198: {  	[sflag:s18] =	ssyncadd.s32 $0xFFFFC000  }
0x199: {  	[spmem:s2] =	stream.indirect.scatter.add.f32 [tilespmem:s15], [sflag:$0x5], $0x80, s21, s13, $0xb8;
	[tilespmem:$0x1D000] =	vst v63  }
0x19a: {  	_ =	swait.ge [sflag:s19], $0x4000  }
0x19b: {  	[sflag:s19] =	ssyncset.done $0x0  }
0x19c: {  	[sflag:s19] =	ssyncadd.s32 $0xFFFFC000  }
0x19d: {  	[tilespmem:s15], [sflag:$0x3] =	stream.indirect.gather [hbm4b:s4+s13], $0x80, s22, s13, $0xb8;
	[tilespmem:$0x1D000] =	vst v63  }
0x19e: {  	_ =	swait.ge [sflag:s16], $0x4000  }
0x19f: {  	[sflag:s16] =	ssyncset.done $0x0  }
0x1a0: {  	[sflag:s16] =	ssyncadd.s32 $0xFFFFC000  }
0x1a1: {  	[spmem:s2] =	stream.indirect.scatter.add.f32 [tilespmem:s14], [sflag:$0x4], $0x80, s23, s13, $0xb8;
	[tilespmem:$0x1D000] =	vst v63  }
0x1a2: {  	_ =	swait.ge [sflag:s17], $0x4000  }
0x1a3: {  	[sflag:s17] =	ssyncset.done $0x0  }
0x1a4: {  	[sflag:s17] =	ssyncadd.s32 $0xFFFFC000  }
0x1a5: {  	[tilespmem:s14], [sflag:$0x2] =	stream.indirect.gather [hbm4b:s4+s13], $0x80, s24, s13, $0xb8;
	[tilespmem:$0x1D000] =	vst v63  }
0x1a6: {  	_ =	swait.ge [sflag:s18], $0x4000  }
0x1a7: {  	[sflag:s18] =	ssyncset.done $0x0  }
0x1a8: {  	[sflag:s18] =	ssyncadd.s32 $0xFFFFC000  }
0x1a9: {  	[spmem:s2] =	stream.indirect.scatter.add.f32 [tilespmem:s15], [sflag:$0x5], $0x80, s25, s13, $0xb8;
	[tilespmem:$0x1D000] =	vst v63  }
0x1aa: {  	_ =	swait.ge [sflag:s19], $0x4000  }
0x1ab: {  	[sflag:s19] =	ssyncset.done $0x0  }
0x1ac: {  	[sflag:s19] =	ssyncadd.s32 $0xFFFFC000  }
0x1ad: {  	[tilespmem:s15], [sflag:$0x3] =	stream.indirect.gather [hbm4b:s4+s13], $0x80, s26, s13, $0xb8;
	[tilespmem:$0x1D000] =	vst v63  }
0x1ae: {  	_ =	swait.ge [sflag:s16], $0x4000  }
0x1af: {  	[sflag:s16] =	ssyncset.done $0x0  }
0x1b0: {  	[sflag:s16] =	ssyncadd.s32 $0xFFFFC000  }
0x1b1: {  	[spmem:s2] =	stream.indirect.scatter.add.f32 [tilespmem:s14], [sflag:$0x4], $0x80, s28, s13, $0xb8;
	[tilespmem:$0x1D000] =	vst v63  }
0x1b2: {  	_ =	swait.ge [sflag:s17], $0x4000  }
0x1b3: {  	[sflag:s17] =	ssyncset.done $0x0  }
0x1b4: {  	[sflag:s17] =	ssyncadd.s32 $0xFFFFC000  }
0x1b5: {  	[tilespmem:s14], [sflag:$0x2] =	stream.indirect.gather [hbm4b:s4+s13], $0x80, s29, s13, $0xb8;
	[tilespmem:$0x1D000] =	vst v63  }
0x1b6: {  	_ =	swait.ge [sflag:s18], $0x4000  }
0x1b7: {  	[sflag:s18] =	ssyncset.done $0x0  }
0x1b8: {  	[sflag:s18] =	ssyncadd.s32 $0xFFFFC000  }
0x1b9: {  	[spmem:s2] =	stream.indirect.scatter.add.f32 [tilespmem:s15], [sflag:$0x5], $0x80, s30, s13, $0xb8;
	[tilespmem:$0x1D000] =	vst v63  }
0x1ba: {  	_ =	swait.ge [sflag:s19], $0x4000  }
0x1bb: {  	[sflag:s19] =	ssyncset.done $0x0  }
0x1bc: {  	[sflag:s19] =	ssyncadd.s32 $0xFFFFC000  }
0x1bd: {  	[tilespmem:s15], [sflag:$0x3] =	stream.indirect.gather [hbm4b:s4+s13], $0x80, s31, s13, $0xb8;
	[tilespmem:$0x1D000] =	vst v63  }
0x1be: {  	_ =	swait.ge [sflag:s16], $0x4000  }
0x1bf: {  	[sflag:s16] =	ssyncset.done $0x0  }
0x1c0: {  	[sflag:s16] =	ssyncadd.s32 $0xFFFFC000  }
0x1c1: {  	[spmem:s2] =	stream.indirect.scatter.add.f32 [tilespmem:s14], [sflag:$0x4], $0x80, s1, s13, $0xb8;
	[tilespmem:$0x1D000] =	vst v63  }
0x1c2: {  	_ =	swait.ge [sflag:s18], $0x4000  }
0x1c3: {  	[sflag:s18] =	ssyncset.done $0x0  }
0x1c4: {  	[sflag:s18] =	ssyncadd.s32 $0xFFFFC000  }
0x1c5: {  	[spmem:s2] =	stream.indirect.scatter.add.f32 [tilespmem:s15], [sflag:$0x5], $0x80, s0, s13, $0xb8;
	[tilespmem:$0x1D000] =	vst v63  }
0x1c6: {  	_ =	swait.ge [sflag:s17], $0x4000  }
0x1c7: {  	[sflag:s17] =	ssyncset.done $0x0  }
0x1c8: {  	[sflag:s17] =	ssyncadd.s32 $0xFFFFC000  }
0x1c9: {  	_ =	swait.ge [sflag:s19], $0x4000  }
0x1ca: {  	[sflag:s19] =	ssyncset.done $0x0  }
0x1cb: {  	[sflag:s19] =	ssyncadd.s32 $0xFFFFC000  }
0x1cc: {  	[bflag:$0x0] =	sbarrier.arrive $0xFFFF  }
0x1cd: {  	s6 =	rddreg [dreg:$0x16]  }
0x1ce: {  	s9 =	rddreg [dreg:$0x17]  }
0x1cf: {  	s8 =	simm.s32 $0x6;
	s7 =	rddreg [dreg:$0x19]  }
0x1d0: {  	[hbm:s9], [sflag:s6] =	dma.local [spmem:s7], $0x2800  }
0x1d1: {  	_ =	swait.ge [sflag:s8], $0x2800  }
0x1d2: {  	s9 =	rddreg [dreg:$0x1a]  }
0x1d3: {  	s10 =	rddreg [dreg:$0x18];
	s9 =	sadd.s32 $0x1, s9  }
0x1d4: {  	p0 =	sne.s32 s9, s10  }
.Ltmp1:
0x1d5: {  	_ = 	snop;
	(pc) =	sbr.rel @p0 .LBB2_1-.Ltmp1, $3  }
0x1d6: {  	_ =	sdelay $0x1  }
0x1d7: {  	[sflag:s8] =	ssyncset.done $0x0  }
0x1d8: {  	[sflag:s8] =	ssyncadd.s32 $0xFFFFD800  }
0x1d9: {  	_ =	sfence.sel $0x180000  }
0x1da: {  	[bflag:$0x0] =	sbarrier.arrive $0xFFFF  }
0x1db: {  	_ =	strace $0x9000004D  }
0x1dc: {  	s0 =	stileid.u32;
	[bflag:$0x2] =	sbarrier.arrive $0xFFFF  }
0x1dd: {  	p0 =	sne.s32 s0, $0x0;
	s0 =	rddreg [dreg:$0x2]  }
0x1de: {  	s0 =	sadd.s32 @!p0 $0x100000, s0  }
0x1df: {  	[sflag:s0] =	ssyncadd.tile.s32 @!p0 $0x1;
	_ =	shalt  }
.Lfunc_end2:
_tile_overlayer_lowered:
.L_overlay_start_2:
0x1e0: {  	(tag) =	ssettag $0x2  }
0x1e1: {  	s0 =	rddreg [dreg:$0x0];
	s2 =	stileid.u32  }
0x1e2: {  	s1 =	rddreg [dreg:$0x1];
	p0 =	sne.s32 s2, $0x0  }
0x1e3: {  	s3 =	rddreg [dreg:$0x2];
	[bflag:$0x3] =	sbarrier.arrive $0xFFFF;
	s2 =	simm.s32 @!p0 $0x1C06  }
0x1e4: {  	[timem:s3], [sflag:s2] =	dma.local @!p0 [hbm:s0], s1  }
0x1e5: {  	s0 =	simm.s32 @!p0 $0x6  }
0x1e6: {  	_ =	swait.ge @!p0 [sflag:s0], s1  }
0x1e7: {  	s1 =	ssub.s32 @!p0 $0x0, s1;
	[sflag:s0] =	ssyncset.done @!p0 $0x0  }
0x1e8: {  	[sflag:s0] =	ssyncadd.s32 @!p0 s1  }
0x1e9: {  	[bflag:$0x3] =	sbarrier.arrive $0xFFFF  }
0x1ea: {  	_ =	shalt  }

// kernel: kernel.19.cloned.1.call-start
scs
__scs_entry_jumppad:
0x0: {  	(pc) =	sbr.rel $0x88, $3  }
0x1: {  	(tag) =	ssettag $0x0;
	lr =	simm.s32 $0x1  }
0x2: {  	[smem:$0x3F93] =	sst lr;
	_ =	strace $0xD0000000  }
0x3: {  	_ = 	snop  }
0x4: {  	_ = 	snop  }
0x5: {  	_ = 	snop  }
0x6: {  	_ = 	snop  }
0x7: {  	_ = 	snop  }
__scs_overlays_trampoline_lowered:
0x8: {  	[smem:$0x3FA2] =	sst s0  }
0x9: {  	[smem:$0x3FA3] =	sst s1  }
0xa: {  	[smem:$0x3FA4] =	sst s2  }
0xb: {  	[smem:$0x3FA5] =	sst s3  }
0xc: {  	[smem:$0x3FA6] =	sst s4  }
0xd: {  	[smem:$0x3FA7] =	sst s5  }
0xe: {  	[smem:$0x3FA8] =	sst s6  }
0xf: {  	[smem:$0x3FA9] =	sst s7  }
0x10: {  	[smem:$0x3FAA] =	sst s8  }
0x11: {  	[smem:$0x3FAB] =	sst s9;
	s0 =	simm.s32 @!p0 $0x0  }
0x12: {  	s1 =	sld [smem:$0x3F91];
	s0 =	simm.s32 @p0 $0x1  }
0x13: {  	[smem:$0x3FAC] =	sst s0;
	s0 =	simm.s32 @!p1 $0x0  }
0x14: {  	s2 =	sld [smem:$0x3F90];
	s0 =	simm.s32 @p1 $0x1  }
0x15: {  	[smem:$0x3FAD] =	sst s0;
	s0 =	simm.s32 @!p2 $0x0  }
0x16: {  	s3 =	sld [smem:$0x3FDB];
	s0 =	simm.s32 @p2 $0x1  }
0x17: {  	s4 =	simm.s32 $0x1BF5;
	[smem:$0x3FAF] =	sst s0  }
0x18: {  	s0 =	sld [smem:$0x3F92];
	_ =	swait.ge [sflag:s4], $0x0  }
0x19: {  	s7 =	sld [smem:$0x3F93]  }
0x1a: {  	s8 =	sadd.s32 $0xFFFFE003, lr  }
0x1b: {  	s9 =	sadd.s32 $0xFFFFFEF7, lr;
	s5 =	simm.s32 $0xFFFFFFFF;
	p2 =	slt.u32 s8, $0xFFFFF086  }
0x1c: {  	p1 =	slt.u32 s9, $0xF7A;
	s5 =	simm.s32 @!p2 $0x0  }
0x1d: {  	s5 =	simm.s32 @p1 $0x1;
	p0 =	seq.s32 s7, s2  }
0x1e: {  	s7 =	smul.u32 @!p0 $0xF7A, s2;
	p2 =	seq.s32 @!p0 s5, $0x0  }
0x1f: {  	s9 =	smul.u32 $0xF7A, s1;
	s8 =	simm.s32 @!p0 $0x1BF5;
	p2 =	por !p2, p0  }
0x20: {  	[sflag:s8] =	ssyncset.s32 @!p0 $0xFFFFF086;
	s6 =	sadd.s32 @!p0 s3, s7;
	s7 =	simm.s32 @!p0 $0x108  }
0x21: {  	s3 =	sadd.s32 s3, s9;
	s6 =	sadd.s32 @!p0 $0x88, s6;
	s7 =	simm.s32 @p2 $0x1082  }
0x22: {  	[simem:s7], [sflag:s8] =	dma.local @!p0 [hbm:s6], $0xF7A  }
0x23: {  	s9 =	sor.u32 $0xD0000000, s2;
	s6 =	simm.s32 $0x108;
	_ =	swait.ge @!p0 [sflag:s8], $0x0  }
0x24: {  	s3 =	sadd.s32 $0x88, s3;
	s6 =	simm.s32 @!p1 $0x1082;
	[sflag:s4] =	ssyncset.s32 $0xFFFFF086  }
0x25: {  	[simem:s6], [sflag:s4] =	dma.local [hbm:s3], $0xF7A  }
0x26: {  	[smem:$0x3F93] =	sst s1;
	(tag) =	ssettag s2;
	_ =	strace s9  }
0x27: {  	s1 =	sld [smem:$0x3FA3]  }
0x28: {  	s2 =	sld [smem:$0x3FA4]  }
0x29: {  	s4 =	sld [smem:$0x3FA6]  }
0x2a: {  	p0 =	seq.s32 s5, $0x0;
	s5 =	sld [smem:$0x3FA7]  }
0x2b: {  	s6 =	sld [smem:$0x3FA8]  }
0x2c: {  	s7 =	sld [smem:$0x3FA9]  }
0x2d: {  	s3 =	simm.s32 $0x108;
	s8 =	sld [smem:$0x3FAA]  }
0x2e: {  	s3 =	simm.s32 @!p0 $0x1082;
	s9 =	sld [smem:$0x3FAB]  }
0x2f: {  	lr =	sadd.s32 s0, s3;
	s0 =	sld [smem:$0x3FA2]  }
0x30: {  	s3 =	sld [smem:$0x3FA5]  }
0x31: {  	[smem:$0x3FAE] =	sst s10  }
0x32: {  	s10 =	sld [smem:$0x3FAC];
	_ =	sdelay $0x3  }
0x33: {  	p0 =	seq.s32 s10, $0x1;
	s10 =	sld [smem:$0x3FAE];
	_ =	sdelay $0x3  }
0x34: {  	[smem:$0x3FAE] =	sst s10  }
0x35: {  	s10 =	sld [smem:$0x3FAD];
	_ =	sdelay $0x3  }
0x36: {  	p1 =	seq.s32 s10, $0x1;
	s10 =	sld [smem:$0x3FAE];
	_ =	sdelay $0x3  }
0x37: {  	[smem:$0x3FAE] =	sst s10  }
0x38: {  	s10 =	sld [smem:$0x3FAF]  }
0x39: {  	_ = 	snop;
	(pc) =	sbr.ind lr, $3  }
0x3a: {  	_ = 	snop  }
0x3b: {  	_ = 	snop  }
0x3c: {  	p2 =	seq.s32 s10, $0x1;
	s10 =	sld [smem:$0x3FAE]  }
0x3d: {  	_ =	shalt  }
0x3e: {  	_ =	shalt  }
0x3f: {  	_ =	shalt  }
0x40: {  	_ =	shalt  }
0x41: {  	_ =	shalt  }
0x42: {  	_ =	shalt  }
0x43: {  	_ =	shalt  }
0x44: {  	_ =	shalt  }
0x45: {  	_ =	shalt  }
0x46: {  	_ =	shalt  }
0x47: {  	_ =	shalt  }
0x48: {  	_ =	shalt  }
0x49: {  	_ =	shalt  }
0x4a: {  	_ =	shalt  }
0x4b: {  	_ =	shalt  }
0x4c: {  	_ =	shalt  }
0x4d: {  	_ =	shalt  }
0x4e: {  	_ =	shalt  }
0x4f: {  	_ =	shalt  }
0x50: {  	_ =	shalt  }
0x51: {  	_ =	shalt  }
0x52: {  	_ =	shalt  }
0x53: {  	_ =	shalt  }
0x54: {  	_ =	shalt  }
0x55: {  	_ =	shalt  }
0x56: {  	_ =	shalt  }
0x57: {  	_ =	shalt  }
0x58: {  	_ =	shalt  }
0x59: {  	_ =	shalt  }
0x5a: {  	_ =	shalt  }
0x5b: {  	_ =	shalt  }
0x5c: {  	_ =	shalt  }
0x5d: {  	_ =	shalt  }
0x5e: {  	_ =	shalt  }
0x5f: {  	_ =	shalt  }
0x60: {  	_ =	shalt  }
0x61: {  	_ =	shalt  }
0x62: {  	_ =	shalt  }
0x63: {  	_ =	shalt  }
0x64: {  	_ =	shalt  }
0x65: {  	_ =	shalt  }
0x66: {  	_ =	shalt  }
0x67: {  	_ =	shalt  }
0x68: {  	_ =	shalt  }
0x69: {  	_ =	shalt  }
0x6a: {  	_ =	shalt  }
0x6b: {  	_ =	shalt  }
0x6c: {  	_ =	shalt  }
0x6d: {  	_ =	shalt  }
0x6e: {  	_ =	shalt  }
0x6f: {  	_ =	shalt  }
0x70: {  	_ =	shalt  }
0x71: {  	_ =	shalt  }
0x72: {  	_ =	shalt  }
0x73: {  	_ =	shalt  }
0x74: {  	_ =	shalt  }
0x75: {  	_ =	shalt  }
0x76: {  	_ =	shalt  }
0x77: {  	_ =	shalt  }
0x78: {  	_ =	shalt  }
0x79: {  	_ =	shalt  }
0x7a: {  	_ =	shalt  }
0x7b: {  	_ =	shalt  }
0x7c: {  	_ =	shalt  }
0x7d: {  	_ =	shalt  }
0x7e: {  	_ =	shalt  }
0x7f: {  	_ =	shalt  }
0x80: {  	_ =	shalt  }
0x81: {  	_ =	shalt  }
0x82: {  	_ =	shalt  }
0x83: {  	_ =	shalt  }
0x84: {  	_ =	shalt  }
0x85: {  	_ =	shalt  }
0x86: {  	_ =	shalt  }
0x87: {  	_ =	shalt  }
.Lfunc_end0:
.L_simem_size_0:
called_computation.3_lowered:
.L_overlay_start_0:
0x88: {  	s2 =	sld [smem:$0x3FD9]  }
0x89: {  	s3 =	sld [smem:$0x3FFE];
	_ =	sdelay $0x1  }
0x8a: {  	s1 =	srdreg.scid  }
0x8b: {  	s0 =	sand.u32 $0x1, s1  }
0x8c: {  	s16 =	sshll.u32 s0, $0xA;
	s2 =	sadd.s32 s3, s2  }
0x8d: {  	s2 =	sadd.s32 s2, s16  }
0x8e: {  	[smem:$0x3FBA] =	sst s2  }
0x8f: {  	_ = 	snop  }
0x90: {  	(tm) =	ssettm $0x1  }
0x91: {  	s17 =	sld [smem:$0x3FFB];
	_ =	sdelay $0x3  }
0x92: {  	_ =	strace s17  }
0x93: {  	s2 =	sld [smem:$0x3FFC];
	_ =	sdelay $0x3  }
0x94: {  	_ =	strace s2  }
0x95: {  	s2 =	sld [smem:$0x3FFD];
	_ =	sdelay $0x3  }
0x96: {  	_ =	strace s2  }
0x97: {  	_ =	strace $0x8FFFFFFF  }
0x98: {  	s18 =	sld [smem:$0x3FDB];
	_ =	sdelay $0x1  }
0x99: {  	s19 =	simm.s32 $_scs_section_size  }
0x9a: {  	s4 =	simm.s32 $_size__tile_overlayer_lowered;
	s5 =	simm.s32 $_tile_overlayer_lowered  }
0x9b: {  	s22 =	simm.s32 $0x1BFF;
	s21 =	sshll.u32 s5, $0x1;
	s2 =	sadd.s32 s19, s18  }
0x9c: {  	s6 =	simm.s32 $0x0;
	s20 =	sshll.u32 s4, $0x1;
	s4 =	sadd.s32 s21, s2  }
0x9d: {  	[timem:s6], [sflag:s22] =	dma.local [hbm:s4], s20  }
0x9e: {  	_ =	swait.ge [sflag:s22], s20  }
0x9f: {  	s3 =	ssub.s32 $0x0, s20;
	[sflag:s22] =	ssyncset.done $0x0  }
0xa0: {  	[sflag:s22] =	ssyncadd.s32 s3;
	_ =	sdelay $0x1  }
0xa1: {  	s23 =	simm.s32 $0x1B8B  }
0xa2: {  	_ =	swait.ge [sflag:s23], $0x1  }
0xa3: {  	[sflag:s23] =	ssyncset.done $0x0  }
0xa4: {  	s25 =	simm.s32 $0x1B8E;
	s24 =	sld [smem:$0x3FFE];
	[sflag:s23] =	ssyncadd.s32 $0xFFFFFFFF  }
0xa5: {  	s26 =	simm.s32 $execute0_lowered;
	[smem:$0x3FD2] =	sst s25  }
0xa6: {  	s4 =	sshll.u32 s26, $0x1;
	_ =	strace $0x8000004F;
	[dreg:$0x1] =	wrdreg $0xFFFFFFFF  }
0xa7: {  	s28 =	simm.s32 $_size_execute0_lowered;
	s2 =	sadd.s32 s2, s4;
	[dreg:$0x0] =	wrdreg $0x0  }
0xa8: {  	s4 =	sshll.u32 s28, $0x1;
	[dreg:$0x2] =	wrdreg s2  }
0xa9: {  	[dreg:$0x3] =	wrdreg s4  }
0xaa: {  	[dreg:$0x4] =	wrdreg $0xC0  }
0xab: {  	_ =	task [dreg:s6], $0x5FFFF  }
0xac: {  	[dreg:$0x1] =	wrdreg $0xFFFFFFFF  }
0xad: {  	[dreg:$0x0] =	wrdreg $0x60  }
0xae: {  	[dreg:$0x2] =	wrdreg s24  }
0xaf: {  	[dreg:$0x3] =	wrdreg $0x90000  }
0xb0: {  	[dreg:$0x4] =	wrdreg $0x9  }
0xb1: {  	_ =	task.clear_ibuf [dreg:s6], $0x5FFFF;
	_ =	strace $0x9000004F  }
0xb2: {  	s29 =	simm.s32 $0x9;
	_ =	strace $0x80000051  }
0xb3: {  	_ =	swait.ge [sflag:s29], $0x1  }
0xb4: {  	[sflag:s29] =	ssyncadd.s32 $0xFFFFFFFF  }
0xb5: {  	_ =	strace $0x90000051  }
0xb6: {  	_ =	sfence  }
0xb7: {  	s30 =	sld [smem:$0x0];
	_ =	sdelay $0x2  }
0xb8: {  	s31 =	sshll.u32 s1, $0xD;
	s1 =	sshrl.u32 s1, $0x2  }
0xb9: {  	s3 =	sand.u32 $0x4000, s31;
	s1 =	sadd.s32 s1, s30  }
0xba: {  	s0 =	sor.u32 s3, s0;
	s1 =	sshll.u32 s1, $0x11  }
0xbb: {  	s0 =	sor.u32 s1, s0  }
0xbc: {  	s0 =	sadd.s32 $0x8F2B, s0  }
0xbd: {  	[sflag:s0] =	ssyncadd.remote.s32 $0x1  }
0xbe: {  	_ =	sfence.sel $0xFFFF  }
0xbf: {  	[dreg:$0x0] =	wrdreg $0xFFFFFFFF;
	(pc) =	sbr.abs _section_cstart, $3  }
0xc0: {  	[dreg:$0x1] =	wrdreg $0xFFFFFFFF  }
0xc1: {  	_ =	task.clear_ibuf [dreg:s6], $0x2FFFF;
	_ =	strace $0x9FFFFFFF  }
0xc2: {  	(tm) =	ssettm $0x7FFFFFFF  }
0xc3: {  	_ =	shalt  }
tec
execute0_lowered:
.L_overlay_start_1:
0x0: {  	(tag) =	ssettag $0x1  }
0x1: {  	s0 =	rddreg [dreg:$0x0]  }
0x2: {  	s1 =	rddreg [dreg:$0x1];
	s3 =	simm.s32 $0x0;
	s2 =	srdreg.scid  }
0x3: {  	s10 =	stileid.u32;
	s12 =	simm.s32 $0x880;
	s13 =	simm.s32 $0x180  }
0x4: {  	s14 =	simm.s32 $0x900;
	s15 =	simm.s32 $0x200;
	s16 =	simm.s32 $0x980  }
0x5: {  	s17 =	simm.s32 $0x280;
	s18 =	simm.s32 $0xA00;
	s19 =	simm.s32 $0x300  }
0x6: {  	s20 =	simm.s32 $0xA80;
	s21 =	simm.s32 $0x380;
	[smem:$0x7FF] =	sst s3  }
0x7: {  	s28 =	simm.s32 $0xD80;
	_ =	strace $0x80000050;
	[dreg:$0x6] =	wrdreg s12  }
0x8: {  	s29 =	simm.s32 $0x680;
	s30 =	simm.s32 $0xE00;
	[dreg:$0x7] =	wrdreg s13  }
0x9: {  	s31 =	simm.s32 $0x700;
	s5 =	smul.u32 $0x50000, s10;
	[dreg:$0x8] =	wrdreg s14  }
0xa: {  	s2 =	sand.u32 $0x1, s2;
	s9 =	smul.u32 $0x500, s10;
	[dreg:$0x9] =	wrdreg s15  }
0xb: {  	s4 =	sadd.s32 $0xE400, s0;
	s22 =	smul.u32 $0x2800, s10;
	[dreg:$0xa] =	wrdreg s16  }
0xc: {  	s6 =	smul.u32 $0x5000, s2;
	s7 =	ssub.s32 $0x2, s2;
	[dreg:$0xb] =	wrdreg s17  }
0xd: {  	p0 =	seq.s32 s2, $0x1;
	s12 =	simm.s32 $0x1000;
	[dreg:$0xc] =	wrdreg s18  }
0xe: {  	s14 =	simm.s32 $0x800;
	s15 =	simm.s32 $0x1;
	[dreg:$0xd] =	wrdreg s19  }
0xf: {  	s16 =	simm.s32 $0x80;
	[dreg:$0xe] =	wrdreg s20;
	s17 =	simm.s32 $0x5000  }
0x10: {  	[dreg:$0xf] =	wrdreg s21;
	s8 =	sshrl.u32 s7, $0x1;
	s5 =	sshrl.u32 s5, $0x2  }
0x11: {  	s18 =	simm.s32 $0x2;
	s7 =	ssub.s32 s7, s8;
	s11 =	sadd.s32 s5, s1  }
0x12: {  	s19 =	simm.s32 $0x4;
	s23 =	smax.u32 s7, $0x1;
	[dreg:$0x15] =	wrdreg s11  }
0x13: {  	s20 =	simm.s32 $0x3;
	s24 =	sadd.s32 $0x4000, s11;
	[dreg:$0x16] =	wrdreg s23  }
0x14: {  	s21 =	simm.s32 $0x5;
	s26 =	sadd.s32 $0x8000, s11;
	[dreg:$0x17] =	wrdreg s24  }
0x15: {  	s2 =	simm.s32 $0x780;
	s8 =	sadd.s32 $0xC000, s11;
	[dreg:$0x18] =	wrdreg s26  }
0x16: {  	s6 =	sadd.s32 s6, s0;
	s10 =	sadd.s32 $0x10000, s11;
	[dreg:$0x19] =	wrdreg s8  }
0x17: {  	s6 =	sadd.s32 s9, s6;
	s9 =	simm.s32 $0x100;
	[dreg:$0x1a] =	wrdreg s10  }
0x18: {  	s7 =	simm.s32 $0xA4400;
	s25 =	sadd.s32 $0x5E400, s6;
	[dreg:$0x5] =	wrdreg s9  }
0x19: {  	s6 =	sadd.s32 $0x4400, s6;
	s7 =	simm.s32 @!p0 $0x36400;
	[dreg:$0x3] =	wrdreg s25  }
0x1a: {  	s8 =	simm.s32 $0x6;
	s23 =	simm.s32 $0x400;
	[dreg:$0x4] =	wrdreg s6  }
0x1b: {  	s24 =	simm.s32 $0xB80;
	s26 =	simm.s32 $0xC00;
	[dreg:$0x11] =	wrdreg s23  }
0x1c: {  	s9 =	simm.s32 $0x0;
	s0 =	sadd.s32 s7, s0;
	[dreg:$0x12] =	wrdreg s24  }
0x1d: {  	s25 =	simm.s32 $0x480;
	[dreg:$0x14] =	wrdreg s26;
	s23 =	simm.s32 $0xC80  }
0x1e: {  	s24 =	simm.s32 $0x580;
	s26 =	simm.s32 $0x600;
	s6 =	simm.s32 $0xF00  }
0x1f: {  	s7 =	simm.s32 $0xF80;
	s0 =	sadd.s32 s0, s22;
	[dreg:$0x13] =	wrdreg s25  }
0x20: {  	s22 =	simm.s32 $0xB00;
	s25 =	simm.s32 $0xD00;
	[dreg:$0x1b] =	wrdreg s0  }
0x21: {  	v0 =	vimm.f32 $0.0e+00;
	[dreg:$0x10] =	wrdreg s22;
	s22 =	simm.s32 $0x500;
	s0 =	simm.s32 $0xE80  }
.LBB2_1:
0x22: {  	[dreg:$0x1c] =	wrdreg s9;
	s9 =	simm.s32 $0x0;
	s10 =	simm.s32 $0x200  }
.LBB2_2:
0x23: {  	p0 =	sne.s32 s10, $0xFE00;
	[tilespmem:s9+$0x1070] =	vst v0  }
0x24: {  	[tilespmem:s9+$0x1000] =	vst v0  }
0x25: {  	[tilespmem:s9+$0x1010] =	vst v0  }
.Ltmp0:
0x26: {  	[tilespmem:s9+$0x1020] =	vst v0;
	(pc) =	sbr.rel @p0 .LBB2_2-.Ltmp0, $4  }
0x27: {  	[tilespmem:s9+$0x1030] =	vst v0  }
0x28: {  	[tilespmem:s9+$0x1040] =	vst v0  }
0x29: {  	[tilespmem:s9+$0x1050] =	vst v0  }
0x2a: {  	[tilespmem:s9+$0x1060] =	vst v0;
	s9 =	sshra.s32 s10, $0x2;
	s10 =	sadd.s32 $0x200, s10  }
0x2b: {  	[tilespmem:s9+$0x1070] =	vst v0  }
0x2c: {  	[tilespmem:s9+$0x1000] =	vst v0  }
0x2d: {  	[tilespmem:s9+$0x1010] =	vst v0  }
0x2e: {  	[tilespmem:s9+$0x1020] =	vst v0  }
0x2f: {  	[tilespmem:s9+$0x1030] =	vst v0  }
0x30: {  	[tilespmem:s9+$0x1040] =	vst v0  }
0x31: {  	[tilespmem:s9+$0x1050] =	vst v0  }
0x32: {  	[tilespmem:s9+$0x1060] =	vst v0  }
0x33: {  	[spmem:s11] =	stream.linear.scatter [tilespmem:s12], [sflag:$0x6], $0x4000, $0x38;
	[tilespmem:$0x1D000] =	vst v63  }
0x34: {  	_ =	swait.ge [sflag:s8], $0x4000  }
0x35: {  	[sflag:s8] =	ssyncset.done $0x0  }
0x36: {  	s5 =	rddreg [dreg:$0x17];
	[sflag:s8] =	ssyncadd.s32 $0xFFFFC000  }
0x37: {  	[spmem:s5] =	stream.linear.scatter [tilespmem:s12], [sflag:$0x6], $0x4000, $0x38;
	[tilespmem:$0x1D000] =	vst v63  }
0x38: {  	_ =	swait.ge [sflag:s8], $0x4000  }
0x39: {  	[sflag:s8] =	ssyncset.done $0x0  }
0x3a: {  	s10 =	rddreg [dreg:$0x18];
	[sflag:s8] =	ssyncadd.s32 $0xFFFFC000  }
0x3b: {  	[spmem:s10] =	stream.linear.scatter [tilespmem:s12], [sflag:$0x6], $0x4000, $0x38;
	[tilespmem:$0x1D000] =	vst v63  }
0x3c: {  	_ =	swait.ge [sflag:s8], $0x4000  }
0x3d: {  	[sflag:s8] =	ssyncset.done $0x0  }
0x3e: {  	s11 =	rddreg [dreg:$0x19];
	[sflag:s8] =	ssyncadd.s32 $0xFFFFC000  }
0x3f: {  	[spmem:s11] =	stream.linear.scatter [tilespmem:s12], [sflag:$0x6], $0x4000, $0x38;
	[tilespmem:$0x1D000] =	vst v63  }
0x40: {  	_ =	swait.ge [sflag:s8], $0x4000  }
0x41: {  	[sflag:s8] =	ssyncset.done $0x0  }
0x42: {  	s13 =	rddreg [dreg:$0x1a];
	[sflag:s8] =	ssyncadd.s32 $0xFFFFC000  }
0x43: {  	[spmem:s13] =	stream.linear.scatter [tilespmem:s12], [sflag:$0x6], $0x4000, $0x38;
	[tilespmem:$0x1D000] =	vst v63  }
0x44: {  	_ =	swait.ge [sflag:s8], $0x4000  }
0x45: {  	[sflag:s8] =	ssyncset.done $0x0  }
0x46: {  	p0 =	por $0x1, $0x1;
	[sflag:s8] =	ssyncadd.s32 $0xFFFFC000  }
0x47: {  	s9 =	simm.s32 @!p0 $0x4;
	[bflag:$0x0] =	sbarrier.arrive $0xFFFF  }
0x48: {  	_ =	swait.ge @!p0 [sflag:s9], $0x4000  }
0x49: {  	[sflag:s9] =	ssyncset.done @!p0 $0x0  }
0x4a: {  	[sflag:s9] =	ssyncadd.s32 @!p0 $0xFFFFC000;
	s9 =	simm.s32 @!p0 $0x5  }
0x4b: {  	_ =	swait.ge @!p0 [sflag:s9], $0x4000  }
0x4c: {  	s10 =	rddreg [dreg:$0x3];
	[sflag:s9] =	ssyncset.done @!p0 $0x0  }
0x4d: {  	s8 =	rddreg [dreg:$0x4];
	[sflag:s9] =	ssyncadd.s32 @!p0 $0xFFFFC000;
	s10 =	sadd.s32 $0x0, s10  }
0x4e: {  	[tilespmem:s3], [sflag:$0x1] =	stream.linear.gather [hbm4b:s10+s3], $0x800, $0x38;
	[tilespmem:$0x1D000] =	vst v63  }
0x4f: {  	s11 =	sadd.s32 $0x0, s8  }
0x50: {  	[tilespmem:s14], [sflag:$0x1] =	stream.linear.gather [hbm4b:s11+s3], $0x800, $0x38;
	[tilespmem:$0x1D000] =	vst v63  }
0x51: {  	_ =	swait.ge [sflag:s15], $0x800  }
0x52: {  	[sflag:s15] =	ssyncset.done $0x0  }
0x53: {  	[sflag:s15] =	ssyncadd.s32 $0xFFFFF800  }
0x54: {  	_ =	swait.ge [sflag:s15], $0x800  }
0x55: {  	[sflag:s15] =	ssyncset.done $0x0  }
0x56: {  	[sflag:s15] =	ssyncadd.s32 $0xFFFFF800  }
0x57: {  	[tilespmem:s12], [sflag:$0x2] =	stream.indirect.gather [hbm4b:s4+s16], $0x80, s3, s16, $0xb8;
	[tilespmem:$0x1D000] =	vst v63  }
0x58: {  	_ = 	snop  }
0x59: {  	[tilespmem:s17], [sflag:$0x3] =	stream.indirect.gather [hbm4b:s4+s16], $0x80, s16, s16, $0xb8;
	[tilespmem:$0x1D000] =	vst v63  }
0x5a: {  	_ =	swait.ge [sflag:s18], $0x4000  }
0x5b: {  	[sflag:s18] =	ssyncset.done $0x0  }
0x5c: {  	[sflag:s18] =	ssyncadd.s32 $0xFFFFC000  }
0x5d: {  	[spmem:s1] =	stream.indirect.scatter.add.f32 [tilespmem:s12], [sflag:$0x4], $0x80, s14, s16, $0xb8;
	[tilespmem:$0x1D000] =	vst v63  }
0x5e: {  	_ =	swait.ge [sflag:s19], $0x4000  }
0x5f: {  	[sflag:s19] =	ssyncset.done $0x0  }
0x60: {  	s13 =	rddreg [dreg:$0x5];
	[sflag:s19] =	ssyncadd.s32 $0xFFFFC000  }
0x61: {  	[tilespmem:s12], [sflag:$0x2] =	stream.indirect.gather [hbm4b:s4+s16], $0x80, s13, s16, $0xb8;
	[tilespmem:$0x1D000] =	vst v63  }
0x62: {  	_ =	swait.ge [sflag:s20], $0x4000  }
0x63: {  	[sflag:s20] =	ssyncset.done $0x0  }
0x64: {  	s5 =	rddreg [dreg:$0x6];
	[sflag:s20] =	ssyncadd.s32 $0xFFFFC000  }
0x65: {  	[spmem:s1] =	stream.indirect.scatter.add.f32 [tilespmem:s17], [sflag:$0x5], $0x80, s5, s16, $0xb8;
	[tilespmem:$0x1D000] =	vst v63  }
0x66: {  	_ =	swait.ge [sflag:s21], $0x4000  }
0x67: {  	[sflag:s21] =	ssyncset.done $0x0  }
0x68: {  	s8 =	rddreg [dreg:$0x7];
	[sflag:s21] =	ssyncadd.s32 $0xFFFFC000  }
0x69: {  	[tilespmem:s17], [sflag:$0x3] =	stream.indirect.gather [hbm4b:s4+s16], $0x80, s8, s16, $0xb8;
	[tilespmem:$0x1D000] =	vst v63  }
0x6a: {  	_ =	swait.ge [sflag:s18], $0x4000  }
0x6b: {  	[sflag:s18] =	ssyncset.done $0x0  }
0x6c: {  	s10 =	rddreg [dreg:$0x8];
	[sflag:s18] =	ssyncadd.s32 $0xFFFFC000  }
0x6d: {  	[spmem:s1] =	stream.indirect.scatter.add.f32 [tilespmem:s12], [sflag:$0x4], $0x80, s10, s16, $0xb8;
	[tilespmem:$0x1D000] =	vst v63  }
0x6e: {  	_ =	swait.ge [sflag:s19], $0x4000  }
0x6f: {  	[sflag:s19] =	ssyncset.done $0x0  }
0x70: {  	s11 =	rddreg [dreg:$0x9];
	[sflag:s19] =	ssyncadd.s32 $0xFFFFC000  }
0x71: {  	[tilespmem:s12], [sflag:$0x2] =	stream.indirect.gather [hbm4b:s4+s16], $0x80, s11, s16, $0xb8;
	[tilespmem:$0x1D000] =	vst v63  }
0x72: {  	_ =	swait.ge [sflag:s20], $0x4000  }
0x73: {  	[sflag:s20] =	ssyncset.done $0x0  }
0x74: {  	s13 =	rddreg [dreg:$0xa];
	[sflag:s20] =	ssyncadd.s32 $0xFFFFC000  }
0x75: {  	[spmem:s1] =	stream.indirect.scatter.add.f32 [tilespmem:s17], [sflag:$0x5], $0x80, s13, s16, $0xb8;
	[tilespmem:$0x1D000] =	vst v63  }
0x76: {  	_ =	swait.ge [sflag:s21], $0x4000  }
0x77: {  	[sflag:s21] =	ssyncset.done $0x0  }
0x78: {  	s5 =	rddreg [dreg:$0xb];
	[sflag:s21] =	ssyncadd.s32 $0xFFFFC000  }
0x79: {  	[tilespmem:s17], [sflag:$0x3] =	stream.indirect.gather [hbm4b:s4+s16], $0x80, s5, s16, $0xb8;
	[tilespmem:$0x1D000] =	vst v63  }
0x7a: {  	_ =	swait.ge [sflag:s18], $0x4000  }
0x7b: {  	[sflag:s18] =	ssyncset.done $0x0  }
0x7c: {  	s8 =	rddreg [dreg:$0xc];
	[sflag:s18] =	ssyncadd.s32 $0xFFFFC000  }
0x7d: {  	[spmem:s1] =	stream.indirect.scatter.add.f32 [tilespmem:s12], [sflag:$0x4], $0x80, s8, s16, $0xb8;
	[tilespmem:$0x1D000] =	vst v63  }
0x7e: {  	_ =	swait.ge [sflag:s19], $0x4000  }
0x7f: {  	[sflag:s19] =	ssyncset.done $0x0  }
0x80: {  	s10 =	rddreg [dreg:$0xd];
	[sflag:s19] =	ssyncadd.s32 $0xFFFFC000  }
0x81: {  	[tilespmem:s12], [sflag:$0x2] =	stream.indirect.gather [hbm4b:s4+s16], $0x80, s10, s16, $0xb8;
	[tilespmem:$0x1D000] =	vst v63  }
0x82: {  	_ =	swait.ge [sflag:s20], $0x4000  }
0x83: {  	[sflag:s20] =	ssyncset.done $0x0  }
0x84: {  	s11 =	rddreg [dreg:$0xe];
	[sflag:s20] =	ssyncadd.s32 $0xFFFFC000  }
0x85: {  	[spmem:s1] =	stream.indirect.scatter.add.f32 [tilespmem:s17], [sflag:$0x5], $0x80, s11, s16, $0xb8;
	[tilespmem:$0x1D000] =	vst v63  }
0x86: {  	_ =	swait.ge [sflag:s21], $0x4000  }
0x87: {  	[sflag:s21] =	ssyncset.done $0x0  }
0x88: {  	s13 =	rddreg [dreg:$0xf];
	[sflag:s21] =	ssyncadd.s32 $0xFFFFC000  }
0x89: {  	[tilespmem:s17], [sflag:$0x3] =	stream.indirect.gather [hbm4b:s4+s16], $0x80, s13, s16, $0xb8;
	[tilespmem:$0x1D000] =	vst v63  }
0x8a: {  	_ =	swait.ge [sflag:s18], $0x4000  }
0x8b: {  	[sflag:s18] =	ssyncset.done $0x0  }
0x8c: {  	s5 =	rddreg [dreg:$0x10];
	[sflag:s18] =	ssyncadd.s32 $0xFFFFC000  }
0x8d: {  	[spmem:s1] =	stream.indirect.scatter.add.f32 [tilespmem:s12], [sflag:$0x4], $0x80, s5, s16, $0xb8;
	[tilespmem:$0x1D000] =	vst v63  }
0x8e: {  	_ =	swait.ge [sflag:s19], $0x4000  }
0x8f: {  	[sflag:s19] =	ssyncset.done $0x0  }
0x90: {  	s8 =	rddreg [dreg:$0x11];
	[sflag:s19] =	ssyncadd.s32 $0xFFFFC000  }
0x91: {  	[tilespmem:s12], [sflag:$0x2] =	stream.indirect.gather [hbm4b:s4+s16], $0x80, s8, s16, $0xb8;
	[tilespmem:$0x1D000] =	vst v63  }
0x92: {  	_ =	swait.ge [sflag:s20], $0x4000  }
0x93: {  	[sflag:s20] =	ssyncset.done $0x0  }
0x94: {  	s10 =	rddreg [dreg:$0x12];
	[sflag:s20] =	ssyncadd.s32 $0xFFFFC000  }
0x95: {  	[spmem:s1] =	stream.indirect.scatter.add.f32 [tilespmem:s17], [sflag:$0x5], $0x80, s10, s16, $0xb8;
	[tilespmem:$0x1D000] =	vst v63  }
0x96: {  	_ =	swait.ge [sflag:s21], $0x4000  }
0x97: {  	[sflag:s21] =	ssyncset.done $0x0  }
0x98: {  	s11 =	rddreg [dreg:$0x13];
	[sflag:s21] =	ssyncadd.s32 $0xFFFFC000  }
0x99: {  	[tilespmem:s17], [sflag:$0x3] =	stream.indirect.gather [hbm4b:s4+s16], $0x80, s11, s16, $0xb8;
	[tilespmem:$0x1D000] =	vst v63  }
0x9a: {  	_ =	swait.ge [sflag:s18], $0x4000  }
0x9b: {  	[sflag:s18] =	ssyncset.done $0x0  }
0x9c: {  	s13 =	rddreg [dreg:$0x14];
	[sflag:s18] =	ssyncadd.s32 $0xFFFFC000  }
0x9d: {  	[spmem:s1] =	stream.indirect.scatter.add.f32 [tilespmem:s12], [sflag:$0x4], $0x80, s13, s16, $0xb8;
	[tilespmem:$0x1D000] =	vst v63  }
0x9e: {  	_ =	swait.ge [sflag:s19], $0x4000  }
0x9f: {  	[sflag:s19] =	ssyncset.done $0x0  }
0xa0: {  	[sflag:s19] =	ssyncadd.s32 $0xFFFFC000  }
0xa1: {  	[tilespmem:s12], [sflag:$0x2] =	stream.indirect.gather [hbm4b:s4+s16], $0x80, s22, s16, $0xb8;
	[tilespmem:$0x1D000] =	vst v63  }
0xa2: {  	_ =	swait.ge [sflag:s20], $0x4000  }
0xa3: {  	[sflag:s20] =	ssyncset.done $0x0  }
0xa4: {  	[sflag:s20] =	ssyncadd.s32 $0xFFFFC000  }
0xa5: {  	[spmem:s1] =	stream.indirect.scatter.add.f32 [tilespmem:s17], [sflag:$0x5], $0x80, s23, s16, $0xb8;
	[tilespmem:$0x1D000] =	vst v63  }
0xa6: {  	_ =	swait.ge [sflag:s21], $0x4000  }
0xa7: {  	[sflag:s21] =	ssyncset.done $0x0  }
0xa8: {  	[sflag:s21] =	ssyncadd.s32 $0xFFFFC000  }
0xa9: {  	[tilespmem:s17], [sflag:$0x3] =	stream.indirect.gather [hbm4b:s4+s16], $0x80, s24, s16, $0xb8;
	[tilespmem:$0x1D000] =	vst v63  }
0xaa: {  	_ =	swait.ge [sflag:s18], $0x4000  }
0xab: {  	[sflag:s18] =	ssyncset.done $0x0  }
0xac: {  	[sflag:s18] =	ssyncadd.s32 $0xFFFFC000  }
0xad: {  	[spmem:s1] =	stream.indirect.scatter.add.f32 [tilespmem:s12], [sflag:$0x4], $0x80, s25, s16, $0xb8;
	[tilespmem:$0x1D000] =	vst v63  }
0xae: {  	_ =	swait.ge [sflag:s19], $0x4000  }
0xaf: {  	[sflag:s19] =	ssyncset.done $0x0  }
0xb0: {  	[sflag:s19] =	ssyncadd.s32 $0xFFFFC000  }
0xb1: {  	[tilespmem:s12], [sflag:$0x2] =	stream.indirect.gather [hbm4b:s4+s16], $0x80, s26, s16, $0xb8;
	[tilespmem:$0x1D000] =	vst v63  }
0xb2: {  	_ =	swait.ge [sflag:s20], $0x4000  }
0xb3: {  	[sflag:s20] =	ssyncset.done $0x0  }
0xb4: {  	[sflag:s20] =	ssyncadd.s32 $0xFFFFC000  }
0xb5: {  	[spmem:s1] =	stream.indirect.scatter.add.f32 [tilespmem:s17], [sflag:$0x5], $0x80, s28, s16, $0xb8;
	[tilespmem:$0x1D000] =	vst v63  }
0xb6: {  	_ =	swait.ge [sflag:s21], $0x4000  }
0xb7: {  	[sflag:s21] =	ssyncset.done $0x0  }
0xb8: {  	[sflag:s21] =	ssyncadd.s32 $0xFFFFC000  }
0xb9: {  	[tilespmem:s17], [sflag:$0x3] =	stream.indirect.gather [hbm4b:s4+s16], $0x80, s29, s16, $0xb8;
	[tilespmem:$0x1D000] =	vst v63  }
0xba: {  	_ =	swait.ge [sflag:s18], $0x4000  }
0xbb: {  	[sflag:s18] =	ssyncset.done $0x0  }
0xbc: {  	[sflag:s18] =	ssyncadd.s32 $0xFFFFC000  }
0xbd: {  	[spmem:s1] =	stream.indirect.scatter.add.f32 [tilespmem:s12], [sflag:$0x4], $0x80, s30, s16, $0xb8;
	[tilespmem:$0x1D000] =	vst v63  }
0xbe: {  	_ =	swait.ge [sflag:s19], $0x4000  }
0xbf: {  	[sflag:s19] =	ssyncset.done $0x0  }
0xc0: {  	[sflag:s19] =	ssyncadd.s32 $0xFFFFC000  }
0xc1: {  	[tilespmem:s12], [sflag:$0x2] =	stream.indirect.gather [hbm4b:s4+s16], $0x80, s31, s16, $0xb8;
	[tilespmem:$0x1D000] =	vst v63  }
0xc2: {  	_ =	swait.ge [sflag:s20], $0x4000  }
0xc3: {  	[sflag:s20] =	ssyncset.done $0x0  }
0xc4: {  	[sflag:s20] =	ssyncadd.s32 $0xFFFFC000  }
0xc5: {  	[spmem:s1] =	stream.indirect.scatter.add.f32 [tilespmem:s17], [sflag:$0x5], $0x80, s0, s16, $0xb8;
	[tilespmem:$0x1D000] =	vst v63  }
0xc6: {  	_ =	swait.ge [sflag:s21], $0x4000  }
0xc7: {  	[sflag:s21] =	ssyncset.done $0x0  }
0xc8: {  	[sflag:s21] =	ssyncadd.s32 $0xFFFFC000  }
0xc9: {  	[tilespmem:s17], [sflag:$0x3] =	stream.indirect.gather [hbm4b:s4+s16], $0x80, s2, s16, $0xb8;
	[tilespmem:$0x1D000] =	vst v63  }
0xca: {  	_ =	swait.ge [sflag:s18], $0x4000  }
0xcb: {  	[sflag:s18] =	ssyncset.done $0x0  }
0xcc: {  	[sflag:s18] =	ssyncadd.s32 $0xFFFFC000  }
0xcd: {  	[spmem:s1] =	stream.indirect.scatter.add.f32 [tilespmem:s12], [sflag:$0x4], $0x80, s6, s16, $0xb8;
	[tilespmem:$0x1D000] =	vst v63  }
0xce: {  	p1 =	por $0x0, $0x0;
	_ =	swait.ge [sflag:s20], $0x4000  }
0xcf: {  	s9 =	simm.s32 $0x100;
	s10 =	simm.s32 $0x200;
	[sflag:s20] =	ssyncset.done $0x0  }
.LBB2_4:
0xd0: {  	s11 =	simm.s32 @!p1 $0x4;
	[sflag:s20] =	ssyncadd.s32 $0xFFFFC000  }
0xd1: {  	[spmem:s1] =	stream.indirect.scatter.add.f32 [tilespmem:s17], [sflag:$0x5], $0x80, s7, s16, $0xb8;
	[tilespmem:$0x1D000] =	vst v63  }
0xd2: {  	_ =	swait.ge @!p1 [sflag:s11], $0x4000  }
0xd3: {  	[sflag:s11] =	ssyncset.done @!p1 $0x0  }
0xd4: {  	[sflag:s11] =	ssyncadd.s32 @!p1 $0xFFFFC000;
	s11 =	simm.s32 @!p1 $0x5  }
0xd5: {  	_ =	swait.ge @!p1 [sflag:s11], $0x4000  }
0xd6: {  	s8 =	rddreg [dreg:$0x3];
	[sflag:s11] =	ssyncset.done @!p1 $0x0  }
0xd7: {  	s13 =	rddreg [dreg:$0x4];
	[sflag:s11] =	ssyncadd.s32 @!p1 $0xFFFFC000;
	s8 =	sadd.s32 s9, s8  }
0xd8: {  	[tilespmem:s3], [sflag:$0x1] =	stream.linear.gather [hbm4b:s8+s3], $0x800, $0x38;
	[tilespmem:$0x1D000] =	vst v63  }
0xd9: {  	s11 =	sadd.s32 s9, s13  }
0xda: {  	[tilespmem:s14], [sflag:$0x1] =	stream.linear.gather [hbm4b:s11+s3], $0x800, $0x38;
	[tilespmem:$0x1D000] =	vst v63  }
0xdb: {  	_ =	swait.ge [sflag:s15], $0x800  }
0xdc: {  	[sflag:s15] =	ssyncset.done $0x0  }
0xdd: {  	[sflag:s15] =	ssyncadd.s32 $0xFFFFF800  }
0xde: {  	_ =	swait.ge [sflag:s15], $0x800  }
0xdf: {  	[sflag:s15] =	ssyncset.done $0x0  }
0xe0: {  	[sflag:s15] =	ssyncadd.s32 $0xFFFFF800  }
0xe1: {  	[tilespmem:s12], [sflag:$0x2] =	stream.indirect.gather [hbm4b:s4+s16], $0x80, s3, s16, $0xb8;
	[tilespmem:$0x1D000] =	vst v63  }
0xe2: {  	_ = 	snop  }
0xe3: {  	[tilespmem:s17], [sflag:$0x3] =	stream.indirect.gather [hbm4b:s4+s16], $0x80, s16, s16, $0xb8;
	[tilespmem:$0x1D000] =	vst v63  }
0xe4: {  	_ =	swait.ge [sflag:s18], $0x4000  }
0xe5: {  	[sflag:s18] =	ssyncset.done $0x0  }
0xe6: {  	[sflag:s18] =	ssyncadd.s32 $0xFFFFC000  }
0xe7: {  	[spmem:s1] =	stream.indirect.scatter.add.f32 [tilespmem:s12], [sflag:$0x4], $0x80, s14, s16, $0xb8;
	[tilespmem:$0x1D000] =	vst v63  }
0xe8: {  	_ =	swait.ge [sflag:s19], $0x4000  }
0xe9: {  	[sflag:s19] =	ssyncset.done $0x0  }
0xea: {  	s13 =	rddreg [dreg:$0x5];
	[sflag:s19] =	ssyncadd.s32 $0xFFFFC000  }
0xeb: {  	[tilespmem:s12], [sflag:$0x2] =	stream.indirect.gather [hbm4b:s4+s16], $0x80, s13, s16, $0xb8;
	[tilespmem:$0x1D000] =	vst v63  }
0xec: {  	_ =	swait.ge [sflag:s20], $0x4000  }
0xed: {  	[sflag:s20] =	ssyncset.done $0x0  }
0xee: {  	s8 =	rddreg [dreg:$0x6];
	[sflag:s20] =	ssyncadd.s32 $0xFFFFC000  }
0xef: {  	[spmem:s1] =	stream.indirect.scatter.add.f32 [tilespmem:s17], [sflag:$0x5], $0x80, s8, s16, $0xb8;
	[tilespmem:$0x1D000] =	vst v63  }
0xf0: {  	_ =	swait.ge [sflag:s21], $0x4000  }
0xf1: {  	[sflag:s21] =	ssyncset.done $0x0  }
0xf2: {  	s11 =	rddreg [dreg:$0x7];
	[sflag:s21] =	ssyncadd.s32 $0xFFFFC000  }
0xf3: {  	[tilespmem:s17], [sflag:$0x3] =	stream.indirect.gather [hbm4b:s4+s16], $0x80, s11, s16, $0xb8;
	[tilespmem:$0x1D000] =	vst v63  }
0xf4: {  	_ =	swait.ge [sflag:s18], $0x4000  }
0xf5: {  	[sflag:s18] =	ssyncset.done $0x0  }
0xf6: {  	s13 =	rddreg [dreg:$0x8];
	[sflag:s18] =	ssyncadd.s32 $0xFFFFC000  }
0xf7: {  	[spmem:s1] =	stream.indirect.scatter.add.f32 [tilespmem:s12], [sflag:$0x4], $0x80, s13, s16, $0xb8;
	[tilespmem:$0x1D000] =	vst v63  }
0xf8: {  	_ =	swait.ge [sflag:s19], $0x4000  }
0xf9: {  	[sflag:s19] =	ssyncset.done $0x0  }
0xfa: {  	s8 =	rddreg [dreg:$0x9];
	[sflag:s19] =	ssyncadd.s32 $0xFFFFC000  }
0xfb: {  	[tilespmem:s12], [sflag:$0x2] =	stream.indirect.gather [hbm4b:s4+s16], $0x80, s8, s16, $0xb8;
	[tilespmem:$0x1D000] =	vst v63  }
0xfc: {  	_ =	swait.ge [sflag:s20], $0x4000  }
0xfd: {  	[sflag:s20] =	ssyncset.done $0x0  }
0xfe: {  	s11 =	rddreg [dreg:$0xa];
	[sflag:s20] =	ssyncadd.s32 $0xFFFFC000  }
0xff: {  	[spmem:s1] =	stream.indirect.scatter.add.f32 [tilespmem:s17], [sflag:$0x5], $0x80, s11, s16, $0xb8;
	[tilespmem:$0x1D000] =	vst v63  }
0x100: {  	_ =	swait.ge [sflag:s21], $0x4000  }
0x101: {  	[sflag:s21] =	ssyncset.done $0x0  }
0x102: {  	s13 =	rddreg [dreg:$0xb];
	[sflag:s21] =	ssyncadd.s32 $0xFFFFC000  }
0x103: {  	[tilespmem:s17], [sflag:$0x3] =	stream.indirect.gather [hbm4b:s4+s16], $0x80, s13, s16, $0xb8;
	[tilespmem:$0x1D000] =	vst v63  }
0x104: {  	_ =	swait.ge [sflag:s18], $0x4000  }
0x105: {  	[sflag:s18] =	ssyncset.done $0x0  }
0x106: {  	s8 =	rddreg [dreg:$0xc];
	[sflag:s18] =	ssyncadd.s32 $0xFFFFC000  }
0x107: {  	[spmem:s1] =	stream.indirect.scatter.add.f32 [tilespmem:s12], [sflag:$0x4], $0x80, s8, s16, $0xb8;
	[tilespmem:$0x1D000] =	vst v63  }
0x108: {  	_ =	swait.ge [sflag:s19], $0x4000  }
0x109: {  	[sflag:s19] =	ssyncset.done $0x0  }
0x10a: {  	s11 =	rddreg [dreg:$0xd];
	[sflag:s19] =	ssyncadd.s32 $0xFFFFC000  }
0x10b: {  	[tilespmem:s12], [sflag:$0x2] =	stream.indirect.gather [hbm4b:s4+s16], $0x80, s11, s16, $0xb8;
	[tilespmem:$0x1D000] =	vst v63  }
0x10c: {  	_ =	swait.ge [sflag:s20], $0x4000  }
0x10d: {  	[sflag:s20] =	ssyncset.done $0x0  }
0x10e: {  	s13 =	rddreg [dreg:$0xe];
	[sflag:s20] =	ssyncadd.s32 $0xFFFFC000  }
0x10f: {  	[spmem:s1] =	stream.indirect.scatter.add.f32 [tilespmem:s17], [sflag:$0x5], $0x80, s13, s16, $0xb8;
	[tilespmem:$0x1D000] =	vst v63  }
0x110: {  	_ =	swait.ge [sflag:s21], $0x4000  }
0x111: {  	[sflag:s21] =	ssyncset.done $0x0  }
0x112: {  	s8 =	rddreg [dreg:$0xf];
	[sflag:s21] =	ssyncadd.s32 $0xFFFFC000  }
0x113: {  	[tilespmem:s17], [sflag:$0x3] =	stream.indirect.gather [hbm4b:s4+s16], $0x80, s8, s16, $0xb8;
	[tilespmem:$0x1D000] =	vst v63  }
0x114: {  	_ =	swait.ge [sflag:s18], $0x4000  }
0x115: {  	[sflag:s18] =	ssyncset.done $0x0  }
0x116: {  	s11 =	rddreg [dreg:$0x10];
	[sflag:s18] =	ssyncadd.s32 $0xFFFFC000  }
0x117: {  	[spmem:s1] =	stream.indirect.scatter.add.f32 [tilespmem:s12], [sflag:$0x4], $0x80, s11, s16, $0xb8;
	[tilespmem:$0x1D000] =	vst v63  }
0x118: {  	_ =	swait.ge [sflag:s19], $0x4000  }
0x119: {  	[sflag:s19] =	ssyncset.done $0x0  }
0x11a: {  	s13 =	rddreg [dreg:$0x11];
	[sflag:s19] =	ssyncadd.s32 $0xFFFFC000  }
0x11b: {  	[tilespmem:s12], [sflag:$0x2] =	stream.indirect.gather [hbm4b:s4+s16], $0x80, s13, s16, $0xb8;
	[tilespmem:$0x1D000] =	vst v63  }
0x11c: {  	_ =	swait.ge [sflag:s20], $0x4000  }
0x11d: {  	[sflag:s20] =	ssyncset.done $0x0  }
0x11e: {  	s8 =	rddreg [dreg:$0x12];
	[sflag:s20] =	ssyncadd.s32 $0xFFFFC000  }
0x11f: {  	[spmem:s1] =	stream.indirect.scatter.add.f32 [tilespmem:s17], [sflag:$0x5], $0x80, s8, s16, $0xb8;
	[tilespmem:$0x1D000] =	vst v63  }
0x120: {  	_ =	swait.ge [sflag:s21], $0x4000  }
0x121: {  	[sflag:s21] =	ssyncset.done $0x0  }
0x122: {  	s11 =	rddreg [dreg:$0x13];
	[sflag:s21] =	ssyncadd.s32 $0xFFFFC000  }
0x123: {  	[tilespmem:s17], [sflag:$0x3] =	stream.indirect.gather [hbm4b:s4+s16], $0x80, s11, s16, $0xb8;
	[tilespmem:$0x1D000] =	vst v63  }
0x124: {  	_ =	swait.ge [sflag:s18], $0x4000  }
0x125: {  	[sflag:s18] =	ssyncset.done $0x0  }
0x126: {  	s13 =	rddreg [dreg:$0x14];
	[sflag:s18] =	ssyncadd.s32 $0xFFFFC000  }
0x127: {  	[spmem:s1] =	stream.indirect.scatter.add.f32 [tilespmem:s12], [sflag:$0x4], $0x80, s13, s16, $0xb8;
	[tilespmem:$0x1D000] =	vst v63  }
0x128: {  	_ =	swait.ge [sflag:s19], $0x4000  }
0x129: {  	[sflag:s19] =	ssyncset.done $0x0  }
0x12a: {  	[sflag:s19] =	ssyncadd.s32 $0xFFFFC000  }
0x12b: {  	[tilespmem:s12], [sflag:$0x2] =	stream.indirect.gather [hbm4b:s4+s16], $0x80, s22, s16, $0xb8;
	[tilespmem:$0x1D000] =	vst v63  }
0x12c: {  	_ =	swait.ge [sflag:s20], $0x4000  }
0x12d: {  	[sflag:s20] =	ssyncset.done $0x0  }
0x12e: {  	[sflag:s20] =	ssyncadd.s32 $0xFFFFC000  }
0x12f: {  	[spmem:s1] =	stream.indirect.scatter.add.f32 [tilespmem:s17], [sflag:$0x5], $0x80, s23, s16, $0xb8;
	[tilespmem:$0x1D000] =	vst v63  }
0x130: {  	_ =	swait.ge [sflag:s21], $0x4000  }
0x131: {  	[sflag:s21] =	ssyncset.done $0x0  }
0x132: {  	[sflag:s21] =	ssyncadd.s32 $0xFFFFC000  }
0x133: {  	[tilespmem:s17], [sflag:$0x3] =	stream.indirect.gather [hbm4b:s4+s16], $0x80, s24, s16, $0xb8;
	[tilespmem:$0x1D000] =	vst v63  }
0x134: {  	_ =	swait.ge [sflag:s18], $0x4000  }
0x135: {  	[sflag:s18] =	ssyncset.done $0x0  }
0x136: {  	[sflag:s18] =	ssyncadd.s32 $0xFFFFC000  }
0x137: {  	[spmem:s1] =	stream.indirect.scatter.add.f32 [tilespmem:s12], [sflag:$0x4], $0x80, s25, s16, $0xb8;
	[tilespmem:$0x1D000] =	vst v63  }
0x138: {  	_ =	swait.ge [sflag:s19], $0x4000  }
0x139: {  	[sflag:s19] =	ssyncset.done $0x0  }
0x13a: {  	[sflag:s19] =	ssyncadd.s32 $0xFFFFC000  }
0x13b: {  	[tilespmem:s12], [sflag:$0x2] =	stream.indirect.gather [hbm4b:s4+s16], $0x80, s26, s16, $0xb8;
	[tilespmem:$0x1D000] =	vst v63  }
0x13c: {  	_ =	swait.ge [sflag:s20], $0x4000  }
0x13d: {  	[sflag:s20] =	ssyncset.done $0x0  }
0x13e: {  	[sflag:s20] =	ssyncadd.s32 $0xFFFFC000  }
0x13f: {  	[spmem:s1] =	stream.indirect.scatter.add.f32 [tilespmem:s17], [sflag:$0x5], $0x80, s28, s16, $0xb8;
	[tilespmem:$0x1D000] =	vst v63  }
0x140: {  	_ =	swait.ge [sflag:s21], $0x4000  }
0x141: {  	[sflag:s21] =	ssyncset.done $0x0  }
0x142: {  	[sflag:s21] =	ssyncadd.s32 $0xFFFFC000  }
0x143: {  	[tilespmem:s17], [sflag:$0x3] =	stream.indirect.gather [hbm4b:s4+s16], $0x80, s29, s16, $0xb8;
	[tilespmem:$0x1D000] =	vst v63  }
0x144: {  	_ =	swait.ge [sflag:s18], $0x4000  }
0x145: {  	[sflag:s18] =	ssyncset.done $0x0  }
0x146: {  	[sflag:s18] =	ssyncadd.s32 $0xFFFFC000  }
0x147: {  	[spmem:s1] =	stream.indirect.scatter.add.f32 [tilespmem:s12], [sflag:$0x4], $0x80, s30, s16, $0xb8;
	[tilespmem:$0x1D000] =	vst v63  }
0x148: {  	_ =	swait.ge [sflag:s19], $0x4000  }
0x149: {  	[sflag:s19] =	ssyncset.done $0x0  }
0x14a: {  	[sflag:s19] =	ssyncadd.s32 $0xFFFFC000  }
0x14b: {  	[tilespmem:s12], [sflag:$0x2] =	stream.indirect.gather [hbm4b:s4+s16], $0x80, s31, s16, $0xb8;
	[tilespmem:$0x1D000] =	vst v63  }
0x14c: {  	_ =	swait.ge [sflag:s20], $0x4000  }
0x14d: {  	[sflag:s20] =	ssyncset.done $0x0  }
0x14e: {  	[sflag:s20] =	ssyncadd.s32 $0xFFFFC000  }
0x14f: {  	[spmem:s1] =	stream.indirect.scatter.add.f32 [tilespmem:s17], [sflag:$0x5], $0x80, s0, s16, $0xb8;
	[tilespmem:$0x1D000] =	vst v63  }
0x150: {  	_ =	swait.ge [sflag:s21], $0x4000  }
0x151: {  	[sflag:s21] =	ssyncset.done $0x0  }
0x152: {  	s5 =	smov.u32 s10;
	s10 =	sadd.s32 $0x100, s10;
	[sflag:s21] =	ssyncadd.s32 $0xFFFFC000  }
0x153: {  	[tilespmem:s17], [sflag:$0x3] =	stream.indirect.gather [hbm4b:s4+s16], $0x80, s2, s16, $0xb8;
	[tilespmem:$0x1D000] =	vst v63  }
0x154: {  	p0 =	sne.s32 s10, $0x500;
	_ =	swait.ge [sflag:s18], $0x4000  }
.Ltmp1:
0x155: {  	[sflag:s18] =	ssyncset.done $0x0;
	(pc) =	sbr.rel @p0 .LBB2_4-.Ltmp1, $4  }
0x156: {  	[sflag:s18] =	ssyncadd.s32 $0xFFFFC000  }
0x157: {  	[spmem:s1] =	stream.indirect.scatter.add.f32 [tilespmem:s12], [sflag:$0x4], $0x80, s6, s16, $0xb8;
	[tilespmem:$0x1D000] =	vst v63  }
0x158: {  	s9 =	smov.u32 s5;
	_ =	swait.ge [sflag:s20], $0x4000  }
0x159: {  	p1 =	seq.s32 s9, $0x0;
	[sflag:s20] =	ssyncset.done $0x0  }
0x15a: {  	s5 =	simm.s32 @!p1 $0x4;
	[sflag:s20] =	ssyncadd.s32 $0xFFFFC000  }
0x15b: {  	[spmem:s1] =	stream.indirect.scatter.add.f32 [tilespmem:s17], [sflag:$0x5], $0x80, s7, s16, $0xb8;
	[tilespmem:$0x1D000] =	vst v63  }
0x15c: {  	_ =	swait.ge @!p1 [sflag:s5], $0x4000  }
0x15d: {  	[sflag:s5] =	ssyncset.done @!p1 $0x0  }
0x15e: {  	[sflag:s5] =	ssyncadd.s32 @!p1 $0xFFFFC000;
	s5 =	simm.s32 @!p1 $0x5  }
0x15f: {  	_ =	swait.ge @!p1 [sflag:s5], $0x4000  }
0x160: {  	s8 =	rddreg [dreg:$0x3];
	[sflag:s5] =	ssyncset.done @!p1 $0x0  }
0x161: {  	s10 =	rddreg [dreg:$0x4];
	[sflag:s5] =	ssyncadd.s32 @!p1 $0xFFFFC000;
	s11 =	sadd.s32 s9, s8  }
0x162: {  	[tilespmem:s3], [sflag:$0x1] =	stream.linear.gather [hbm4b:s11+s3], $0x800, $0x38;
	[tilespmem:$0x1D000] =	vst v63  }
0x163: {  	s13 =	sadd.s32 s9, s10  }
0x164: {  	[tilespmem:s14], [sflag:$0x1] =	stream.linear.gather [hbm4b:s13+s3], $0x800, $0x38;
	[tilespmem:$0x1D000] =	vst v63  }
0x165: {  	_ =	swait.ge [sflag:s15], $0x800  }
0x166: {  	[sflag:s15] =	ssyncset.done $0x0  }
0x167: {  	[sflag:s15] =	ssyncadd.s32 $0xFFFFF800  }
0x168: {  	_ =	swait.ge [sflag:s15], $0x800  }
0x169: {  	[sflag:s15] =	ssyncset.done $0x0  }
0x16a: {  	[sflag:s15] =	ssyncadd.s32 $0xFFFFF800  }
0x16b: {  	[tilespmem:s12], [sflag:$0x2] =	stream.indirect.gather [hbm4b:s4+s16], $0x80, s3, s16, $0xb8;
	[tilespmem:$0x1D000] =	vst v63  }
0x16c: {  	_ = 	snop  }
0x16d: {  	[tilespmem:s17], [sflag:$0x3] =	stream.indirect.gather [hbm4b:s4+s16], $0x80, s16, s16, $0xb8;
	[tilespmem:$0x1D000] =	vst v63  }
0x16e: {  	_ =	swait.ge [sflag:s18], $0x4000  }
0x16f: {  	[sflag:s18] =	ssyncset.done $0x0  }
0x170: {  	[sflag:s18] =	ssyncadd.s32 $0xFFFFC000  }
0x171: {  	[spmem:s1] =	stream.indirect.scatter.add.f32 [tilespmem:s12], [sflag:$0x4], $0x80, s14, s16, $0xb8;
	[tilespmem:$0x1D000] =	vst v63  }
0x172: {  	_ =	swait.ge [sflag:s19], $0x4000  }
0x173: {  	[sflag:s19] =	ssyncset.done $0x0  }
0x174: {  	s8 =	rddreg [dreg:$0x5];
	[sflag:s19] =	ssyncadd.s32 $0xFFFFC000  }
0x175: {  	[tilespmem:s12], [sflag:$0x2] =	stream.indirect.gather [hbm4b:s4+s16], $0x80, s8, s16, $0xb8;
	[tilespmem:$0x1D000] =	vst v63  }
0x176: {  	_ =	swait.ge [sflag:s20], $0x4000  }
0x177: {  	[sflag:s20] =	ssyncset.done $0x0  }
0x178: {  	s9 =	rddreg [dreg:$0x6];
	[sflag:s20] =	ssyncadd.s32 $0xFFFFC000  }
0x179: {  	[spmem:s1] =	stream.indirect.scatter.add.f32 [tilespmem:s17], [sflag:$0x5], $0x80, s9, s16, $0xb8;
	[tilespmem:$0x1D000] =	vst v63  }
0x17a: {  	_ =	swait.ge [sflag:s21], $0x4000  }
0x17b: {  	[sflag:s21] =	ssyncset.done $0x0  }
0x17c: {  	s10 =	rddreg [dreg:$0x7];
	[sflag:s21] =	ssyncadd.s32 $0xFFFFC000  }
0x17d: {  	[tilespmem:s17], [sflag:$0x3] =	stream.indirect.gather [hbm4b:s4+s16], $0x80, s10, s16, $0xb8;
	[tilespmem:$0x1D000] =	vst v63  }
0x17e: {  	_ =	swait.ge [sflag:s18], $0x4000  }
0x17f: {  	[sflag:s18] =	ssyncset.done $0x0  }
0x180: {  	s11 =	rddreg [dreg:$0x8];
	[sflag:s18] =	ssyncadd.s32 $0xFFFFC000  }
0x181: {  	[spmem:s1] =	stream.indirect.scatter.add.f32 [tilespmem:s12], [sflag:$0x4], $0x80, s11, s16, $0xb8;
	[tilespmem:$0x1D000] =	vst v63  }
0x182: {  	_ =	swait.ge [sflag:s19], $0x4000  }
0x183: {  	[sflag:s19] =	ssyncset.done $0x0  }
0x184: {  	s13 =	rddreg [dreg:$0x9];
	[sflag:s19] =	ssyncadd.s32 $0xFFFFC000  }
0x185: {  	[tilespmem:s12], [sflag:$0x2] =	stream.indirect.gather [hbm4b:s4+s16], $0x80, s13, s16, $0xb8;
	[tilespmem:$0x1D000] =	vst v63  }
0x186: {  	_ =	swait.ge [sflag:s20], $0x4000  }
0x187: {  	[sflag:s20] =	ssyncset.done $0x0  }
0x188: {  	s8 =	rddreg [dreg:$0xa];
	[sflag:s20] =	ssyncadd.s32 $0xFFFFC000  }
0x189: {  	[spmem:s1] =	stream.indirect.scatter.add.f32 [tilespmem:s17], [sflag:$0x5], $0x80, s8, s16, $0xb8;
	[tilespmem:$0x1D000] =	vst v63  }
0x18a: {  	_ =	swait.ge [sflag:s21], $0x4000  }
0x18b: {  	[sflag:s21] =	ssyncset.done $0x0  }
0x18c: {  	s9 =	rddreg [dreg:$0xb];
	[sflag:s21] =	ssyncadd.s32 $0xFFFFC000  }
0x18d: {  	[tilespmem:s17], [sflag:$0x3] =	stream.indirect.gather [hbm4b:s4+s16], $0x80, s9, s16, $0xb8;
	[tilespmem:$0x1D000] =	vst v63  }
0x18e: {  	_ =	swait.ge [sflag:s18], $0x4000  }
0x18f: {  	[sflag:s18] =	ssyncset.done $0x0  }
0x190: {  	s10 =	rddreg [dreg:$0xc];
	[sflag:s18] =	ssyncadd.s32 $0xFFFFC000  }
0x191: {  	[spmem:s1] =	stream.indirect.scatter.add.f32 [tilespmem:s12], [sflag:$0x4], $0x80, s10, s16, $0xb8;
	[tilespmem:$0x1D000] =	vst v63  }
0x192: {  	_ =	swait.ge [sflag:s19], $0x4000  }
0x193: {  	[sflag:s19] =	ssyncset.done $0x0  }
0x194: {  	s11 =	rddreg [dreg:$0xd];
	[sflag:s19] =	ssyncadd.s32 $0xFFFFC000  }
0x195: {  	[tilespmem:s12], [sflag:$0x2] =	stream.indirect.gather [hbm4b:s4+s16], $0x80, s11, s16, $0xb8;
	[tilespmem:$0x1D000] =	vst v63  }
0x196: {  	_ =	swait.ge [sflag:s20], $0x4000  }
0x197: {  	[sflag:s20] =	ssyncset.done $0x0  }
0x198: {  	s13 =	rddreg [dreg:$0xe];
	[sflag:s20] =	ssyncadd.s32 $0xFFFFC000  }
0x199: {  	[spmem:s1] =	stream.indirect.scatter.add.f32 [tilespmem:s17], [sflag:$0x5], $0x80, s13, s16, $0xb8;
	[tilespmem:$0x1D000] =	vst v63  }
0x19a: {  	_ =	swait.ge [sflag:s21], $0x4000  }
0x19b: {  	[sflag:s21] =	ssyncset.done $0x0  }
0x19c: {  	s8 =	rddreg [dreg:$0xf];
	[sflag:s21] =	ssyncadd.s32 $0xFFFFC000  }
0x19d: {  	[tilespmem:s17], [sflag:$0x3] =	stream.indirect.gather [hbm4b:s4+s16], $0x80, s8, s16, $0xb8;
	[tilespmem:$0x1D000] =	vst v63  }
0x19e: {  	_ =	swait.ge [sflag:s18], $0x4000  }
0x19f: {  	[sflag:s18] =	ssyncset.done $0x0  }
0x1a0: {  	s9 =	rddreg [dreg:$0x10];
	[sflag:s18] =	ssyncadd.s32 $0xFFFFC000  }
0x1a1: {  	[spmem:s1] =	stream.indirect.scatter.add.f32 [tilespmem:s12], [sflag:$0x4], $0x80, s9, s16, $0xb8;
	[tilespmem:$0x1D000] =	vst v63  }
0x1a2: {  	_ =	swait.ge [sflag:s19], $0x4000  }
0x1a3: {  	[sflag:s19] =	ssyncset.done $0x0  }
0x1a4: {  	s10 =	rddreg [dreg:$0x11];
	[sflag:s19] =	ssyncadd.s32 $0xFFFFC000  }
0x1a5: {  	[tilespmem:s12], [sflag:$0x2] =	stream.indirect.gather [hbm4b:s4+s16], $0x80, s10, s16, $0xb8;
	[tilespmem:$0x1D000] =	vst v63  }
0x1a6: {  	_ =	swait.ge [sflag:s20], $0x4000  }
0x1a7: {  	[sflag:s20] =	ssyncset.done $0x0  }
0x1a8: {  	s11 =	rddreg [dreg:$0x12];
	[sflag:s20] =	ssyncadd.s32 $0xFFFFC000  }
0x1a9: {  	[spmem:s1] =	stream.indirect.scatter.add.f32 [tilespmem:s17], [sflag:$0x5], $0x80, s11, s16, $0xb8;
	[tilespmem:$0x1D000] =	vst v63  }
0x1aa: {  	_ =	swait.ge [sflag:s21], $0x4000  }
0x1ab: {  	[sflag:s21] =	ssyncset.done $0x0  }
0x1ac: {  	s13 =	rddreg [dreg:$0x13];
	[sflag:s21] =	ssyncadd.s32 $0xFFFFC000  }
0x1ad: {  	[tilespmem:s17], [sflag:$0x3] =	stream.indirect.gather [hbm4b:s4+s16], $0x80, s13, s16, $0xb8;
	[tilespmem:$0x1D000] =	vst v63  }
0x1ae: {  	_ =	swait.ge [sflag:s18], $0x4000  }
0x1af: {  	[sflag:s18] =	ssyncset.done $0x0  }
0x1b0: {  	s8 =	rddreg [dreg:$0x14];
	[sflag:s18] =	ssyncadd.s32 $0xFFFFC000  }
0x1b1: {  	[spmem:s1] =	stream.indirect.scatter.add.f32 [tilespmem:s12], [sflag:$0x4], $0x80, s8, s16, $0xb8;
	[tilespmem:$0x1D000] =	vst v63  }
0x1b2: {  	_ =	swait.ge [sflag:s19], $0x4000  }
0x1b3: {  	[sflag:s19] =	ssyncset.done $0x0  }
0x1b4: {  	[sflag:s19] =	ssyncadd.s32 $0xFFFFC000  }
0x1b5: {  	[tilespmem:s12], [sflag:$0x2] =	stream.indirect.gather [hbm4b:s4+s16], $0x80, s22, s16, $0xb8;
	[tilespmem:$0x1D000] =	vst v63  }
0x1b6: {  	_ =	swait.ge [sflag:s20], $0x4000  }
0x1b7: {  	[sflag:s20] =	ssyncset.done $0x0  }
0x1b8: {  	[sflag:s20] =	ssyncadd.s32 $0xFFFFC000  }
0x1b9: {  	[spmem:s1] =	stream.indirect.scatter.add.f32 [tilespmem:s17], [sflag:$0x5], $0x80, s23, s16, $0xb8;
	[tilespmem:$0x1D000] =	vst v63  }
0x1ba: {  	_ =	swait.ge [sflag:s21], $0x4000  }
0x1bb: {  	[sflag:s21] =	ssyncset.done $0x0  }
0x1bc: {  	[sflag:s21] =	ssyncadd.s32 $0xFFFFC000  }
0x1bd: {  	[tilespmem:s17], [sflag:$0x3] =	stream.indirect.gather [hbm4b:s4+s16], $0x80, s24, s16, $0xb8;
	[tilespmem:$0x1D000] =	vst v63  }
0x1be: {  	_ =	swait.ge [sflag:s18], $0x4000  }
0x1bf: {  	[sflag:s18] =	ssyncset.done $0x0  }
0x1c0: {  	[sflag:s18] =	ssyncadd.s32 $0xFFFFC000  }
0x1c1: {  	[spmem:s1] =	stream.indirect.scatter.add.f32 [tilespmem:s12], [sflag:$0x4], $0x80, s25, s16, $0xb8;
	[tilespmem:$0x1D000] =	vst v63  }
0x1c2: {  	_ =	swait.ge [sflag:s19], $0x4000  }
0x1c3: {  	[sflag:s19] =	ssyncset.done $0x0  }
0x1c4: {  	[sflag:s19] =	ssyncadd.s32 $0xFFFFC000  }
0x1c5: {  	[tilespmem:s12], [sflag:$0x2] =	stream.indirect.gather [hbm4b:s4+s16], $0x80, s26, s16, $0xb8;
	[tilespmem:$0x1D000] =	vst v63  }
0x1c6: {  	_ =	swait.ge [sflag:s20], $0x4000  }
0x1c7: {  	[sflag:s20] =	ssyncset.done $0x0  }
0x1c8: {  	[sflag:s20] =	ssyncadd.s32 $0xFFFFC000  }
0x1c9: {  	[spmem:s1] =	stream.indirect.scatter.add.f32 [tilespmem:s17], [sflag:$0x5], $0x80, s28, s16, $0xb8;
	[tilespmem:$0x1D000] =	vst v63  }
0x1ca: {  	_ =	swait.ge [sflag:s21], $0x4000  }
0x1cb: {  	[sflag:s21] =	ssyncset.done $0x0  }
0x1cc: {  	[sflag:s21] =	ssyncadd.s32 $0xFFFFC000  }
0x1cd: {  	[tilespmem:s17], [sflag:$0x3] =	stream.indirect.gather [hbm4b:s4+s16], $0x80, s29, s16, $0xb8;
	[tilespmem:$0x1D000] =	vst v63  }
0x1ce: {  	_ =	swait.ge [sflag:s18], $0x4000  }
0x1cf: {  	[sflag:s18] =	ssyncset.done $0x0  }
0x1d0: {  	[sflag:s18] =	ssyncadd.s32 $0xFFFFC000  }
0x1d1: {  	[spmem:s1] =	stream.indirect.scatter.add.f32 [tilespmem:s12], [sflag:$0x4], $0x80, s30, s16, $0xb8;
	[tilespmem:$0x1D000] =	vst v63  }
0x1d2: {  	_ =	swait.ge [sflag:s19], $0x4000  }
0x1d3: {  	[sflag:s19] =	ssyncset.done $0x0  }
0x1d4: {  	[sflag:s19] =	ssyncadd.s32 $0xFFFFC000  }
0x1d5: {  	[tilespmem:s12], [sflag:$0x2] =	stream.indirect.gather [hbm4b:s4+s16], $0x80, s31, s16, $0xb8;
	[tilespmem:$0x1D000] =	vst v63  }
0x1d6: {  	_ =	swait.ge [sflag:s20], $0x4000  }
0x1d7: {  	[sflag:s20] =	ssyncset.done $0x0  }
0x1d8: {  	[sflag:s20] =	ssyncadd.s32 $0xFFFFC000  }
0x1d9: {  	[spmem:s1] =	stream.indirect.scatter.add.f32 [tilespmem:s17], [sflag:$0x5], $0x80, s0, s16, $0xb8;
	[tilespmem:$0x1D000] =	vst v63  }
0x1da: {  	_ =	swait.ge [sflag:s21], $0x4000  }
0x1db: {  	[sflag:s21] =	ssyncset.done $0x0  }
0x1dc: {  	[sflag:s21] =	ssyncadd.s32 $0xFFFFC000  }
0x1dd: {  	[tilespmem:s17], [sflag:$0x3] =	stream.indirect.gather [hbm4b:s4+s16], $0x80, s2, s16, $0xb8;
	[tilespmem:$0x1D000] =	vst v63  }
0x1de: {  	_ =	swait.ge [sflag:s18], $0x4000  }
0x1df: {  	[sflag:s18] =	ssyncset.done $0x0  }
0x1e0: {  	[sflag:s18] =	ssyncadd.s32 $0xFFFFC000  }
0x1e1: {  	[spmem:s1] =	stream.indirect.scatter.add.f32 [tilespmem:s12], [sflag:$0x4], $0x80, s6, s16, $0xb8;
	[tilespmem:$0x1D000] =	vst v63  }
0x1e2: {  	_ =	swait.ge [sflag:s20], $0x4000  }
0x1e3: {  	[sflag:s20] =	ssyncset.done $0x0  }
0x1e4: {  	[sflag:s20] =	ssyncadd.s32 $0xFFFFC000  }
0x1e5: {  	[spmem:s1] =	stream.indirect.scatter.add.f32 [tilespmem:s17], [sflag:$0x5], $0x80, s7, s16, $0xb8;
	[tilespmem:$0x1D000] =	vst v63  }
0x1e6: {  	_ =	swait.ge [sflag:s19], $0x4000  }
0x1e7: {  	[sflag:s19] =	ssyncset.done $0x0  }
0x1e8: {  	[sflag:s19] =	ssyncadd.s32 $0xFFFFC000  }
0x1e9: {  	_ =	swait.ge [sflag:s21], $0x4000  }
0x1ea: {  	[sflag:s21] =	ssyncset.done $0x0  }
0x1eb: {  	s9 =	stileid.u32;
	[sflag:s21] =	ssyncadd.s32 $0xFFFFC000  }
0x1ec: {  	s5 =	sshll.u32 s9, $0x6;
	[bflag:$0x0] =	sbarrier.arrive $0xFFFF  }
0x1ed: {  	s5 =	sor.u32 $0x1C06, s5;
	s11 =	rddreg [dreg:$0x15]  }
0x1ee: {  	s8 =	simm.s32 $0x6;
	s13 =	rddreg [dreg:$0x1b];
	s10 =	sshrl.u32 s11, $0x3  }
0x1ef: {  	[hbm:s13], [sflag:s5] =	dma.local [spmem:s10], $0x2800  }
0x1f0: {  	_ =	swait.ge [sflag:s8], $0x2800  }
0x1f1: {  	s10 =	rddreg [dreg:$0x1c]  }
0x1f2: {  	s13 =	rddreg [dreg:$0x16];
	s9 =	sadd.s32 $0x1, s10  }
0x1f3: {  	p0 =	sne.s32 s9, s13  }
.Ltmp2:
0x1f4: {  	_ = 	snop;
	(pc) =	sbr.rel @p0 .LBB2_1-.Ltmp2, $3  }
0x1f5: {  	_ =	sdelay $0x1  }
0x1f6: {  	[sflag:s8] =	ssyncset.done $0x0  }
0x1f7: {  	[sflag:s8] =	ssyncadd.s32 $0xFFFFD800  }
0x1f8: {  	_ =	sfence.sel $0x180000  }
0x1f9: {  	[bflag:$0x0] =	sbarrier.arrive $0xFFFF  }
0x1fa: {  	_ =	strace $0x90000050  }
0x1fb: {  	s0 =	stileid.u32;
	[bflag:$0x2] =	sbarrier.arrive $0xFFFF  }
0x1fc: {  	p0 =	sne.s32 s0, $0x0;
	s0 =	rddreg [dreg:$0x2]  }
0x1fd: {  	s0 =	sadd.s32 @!p0 $0x100000, s0  }
0x1fe: {  	[sflag:s0] =	ssyncadd.tile.s32 @!p0 $0x1;
	_ =	shalt  }
.Lfunc_end2:
_tile_overlayer_lowered:
.L_overlay_start_2:
0x1ff: {  	(tag) =	ssettag $0x2  }
0x200: {  	s0 =	rddreg [dreg:$0x0];
	s2 =	stileid.u32  }
0x201: {  	s1 =	rddreg [dreg:$0x1];
	p0 =	sne.s32 s2, $0x0  }
0x202: {  	s3 =	rddreg [dreg:$0x2];
	[bflag:$0x3] =	sbarrier.arrive $0xFFFF;
	s2 =	simm.s32 @!p0 $0x1C06  }
0x203: {  	[timem:s3], [sflag:s2] =	dma.local @!p0 [hbm:s0], s1  }
0x204: {  	s0 =	simm.s32 @!p0 $0x6  }
0x205: {  	_ =	swait.ge @!p0 [sflag:s0], s1  }
0x206: {  	s1 =	ssub.s32 @!p0 $0x0, s1;
	[sflag:s0] =	ssyncset.done @!p0 $0x0  }
0x207: {  	[sflag:s0] =	ssyncadd.s32 @!p0 s1  }
0x208: {  	[bflag:$0x3] =	sbarrier.arrive $0xFFFF  }
0x209: {  	_ =	shalt  }

</sc_bundles>
